<compile_context>
chip_gen: v7x
topology: tpu7x:2x2x1
jax: 0.10.2.dev20260603
libtpu: 0.0.44.dev20260713+nightly
codegen_flags: <defaults>
</compile_context>

<pallas_src>
import functools

import jax
import jax.numpy as jnp
from jax import lax
from jax.experimental import pallas as pl
from jax.experimental.pallas import tpu as pltpu
from jax.experimental.pallas import tpu_sc as plsc

B = 4096
V = 100000
D = 64
L = 20
NC = 2
NS = 16
NW = NC * NS
BPW = B // NW
LANES = 16
V2 = V // 2
PW = 2 * D
NBUF = 4


def _sc_pooled_lookup(user_indices, midx_t, ut2, mt2):
  mesh = plsc.VectorSubcoreMesh(
      core_axis_name="c", subcore_axis_name="s",
      num_cores=NC, num_subcores=NS)

  @functools.partial(
      pl.kernel,
      out_type=(jax.ShapeDtypeStruct((D, B), jnp.float32),
                jax.ShapeDtypeStruct((D, B), jnp.float32)),
      mesh=mesh,
      compiler_params=pltpu.CompilerParams(
          use_tc_tiling_on_sc=True, needs_layout_passes=False),
      scratch_types=[
          pltpu.VMEM((BPW,), jnp.int32),
          pltpu.VMEM((BPW,), jnp.int32),
          pltpu.VMEM((L, BPW), jnp.int32),
          pltpu.VMEM((L, BPW), jnp.int32),
          pltpu.VMEM((L, BPW), jnp.int32),
          pltpu.VMEM((BPW, PW), jnp.float32),
          pltpu.VMEM((NBUF, BPW, PW), jnp.float32),
          pltpu.VMEM((D, BPW), jnp.float32),
          pltpu.VMEM((D, BPW), jnp.float32),
          pltpu.SemaphoreType.DMA,
          [pltpu.SemaphoreType.DMA] * NBUF,
      ],
  )
  def k(uidx_hbm, midx_hbm, ut_hbm, mt_hbm, ue_out, me_out,
        urow_v, ucol_v, midx_v, mrow_v, mcol_v,
        upairs, mring, usel, pooled, usem, msems):
    wid = lax.axis_index("s") * NC + lax.axis_index("c")
    base = wid * BPW

    pltpu.sync_copy(uidx_hbm.at[pl.ds(base, BPW)], urow_v)
    pltpu.sync_copy(midx_hbm.at[:, pl.ds(base, BPW)], midx_v)

    @plsc.parallel_loop(0, BPW // LANES)
    def _(j0):
      v = urow_v[pl.ds(j0 * LANES, LANES)]
      ucol_v[pl.ds(j0 * LANES, LANES)] = (v & 1) << 6
      urow_v[pl.ds(j0 * LANES, LANES)] = v >> 1

    ucopy = pltpu.async_copy(ut_hbm.at[urow_v], upairs, usem)

    for l in range(L):
      @plsc.parallel_loop(0, BPW // LANES)
      def _(j0, l=l):
        v = midx_v[l, pl.ds(j0 * LANES, LANES)]
        mrow_v[l, pl.ds(j0 * LANES, LANES)] = v >> 1
        mcol_v[l, pl.ds(j0 * LANES, LANES)] = (v & 1) << 6

    copies = [None] * L
    for l in range(NBUF):
      copies[l] = pltpu.async_copy(
          mt_hbm.at[mrow_v.at[l]], mring.at[l % NBUF], msems[l % NBUF])

    zeros = jnp.zeros((LANES,), jnp.float32)

    @plsc.parallel_loop(0, D)
    def _(c):
      for j0 in range(BPW // LANES):
        pooled[c, pl.ds(j0 * LANES, LANES)] = zeros

    lanes = lax.iota(jnp.int32, LANES)
    for l in range(L):
      copies[l].wait()
      buf = mring.at[l % NBUF]

      @plsc.parallel_loop(0, BPW // LANES)
      def _(j0, buf=buf, l=l):
        jvec = lanes + j0 * LANES
        par = mcol_v[l, pl.ds(j0 * LANES, LANES)]

        @plsc.parallel_loop(0, D, unroll=8)
        def _(c, buf=buf, jvec=jvec, par=par, j0=j0):
          val = plsc.load_gather(buf, [jvec, par + c])
          plsc.addupdate(pooled.at[c, pl.ds(j0 * LANES, LANES)], val)

      if l + NBUF < L:
        copies[l + NBUF] = pltpu.async_copy(
            mt_hbm.at[mrow_v.at[l + NBUF]], mring.at[l % NBUF],
            msems[l % NBUF])

    pltpu.sync_copy(pooled, me_out.at[:, pl.ds(base, BPW)])

    ucopy.wait()

    @plsc.parallel_loop(0, BPW // LANES)
    def _(j0):
      jvec = lanes + j0 * LANES
      par = ucol_v[pl.ds(j0 * LANES, LANES)]

      @plsc.parallel_loop(0, D, unroll=8)
      def _(c, jvec=jvec, par=par, j0=j0):
        usel[c, pl.ds(j0 * LANES, LANES)] = plsc.load_gather(
            upairs, [jvec, par + c])

    pltpu.sync_copy(usel, ue_out.at[:, pl.ds(base, BPW)])

  return k(user_indices, midx_t, ut2, mt2)


def _mlp(ue_t, me_t, W1, b1, W2, b2, W3, b3):
  BM = 512
  dn = (((0,), (0,)), ((), ()))

  def body(ue_ref, me_ref, w1_ref, b1_ref, w2_ref, b2_ref, w3_ref, b3_ref,
           o_ref):
    h = lax.dot_general(ue_ref[...], w1_ref[:D], dn,
                        preferred_element_type=jnp.float32)
    h = h + lax.dot_general(me_ref[...], w1_ref[D:], dn,
                            preferred_element_type=jnp.float32)
    h = jax.nn.relu(h + b1_ref[...])
    h = jax.nn.relu(
        jnp.dot(h, w2_ref[...], preferred_element_type=jnp.float32)
        + b2_ref[...])
    o_ref[...] = (jnp.dot(h, w3_ref[...], preferred_element_type=jnp.float32)
                  + b3_ref[...])

  grid = (B // BM,)
  return pl.pallas_call(
      body,
      grid=grid,
      in_specs=[
          pl.BlockSpec((D, BM), lambda i: (0, i)),
          pl.BlockSpec((D, BM), lambda i: (0, i)),
          pl.BlockSpec((2 * D, 256), lambda i: (0, 0)),
          pl.BlockSpec((1, 256), lambda i: (0, 0)),
          pl.BlockSpec((256, 128), lambda i: (0, 0)),
          pl.BlockSpec((1, 128), lambda i: (0, 0)),
          pl.BlockSpec((128, 1), lambda i: (0, 0)),
          pl.BlockSpec((1, 1), lambda i: (0, 0)),
      ],
      out_specs=pl.BlockSpec((BM, 1), lambda i: (i, 0)),
      out_shape=jax.ShapeDtypeStruct((B, 1), jnp.float32),
  )(ue_t, me_t, W1, b1.reshape(1, 256), W2, b2.reshape(1, 128), W3,
    b3.reshape(1, 1))


def kernel(user_indices, movie_indices, user_table, movie_table,
           W1, b1, W2, b2, W3, b3):
  midx_t = movie_indices.astype(jnp.int32).T
  ut2 = user_table.reshape(V2, PW)
  mt2 = movie_table.reshape(V2, PW)
  ue_t, me_t = _sc_pooled_lookup(
      user_indices.astype(jnp.int32), midx_t, ut2, mt2)
  pred = _mlp(ue_t, me_t, W1, b1, W2, b2, W3, b3)
  return pred.squeeze(-1)

# --- scband reference (transcript-rebuilt; emitter-appended) ---
"""Pipeline reference for scband-movie-lens-model-25194278158841 (READ-ONLY COPY).

The authoritative reference and input builder live on the scoring server;
editing this copy changes nothing except your own understanding.
"""

import jax, jax.numpy as jnp
import numpy as np

B = 4096
V = 100000
D = 64
L = 20

def setup_inputs(seed: int = 0) -> dict:
    key = jax.random.key(seed)
    ks = jax.random.split(key, 12)
    user_indices = jax.random.randint(ks[0], (B,), 0, V)
    movie_indices = jax.random.randint(ks[1], (B, L), 0, V)
    user_table = jax.random.normal(ks[2], (V, D), dtype=jnp.float32) * 0.01
    movie_table = jax.random.normal(ks[3], (V, D), dtype=jnp.float32) * 0.01
    # over_arch: Linear(128->256) ReLU, Linear(256->128) ReLU, Linear(128->1)
    W1 = jax.random.normal(ks[4], (2 * D, 256), dtype=jnp.float32) * 0.05
    b1 = jnp.zeros((256,), dtype=jnp.float32)
    W2 = jax.random.normal(ks[5], (256, 128), dtype=jnp.float32) * 0.05
    b2 = jnp.zeros((128,), dtype=jnp.float32)
    W3 = jax.random.normal(ks[6], (128, 1), dtype=jnp.float32) * 0.05
    b3 = jnp.zeros((1,), dtype=jnp.float32)
    return {
        "user_indices": user_indices,
        "movie_indices": movie_indices,
        "user_table": user_table,
        "movie_table": movie_table,
        "W1": W1, "b1": b1,
        "W2": W2, "b2": b2,
        "W3": W3, "b3": b3,
    }

def reference(user_indices, movie_indices, user_table, movie_table, W1, b1, W2, b2, W3, b3):
    # EmbeddingBagCollection: per-feature pooled (sum) embedding lookups.
    # user_id feature: single-hot -> pooled bag is just the row.
    user_emb = jnp.take(user_table, user_indices, axis=0)  # [B, D]
    # movie_id feature: multi-hot history of length L -> sum pooling.
    movie_emb = jnp.take(movie_table, movie_indices, axis=0).sum(axis=1)  # [B, D]
    # cat embeddings in key order
    sparse_features = jnp.concatenate([user_emb, movie_emb], axis=1)  # [B, 2D]
    # dense_in_features == 0 -> dense_features has 0 columns, dense_arch skipped.
    combined = sparse_features
    h = jax.nn.relu(combined @ W1 + b1)
    h = jax.nn.relu(h @ W2 + b2)
    pred = h @ W3 + b3  # [B, 1]
    return pred.squeeze(-1)

if __name__ == "__main__":
    import jax
    _d = setup_inputs()
    print(jax.jit(kernel)(*tuple(_d.values())))

</pallas_src>

<mosaic_0001>
#map = affine_map<(d0, d1) -> (0)>
#map1 = affine_map<(d0, d1) -> (0, 0)>
module attributes {stable_mosaic.version = 14 : i64} {
  func.func @k(%arg0: i32, %arg1: i32, %arg2: memref<4096xi32, #tpu.memory_space<hbm>>, %arg3: memref<20x4096xi32, #tpu.memory_space<hbm>>, %arg4: memref<50000x128xf32, #tpu.memory_space<hbm>>, %arg5: memref<50000x128xf32, #tpu.memory_space<hbm>>, %arg6: memref<64x4096xf32, #tpu.memory_space<hbm>>, %arg7: memref<64x4096xf32, #tpu.memory_space<hbm>>, %arg8: memref<128xi32, #tpu.memory_space<vmem>>, %arg9: memref<128xi32, #tpu.memory_space<vmem>>, %arg10: memref<20x128xi32, #tpu.memory_space<vmem>>, %arg11: memref<20x128xi32, #tpu.memory_space<vmem>>, %arg12: memref<20x128xi32, #tpu.memory_space<vmem>>, %arg13: memref<128x128xf32, #tpu.memory_space<vmem>>, %arg14: memref<4x128x128xf32, #tpu.memory_space<vmem>>, %arg15: memref<64x128xf32, #tpu.memory_space<vmem>>, %arg16: memref<64x128xf32, #tpu.memory_space<vmem>>, %arg17: memref<!tpu.dma_semaphore, #tpu.memory_space<semaphore_mem>>, %arg18: memref<!tpu.dma_semaphore, #tpu.memory_space<semaphore_mem>>, %arg19: memref<!tpu.dma_semaphore, #tpu.memory_space<semaphore_mem>>, %arg20: memref<!tpu.dma_semaphore, #tpu.memory_space<semaphore_mem>>, %arg21: memref<!tpu.dma_semaphore, #tpu.memory_space<semaphore_mem>>) attributes {dimension_semantics = [#tpu.dimension_semantics<core_parallel>, #tpu.dimension_semantics<subcore_parallel>], iteration_bounds = array<i64: 2, 16>, scalar_prefetch = 0 : i64, scratch_operands = 14 : i64, tpu.core_type = #tpu.core_type<sc_vector_subcore>, window_params = [{transform_indices = #map}, {transform_indices = #map1}, {transform_indices = #map1}, {transform_indices = #map1}, {transform_indices = #map1}, {transform_indices = #map1}]} {
    %mul3A = arith.constant 2 : i32
    %mul3A_0 = arith.muli %arg1, %mul3A : i32
    %add3A = arith.addi %mul3A_0, %arg0 : i32
    %mul3A_1 = arith.constant 128 : i32
    %mul3A_2 = arith.muli %add3A, %mul3A_1 : i32
    "tpu.region"() ({
      %run_scoped3A = tpu.sem_alloc : memref<!tpu.dma_semaphore, #tpu.memory_space<semaphore_mem>>
      %dma_start3A_636 = tpu.memref_slice %arg2[%mul3A_2] : memref<4096xi32, #tpu.memory_space<hbm>> -> memref<128xi32, #tpu.memory_space<hbm>>
      %dma_start3A_637 = tpu.memref_slice %arg2[%mul3A_2] : memref<4096xi32, #tpu.memory_space<hbm>> -> memref<128xi32, #tpu.memory_space<hbm>>
      tpu.enqueue_dma source(%dma_start3A_637 : memref<128xi32, #tpu.memory_space<hbm>>) target(%arg8 : memref<128xi32, #tpu.memory_space<vmem>>) target_semaphore(%run_scoped3A : memref<!tpu.dma_semaphore, #tpu.memory_space<semaphore_mem>>)
      %dma_wait3A_638 = tpu.memref_slice %arg2[%mul3A_2] : memref<4096xi32, #tpu.memory_space<hbm>> -> memref<128xi32, #tpu.memory_space<hbm>>
      %dma_wait3A_639 = tpu.memref_slice %arg2[%mul3A_2] : memref<4096xi32, #tpu.memory_space<hbm>> -> memref<128xi32, #tpu.memory_space<hbm>>
      tpu.wait_dma2 semaphore(%run_scoped3A : memref<!tpu.dma_semaphore, #tpu.memory_space<semaphore_mem>>) src(%dma_wait3A_639 : memref<128xi32, #tpu.memory_space<hbm>>) dst(%arg8 : memref<128xi32, #tpu.memory_space<vmem>>)
      tpu.yield
    }) : () -> ()
    "tpu.region"() ({
      %run_scoped3A = tpu.sem_alloc : memref<!tpu.dma_semaphore, #tpu.memory_space<semaphore_mem>>
      %dma_start3A_636 = arith.constant 0 : i32
      %dma_start3A_637 = tpu.memref_slice %arg3[%dma_start3A_636, %mul3A_2] : memref<20x4096xi32, #tpu.memory_space<hbm>> -> memref<20x128xi32, #tpu.memory_space<hbm>>
      %dma_start3A_638 = arith.constant 0 : i32
      %dma_start3A_639 = tpu.memref_slice %arg3[%dma_start3A_638, %mul3A_2] : memref<20x4096xi32, #tpu.memory_space<hbm>> -> memref<20x128xi32, #tpu.memory_space<hbm>>
      tpu.enqueue_dma source(%dma_start3A_639 : memref<20x128xi32, #tpu.memory_space<hbm>>) target(%arg10 : memref<20x128xi32, #tpu.memory_space<vmem>>) target_semaphore(%run_scoped3A : memref<!tpu.dma_semaphore, #tpu.memory_space<semaphore_mem>>)
      %dma_wait3A_640 = arith.constant 0 : i32
      %dma_wait3A_641 = tpu.memref_slice %arg3[%dma_wait3A_640, %mul3A_2] : memref<20x4096xi32, #tpu.memory_space<hbm>> -> memref<20x128xi32, #tpu.memory_space<hbm>>
      %dma_wait3A_642 = arith.constant 0 : i32
      %dma_wait3A_643 = tpu.memref_slice %arg3[%dma_wait3A_642, %mul3A_2] : memref<20x4096xi32, #tpu.memory_space<hbm>> -> memref<20x128xi32, #tpu.memory_space<hbm>>
      tpu.wait_dma2 semaphore(%run_scoped3A : memref<!tpu.dma_semaphore, #tpu.memory_space<semaphore_mem>>) src(%dma_wait3A_643 : memref<20x128xi32, #tpu.memory_space<hbm>>) dst(%arg10 : memref<20x128xi32, #tpu.memory_space<vmem>>)
      tpu.yield
    }) : () -> ()
    %parallel_loop3A = arith.constant 0 : i32
    %parallel_loop3A_3 = arith.constant 8 : i32
    %parallel_loop3A_4 = arith.constant 1 : i32
    scf.for %parallel_loop3A_636 = %parallel_loop3A to %parallel_loop3A_3 step %parallel_loop3A_4  : i32 {
      %parallel_loop3A_637 = arith.constant 16 : i32
      %parallel_loop3A_638 = arith.muli %parallel_loop3A_636, %parallel_loop3A_637 : i32
      %parallel_loop3A_639 = arith.index_cast %parallel_loop3A_638 : i32 to index
      %parallel_loop3A_640 = tpu.vector_load %arg8[%parallel_loop3A_639] {strides = array<i32>} : memref<128xi32, #tpu.memory_space<vmem>>, vector<16xi32>,
      %parallel_loop3A_641 = arith.constant 1 : i32
      %parallel_loop3A_642 = vector.broadcast %parallel_loop3A_641 : i32 to vector<16xi32>
      %parallel_loop3A_643 = arith.andi %parallel_loop3A_640, %parallel_loop3A_642 : vector<16xi32>
      %parallel_loop3A_644 = arith.constant 6 : i32
      %parallel_loop3A_645 = vector.broadcast %parallel_loop3A_644 : i32 to vector<16xi32>
      %parallel_loop3A_646 = arith.shli %parallel_loop3A_643, %parallel_loop3A_645 : vector<16xi32>
      %parallel_loop3A_647 = arith.constant 16 : i32
      %parallel_loop3A_648 = arith.muli %parallel_loop3A_636, %parallel_loop3A_647 : i32
      %parallel_loop3A_649 = arith.index_cast %parallel_loop3A_648 : i32 to index
      %parallel_loop3A_650 = tpu.vector_load %arg9[%parallel_loop3A_649] {strides = array<i32>} : memref<128xi32, #tpu.memory_space<vmem>>, vector<16xi32>,
      tpu.vector_store %arg9[%parallel_loop3A_649], %parallel_loop3A_646 {strides = array<i32>} : memref<128xi32, #tpu.memory_space<vmem>>, vector<16xi32>,
      %parallel_loop3A_651 = arith.constant 1 : i32
      %parallel_loop3A_652 = vector.broadcast %parallel_loop3A_651 : i32 to vector<16xi32>
      %parallel_loop3A_653 = arith.shrsi %parallel_loop3A_640, %parallel_loop3A_652 : vector<16xi32>
      %parallel_loop3A_654 = arith.constant 16 : i32
      %parallel_loop3A_655 = arith.muli %parallel_loop3A_636, %parallel_loop3A_654 : i32
      %parallel_loop3A_656 = arith.index_cast %parallel_loop3A_655 : i32 to index
      %parallel_loop3A_657 = tpu.vector_load %arg8[%parallel_loop3A_656] {strides = array<i32>} : memref<128xi32, #tpu.memory_space<vmem>>, vector<16xi32>,
      tpu.vector_store %arg8[%parallel_loop3A_656], %parallel_loop3A_653 {strides = array<i32>} : memref<128xi32, #tpu.memory_space<vmem>>, vector<16xi32>,
    } {sc.loop_unroll_factor = 1 : i64, sc.parallel_access}
    %dma_start3A = arith.constant 0 : i32
    %dma_start3A_5 = arith.constant 0 : i32
    %dma_start3A_6 = tpu.memref_slice %arg4[%dma_start3A, %dma_start3A_5] : memref<50000x128xf32, #tpu.memory_space<hbm>> -> memref<50000x128xf32, #tpu.memory_space<hbm>>
    tpu.enqueue_indirect_dma source(%dma_start3A_6 : memref<50000x128xf32, #tpu.memory_space<hbm>>) target(%arg13 : memref<128x128xf32, #tpu.memory_space<vmem>>) offsets(%arg8 : memref<128xi32, #tpu.memory_space<vmem>>) semaphore(%arg17 : memref<!tpu.dma_semaphore, #tpu.memory_space<semaphore_mem>>)
    %parallel_loop3A_7 = arith.constant 0 : i32
    %parallel_loop3A_8 = arith.constant 8 : i32
    %parallel_loop3A_9 = arith.constant 1 : i32
    scf.for %parallel_loop3A_636 = %parallel_loop3A_7 to %parallel_loop3A_8 step %parallel_loop3A_9  : i32 {
      %parallel_loop3A_637 = arith.constant 16 : i32
      %parallel_loop3A_638 = arith.muli %parallel_loop3A_636, %parallel_loop3A_637 : i32
      %parallel_loop3A_639 = arith.constant 0 : i32
      %parallel_loop3A_640 = arith.index_cast %parallel_loop3A_639 : i32 to index
      %parallel_loop3A_641 = arith.index_cast %parallel_loop3A_638 : i32 to index
      %parallel_loop3A_642 = tpu.vector_load %arg10[%parallel_loop3A_640, %parallel_loop3A_641] {strides = array<i32>} : memref<20x128xi32, #tpu.memory_space<vmem>>, vector<16xi32>,
      %parallel_loop3A_643 = arith.constant 1 : i32
      %parallel_loop3A_644 = vector.broadcast %parallel_loop3A_643 : i32 to vector<16xi32>
      %parallel_loop3A_645 = arith.shrsi %parallel_loop3A_642, %parallel_loop3A_644 : vector<16xi32>
      %parallel_loop3A_646 = arith.constant 16 : i32
      %parallel_loop3A_647 = arith.muli %parallel_loop3A_636, %parallel_loop3A_646 : i32
      %parallel_loop3A_648 = arith.constant 0 : i32
      %parallel_loop3A_649 = arith.index_cast %parallel_loop3A_648 : i32 to index
      %parallel_loop3A_650 = arith.index_cast %parallel_loop3A_647 : i32 to index
      %parallel_loop3A_651 = tpu.vector_load %arg11[%parallel_loop3A_649, %parallel_loop3A_650] {strides = array<i32>} : memref<20x128xi32, #tpu.memory_space<vmem>>, vector<16xi32>,
      tpu.vector_store %arg11[%parallel_loop3A_649, %parallel_loop3A_650], %parallel_loop3A_645 {strides = array<i32>} : memref<20x128xi32, #tpu.memory_space<vmem>>, vector<16xi32>,
      %parallel_loop3A_652 = arith.constant 1 : i32
      %parallel_loop3A_653 = vector.broadcast %parallel_loop3A_652 : i32 to vector<16xi32>
      %parallel_loop3A_654 = arith.andi %parallel_loop3A_642, %parallel_loop3A_653 : vector<16xi32>
      %parallel_loop3A_655 = arith.constant 6 : i32
      %parallel_loop3A_656 = vector.broadcast %parallel_loop3A_655 : i32 to vector<16xi32>
      %parallel_loop3A_657 = arith.shli %parallel_loop3A_654, %parallel_loop3A_656 : vector<16xi32>
      %parallel_loop3A_658 = arith.constant 16 : i32
      %parallel_loop3A_659 = arith.muli %parallel_loop3A_636, %parallel_loop3A_658 : i32
      %parallel_loop3A_660 = arith.constant 0 : i32
      %parallel_loop3A_661 = arith.index_cast %parallel_loop3A_660 : i32 to index
      %parallel_loop3A_662 = arith.index_cast %parallel_loop3A_659 : i32 to index
      %parallel_loop3A_663 = tpu.vector_load %arg12[%parallel_loop3A_661, %parallel_loop3A_662] {strides = array<i32>} : memref<20x128xi32, #tpu.memory_space<vmem>>, vector<16xi32>,
      tpu.vector_store %arg12[%parallel_loop3A_661, %parallel_loop3A_662], %parallel_loop3A_657 {strides = array<i32>} : memref<20x128xi32, #tpu.memory_space<vmem>>, vector<16xi32>,
    } {sc.loop_unroll_factor = 1 : i64, sc.parallel_access}
    %parallel_loop3A_10 = arith.constant 0 : i32
    %parallel_loop3A_11 = arith.constant 8 : i32
    %parallel_loop3A_12 = arith.constant 1 : i32
    scf.for %parallel_loop3A_636 = %parallel_loop3A_10 to %parallel_loop3A_11 step %parallel_loop3A_12  : i32 {
      %parallel_loop3A_637 = arith.constant 16 : i32
      %parallel_loop3A_638 = arith.muli %parallel_loop3A_636, %parallel_loop3A_637 : i32
      %parallel_loop3A_639 = arith.constant 1 : i32
      %parallel_loop3A_640 = arith.index_cast %parallel_loop3A_639 : i32 to index
      %parallel_loop3A_641 = arith.index_cast %parallel_loop3A_638 : i32 to index
      %parallel_loop3A_642 = tpu.vector_load %arg10[%parallel_loop3A_640, %parallel_loop3A_641] {strides = array<i32>} : memref<20x128xi32, #tpu.memory_space<vmem>>, vector<16xi32>,
      %parallel_loop3A_643 = arith.constant 1 : i32
      %parallel_loop3A_644 = vector.broadcast %parallel_loop3A_643 : i32 to vector<16xi32>
      %parallel_loop3A_645 = arith.shrsi %parallel_loop3A_642, %parallel_loop3A_644 : vector<16xi32>
      %parallel_loop3A_646 = arith.constant 16 : i32
      %parallel_loop3A_647 = arith.muli %parallel_loop3A_636, %parallel_loop3A_646 : i32
      %parallel_loop3A_648 = arith.constant 1 : i32
      %parallel_loop3A_649 = arith.index_cast %parallel_loop3A_648 : i32 to index
      %parallel_loop3A_650 = arith.index_cast %parallel_loop3A_647 : i32 to index
      %parallel_loop3A_651 = tpu.vector_load %arg11[%parallel_loop3A_649, %parallel_loop3A_650] {strides = array<i32>} : memref<20x128xi32, #tpu.memory_space<vmem>>, vector<16xi32>,
      tpu.vector_store %arg11[%parallel_loop3A_649, %parallel_loop3A_650], %parallel_loop3A_645 {strides = array<i32>} : memref<20x128xi32, #tpu.memory_space<vmem>>, vector<16xi32>,
      %parallel_loop3A_652 = arith.constant 1 : i32
      %parallel_loop3A_653 = vector.broadcast %parallel_loop3A_652 : i32 to vector<16xi32>
      %parallel_loop3A_654 = arith.andi %parallel_loop3A_642, %parallel_loop3A_653 : vector<16xi32>
      %parallel_loop3A_655 = arith.constant 6 : i32
      %parallel_loop3A_656 = vector.broadcast %parallel_loop3A_655 : i32 to vector<16xi32>
      %parallel_loop3A_657 = arith.shli %parallel_loop3A_654, %parallel_loop3A_656 : vector<16xi32>
      %parallel_loop3A_658 = arith.constant 16 : i32
      %parallel_loop3A_659 = arith.muli %parallel_loop3A_636, %parallel_loop3A_658 : i32
      %parallel_loop3A_660 = arith.constant 1 : i32
      %parallel_loop3A_661 = arith.index_cast %parallel_loop3A_660 : i32 to index
      %parallel_loop3A_662 = arith.index_cast %parallel_loop3A_659 : i32 to index
      %parallel_loop3A_663 = tpu.vector_load %arg12[%parallel_loop3A_661, %parallel_loop3A_662] {strides = array<i32>} : memref<20x128xi32, #tpu.memory_space<vmem>>, vector<16xi32>,
      tpu.vector_store %arg12[%parallel_loop3A_661, %parallel_loop3A_662], %parallel_loop3A_657 {strides = array<i32>} : memref<20x128xi32, #tpu.memory_space<vmem>>, vector<16xi32>,
    } {sc.loop_unroll_factor = 1 : i64, sc.parallel_access}
    %parallel_loop3A_13 = arith.constant 0 : i32
    %parallel_loop3A_14 = arith.constant 8 : i32
    %parallel_loop3A_15 = arith.constant 1 : i32
    scf.for %parallel_loop3A_636 = %parallel_loop3A_13 to %parallel_loop3A_14 step %parallel_loop3A_15  : i32 {
      %parallel_loop3A_637 = arith.constant 16 : i32
      %parallel_loop3A_638 = arith.muli %parallel_loop3A_636, %parallel_loop3A_637 : i32
      %parallel_loop3A_639 = arith.constant 2 : i32
      %parallel_loop3A_640 = arith.index_cast %parallel_loop3A_639 : i32 to index
      %parallel_loop3A_641 = arith.index_cast %parallel_loop3A_638 : i32 to index
      %parallel_loop3A_642 = tpu.vector_load %arg10[%parallel_loop3A_640, %parallel_loop3A_641] {strides = array<i32>} : memref<20x128xi32, #tpu.memory_space<vmem>>, vector<16xi32>,
      %parallel_loop3A_643 = arith.constant 1 : i32
      %parallel_loop3A_644 = vector.broadcast %parallel_loop3A_643 : i32 to vector<16xi32>
      %parallel_loop3A_645 = arith.shrsi %parallel_loop3A_642, %parallel_loop3A_644 : vector<16xi32>
      %parallel_loop3A_646 = arith.constant 16 : i32
      %parallel_loop3A_647 = arith.muli %parallel_loop3A_636, %parallel_loop3A_646 : i32
      %parallel_loop3A_648 = arith.constant 2 : i32
      %parallel_loop3A_649 = arith.index_cast %parallel_loop3A_648 : i32 to index
      %parallel_loop3A_650 = arith.index_cast %parallel_loop3A_647 : i32 to index
      %parallel_loop3A_651 = tpu.vector_load %arg11[%parallel_loop3A_649, %parallel_loop3A_650] {strides = array<i32>} : memref<20x128xi32, #tpu.memory_space<vmem>>, vector<16xi32>,
      tpu.vector_store %arg11[%parallel_loop3A_649, %parallel_loop3A_650], %parallel_loop3A_645 {strides = array<i32>} : memref<20x128xi32, #tpu.memory_space<vmem>>, vector<16xi32>,
      %parallel_loop3A_652 = arith.constant 1 : i32
      %parallel_loop3A_653 = vector.broadcast %parallel_loop3A_652 : i32 to vector<16xi32>
      %parallel_loop3A_654 = arith.andi %parallel_loop3A_642, %parallel_loop3A_653 : vector<16xi32>
      %parallel_loop3A_655 = arith.constant 6 : i32
      %parallel_loop3A_656 = vector.broadcast %parallel_loop3A_655 : i32 to vector<16xi32>
      %parallel_loop3A_657 = arith.shli %parallel_loop3A_654, %parallel_loop3A_656 : vector<16xi32>
      %parallel_loop3A_658 = arith.constant 16 : i32
      %parallel_loop3A_659 = arith.muli %parallel_loop3A_636, %parallel_loop3A_658 : i32
      %parallel_loop3A_660 = arith.constant 2 : i32
      %parallel_loop3A_661 = arith.index_cast %parallel_loop3A_660 : i32 to index
      %parallel_loop3A_662 = arith.index_cast %parallel_loop3A_659 : i32 to index
      %parallel_loop3A_663 = tpu.vector_load %arg12[%parallel_loop3A_661, %parallel_loop3A_662] {strides = array<i32>} : memref<20x128xi32, #tpu.memory_space<vmem>>, vector<16xi32>,
      tpu.vector_store %arg12[%parallel_loop3A_661, %parallel_loop3A_662], %parallel_loop3A_657 {strides = array<i32>} : memref<20x128xi32, #tpu.memory_space<vmem>>, vector<16xi32>,
    } {sc.loop_unroll_factor = 1 : i64, sc.parallel_access}
    %parallel_loop3A_16 = arith.constant 0 : i32
    %parallel_loop3A_17 = arith.constant 8 : i32
    %parallel_loop3A_18 = arith.constant 1 : i32
    scf.for %parallel_loop3A_636 = %parallel_loop3A_16 to %parallel_loop3A_17 step %parallel_loop3A_18  : i32 {
      %parallel_loop3A_637 = arith.constant 16 : i32
      %parallel_loop3A_638 = arith.muli %parallel_loop3A_636, %parallel_loop3A_637 : i32
      %parallel_loop3A_639 = arith.constant 3 : i32
      %parallel_loop3A_640 = arith.index_cast %parallel_loop3A_639 : i32 to index
      %parallel_loop3A_641 = arith.index_cast %parallel_loop3A_638 : i32 to index
      %parallel_loop3A_642 = tpu.vector_load %arg10[%parallel_loop3A_640, %parallel_loop3A_641] {strides = array<i32>} : memref<20x128xi32, #tpu.memory_space<vmem>>, vector<16xi32>,
      %parallel_loop3A_643 = arith.constant 1 : i32
      %parallel_loop3A_644 = vector.broadcast %parallel_loop3A_643 : i32 to vector<16xi32>
      %parallel_loop3A_645 = arith.shrsi %parallel_loop3A_642, %parallel_loop3A_644 : vector<16xi32>
      %parallel_loop3A_646 = arith.constant 16 : i32
      %parallel_loop3A_647 = arith.muli %parallel_loop3A_636, %parallel_loop3A_646 : i32
      %parallel_loop3A_648 = arith.constant 3 : i32
      %parallel_loop3A_649 = arith.index_cast %parallel_loop3A_648 : i32 to index
      %parallel_loop3A_650 = arith.index_cast %parallel_loop3A_647 : i32 to index
      %parallel_loop3A_651 = tpu.vector_load %arg11[%parallel_loop3A_649, %parallel_loop3A_650] {strides = array<i32>} : memref<20x128xi32, #tpu.memory_space<vmem>>, vector<16xi32>,
      tpu.vector_store %arg11[%parallel_loop3A_649, %parallel_loop3A_650], %parallel_loop3A_645 {strides = array<i32>} : memref<20x128xi32, #tpu.memory_space<vmem>>, vector<16xi32>,
      %parallel_loop3A_652 = arith.constant 1 : i32
      %parallel_loop3A_653 = vector.broadcast %parallel_loop3A_652 : i32 to vector<16xi32>
      %parallel_loop3A_654 = arith.andi %parallel_loop3A_642, %parallel_loop3A_653 : vector<16xi32>
      %parallel_loop3A_655 = arith.constant 6 : i32
      %parallel_loop3A_656 = vector.broadcast %parallel_loop3A_655 : i32 to vector<16xi32>
      %parallel_loop3A_657 = arith.shli %parallel_loop3A_654, %parallel_loop3A_656 : vector<16xi32>
      %parallel_loop3A_658 = arith.constant 16 : i32
      %parallel_loop3A_659 = arith.muli %parallel_loop3A_636, %parallel_loop3A_658 : i32
      %parallel_loop3A_660 = arith.constant 3 : i32
      %parallel_loop3A_661 = arith.index_cast %parallel_loop3A_660 : i32 to index
      %parallel_loop3A_662 = arith.index_cast %parallel_loop3A_659 : i32 to index
      %parallel_loop3A_663 = tpu.vector_load %arg12[%parallel_loop3A_661, %parallel_loop3A_662] {strides = array<i32>} : memref<20x128xi32, #tpu.memory_space<vmem>>, vector<16xi32>,
      tpu.vector_store %arg12[%parallel_loop3A_661, %parallel_loop3A_662], %parallel_loop3A_657 {strides = array<i32>} : memref<20x128xi32, #tpu.memory_space<vmem>>, vector<16xi32>,
    } {sc.loop_unroll_factor = 1 : i64, sc.parallel_access}
    %parallel_loop3A_19 = arith.constant 0 : i32
    %parallel_loop3A_20 = arith.constant 8 : i32
    %parallel_loop3A_21 = arith.constant 1 : i32
    scf.for %parallel_loop3A_636 = %parallel_loop3A_19 to %parallel_loop3A_20 step %parallel_loop3A_21  : i32 {
      %parallel_loop3A_637 = arith.constant 16 : i32
      %parallel_loop3A_638 = arith.muli %parallel_loop3A_636, %parallel_loop3A_637 : i32
      %parallel_loop3A_639 = arith.constant 4 : i32
      %parallel_loop3A_640 = arith.index_cast %parallel_loop3A_639 : i32 to index
      %parallel_loop3A_641 = arith.index_cast %parallel_loop3A_638 : i32 to index
      %parallel_loop3A_642 = tpu.vector_load %arg10[%parallel_loop3A_640, %parallel_loop3A_641] {strides = array<i32>} : memref<20x128xi32, #tpu.memory_space<vmem>>, vector<16xi32>,
      %parallel_loop3A_643 = arith.constant 1 : i32
      %parallel_loop3A_644 = vector.broadcast %parallel_loop3A_643 : i32 to vector<16xi32>
      %parallel_loop3A_645 = arith.shrsi %parallel_loop3A_642, %parallel_loop3A_644 : vector<16xi32>
      %parallel_loop3A_646 = arith.constant 16 : i32
      %parallel_loop3A_647 = arith.muli %parallel_loop3A_636, %parallel_loop3A_646 : i32
      %parallel_loop3A_648 = arith.constant 4 : i32
      %parallel_loop3A_649 = arith.index_cast %parallel_loop3A_648 : i32 to index
      %parallel_loop3A_650 = arith.index_cast %parallel_loop3A_647 : i32 to index
      %parallel_loop3A_651 = tpu.vector_load %arg11[%parallel_loop3A_649, %parallel_loop3A_650] {strides = array<i32>} : memref<20x128xi32, #tpu.memory_space<vmem>>, vector<16xi32>,
      tpu.vector_store %arg11[%parallel_loop3A_649, %parallel_loop3A_650], %parallel_loop3A_645 {strides = array<i32>} : memref<20x128xi32, #tpu.memory_space<vmem>>, vector<16xi32>,
      %parallel_loop3A_652 = arith.constant 1 : i32
      %parallel_loop3A_653 = vector.broadcast %parallel_loop3A_652 : i32 to vector<16xi32>
      %parallel_loop3A_654 = arith.andi %parallel_loop3A_642, %parallel_loop3A_653 : vector<16xi32>
      %parallel_loop3A_655 = arith.constant 6 : i32
      %parallel_loop3A_656 = vector.broadcast %parallel_loop3A_655 : i32 to vector<16xi32>
      %parallel_loop3A_657 = arith.shli %parallel_loop3A_654, %parallel_loop3A_656 : vector<16xi32>
      %parallel_loop3A_658 = arith.constant 16 : i32
      %parallel_loop3A_659 = arith.muli %parallel_loop3A_636, %parallel_loop3A_658 : i32
      %parallel_loop3A_660 = arith.constant 4 : i32
      %parallel_loop3A_661 = arith.index_cast %parallel_loop3A_660 : i32 to index
      %parallel_loop3A_662 = arith.index_cast %parallel_loop3A_659 : i32 to index
      %parallel_loop3A_663 = tpu.vector_load %arg12[%parallel_loop3A_661, %parallel_loop3A_662] {strides = array<i32>} : memref<20x128xi32, #tpu.memory_space<vmem>>, vector<16xi32>,
      tpu.vector_store %arg12[%parallel_loop3A_661, %parallel_loop3A_662], %parallel_loop3A_657 {strides = array<i32>} : memref<20x128xi32, #tpu.memory_space<vmem>>, vector<16xi32>,
    } {sc.loop_unroll_factor = 1 : i64, sc.parallel_access}
    %parallel_loop3A_22 = arith.constant 0 : i32
    %parallel_loop3A_23 = arith.constant 8 : i32
    %parallel_loop3A_24 = arith.constant 1 : i32
    scf.for %parallel_loop3A_636 = %parallel_loop3A_22 to %parallel_loop3A_23 step %parallel_loop3A_24  : i32 {
      %parallel_loop3A_637 = arith.constant 16 : i32
      %parallel_loop3A_638 = arith.muli %parallel_loop3A_636, %parallel_loop3A_637 : i32
      %parallel_loop3A_639 = arith.constant 5 : i32
      %parallel_loop3A_640 = arith.index_cast %parallel_loop3A_639 : i32 to index
      %parallel_loop3A_641 = arith.index_cast %parallel_loop3A_638 : i32 to index
      %parallel_loop3A_642 = tpu.vector_load %arg10[%parallel_loop3A_640, %parallel_loop3A_641] {strides = array<i32>} : memref<20x128xi32, #tpu.memory_space<vmem>>, vector<16xi32>,
      %parallel_loop3A_643 = arith.constant 1 : i32
      %parallel_loop3A_644 = vector.broadcast %parallel_loop3A_643 : i32 to vector<16xi32>
      %parallel_loop3A_645 = arith.shrsi %parallel_loop3A_642, %parallel_loop3A_644 : vector<16xi32>
      %parallel_loop3A_646 = arith.constant 16 : i32
      %parallel_loop3A_647 = arith.muli %parallel_loop3A_636, %parallel_loop3A_646 : i32
      %parallel_loop3A_648 = arith.constant 5 : i32
      %parallel_loop3A_649 = arith.index_cast %parallel_loop3A_648 : i32 to index
      %parallel_loop3A_650 = arith.index_cast %parallel_loop3A_647 : i32 to index
      %parallel_loop3A_651 = tpu.vector_load %arg11[%parallel_loop3A_649, %parallel_loop3A_650] {strides = array<i32>} : memref<20x128xi32, #tpu.memory_space<vmem>>, vector<16xi32>,
      tpu.vector_store %arg11[%parallel_loop3A_649, %parallel_loop3A_650], %parallel_loop3A_645 {strides = array<i32>} : memref<20x128xi32, #tpu.memory_space<vmem>>, vector<16xi32>,
      %parallel_loop3A_652 = arith.constant 1 : i32
      %parallel_loop3A_653 = vector.broadcast %parallel_loop3A_652 : i32 to vector<16xi32>
      %parallel_loop3A_654 = arith.andi %parallel_loop3A_642, %parallel_loop3A_653 : vector<16xi32>
      %parallel_loop3A_655 = arith.constant 6 : i32
      %parallel_loop3A_656 = vector.broadcast %parallel_loop3A_655 : i32 to vector<16xi32>
      %parallel_loop3A_657 = arith.shli %parallel_loop3A_654, %parallel_loop3A_656 : vector<16xi32>
      %parallel_loop3A_658 = arith.constant 16 : i32
      %parallel_loop3A_659 = arith.muli %parallel_loop3A_636, %parallel_loop3A_658 : i32
      %parallel_loop3A_660 = arith.constant 5 : i32
      %parallel_loop3A_661 = arith.index_cast %parallel_loop3A_660 : i32 to index
      %parallel_loop3A_662 = arith.index_cast %parallel_loop3A_659 : i32 to index
      %parallel_loop3A_663 = tpu.vector_load %arg12[%parallel_loop3A_661, %parallel_loop3A_662] {strides = array<i32>} : memref<20x128xi32, #tpu.memory_space<vmem>>, vector<16xi32>,
      tpu.vector_store %arg12[%parallel_loop3A_661, %parallel_loop3A_662], %parallel_loop3A_657 {strides = array<i32>} : memref<20x128xi32, #tpu.memory_space<vmem>>, vector<16xi32>,
    } {sc.loop_unroll_factor = 1 : i64, sc.parallel_access}
    %parallel_loop3A_25 = arith.constant 0 : i32
    %parallel_loop3A_26 = arith.constant 8 : i32
    %parallel_loop3A_27 = arith.constant 1 : i32
    scf.for %parallel_loop3A_636 = %parallel_loop3A_25 to %parallel_loop3A_26 step %parallel_loop3A_27  : i32 {
      %parallel_loop3A_637 = arith.constant 16 : i32
      %parallel_loop3A_638 = arith.muli %parallel_loop3A_636, %parallel_loop3A_637 : i32
      %parallel_loop3A_639 = arith.constant 6 : i32
      %parallel_loop3A_640 = arith.index_cast %parallel_loop3A_639 : i32 to index
      %parallel_loop3A_641 = arith.index_cast %parallel_loop3A_638 : i32 to index
      %parallel_loop3A_642 = tpu.vector_load %arg10[%parallel_loop3A_640, %parallel_loop3A_641] {strides = array<i32>} : memref<20x128xi32, #tpu.memory_space<vmem>>, vector<16xi32>,
      %parallel_loop3A_643 = arith.constant 1 : i32
      %parallel_loop3A_644 = vector.broadcast %parallel_loop3A_643 : i32 to vector<16xi32>
      %parallel_loop3A_645 = arith.shrsi %parallel_loop3A_642, %parallel_loop3A_644 : vector<16xi32>
      %parallel_loop3A_646 = arith.constant 16 : i32
      %parallel_loop3A_647 = arith.muli %parallel_loop3A_636, %parallel_loop3A_646 : i32
      %parallel_loop3A_648 = arith.constant 6 : i32
      %parallel_loop3A_649 = arith.index_cast %parallel_loop3A_648 : i32 to index
      %parallel_loop3A_650 = arith.index_cast %parallel_loop3A_647 : i32 to index
      %parallel_loop3A_651 = tpu.vector_load %arg11[%parallel_loop3A_649, %parallel_loop3A_650] {strides = array<i32>} : memref<20x128xi32, #tpu.memory_space<vmem>>, vector<16xi32>,
      tpu.vector_store %arg11[%parallel_loop3A_649, %parallel_loop3A_650], %parallel_loop3A_645 {strides = array<i32>} : memref<20x128xi32, #tpu.memory_space<vmem>>, vector<16xi32>,
      %parallel_loop3A_652 = arith.constant 1 : i32
      %parallel_loop3A_653 = vector.broadcast %parallel_loop3A_652 : i32 to vector<16xi32>
      %parallel_loop3A_654 = arith.andi %parallel_loop3A_642, %parallel_loop3A_653 : vector<16xi32>
      %parallel_loop3A_655 = arith.constant 6 : i32
      %parallel_loop3A_656 = vector.broadcast %parallel_loop3A_655 : i32 to vector<16xi32>
      %parallel_loop3A_657 = arith.shli %parallel_loop3A_654, %parallel_loop3A_656 : vector<16xi32>
      %parallel_loop3A_658 = arith.constant 16 : i32
      %parallel_loop3A_659 = arith.muli %parallel_loop3A_636, %parallel_loop3A_658 : i32
      %parallel_loop3A_660 = arith.constant 6 : i32
      %parallel_loop3A_661 = arith.index_cast %parallel_loop3A_660 : i32 to index
      %parallel_loop3A_662 = arith.index_cast %parallel_loop3A_659 : i32 to index
      %parallel_loop3A_663 = tpu.vector_load %arg12[%parallel_loop3A_661, %parallel_loop3A_662] {strides = array<i32>} : memref<20x128xi32, #tpu.memory_space<vmem>>, vector<16xi32>,
      tpu.vector_store %arg12[%parallel_loop3A_661, %parallel_loop3A_662], %parallel_loop3A_657 {strides = array<i32>} : memref<20x128xi32, #tpu.memory_space<vmem>>, vector<16xi32>,
    } {sc.loop_unroll_factor = 1 : i64, sc.parallel_access}
    %parallel_loop3A_28 = arith.constant 0 : i32
    %parallel_loop3A_29 = arith.constant 8 : i32
    %parallel_loop3A_30 = arith.constant 1 : i32
    scf.for %parallel_loop3A_636 = %parallel_loop3A_28 to %parallel_loop3A_29 step %parallel_loop3A_30  : i32 {
      %parallel_loop3A_637 = arith.constant 16 : i32
      %parallel_loop3A_638 = arith.muli %parallel_loop3A_636, %parallel_loop3A_637 : i32
      %parallel_loop3A_639 = arith.constant 7 : i32
      %parallel_loop3A_640 = arith.index_cast %parallel_loop3A_639 : i32 to index
      %parallel_loop3A_641 = arith.index_cast %parallel_loop3A_638 : i32 to index
      %parallel_loop3A_642 = tpu.vector_load %arg10[%parallel_loop3A_640, %parallel_loop3A_641] {strides = array<i32>} : memref<20x128xi32, #tpu.memory_space<vmem>>, vector<16xi32>,
      %parallel_loop3A_643 = arith.constant 1 : i32
      %parallel_loop3A_644 = vector.broadcast %parallel_loop3A_643 : i32 to vector<16xi32>
      %parallel_loop3A_645 = arith.shrsi %parallel_loop3A_642, %parallel_loop3A_644 : vector<16xi32>
      %parallel_loop3A_646 = arith.constant 16 : i32
      %parallel_loop3A_647 = arith.muli %parallel_loop3A_636, %parallel_loop3A_646 : i32
      %parallel_loop3A_648 = arith.constant 7 : i32
      %parallel_loop3A_649 = arith.index_cast %parallel_loop3A_648 : i32 to index
      %parallel_loop3A_650 = arith.index_cast %parallel_loop3A_647 : i32 to index
      %parallel_loop3A_651 = tpu.vector_load %arg11[%parallel_loop3A_649, %parallel_loop3A_650] {strides = array<i32>} : memref<20x128xi32, #tpu.memory_space<vmem>>, vector<16xi32>,
      tpu.vector_store %arg11[%parallel_loop3A_649, %parallel_loop3A_650], %parallel_loop3A_645 {strides = array<i32>} : memref<20x128xi32, #tpu.memory_space<vmem>>, vector<16xi32>,
      %parallel_loop3A_652 = arith.constant 1 : i32
      %parallel_loop3A_653 = vector.broadcast %parallel_loop3A_652 : i32 to vector<16xi32>
      %parallel_loop3A_654 = arith.andi %parallel_loop3A_642, %parallel_loop3A_653 : vector<16xi32>
      %parallel_loop3A_655 = arith.constant 6 : i32
      %parallel_loop3A_656 = vector.broadcast %parallel_loop3A_655 : i32 to vector<16xi32>
      %parallel_loop3A_657 = arith.shli %parallel_loop3A_654, %parallel_loop3A_656 : vector<16xi32>
      %parallel_loop3A_658 = arith.constant 16 : i32
      %parallel_loop3A_659 = arith.muli %parallel_loop3A_636, %parallel_loop3A_658 : i32
      %parallel_loop3A_660 = arith.constant 7 : i32
      %parallel_loop3A_661 = arith.index_cast %parallel_loop3A_660 : i32 to index
      %parallel_loop3A_662 = arith.index_cast %parallel_loop3A_659 : i32 to index
      %parallel_loop3A_663 = tpu.vector_load %arg12[%parallel_loop3A_661, %parallel_loop3A_662] {strides = array<i32>} : memref<20x128xi32, #tpu.memory_space<vmem>>, vector<16xi32>,
      tpu.vector_store %arg12[%parallel_loop3A_661, %parallel_loop3A_662], %parallel_loop3A_657 {strides = array<i32>} : memref<20x128xi32, #tpu.memory_space<vmem>>, vector<16xi32>,
    } {sc.loop_unroll_factor = 1 : i64, sc.parallel_access}
    %parallel_loop3A_31 = arith.constant 0 : i32
    %parallel_loop3A_32 = arith.constant 8 : i32
    %parallel_loop3A_33 = arith.constant 1 : i32
    scf.for %parallel_loop3A_636 = %parallel_loop3A_31 to %parallel_loop3A_32 step %parallel_loop3A_33  : i32 {
      %parallel_loop3A_637 = arith.constant 16 : i32
      %parallel_loop3A_638 = arith.muli %parallel_loop3A_636, %parallel_loop3A_637 : i32
      %parallel_loop3A_639 = arith.constant 8 : i32
      %parallel_loop3A_640 = arith.index_cast %parallel_loop3A_639 : i32 to index
      %parallel_loop3A_641 = arith.index_cast %parallel_loop3A_638 : i32 to index
      %parallel_loop3A_642 = tpu.vector_load %arg10[%parallel_loop3A_640, %parallel_loop3A_641] {strides = array<i32>} : memref<20x128xi32, #tpu.memory_space<vmem>>, vector<16xi32>,
      %parallel_loop3A_643 = arith.constant 1 : i32
      %parallel_loop3A_644 = vector.broadcast %parallel_loop3A_643 : i32 to vector<16xi32>
      %parallel_loop3A_645 = arith.shrsi %parallel_loop3A_642, %parallel_loop3A_644 : vector<16xi32>
      %parallel_loop3A_646 = arith.constant 16 : i32
      %parallel_loop3A_647 = arith.muli %parallel_loop3A_636, %parallel_loop3A_646 : i32
      %parallel_loop3A_648 = arith.constant 8 : i32
      %parallel_loop3A_649 = arith.index_cast %parallel_loop3A_648 : i32 to index
      %parallel_loop3A_650 = arith.index_cast %parallel_loop3A_647 : i32 to index
      %parallel_loop3A_651 = tpu.vector_load %arg11[%parallel_loop3A_649, %parallel_loop3A_650] {strides = array<i32>} : memref<20x128xi32, #tpu.memory_space<vmem>>, vector<16xi32>,
      tpu.vector_store %arg11[%parallel_loop3A_649, %parallel_loop3A_650], %parallel_loop3A_645 {strides = array<i32>} : memref<20x128xi32, #tpu.memory_space<vmem>>, vector<16xi32>,
      %parallel_loop3A_652 = arith.constant 1 : i32
      %parallel_loop3A_653 = vector.broadcast %parallel_loop3A_652 : i32 to vector<16xi32>
      %parallel_loop3A_654 = arith.andi %parallel_loop3A_642, %parallel_loop3A_653 : vector<16xi32>
      %parallel_loop3A_655 = arith.constant 6 : i32
      %parallel_loop3A_656 = vector.broadcast %parallel_loop3A_655 : i32 to vector<16xi32>
      %parallel_loop3A_657 = arith.shli %parallel_loop3A_654, %parallel_loop3A_656 : vector<16xi32>
      %parallel_loop3A_658 = arith.constant 16 : i32
      %parallel_loop3A_659 = arith.muli %parallel_loop3A_636, %parallel_loop3A_658 : i32
      %parallel_loop3A_660 = arith.constant 8 : i32
      %parallel_loop3A_661 = arith.index_cast %parallel_loop3A_660 : i32 to index
      %parallel_loop3A_662 = arith.index_cast %parallel_loop3A_659 : i32 to index
      %parallel_loop3A_663 = tpu.vector_load %arg12[%parallel_loop3A_661, %parallel_loop3A_662] {strides = array<i32>} : memref<20x128xi32, #tpu.memory_space<vmem>>, vector<16xi32>,
      tpu.vector_store %arg12[%parallel_loop3A_661, %parallel_loop3A_662], %parallel_loop3A_657 {strides = array<i32>} : memref<20x128xi32, #tpu.memory_space<vmem>>, vector<16xi32>,
    } {sc.loop_unroll_factor = 1 : i64, sc.parallel_access}
    %parallel_loop3A_34 = arith.constant 0 : i32
    %parallel_loop3A_35 = arith.constant 8 : i32
    %parallel_loop3A_36 = arith.constant 1 : i32
    scf.for %parallel_loop3A_636 = %parallel_loop3A_34 to %parallel_loop3A_35 step %parallel_loop3A_36  : i32 {
      %parallel_loop3A_637 = arith.constant 16 : i32
      %parallel_loop3A_638 = arith.muli %parallel_loop3A_636, %parallel_loop3A_637 : i32
      %parallel_loop3A_639 = arith.constant 9 : i32
      %parallel_loop3A_640 = arith.index_cast %parallel_loop3A_639 : i32 to index
      %parallel_loop3A_641 = arith.index_cast %parallel_loop3A_638 : i32 to index
      %parallel_loop3A_642 = tpu.vector_load %arg10[%parallel_loop3A_640, %parallel_loop3A_641] {strides = array<i32>} : memref<20x128xi32, #tpu.memory_space<vmem>>, vector<16xi32>,
      %parallel_loop3A_643 = arith.constant 1 : i32
      %parallel_loop3A_644 = vector.broadcast %parallel_loop3A_643 : i32 to vector<16xi32>
      %parallel_loop3A_645 = arith.shrsi %parallel_loop3A_642, %parallel_loop3A_644 : vector<16xi32>
      %parallel_loop3A_646 = arith.constant 16 : i32
      %parallel_loop3A_647 = arith.muli %parallel_loop3A_636, %parallel_loop3A_646 : i32
      %parallel_loop3A_648 = arith.constant 9 : i32
      %parallel_loop3A_649 = arith.index_cast %parallel_loop3A_648 : i32 to index
      %parallel_loop3A_650 = arith.index_cast %parallel_loop3A_647 : i32 to index
      %parallel_loop3A_651 = tpu.vector_load %arg11[%parallel_loop3A_649, %parallel_loop3A_650] {strides = array<i32>} : memref<20x128xi32, #tpu.memory_space<vmem>>, vector<16xi32>,
      tpu.vector_store %arg11[%parallel_loop3A_649, %parallel_loop3A_650], %parallel_loop3A_645 {strides = array<i32>} : memref<20x128xi32, #tpu.memory_space<vmem>>, vector<16xi32>,
      %parallel_loop3A_652 = arith.constant 1 : i32
      %parallel_loop3A_653 = vector.broadcast %parallel_loop3A_652 : i32 to vector<16xi32>
      %parallel_loop3A_654 = arith.andi %parallel_loop3A_642, %parallel_loop3A_653 : vector<16xi32>
      %parallel_loop3A_655 = arith.constant 6 : i32
      %parallel_loop3A_656 = vector.broadcast %parallel_loop3A_655 : i32 to vector<16xi32>
      %parallel_loop3A_657 = arith.shli %parallel_loop3A_654, %parallel_loop3A_656 : vector<16xi32>
      %parallel_loop3A_658 = arith.constant 16 : i32
      %parallel_loop3A_659 = arith.muli %parallel_loop3A_636, %parallel_loop3A_658 : i32
      %parallel_loop3A_660 = arith.constant 9 : i32
      %parallel_loop3A_661 = arith.index_cast %parallel_loop3A_660 : i32 to index
      %parallel_loop3A_662 = arith.index_cast %parallel_loop3A_659 : i32 to index
      %parallel_loop3A_663 = tpu.vector_load %arg12[%parallel_loop3A_661, %parallel_loop3A_662] {strides = array<i32>} : memref<20x128xi32, #tpu.memory_space<vmem>>, vector<16xi32>,
      tpu.vector_store %arg12[%parallel_loop3A_661, %parallel_loop3A_662], %parallel_loop3A_657 {strides = array<i32>} : memref<20x128xi32, #tpu.memory_space<vmem>>, vector<16xi32>,
    } {sc.loop_unroll_factor = 1 : i64, sc.parallel_access}
    %parallel_loop3A_37 = arith.constant 0 : i32
    %parallel_loop3A_38 = arith.constant 8 : i32
    %parallel_loop3A_39 = arith.constant 1 : i32
    scf.for %parallel_loop3A_636 = %parallel_loop3A_37 to %parallel_loop3A_38 step %parallel_loop3A_39  : i32 {
      %parallel_loop3A_637 = arith.constant 16 : i32
      %parallel_loop3A_638 = arith.muli %parallel_loop3A_636, %parallel_loop3A_637 : i32
      %parallel_loop3A_639 = arith.constant 10 : i32
      %parallel_loop3A_640 = arith.index_cast %parallel_loop3A_639 : i32 to index
      %parallel_loop3A_641 = arith.index_cast %parallel_loop3A_638 : i32 to index
      %parallel_loop3A_642 = tpu.vector_load %arg10[%parallel_loop3A_640, %parallel_loop3A_641] {strides = array<i32>} : memref<20x128xi32, #tpu.memory_space<vmem>>, vector<16xi32>,
      %parallel_loop3A_643 = arith.constant 1 : i32
      %parallel_loop3A_644 = vector.broadcast %parallel_loop3A_643 : i32 to vector<16xi32>
      %parallel_loop3A_645 = arith.shrsi %parallel_loop3A_642, %parallel_loop3A_644 : vector<16xi32>
      %parallel_loop3A_646 = arith.constant 16 : i32
      %parallel_loop3A_647 = arith.muli %parallel_loop3A_636, %parallel_loop3A_646 : i32
      %parallel_loop3A_648 = arith.constant 10 : i32
      %parallel_loop3A_649 = arith.index_cast %parallel_loop3A_648 : i32 to index
      %parallel_loop3A_650 = arith.index_cast %parallel_loop3A_647 : i32 to index
      %parallel_loop3A_651 = tpu.vector_load %arg11[%parallel_loop3A_649, %parallel_loop3A_650] {strides = array<i32>} : memref<20x128xi32, #tpu.memory_space<vmem>>, vector<16xi32>,
      tpu.vector_store %arg11[%parallel_loop3A_649, %parallel_loop3A_650], %parallel_loop3A_645 {strides = array<i32>} : memref<20x128xi32, #tpu.memory_space<vmem>>, vector<16xi32>,
      %parallel_loop3A_652 = arith.constant 1 : i32
      %parallel_loop3A_653 = vector.broadcast %parallel_loop3A_652 : i32 to vector<16xi32>
      %parallel_loop3A_654 = arith.andi %parallel_loop3A_642, %parallel_loop3A_653 : vector<16xi32>
      %parallel_loop3A_655 = arith.constant 6 : i32
      %parallel_loop3A_656 = vector.broadcast %parallel_loop3A_655 : i32 to vector<16xi32>
      %parallel_loop3A_657 = arith.shli %parallel_loop3A_654, %parallel_loop3A_656 : vector<16xi32>
      %parallel_loop3A_658 = arith.constant 16 : i32
      %parallel_loop3A_659 = arith.muli %parallel_loop3A_636, %parallel_loop3A_658 : i32
      %parallel_loop3A_660 = arith.constant 10 : i32
      %parallel_loop3A_661 = arith.index_cast %parallel_loop3A_660 : i32 to index
      %parallel_loop3A_662 = arith.index_cast %parallel_loop3A_659 : i32 to index
      %parallel_loop3A_663 = tpu.vector_load %arg12[%parallel_loop3A_661, %parallel_loop3A_662] {strides = array<i32>} : memref<20x128xi32, #tpu.memory_space<vmem>>, vector<16xi32>,
      tpu.vector_store %arg12[%parallel_loop3A_661, %parallel_loop3A_662], %parallel_loop3A_657 {strides = array<i32>} : memref<20x128xi32, #tpu.memory_space<vmem>>, vector<16xi32>,
    } {sc.loop_unroll_factor = 1 : i64, sc.parallel_access}
    %parallel_loop3A_40 = arith.constant 0 : i32
    %parallel_loop3A_41 = arith.constant 8 : i32
    %parallel_loop3A_42 = arith.constant 1 : i32
    scf.for %parallel_loop3A_636 = %parallel_loop3A_40 to %parallel_loop3A_41 step %parallel_loop3A_42  : i32 {
      %parallel_loop3A_637 = arith.constant 16 : i32
      %parallel_loop3A_638 = arith.muli %parallel_loop3A_636, %parallel_loop3A_637 : i32
      %parallel_loop3A_639 = arith.constant 11 : i32
      %parallel_loop3A_640 = arith.index_cast %parallel_loop3A_639 : i32 to index
      %parallel_loop3A_641 = arith.index_cast %parallel_loop3A_638 : i32 to index
      %parallel_loop3A_642 = tpu.vector_load %arg10[%parallel_loop3A_640, %parallel_loop3A_641] {strides = array<i32>} : memref<20x128xi32, #tpu.memory_space<vmem>>, vector<16xi32>,
      %parallel_loop3A_643 = arith.constant 1 : i32
      %parallel_loop3A_644 = vector.broadcast %parallel_loop3A_643 : i32 to vector<16xi32>
      %parallel_loop3A_645 = arith.shrsi %parallel_loop3A_642, %parallel_loop3A_644 : vector<16xi32>
      %parallel_loop3A_646 = arith.constant 16 : i32
      %parallel_loop3A_647 = arith.muli %parallel_loop3A_636, %parallel_loop3A_646 : i32
      %parallel_loop3A_648 = arith.constant 11 : i32
      %parallel_loop3A_649 = arith.index_cast %parallel_loop3A_648 : i32 to index
      %parallel_loop3A_650 = arith.index_cast %parallel_loop3A_647 : i32 to index
      %parallel_loop3A_651 = tpu.vector_load %arg11[%parallel_loop3A_649, %parallel_loop3A_650] {strides = array<i32>} : memref<20x128xi32, #tpu.memory_space<vmem>>, vector<16xi32>,
      tpu.vector_store %arg11[%parallel_loop3A_649, %parallel_loop3A_650], %parallel_loop3A_645 {strides = array<i32>} : memref<20x128xi32, #tpu.memory_space<vmem>>, vector<16xi32>,
      %parallel_loop3A_652 = arith.constant 1 : i32
      %parallel_loop3A_653 = vector.broadcast %parallel_loop3A_652 : i32 to vector<16xi32>
      %parallel_loop3A_654 = arith.andi %parallel_loop3A_642, %parallel_loop3A_653 : vector<16xi32>
      %parallel_loop3A_655 = arith.constant 6 : i32
      %parallel_loop3A_656 = vector.broadcast %parallel_loop3A_655 : i32 to vector<16xi32>
      %parallel_loop3A_657 = arith.shli %parallel_loop3A_654, %parallel_loop3A_656 : vector<16xi32>
      %parallel_loop3A_658 = arith.constant 16 : i32
      %parallel_loop3A_659 = arith.muli %parallel_loop3A_636, %parallel_loop3A_658 : i32
      %parallel_loop3A_660 = arith.constant 11 : i32
      %parallel_loop3A_661 = arith.index_cast %parallel_loop3A_660 : i32 to index
      %parallel_loop3A_662 = arith.index_cast %parallel_loop3A_659 : i32 to index
      %parallel_loop3A_663 = tpu.vector_load %arg12[%parallel_loop3A_661, %parallel_loop3A_662] {strides = array<i32>} : memref<20x128xi32, #tpu.memory_space<vmem>>, vector<16xi32>,
      tpu.vector_store %arg12[%parallel_loop3A_661, %parallel_loop3A_662], %parallel_loop3A_657 {strides = array<i32>} : memref<20x128xi32, #tpu.memory_space<vmem>>, vector<16xi32>,
    } {sc.loop_unroll_factor = 1 : i64, sc.parallel_access}
    %parallel_loop3A_43 = arith.constant 0 : i32
    %parallel_loop3A_44 = arith.constant 8 : i32
    %parallel_loop3A_45 = arith.constant 1 : i32
    scf.for %parallel_loop3A_636 = %parallel_loop3A_43 to %parallel_loop3A_44 step %parallel_loop3A_45  : i32 {
      %parallel_loop3A_637 = arith.constant 16 : i32
      %parallel_loop3A_638 = arith.muli %parallel_loop3A_636, %parallel_loop3A_637 : i32
      %parallel_loop3A_639 = arith.constant 12 : i32
      %parallel_loop3A_640 = arith.index_cast %parallel_loop3A_639 : i32 to index
      %parallel_loop3A_641 = arith.index_cast %parallel_loop3A_638 : i32 to index
      %parallel_loop3A_642 = tpu.vector_load %arg10[%parallel_loop3A_640, %parallel_loop3A_641] {strides = array<i32>} : memref<20x128xi32, #tpu.memory_space<vmem>>, vector<16xi32>,
      %parallel_loop3A_643 = arith.constant 1 : i32
      %parallel_loop3A_644 = vector.broadcast %parallel_loop3A_643 : i32 to vector<16xi32>
      %parallel_loop3A_645 = arith.shrsi %parallel_loop3A_642, %parallel_loop3A_644 : vector<16xi32>
      %parallel_loop3A_646 = arith.constant 16 : i32
      %parallel_loop3A_647 = arith.muli %parallel_loop3A_636, %parallel_loop3A_646 : i32
      %parallel_loop3A_648 = arith.constant 12 : i32
      %parallel_loop3A_649 = arith.index_cast %parallel_loop3A_648 : i32 to index
      %parallel_loop3A_650 = arith.index_cast %parallel_loop3A_647 : i32 to index
      %parallel_loop3A_651 = tpu.vector_load %arg11[%parallel_loop3A_649, %parallel_loop3A_650] {strides = array<i32>} : memref<20x128xi32, #tpu.memory_space<vmem>>, vector<16xi32>,
      tpu.vector_store %arg11[%parallel_loop3A_649, %parallel_loop3A_650], %parallel_loop3A_645 {strides = array<i32>} : memref<20x128xi32, #tpu.memory_space<vmem>>, vector<16xi32>,
      %parallel_loop3A_652 = arith.constant 1 : i32
      %parallel_loop3A_653 = vector.broadcast %parallel_loop3A_652 : i32 to vector<16xi32>
      %parallel_loop3A_654 = arith.andi %parallel_loop3A_642, %parallel_loop3A_653 : vector<16xi32>
      %parallel_loop3A_655 = arith.constant 6 : i32
      %parallel_loop3A_656 = vector.broadcast %parallel_loop3A_655 : i32 to vector<16xi32>
      %parallel_loop3A_657 = arith.shli %parallel_loop3A_654, %parallel_loop3A_656 : vector<16xi32>
      %parallel_loop3A_658 = arith.constant 16 : i32
      %parallel_loop3A_659 = arith.muli %parallel_loop3A_636, %parallel_loop3A_658 : i32
      %parallel_loop3A_660 = arith.constant 12 : i32
      %parallel_loop3A_661 = arith.index_cast %parallel_loop3A_660 : i32 to index
      %parallel_loop3A_662 = arith.index_cast %parallel_loop3A_659 : i32 to index
      %parallel_loop3A_663 = tpu.vector_load %arg12[%parallel_loop3A_661, %parallel_loop3A_662] {strides = array<i32>} : memref<20x128xi32, #tpu.memory_space<vmem>>, vector<16xi32>,
      tpu.vector_store %arg12[%parallel_loop3A_661, %parallel_loop3A_662], %parallel_loop3A_657 {strides = array<i32>} : memref<20x128xi32, #tpu.memory_space<vmem>>, vector<16xi32>,
    } {sc.loop_unroll_factor = 1 : i64, sc.parallel_access}
    %parallel_loop3A_46 = arith.constant 0 : i32
    %parallel_loop3A_47 = arith.constant 8 : i32
    %parallel_loop3A_48 = arith.constant 1 : i32
    scf.for %parallel_loop3A_636 = %parallel_loop3A_46 to %parallel_loop3A_47 step %parallel_loop3A_48  : i32 {
      %parallel_loop3A_637 = arith.constant 16 : i32
      %parallel_loop3A_638 = arith.muli %parallel_loop3A_636, %parallel_loop3A_637 : i32
      %parallel_loop3A_639 = arith.constant 13 : i32
      %parallel_loop3A_640 = arith.index_cast %parallel_loop3A_639 : i32 to index
      %parallel_loop3A_641 = arith.index_cast %parallel_loop3A_638 : i32 to index
      %parallel_loop3A_642 = tpu.vector_load %arg10[%parallel_loop3A_640, %parallel_loop3A_641] {strides = array<i32>} : memref<20x128xi32, #tpu.memory_space<vmem>>, vector<16xi32>,
      %parallel_loop3A_643 = arith.constant 1 : i32
      %parallel_loop3A_644 = vector.broadcast %parallel_loop3A_643 : i32 to vector<16xi32>
      %parallel_loop3A_645 = arith.shrsi %parallel_loop3A_642, %parallel_loop3A_644 : vector<16xi32>
      %parallel_loop3A_646 = arith.constant 16 : i32
      %parallel_loop3A_647 = arith.muli %parallel_loop3A_636, %parallel_loop3A_646 : i32
      %parallel_loop3A_648 = arith.constant 13 : i32
      %parallel_loop3A_649 = arith.index_cast %parallel_loop3A_648 : i32 to index
      %parallel_loop3A_650 = arith.index_cast %parallel_loop3A_647 : i32 to index
      %parallel_loop3A_651 = tpu.vector_load %arg11[%parallel_loop3A_649, %parallel_loop3A_650] {strides = array<i32>} : memref<20x128xi32, #tpu.memory_space<vmem>>, vector<16xi32>,
      tpu.vector_store %arg11[%parallel_loop3A_649, %parallel_loop3A_650], %parallel_loop3A_645 {strides = array<i32>} : memref<20x128xi32, #tpu.memory_space<vmem>>, vector<16xi32>,
      %parallel_loop3A_652 = arith.constant 1 : i32
      %parallel_loop3A_653 = vector.broadcast %parallel_loop3A_652 : i32 to vector<16xi32>
      %parallel_loop3A_654 = arith.andi %parallel_loop3A_642, %parallel_loop3A_653 : vector<16xi32>
      %parallel_loop3A_655 = arith.constant 6 : i32
      %parallel_loop3A_656 = vector.broadcast %parallel_loop3A_655 : i32 to vector<16xi32>
      %parallel_loop3A_657 = arith.shli %parallel_loop3A_654, %parallel_loop3A_656 : vector<16xi32>
      %parallel_loop3A_658 = arith.constant 16 : i32
      %parallel_loop3A_659 = arith.muli %parallel_loop3A_636, %parallel_loop3A_658 : i32
      %parallel_loop3A_660 = arith.constant 13 : i32
      %parallel_loop3A_661 = arith.index_cast %parallel_loop3A_660 : i32 to index
      %parallel_loop3A_662 = arith.index_cast %parallel_loop3A_659 : i32 to index
      %parallel_loop3A_663 = tpu.vector_load %arg12[%parallel_loop3A_661, %parallel_loop3A_662] {strides = array<i32>} : memref<20x128xi32, #tpu.memory_space<vmem>>, vector<16xi32>,
      tpu.vector_store %arg12[%parallel_loop3A_661, %parallel_loop3A_662], %parallel_loop3A_657 {strides = array<i32>} : memref<20x128xi32, #tpu.memory_space<vmem>>, vector<16xi32>,
    } {sc.loop_unroll_factor = 1 : i64, sc.parallel_access}
    %parallel_loop3A_49 = arith.constant 0 : i32
    %parallel_loop3A_50 = arith.constant 8 : i32
    %parallel_loop3A_51 = arith.constant 1 : i32
    scf.for %parallel_loop3A_636 = %parallel_loop3A_49 to %parallel_loop3A_50 step %parallel_loop3A_51  : i32 {
      %parallel_loop3A_637 = arith.constant 16 : i32
      %parallel_loop3A_638 = arith.muli %parallel_loop3A_636, %parallel_loop3A_637 : i32
      %parallel_loop3A_639 = arith.constant 14 : i32
      %parallel_loop3A_640 = arith.index_cast %parallel_loop3A_639 : i32 to index
      %parallel_loop3A_641 = arith.index_cast %parallel_loop3A_638 : i32 to index
      %parallel_loop3A_642 = tpu.vector_load %arg10[%parallel_loop3A_640, %parallel_loop3A_641] {strides = array<i32>} : memref<20x128xi32, #tpu.memory_space<vmem>>, vector<16xi32>,
      %parallel_loop3A_643 = arith.constant 1 : i32
      %parallel_loop3A_644 = vector.broadcast %parallel_loop3A_643 : i32 to vector<16xi32>
      %parallel_loop3A_645 = arith.shrsi %parallel_loop3A_642, %parallel_loop3A_644 : vector<16xi32>
      %parallel_loop3A_646 = arith.constant 16 : i32
      %parallel_loop3A_647 = arith.muli %parallel_loop3A_636, %parallel_loop3A_646 : i32
      %parallel_loop3A_648 = arith.constant 14 : i32
      %parallel_loop3A_649 = arith.index_cast %parallel_loop3A_648 : i32 to index
      %parallel_loop3A_650 = arith.index_cast %parallel_loop3A_647 : i32 to index
      %parallel_loop3A_651 = tpu.vector_load %arg11[%parallel_loop3A_649, %parallel_loop3A_650] {strides = array<i32>} : memref<20x128xi32, #tpu.memory_space<vmem>>, vector<16xi32>,
      tpu.vector_store %arg11[%parallel_loop3A_649, %parallel_loop3A_650], %parallel_loop3A_645 {strides = array<i32>} : memref<20x128xi32, #tpu.memory_space<vmem>>, vector<16xi32>,
      %parallel_loop3A_652 = arith.constant 1 : i32
      %parallel_loop3A_653 = vector.broadcast %parallel_loop3A_652 : i32 to vector<16xi32>
      %parallel_loop3A_654 = arith.andi %parallel_loop3A_642, %parallel_loop3A_653 : vector<16xi32>
      %parallel_loop3A_655 = arith.constant 6 : i32
      %parallel_loop3A_656 = vector.broadcast %parallel_loop3A_655 : i32 to vector<16xi32>
      %parallel_loop3A_657 = arith.shli %parallel_loop3A_654, %parallel_loop3A_656 : vector<16xi32>
      %parallel_loop3A_658 = arith.constant 16 : i32
      %parallel_loop3A_659 = arith.muli %parallel_loop3A_636, %parallel_loop3A_658 : i32
      %parallel_loop3A_660 = arith.constant 14 : i32
      %parallel_loop3A_661 = arith.index_cast %parallel_loop3A_660 : i32 to index
      %parallel_loop3A_662 = arith.index_cast %parallel_loop3A_659 : i32 to index
      %parallel_loop3A_663 = tpu.vector_load %arg12[%parallel_loop3A_661, %parallel_loop3A_662] {strides = array<i32>} : memref<20x128xi32, #tpu.memory_space<vmem>>, vector<16xi32>,
      tpu.vector_store %arg12[%parallel_loop3A_661, %parallel_loop3A_662], %parallel_loop3A_657 {strides = array<i32>} : memref<20x128xi32, #tpu.memory_space<vmem>>, vector<16xi32>,
    } {sc.loop_unroll_factor = 1 : i64, sc.parallel_access}
    %parallel_loop3A_52 = arith.constant 0 : i32
    %parallel_loop3A_53 = arith.constant 8 : i32
    %parallel_loop3A_54 = arith.constant 1 : i32
    scf.for %parallel_loop3A_636 = %parallel_loop3A_52 to %parallel_loop3A_53 step %parallel_loop3A_54  : i32 {
      %parallel_loop3A_637 = arith.constant 16 : i32
      %parallel_loop3A_638 = arith.muli %parallel_loop3A_636, %parallel_loop3A_637 : i32
      %parallel_loop3A_639 = arith.constant 15 : i32
      %parallel_loop3A_640 = arith.index_cast %parallel_loop3A_639 : i32 to index
      %parallel_loop3A_641 = arith.index_cast %parallel_loop3A_638 : i32 to index
      %parallel_loop3A_642 = tpu.vector_load %arg10[%parallel_loop3A_640, %parallel_loop3A_641] {strides = array<i32>} : memref<20x128xi32, #tpu.memory_space<vmem>>, vector<16xi32>,
      %parallel_loop3A_643 = arith.constant 1 : i32
      %parallel_loop3A_644 = vector.broadcast %parallel_loop3A_643 : i32 to vector<16xi32>
      %parallel_loop3A_645 = arith.shrsi %parallel_loop3A_642, %parallel_loop3A_644 : vector<16xi32>
      %parallel_loop3A_646 = arith.constant 16 : i32
      %parallel_loop3A_647 = arith.muli %parallel_loop3A_636, %parallel_loop3A_646 : i32
      %parallel_loop3A_648 = arith.constant 15 : i32
      %parallel_loop3A_649 = arith.index_cast %parallel_loop3A_648 : i32 to index
      %parallel_loop3A_650 = arith.index_cast %parallel_loop3A_647 : i32 to index
      %parallel_loop3A_651 = tpu.vector_load %arg11[%parallel_loop3A_649, %parallel_loop3A_650] {strides = array<i32>} : memref<20x128xi32, #tpu.memory_space<vmem>>, vector<16xi32>,
      tpu.vector_store %arg11[%parallel_loop3A_649, %parallel_loop3A_650], %parallel_loop3A_645 {strides = array<i32>} : memref<20x128xi32, #tpu.memory_space<vmem>>, vector<16xi32>,
      %parallel_loop3A_652 = arith.constant 1 : i32
      %parallel_loop3A_653 = vector.broadcast %parallel_loop3A_652 : i32 to vector<16xi32>
      %parallel_loop3A_654 = arith.andi %parallel_loop3A_642, %parallel_loop3A_653 : vector<16xi32>
      %parallel_loop3A_655 = arith.constant 6 : i32
      %parallel_loop3A_656 = vector.broadcast %parallel_loop3A_655 : i32 to vector<16xi32>
      %parallel_loop3A_657 = arith.shli %parallel_loop3A_654, %parallel_loop3A_656 : vector<16xi32>
      %parallel_loop3A_658 = arith.constant 16 : i32
      %parallel_loop3A_659 = arith.muli %parallel_loop3A_636, %parallel_loop3A_658 : i32
      %parallel_loop3A_660 = arith.constant 15 : i32
      %parallel_loop3A_661 = arith.index_cast %parallel_loop3A_660 : i32 to index
      %parallel_loop3A_662 = arith.index_cast %parallel_loop3A_659 : i32 to index
      %parallel_loop3A_663 = tpu.vector_load %arg12[%parallel_loop3A_661, %parallel_loop3A_662] {strides = array<i32>} : memref<20x128xi32, #tpu.memory_space<vmem>>, vector<16xi32>,
      tpu.vector_store %arg12[%parallel_loop3A_661, %parallel_loop3A_662], %parallel_loop3A_657 {strides = array<i32>} : memref<20x128xi32, #tpu.memory_space<vmem>>, vector<16xi32>,
    } {sc.loop_unroll_factor = 1 : i64, sc.parallel_access}
    %parallel_loop3A_55 = arith.constant 0 : i32
    %parallel_loop3A_56 = arith.constant 8 : i32
    %parallel_loop3A_57 = arith.constant 1 : i32
    scf.for %parallel_loop3A_636 = %parallel_loop3A_55 to %parallel_loop3A_56 step %parallel_loop3A_57  : i32 {
      %parallel_loop3A_637 = arith.constant 16 : i32
      %parallel_loop3A_638 = arith.muli %parallel_loop3A_636, %parallel_loop3A_637 : i32
      %parallel_loop3A_639 = arith.constant 16 : i32
      %parallel_loop3A_640 = arith.index_cast %parallel_loop3A_639 : i32 to index
      %parallel_loop3A_641 = arith.index_cast %parallel_loop3A_638 : i32 to index
      %parallel_loop3A_642 = tpu.vector_load %arg10[%parallel_loop3A_640, %parallel_loop3A_641] {strides = array<i32>} : memref<20x128xi32, #tpu.memory_space<vmem>>, vector<16xi32>,
      %parallel_loop3A_643 = arith.constant 1 : i32
      %parallel_loop3A_644 = vector.broadcast %parallel_loop3A_643 : i32 to vector<16xi32>
      %parallel_loop3A_645 = arith.shrsi %parallel_loop3A_642, %parallel_loop3A_644 : vector<16xi32>
      %parallel_loop3A_646 = arith.constant 16 : i32
      %parallel_loop3A_647 = arith.muli %parallel_loop3A_636, %parallel_loop3A_646 : i32
      %parallel_loop3A_648 = arith.constant 16 : i32
      %parallel_loop3A_649 = arith.index_cast %parallel_loop3A_648 : i32 to index
      %parallel_loop3A_650 = arith.index_cast %parallel_loop3A_647 : i32 to index
      %parallel_loop3A_651 = tpu.vector_load %arg11[%parallel_loop3A_649, %parallel_loop3A_650] {strides = array<i32>} : memref<20x128xi32, #tpu.memory_space<vmem>>, vector<16xi32>,
      tpu.vector_store %arg11[%parallel_loop3A_649, %parallel_loop3A_650], %parallel_loop3A_645 {strides = array<i32>} : memref<20x128xi32, #tpu.memory_space<vmem>>, vector<16xi32>,
      %parallel_loop3A_652 = arith.constant 1 : i32
      %parallel_loop3A_653 = vector.broadcast %parallel_loop3A_652 : i32 to vector<16xi32>
      %parallel_loop3A_654 = arith.andi %parallel_loop3A_642, %parallel_loop3A_653 : vector<16xi32>
      %parallel_loop3A_655 = arith.constant 6 : i32
      %parallel_loop3A_656 = vector.broadcast %parallel_loop3A_655 : i32 to vector<16xi32>
      %parallel_loop3A_657 = arith.shli %parallel_loop3A_654, %parallel_loop3A_656 : vector<16xi32>
      %parallel_loop3A_658 = arith.constant 16 : i32
      %parallel_loop3A_659 = arith.muli %parallel_loop3A_636, %parallel_loop3A_658 : i32
      %parallel_loop3A_660 = arith.constant 16 : i32
      %parallel_loop3A_661 = arith.index_cast %parallel_loop3A_660 : i32 to index
      %parallel_loop3A_662 = arith.index_cast %parallel_loop3A_659 : i32 to index
      %parallel_loop3A_663 = tpu.vector_load %arg12[%parallel_loop3A_661, %parallel_loop3A_662] {strides = array<i32>} : memref<20x128xi32, #tpu.memory_space<vmem>>, vector<16xi32>,
      tpu.vector_store %arg12[%parallel_loop3A_661, %parallel_loop3A_662], %parallel_loop3A_657 {strides = array<i32>} : memref<20x128xi32, #tpu.memory_space<vmem>>, vector<16xi32>,
    } {sc.loop_unroll_factor = 1 : i64, sc.parallel_access}
    %parallel_loop3A_58 = arith.constant 0 : i32
    %parallel_loop3A_59 = arith.constant 8 : i32
    %parallel_loop3A_60 = arith.constant 1 : i32
    scf.for %parallel_loop3A_636 = %parallel_loop3A_58 to %parallel_loop3A_59 step %parallel_loop3A_60  : i32 {
      %parallel_loop3A_637 = arith.constant 16 : i32
      %parallel_loop3A_638 = arith.muli %parallel_loop3A_636, %parallel_loop3A_637 : i32
      %parallel_loop3A_639 = arith.constant 17 : i32
      %parallel_loop3A_640 = arith.index_cast %parallel_loop3A_639 : i32 to index
      %parallel_loop3A_641 = arith.index_cast %parallel_loop3A_638 : i32 to index
      %parallel_loop3A_642 = tpu.vector_load %arg10[%parallel_loop3A_640, %parallel_loop3A_641] {strides = array<i32>} : memref<20x128xi32, #tpu.memory_space<vmem>>, vector<16xi32>,
      %parallel_loop3A_643 = arith.constant 1 : i32
      %parallel_loop3A_644 = vector.broadcast %parallel_loop3A_643 : i32 to vector<16xi32>
      %parallel_loop3A_645 = arith.shrsi %parallel_loop3A_642, %parallel_loop3A_644 : vector<16xi32>
      %parallel_loop3A_646 = arith.constant 16 : i32
      %parallel_loop3A_647 = arith.muli %parallel_loop3A_636, %parallel_loop3A_646 : i32
      %parallel_loop3A_648 = arith.constant 17 : i32
      %parallel_loop3A_649 = arith.index_cast %parallel_loop3A_648 : i32 to index
      %parallel_loop3A_650 = arith.index_cast %parallel_loop3A_647 : i32 to index
      %parallel_loop3A_651 = tpu.vector_load %arg11[%parallel_loop3A_649, %parallel_loop3A_650] {strides = array<i32>} : memref<20x128xi32, #tpu.memory_space<vmem>>, vector<16xi32>,
      tpu.vector_store %arg11[%parallel_loop3A_649, %parallel_loop3A_650], %parallel_loop3A_645 {strides = array<i32>} : memref<20x128xi32, #tpu.memory_space<vmem>>, vector<16xi32>,
      %parallel_loop3A_652 = arith.constant 1 : i32
      %parallel_loop3A_653 = vector.broadcast %parallel_loop3A_652 : i32 to vector<16xi32>
      %parallel_loop3A_654 = arith.andi %parallel_loop3A_642, %parallel_loop3A_653 : vector<16xi32>
      %parallel_loop3A_655 = arith.constant 6 : i32
      %parallel_loop3A_656 = vector.broadcast %parallel_loop3A_655 : i32 to vector<16xi32>
      %parallel_loop3A_657 = arith.shli %parallel_loop3A_654, %parallel_loop3A_656 : vector<16xi32>
      %parallel_loop3A_658 = arith.constant 16 : i32
      %parallel_loop3A_659 = arith.muli %parallel_loop3A_636, %parallel_loop3A_658 : i32
      %parallel_loop3A_660 = arith.constant 17 : i32
      %parallel_loop3A_661 = arith.index_cast %parallel_loop3A_660 : i32 to index
      %parallel_loop3A_662 = arith.index_cast %parallel_loop3A_659 : i32 to index
      %parallel_loop3A_663 = tpu.vector_load %arg12[%parallel_loop3A_661, %parallel_loop3A_662] {strides = array<i32>} : memref<20x128xi32, #tpu.memory_space<vmem>>, vector<16xi32>,
      tpu.vector_store %arg12[%parallel_loop3A_661, %parallel_loop3A_662], %parallel_loop3A_657 {strides = array<i32>} : memref<20x128xi32, #tpu.memory_space<vmem>>, vector<16xi32>,
    } {sc.loop_unroll_factor = 1 : i64, sc.parallel_access}
    %parallel_loop3A_61 = arith.constant 0 : i32
    %parallel_loop3A_62 = arith.constant 8 : i32
    %parallel_loop3A_63 = arith.constant 1 : i32
    scf.for %parallel_loop3A_636 = %parallel_loop3A_61 to %parallel_loop3A_62 step %parallel_loop3A_63  : i32 {
      %parallel_loop3A_637 = arith.constant 16 : i32
      %parallel_loop3A_638 = arith.muli %parallel_loop3A_636, %parallel_loop3A_637 : i32
      %parallel_loop3A_639 = arith.constant 18 : i32
      %parallel_loop3A_640 = arith.index_cast %parallel_loop3A_639 : i32 to index
      %parallel_loop3A_641 = arith.index_cast %parallel_loop3A_638 : i32 to index
      %parallel_loop3A_642 = tpu.vector_load %arg10[%parallel_loop3A_640, %parallel_loop3A_641] {strides = array<i32>} : memref<20x128xi32, #tpu.memory_space<vmem>>, vector<16xi32>,
      %parallel_loop3A_643 = arith.constant 1 : i32
      %parallel_loop3A_644 = vector.broadcast %parallel_loop3A_643 : i32 to vector<16xi32>
      %parallel_loop3A_645 = arith.shrsi %parallel_loop3A_642, %parallel_loop3A_644 : vector<16xi32>
      %parallel_loop3A_646 = arith.constant 16 : i32
      %parallel_loop3A_647 = arith.muli %parallel_loop3A_636, %parallel_loop3A_646 : i32
      %parallel_loop3A_648 = arith.constant 18 : i32
      %parallel_loop3A_649 = arith.index_cast %parallel_loop3A_648 : i32 to index
      %parallel_loop3A_650 = arith.index_cast %parallel_loop3A_647 : i32 to index
      %parallel_loop3A_651 = tpu.vector_load %arg11[%parallel_loop3A_649, %parallel_loop3A_650] {strides = array<i32>} : memref<20x128xi32, #tpu.memory_space<vmem>>, vector<16xi32>,
      tpu.vector_store %arg11[%parallel_loop3A_649, %parallel_loop3A_650], %parallel_loop3A_645 {strides = array<i32>} : memref<20x128xi32, #tpu.memory_space<vmem>>, vector<16xi32>,
      %parallel_loop3A_652 = arith.constant 1 : i32
      %parallel_loop3A_653 = vector.broadcast %parallel_loop3A_652 : i32 to vector<16xi32>
      %parallel_loop3A_654 = arith.andi %parallel_loop3A_642, %parallel_loop3A_653 : vector<16xi32>
      %parallel_loop3A_655 = arith.constant 6 : i32
      %parallel_loop3A_656 = vector.broadcast %parallel_loop3A_655 : i32 to vector<16xi32>
      %parallel_loop3A_657 = arith.shli %parallel_loop3A_654, %parallel_loop3A_656 : vector<16xi32>
      %parallel_loop3A_658 = arith.constant 16 : i32
      %parallel_loop3A_659 = arith.muli %parallel_loop3A_636, %parallel_loop3A_658 : i32
      %parallel_loop3A_660 = arith.constant 18 : i32
      %parallel_loop3A_661 = arith.index_cast %parallel_loop3A_660 : i32 to index
      %parallel_loop3A_662 = arith.index_cast %parallel_loop3A_659 : i32 to index
      %parallel_loop3A_663 = tpu.vector_load %arg12[%parallel_loop3A_661, %parallel_loop3A_662] {strides = array<i32>} : memref<20x128xi32, #tpu.memory_space<vmem>>, vector<16xi32>,
      tpu.vector_store %arg12[%parallel_loop3A_661, %parallel_loop3A_662], %parallel_loop3A_657 {strides = array<i32>} : memref<20x128xi32, #tpu.memory_space<vmem>>, vector<16xi32>,
    } {sc.loop_unroll_factor = 1 : i64, sc.parallel_access}
    %parallel_loop3A_64 = arith.constant 0 : i32
    %parallel_loop3A_65 = arith.constant 8 : i32
    %parallel_loop3A_66 = arith.constant 1 : i32
    scf.for %parallel_loop3A_636 = %parallel_loop3A_64 to %parallel_loop3A_65 step %parallel_loop3A_66  : i32 {
      %parallel_loop3A_637 = arith.constant 16 : i32
      %parallel_loop3A_638 = arith.muli %parallel_loop3A_636, %parallel_loop3A_637 : i32
      %parallel_loop3A_639 = arith.constant 19 : i32
      %parallel_loop3A_640 = arith.index_cast %parallel_loop3A_639 : i32 to index
      %parallel_loop3A_641 = arith.index_cast %parallel_loop3A_638 : i32 to index
      %parallel_loop3A_642 = tpu.vector_load %arg10[%parallel_loop3A_640, %parallel_loop3A_641] {strides = array<i32>} : memref<20x128xi32, #tpu.memory_space<vmem>>, vector<16xi32>,
      %parallel_loop3A_643 = arith.constant 1 : i32
      %parallel_loop3A_644 = vector.broadcast %parallel_loop3A_643 : i32 to vector<16xi32>
      %parallel_loop3A_645 = arith.shrsi %parallel_loop3A_642, %parallel_loop3A_644 : vector<16xi32>
      %parallel_loop3A_646 = arith.constant 16 : i32
      %parallel_loop3A_647 = arith.muli %parallel_loop3A_636, %parallel_loop3A_646 : i32
      %parallel_loop3A_648 = arith.constant 19 : i32
      %parallel_loop3A_649 = arith.index_cast %parallel_loop3A_648 : i32 to index
      %parallel_loop3A_650 = arith.index_cast %parallel_loop3A_647 : i32 to index
      %parallel_loop3A_651 = tpu.vector_load %arg11[%parallel_loop3A_649, %parallel_loop3A_650] {strides = array<i32>} : memref<20x128xi32, #tpu.memory_space<vmem>>, vector<16xi32>,
      tpu.vector_store %arg11[%parallel_loop3A_649, %parallel_loop3A_650], %parallel_loop3A_645 {strides = array<i32>} : memref<20x128xi32, #tpu.memory_space<vmem>>, vector<16xi32>,
      %parallel_loop3A_652 = arith.constant 1 : i32
      %parallel_loop3A_653 = vector.broadcast %parallel_loop3A_652 : i32 to vector<16xi32>
      %parallel_loop3A_654 = arith.andi %parallel_loop3A_642, %parallel_loop3A_653 : vector<16xi32>
      %parallel_loop3A_655 = arith.constant 6 : i32
      %parallel_loop3A_656 = vector.broadcast %parallel_loop3A_655 : i32 to vector<16xi32>
      %parallel_loop3A_657 = arith.shli %parallel_loop3A_654, %parallel_loop3A_656 : vector<16xi32>
      %parallel_loop3A_658 = arith.constant 16 : i32
      %parallel_loop3A_659 = arith.muli %parallel_loop3A_636, %parallel_loop3A_658 : i32
      %parallel_loop3A_660 = arith.constant 19 : i32
      %parallel_loop3A_661 = arith.index_cast %parallel_loop3A_660 : i32 to index
      %parallel_loop3A_662 = arith.index_cast %parallel_loop3A_659 : i32 to index
      %parallel_loop3A_663 = tpu.vector_load %arg12[%parallel_loop3A_661, %parallel_loop3A_662] {strides = array<i32>} : memref<20x128xi32, #tpu.memory_space<vmem>>, vector<16xi32>,
      tpu.vector_store %arg12[%parallel_loop3A_661, %parallel_loop3A_662], %parallel_loop3A_657 {strides = array<i32>} : memref<20x128xi32, #tpu.memory_space<vmem>>, vector<16xi32>,
    } {sc.loop_unroll_factor = 1 : i64, sc.parallel_access}
    %dma_start3A_67 = arith.constant 0 : i32
    %dma_start3A_68 = arith.constant 0 : i32
    %dma_start3A_69 = arith.constant 0 : i32
    %dma_start3A_70 = arith.constant 0 : i32
    %dma_start3A_71 = tpu.memref_slice %arg14[%dma_start3A_68, %dma_start3A_69, %dma_start3A_70] : memref<4x128x128xf32, #tpu.memory_space<vmem>> -> memref<1x128x128xf32, #tpu.memory_space<vmem>>
    %dma_start3A_72 = tpu.memref_squeeze %dma_start3A_71 : memref<1x128x128xf32, #tpu.memory_space<vmem>> -> memref<128x128xf32, #tpu.memory_space<vmem>>
    %dma_start3A_73 = arith.constant 0 : i32
    %dma_start3A_74 = tpu.memref_slice %arg11[%dma_start3A_67, %dma_start3A_73] : memref<20x128xi32, #tpu.memory_space<vmem>> -> memref<1x128xi32, #tpu.memory_space<vmem>>
    %dma_start3A_75 = tpu.memref_squeeze %dma_start3A_74 : memref<1x128xi32, #tpu.memory_space<vmem>> -> memref<128xi32, #tpu.memory_space<vmem>>
    %dma_start3A_76 = arith.constant 0 : i32
    %dma_start3A_77 = arith.constant 0 : i32
    %dma_start3A_78 = tpu.memref_slice %arg5[%dma_start3A_76, %dma_start3A_77] : memref<50000x128xf32, #tpu.memory_space<hbm>> -> memref<50000x128xf32, #tpu.memory_space<hbm>>
    tpu.enqueue_indirect_dma source(%dma_start3A_78 : memref<50000x128xf32, #tpu.memory_space<hbm>>) target(%dma_start3A_72 : memref<128x128xf32, #tpu.memory_space<vmem>>) offsets(%dma_start3A_75 : memref<128xi32, #tpu.memory_space<vmem>>) semaphore(%arg18 : memref<!tpu.dma_semaphore, #tpu.memory_space<semaphore_mem>>)
    %dma_start3A_79 = arith.constant 1 : i32
    %dma_start3A_80 = arith.constant 1 : i32
    %dma_start3A_81 = arith.constant 0 : i32
    %dma_start3A_82 = arith.constant 0 : i32
    %dma_start3A_83 = tpu.memref_slice %arg14[%dma_start3A_80, %dma_start3A_81, %dma_start3A_82] : memref<4x128x128xf32, #tpu.memory_space<vmem>> -> memref<1x128x128xf32, #tpu.memory_space<vmem>>
    %dma_start3A_84 = tpu.memref_squeeze %dma_start3A_83 : memref<1x128x128xf32, #tpu.memory_space<vmem>> -> memref<128x128xf32, #tpu.memory_space<vmem>>
    %dma_start3A_85 = arith.constant 0 : i32
    %dma_start3A_86 = tpu.memref_slice %arg11[%dma_start3A_79, %dma_start3A_85] : memref<20x128xi32, #tpu.memory_space<vmem>> -> memref<1x128xi32, #tpu.memory_space<vmem>>
    %dma_start3A_87 = tpu.memref_squeeze %dma_start3A_86 : memref<1x128xi32, #tpu.memory_space<vmem>> -> memref<128xi32, #tpu.memory_space<vmem>>
    %dma_start3A_88 = arith.constant 0 : i32
    %dma_start3A_89 = arith.constant 0 : i32
    %dma_start3A_90 = tpu.memref_slice %arg5[%dma_start3A_88, %dma_start3A_89] : memref<50000x128xf32, #tpu.memory_space<hbm>> -> memref<50000x128xf32, #tpu.memory_space<hbm>>
    tpu.enqueue_indirect_dma source(%dma_start3A_90 : memref<50000x128xf32, #tpu.memory_space<hbm>>) target(%dma_start3A_84 : memref<128x128xf32, #tpu.memory_space<vmem>>) offsets(%dma_start3A_87 : memref<128xi32, #tpu.memory_space<vmem>>) semaphore(%arg19 : memref<!tpu.dma_semaphore, #tpu.memory_space<semaphore_mem>>)
    %dma_start3A_91 = arith.constant 2 : i32
    %dma_start3A_92 = arith.constant 2 : i32
    %dma_start3A_93 = arith.constant 0 : i32
    %dma_start3A_94 = arith.constant 0 : i32
    %dma_start3A_95 = tpu.memref_slice %arg14[%dma_start3A_92, %dma_start3A_93, %dma_start3A_94] : memref<4x128x128xf32, #tpu.memory_space<vmem>> -> memref<1x128x128xf32, #tpu.memory_space<vmem>>
    %dma_start3A_96 = tpu.memref_squeeze %dma_start3A_95 : memref<1x128x128xf32, #tpu.memory_space<vmem>> -> memref<128x128xf32, #tpu.memory_space<vmem>>
    %dma_start3A_97 = arith.constant 0 : i32
    %dma_start3A_98 = tpu.memref_slice %arg11[%dma_start3A_91, %dma_start3A_97] : memref<20x128xi32, #tpu.memory_space<vmem>> -> memref<1x128xi32, #tpu.memory_space<vmem>>
    %dma_start3A_99 = tpu.memref_squeeze %dma_start3A_98 : memref<1x128xi32, #tpu.memory_space<vmem>> -> memref<128xi32, #tpu.memory_space<vmem>>
    %dma_start3A_100 = arith.constant 0 : i32
    %dma_start3A_101 = arith.constant 0 : i32
    %dma_start3A_102 = tpu.memref_slice %arg5[%dma_start3A_100, %dma_start3A_101] : memref<50000x128xf32, #tpu.memory_space<hbm>> -> memref<50000x128xf32, #tpu.memory_space<hbm>>
    tpu.enqueue_indirect_dma source(%dma_start3A_102 : memref<50000x128xf32, #tpu.memory_space<hbm>>) target(%dma_start3A_96 : memref<128x128xf32, #tpu.memory_space<vmem>>) offsets(%dma_start3A_99 : memref<128xi32, #tpu.memory_space<vmem>>) semaphore(%arg20 : memref<!tpu.dma_semaphore, #tpu.memory_space<semaphore_mem>>)
    %dma_start3A_103 = arith.constant 3 : i32
    %dma_start3A_104 = arith.constant 3 : i32
    %dma_start3A_105 = arith.constant 0 : i32
    %dma_start3A_106 = arith.constant 0 : i32
    %dma_start3A_107 = tpu.memref_slice %arg14[%dma_start3A_104, %dma_start3A_105, %dma_start3A_106] : memref<4x128x128xf32, #tpu.memory_space<vmem>> -> memref<1x128x128xf32, #tpu.memory_space<vmem>>
    %dma_start3A_108 = tpu.memref_squeeze %dma_start3A_107 : memref<1x128x128xf32, #tpu.memory_space<vmem>> -> memref<128x128xf32, #tpu.memory_space<vmem>>
    %dma_start3A_109 = arith.constant 0 : i32
    %dma_start3A_110 = tpu.memref_slice %arg11[%dma_start3A_103, %dma_start3A_109] : memref<20x128xi32, #tpu.memory_space<vmem>> -> memref<1x128xi32, #tpu.memory_space<vmem>>
    %dma_start3A_111 = tpu.memref_squeeze %dma_start3A_110 : memref<1x128xi32, #tpu.memory_space<vmem>> -> memref<128xi32, #tpu.memory_space<vmem>>
    %dma_start3A_112 = arith.constant 0 : i32
    %dma_start3A_113 = arith.constant 0 : i32
    %dma_start3A_114 = tpu.memref_slice %arg5[%dma_start3A_112, %dma_start3A_113] : memref<50000x128xf32, #tpu.memory_space<hbm>> -> memref<50000x128xf32, #tpu.memory_space<hbm>>
    tpu.enqueue_indirect_dma source(%dma_start3A_114 : memref<50000x128xf32, #tpu.memory_space<hbm>>) target(%dma_start3A_108 : memref<128x128xf32, #tpu.memory_space<vmem>>) offsets(%dma_start3A_111 : memref<128xi32, #tpu.memory_space<vmem>>) semaphore(%arg21 : memref<!tpu.dma_semaphore, #tpu.memory_space<semaphore_mem>>)
    %broadcast_in_dim3A = arith.constant 0.000000e+00 : f32
    %broadcast_in_dim3A_115 = vector.broadcast %broadcast_in_dim3A : f32 to vector<16xf32>
    %parallel_loop3A_116 = arith.constant 0 : i32
    %parallel_loop3A_117 = arith.constant 64 : i32
    %parallel_loop3A_118 = arith.constant 1 : i32
    scf.for %parallel_loop3A_636 = %parallel_loop3A_116 to %parallel_loop3A_117 step %parallel_loop3A_118  : i32 {
      %parallel_loop3A_637 = arith.index_cast %parallel_loop3A_636 : i32 to index
      %parallel_loop3A_638 = arith.constant 0 : index
      %parallel_loop3A_639 = tpu.vector_load %arg16[%parallel_loop3A_637, %parallel_loop3A_638] {strides = array<i32>} : memref<64x128xf32, #tpu.memory_space<vmem>>, vector<16xf32>,
      tpu.vector_store %arg16[%parallel_loop3A_637, %parallel_loop3A_638], %broadcast_in_dim3A_115 {strides = array<i32>} : memref<64x128xf32, #tpu.memory_space<vmem>>, vector<16xf32>,
      %parallel_loop3A_640 = arith.index_cast %parallel_loop3A_636 : i32 to index
      %parallel_loop3A_641 = arith.constant 16 : index
      %parallel_loop3A_642 = tpu.vector_load %arg16[%parallel_loop3A_640, %parallel_loop3A_641] {strides = array<i32>} : memref<64x128xf32, #tpu.memory_space<vmem>>, vector<16xf32>,
      tpu.vector_store %arg16[%parallel_loop3A_640, %parallel_loop3A_641], %broadcast_in_dim3A_115 {strides = array<i32>} : memref<64x128xf32, #tpu.memory_space<vmem>>, vector<16xf32>,
      %parallel_loop3A_643 = arith.index_cast %parallel_loop3A_636 : i32 to index
      %parallel_loop3A_644 = arith.constant 32 : index
      %parallel_loop3A_645 = tpu.vector_load %arg16[%parallel_loop3A_643, %parallel_loop3A_644] {strides = array<i32>} : memref<64x128xf32, #tpu.memory_space<vmem>>, vector<16xf32>,
      tpu.vector_store %arg16[%parallel_loop3A_643, %parallel_loop3A_644], %broadcast_in_dim3A_115 {strides = array<i32>} : memref<64x128xf32, #tpu.memory_space<vmem>>, vector<16xf32>,
      %parallel_loop3A_646 = arith.index_cast %parallel_loop3A_636 : i32 to index
      %parallel_loop3A_647 = arith.constant 48 : index
      %parallel_loop3A_648 = tpu.vector_load %arg16[%parallel_loop3A_646, %parallel_loop3A_647] {strides = array<i32>} : memref<64x128xf32, #tpu.memory_space<vmem>>, vector<16xf32>,
      tpu.vector_store %arg16[%parallel_loop3A_646, %parallel_loop3A_647], %broadcast_in_dim3A_115 {strides = array<i32>} : memref<64x128xf32, #tpu.memory_space<vmem>>, vector<16xf32>,
      %parallel_loop3A_649 = arith.index_cast %parallel_loop3A_636 : i32 to index
      %parallel_loop3A_650 = arith.constant 64 : index
      %parallel_loop3A_651 = tpu.vector_load %arg16[%parallel_loop3A_649, %parallel_loop3A_650] {strides = array<i32>} : memref<64x128xf32, #tpu.memory_space<vmem>>, vector<16xf32>,
      tpu.vector_store %arg16[%parallel_loop3A_649, %parallel_loop3A_650], %broadcast_in_dim3A_115 {strides = array<i32>} : memref<64x128xf32, #tpu.memory_space<vmem>>, vector<16xf32>,
      %parallel_loop3A_652 = arith.index_cast %parallel_loop3A_636 : i32 to index
      %parallel_loop3A_653 = arith.constant 80 : index
      %parallel_loop3A_654 = tpu.vector_load %arg16[%parallel_loop3A_652, %parallel_loop3A_653] {strides = array<i32>} : memref<64x128xf32, #tpu.memory_space<vmem>>, vector<16xf32>,
      tpu.vector_store %arg16[%parallel_loop3A_652, %parallel_loop3A_653], %broadcast_in_dim3A_115 {strides = array<i32>} : memref<64x128xf32, #tpu.memory_space<vmem>>, vector<16xf32>,
      %parallel_loop3A_655 = arith.index_cast %parallel_loop3A_636 : i32 to index
      %parallel_loop3A_656 = arith.constant 96 : index
      %parallel_loop3A_657 = tpu.vector_load %arg16[%parallel_loop3A_655, %parallel_loop3A_656] {strides = array<i32>} : memref<64x128xf32, #tpu.memory_space<vmem>>, vector<16xf32>,
      tpu.vector_store %arg16[%parallel_loop3A_655, %parallel_loop3A_656], %broadcast_in_dim3A_115 {strides = array<i32>} : memref<64x128xf32, #tpu.memory_space<vmem>>, vector<16xf32>,
      %parallel_loop3A_658 = arith.index_cast %parallel_loop3A_636 : i32 to index
      %parallel_loop3A_659 = arith.constant 112 : index
      %parallel_loop3A_660 = tpu.vector_load %arg16[%parallel_loop3A_658, %parallel_loop3A_659] {strides = array<i32>} : memref<64x128xf32, #tpu.memory_space<vmem>>, vector<16xf32>,
      tpu.vector_store %arg16[%parallel_loop3A_658, %parallel_loop3A_659], %broadcast_in_dim3A_115 {strides = array<i32>} : memref<64x128xf32, #tpu.memory_space<vmem>>, vector<16xf32>,
    } {sc.loop_unroll_factor = 1 : i64, sc.parallel_access}
    %iota3A = tpu.iota {dimensions = array<i32: 0>} : vector<16xi32>
    %dma_wait3A = arith.constant 0 : i32
    %dma_wait3A_119 = arith.constant 0 : i32
    %dma_wait3A_120 = arith.constant 0 : i32
    %dma_wait3A_121 = arith.constant 0 : i32
    %dma_wait3A_122 = tpu.memref_slice %arg14[%dma_wait3A_119, %dma_wait3A_120, %dma_wait3A_121] : memref<4x128x128xf32, #tpu.memory_space<vmem>> -> memref<1x128x128xf32, #tpu.memory_space<vmem>>
    %dma_wait3A_123 = tpu.memref_squeeze %dma_wait3A_122 : memref<1x128x128xf32, #tpu.memory_space<vmem>> -> memref<128x128xf32, #tpu.memory_space<vmem>>
    %dma_wait3A_124 = arith.constant 0 : i32
    %dma_wait3A_125 = tpu.memref_slice %arg11[%dma_wait3A, %dma_wait3A_124] : memref<20x128xi32, #tpu.memory_space<vmem>> -> memref<1x128xi32, #tpu.memory_space<vmem>>
    %dma_wait3A_126 = tpu.memref_squeeze %dma_wait3A_125 : memref<1x128xi32, #tpu.memory_space<vmem>> -> memref<128xi32, #tpu.memory_space<vmem>>
    %dma_wait3A_127 = arith.constant 0 : i32
    %dma_wait3A_128 = arith.constant 0 : i32
    %dma_wait3A_129 = tpu.memref_slice %arg5[%dma_wait3A_127, %dma_wait3A_128] : memref<50000x128xf32, #tpu.memory_space<hbm>> -> memref<50000x128xf32, #tpu.memory_space<hbm>>
    tpu.wait_indirect_dma semaphore(%arg18 : memref<!tpu.dma_semaphore, #tpu.memory_space<semaphore_mem>>) src(%dma_wait3A_129 : memref<50000x128xf32, #tpu.memory_space<hbm>>) dst(%dma_wait3A_123 : memref<128x128xf32, #tpu.memory_space<vmem>>)
    %parallel_loop3A_130 = arith.constant 0 : i32
    %parallel_loop3A_131 = arith.constant 8 : i32
    %parallel_loop3A_132 = arith.constant 1 : i32
    %parallel_loop3A_133 = arith.constant 0 : i32
    scf.for %parallel_loop3A_636 = %parallel_loop3A_130 to %parallel_loop3A_131 step %parallel_loop3A_132  : i32 {
      %parallel_loop3A_637 = arith.constant 16 : i32
      %parallel_loop3A_638 = arith.muli %parallel_loop3A_636, %parallel_loop3A_637 : i32
      %parallel_loop3A_639 = vector.broadcast %parallel_loop3A_638 : i32 to vector<16xi32>
      %parallel_loop3A_640 = arith.addi %iota3A, %parallel_loop3A_639 : vector<16xi32>
      %parallel_loop3A_641 = arith.constant 16 : i32
      %parallel_loop3A_642 = arith.muli %parallel_loop3A_636, %parallel_loop3A_641 : i32
      %parallel_loop3A_643 = arith.constant 0 : i32
      %parallel_loop3A_644 = arith.index_cast %parallel_loop3A_643 : i32 to index
      %parallel_loop3A_645 = arith.index_cast %parallel_loop3A_642 : i32 to index
      %parallel_loop3A_646 = tpu.vector_load %arg12[%parallel_loop3A_644, %parallel_loop3A_645] {strides = array<i32>} : memref<20x128xi32, #tpu.memory_space<vmem>>, vector<16xi32>,
      %parallel_loop3A_647 = arith.constant 0 : i32
      %parallel_loop3A_648 = arith.constant 64 : i32
      %parallel_loop3A_649 = arith.constant 1 : i32
      scf.for %parallel_loop3A_650 = %parallel_loop3A_647 to %parallel_loop3A_648 step %parallel_loop3A_649  : i32 {
        %parallel_loop3A_651 = vector.broadcast %parallel_loop3A_650 : i32 to vector<16xi32>
        %parallel_loop3A_652 = arith.addi %parallel_loop3A_646, %parallel_loop3A_651 : vector<16xi32>
        %parallel_loop3A_653 = arith.constant 0 : i32
        %parallel_loop3A_654 = arith.constant 0 : i32
        %parallel_loop3A_655 = tpu.memref_slice %arg14[%parallel_loop3A_133, %parallel_loop3A_653, %parallel_loop3A_654] : memref<4x128x128xf32, #tpu.memory_space<vmem>> -> memref<1x128x128xf32, #tpu.memory_space<vmem>>
        %parallel_loop3A_656 = tpu.memref_squeeze %parallel_loop3A_655 : memref<1x128x128xf32, #tpu.memory_space<vmem>> -> memref<128x128xf32, #tpu.memory_space<vmem>>
        %parallel_loop3A_657 = tpu.vector_load_idx %parallel_loop3A_656[%parallel_loop3A_640, %parallel_loop3A_652] : memref<128x128xf32, #tpu.memory_space<vmem>>[vector<16xi32>, vector<16xi32>], vector<16xf32>,
        %parallel_loop3A_658 = arith.constant 16 : i32
        %parallel_loop3A_659 = arith.muli %parallel_loop3A_636, %parallel_loop3A_658 : i32
        %parallel_loop3A_660 = arith.index_cast %parallel_loop3A_650 : i32 to index
        %parallel_loop3A_661 = arith.index_cast %parallel_loop3A_659 : i32 to index
        %parallel_loop3A_662 = tpu.vector_load %arg16[%parallel_loop3A_660, %parallel_loop3A_661] {strides = array<i32>} : memref<64x128xf32, #tpu.memory_space<vmem>>, vector<16xf32>,
        tpu.vector_store %arg16[%parallel_loop3A_660, %parallel_loop3A_661], %parallel_loop3A_657 {add = true, strides = array<i32>} : memref<64x128xf32, #tpu.memory_space<vmem>>, vector<16xf32>,
      } {sc.loop_unroll_factor = 8 : i64, sc.parallel_access}
    } {sc.loop_unroll_factor = 1 : i64, sc.parallel_access}
    %dma_start3A_134 = arith.constant 4 : i32
    %dma_start3A_135 = arith.constant 0 : i32
    %dma_start3A_136 = arith.constant 0 : i32
    %dma_start3A_137 = arith.constant 0 : i32
    %dma_start3A_138 = tpu.memref_slice %arg14[%dma_start3A_135, %dma_start3A_136, %dma_start3A_137] : memref<4x128x128xf32, #tpu.memory_space<vmem>> -> memref<1x128x128xf32, #tpu.memory_space<vmem>>
    %dma_start3A_139 = tpu.memref_squeeze %dma_start3A_138 : memref<1x128x128xf32, #tpu.memory_space<vmem>> -> memref<128x128xf32, #tpu.memory_space<vmem>>
    %dma_start3A_140 = arith.constant 0 : i32
    %dma_start3A_141 = tpu.memref_slice %arg11[%dma_start3A_134, %dma_start3A_140] : memref<20x128xi32, #tpu.memory_space<vmem>> -> memref<1x128xi32, #tpu.memory_space<vmem>>
    %dma_start3A_142 = tpu.memref_squeeze %dma_start3A_141 : memref<1x128xi32, #tpu.memory_space<vmem>> -> memref<128xi32, #tpu.memory_space<vmem>>
    %dma_start3A_143 = arith.constant 0 : i32
    %dma_start3A_144 = arith.constant 0 : i32
    %dma_start3A_145 = tpu.memref_slice %arg5[%dma_start3A_143, %dma_start3A_144] : memref<50000x128xf32, #tpu.memory_space<hbm>> -> memref<50000x128xf32, #tpu.memory_space<hbm>>
    tpu.enqueue_indirect_dma source(%dma_start3A_145 : memref<50000x128xf32, #tpu.memory_space<hbm>>) target(%dma_start3A_139 : memref<128x128xf32, #tpu.memory_space<vmem>>) offsets(%dma_start3A_142 : memref<128xi32, #tpu.memory_space<vmem>>) semaphore(%arg18 : memref<!tpu.dma_semaphore, #tpu.memory_space<semaphore_mem>>)
    %dma_wait3A_146 = arith.constant 1 : i32
    %dma_wait3A_147 = arith.constant 1 : i32
    %dma_wait3A_148 = arith.constant 0 : i32
    %dma_wait3A_149 = arith.constant 0 : i32
    %dma_wait3A_150 = tpu.memref_slice %arg14[%dma_wait3A_147, %dma_wait3A_148, %dma_wait3A_149] : memref<4x128x128xf32, #tpu.memory_space<vmem>> -> memref<1x128x128xf32, #tpu.memory_space<vmem>>
    %dma_wait3A_151 = tpu.memref_squeeze %dma_wait3A_150 : memref<1x128x128xf32, #tpu.memory_space<vmem>> -> memref<128x128xf32, #tpu.memory_space<vmem>>
    %dma_wait3A_152 = arith.constant 0 : i32
    %dma_wait3A_153 = tpu.memref_slice %arg11[%dma_wait3A_146, %dma_wait3A_152] : memref<20x128xi32, #tpu.memory_space<vmem>> -> memref<1x128xi32, #tpu.memory_space<vmem>>
    %dma_wait3A_154 = tpu.memref_squeeze %dma_wait3A_153 : memref<1x128xi32, #tpu.memory_space<vmem>> -> memref<128xi32, #tpu.memory_space<vmem>>
    %dma_wait3A_155 = arith.constant 0 : i32
    %dma_wait3A_156 = arith.constant 0 : i32
    %dma_wait3A_157 = tpu.memref_slice %arg5[%dma_wait3A_155, %dma_wait3A_156] : memref<50000x128xf32, #tpu.memory_space<hbm>> -> memref<50000x128xf32, #tpu.memory_space<hbm>>
    tpu.wait_indirect_dma semaphore(%arg19 : memref<!tpu.dma_semaphore, #tpu.memory_space<semaphore_mem>>) src(%dma_wait3A_157 : memref<50000x128xf32, #tpu.memory_space<hbm>>) dst(%dma_wait3A_151 : memref<128x128xf32, #tpu.memory_space<vmem>>)
    %parallel_loop3A_158 = arith.constant 0 : i32
    %parallel_loop3A_159 = arith.constant 8 : i32
    %parallel_loop3A_160 = arith.constant 1 : i32
    %parallel_loop3A_161 = arith.constant 1 : i32
    scf.for %parallel_loop3A_636 = %parallel_loop3A_158 to %parallel_loop3A_159 step %parallel_loop3A_160  : i32 {
      %parallel_loop3A_637 = arith.constant 16 : i32
      %parallel_loop3A_638 = arith.muli %parallel_loop3A_636, %parallel_loop3A_637 : i32
      %parallel_loop3A_639 = vector.broadcast %parallel_loop3A_638 : i32 to vector<16xi32>
      %parallel_loop3A_640 = arith.addi %iota3A, %parallel_loop3A_639 : vector<16xi32>
      %parallel_loop3A_641 = arith.constant 16 : i32
      %parallel_loop3A_642 = arith.muli %parallel_loop3A_636, %parallel_loop3A_641 : i32
      %parallel_loop3A_643 = arith.constant 1 : i32
      %parallel_loop3A_644 = arith.index_cast %parallel_loop3A_643 : i32 to index
      %parallel_loop3A_645 = arith.index_cast %parallel_loop3A_642 : i32 to index
      %parallel_loop3A_646 = tpu.vector_load %arg12[%parallel_loop3A_644, %parallel_loop3A_645] {strides = array<i32>} : memref<20x128xi32, #tpu.memory_space<vmem>>, vector<16xi32>,
      %parallel_loop3A_647 = arith.constant 0 : i32
      %parallel_loop3A_648 = arith.constant 64 : i32
      %parallel_loop3A_649 = arith.constant 1 : i32
      scf.for %parallel_loop3A_650 = %parallel_loop3A_647 to %parallel_loop3A_648 step %parallel_loop3A_649  : i32 {
        %parallel_loop3A_651 = vector.broadcast %parallel_loop3A_650 : i32 to vector<16xi32>
        %parallel_loop3A_652 = arith.addi %parallel_loop3A_646, %parallel_loop3A_651 : vector<16xi32>
        %parallel_loop3A_653 = arith.constant 0 : i32
        %parallel_loop3A_654 = arith.constant 0 : i32
        %parallel_loop3A_655 = tpu.memref_slice %arg14[%parallel_loop3A_161, %parallel_loop3A_653, %parallel_loop3A_654] : memref<4x128x128xf32, #tpu.memory_space<vmem>> -> memref<1x128x128xf32, #tpu.memory_space<vmem>>
        %parallel_loop3A_656 = tpu.memref_squeeze %parallel_loop3A_655 : memref<1x128x128xf32, #tpu.memory_space<vmem>> -> memref<128x128xf32, #tpu.memory_space<vmem>>
        %parallel_loop3A_657 = tpu.vector_load_idx %parallel_loop3A_656[%parallel_loop3A_640, %parallel_loop3A_652] : memref<128x128xf32, #tpu.memory_space<vmem>>[vector<16xi32>, vector<16xi32>], vector<16xf32>,
        %parallel_loop3A_658 = arith.constant 16 : i32
        %parallel_loop3A_659 = arith.muli %parallel_loop3A_636, %parallel_loop3A_658 : i32
        %parallel_loop3A_660 = arith.index_cast %parallel_loop3A_650 : i32 to index
        %parallel_loop3A_661 = arith.index_cast %parallel_loop3A_659 : i32 to index
        %parallel_loop3A_662 = tpu.vector_load %arg16[%parallel_loop3A_660, %parallel_loop3A_661] {strides = array<i32>} : memref<64x128xf32, #tpu.memory_space<vmem>>, vector<16xf32>,
        tpu.vector_store %arg16[%parallel_loop3A_660, %parallel_loop3A_661], %parallel_loop3A_657 {add = true, strides = array<i32>} : memref<64x128xf32, #tpu.memory_space<vmem>>, vector<16xf32>,
      } {sc.loop_unroll_factor = 8 : i64, sc.parallel_access}
    } {sc.loop_unroll_factor = 1 : i64, sc.parallel_access}
    %dma_start3A_162 = arith.constant 5 : i32
    %dma_start3A_163 = arith.constant 1 : i32
    %dma_start3A_164 = arith.constant 0 : i32
    %dma_start3A_165 = arith.constant 0 : i32
    %dma_start3A_166 = tpu.memref_slice %arg14[%dma_start3A_163, %dma_start3A_164, %dma_start3A_165] : memref<4x128x128xf32, #tpu.memory_space<vmem>> -> memref<1x128x128xf32, #tpu.memory_space<vmem>>
    %dma_start3A_167 = tpu.memref_squeeze %dma_start3A_166 : memref<1x128x128xf32, #tpu.memory_space<vmem>> -> memref<128x128xf32, #tpu.memory_space<vmem>>
    %dma_start3A_168 = arith.constant 0 : i32
    %dma_start3A_169 = tpu.memref_slice %arg11[%dma_start3A_162, %dma_start3A_168] : memref<20x128xi32, #tpu.memory_space<vmem>> -> memref<1x128xi32, #tpu.memory_space<vmem>>
    %dma_start3A_170 = tpu.memref_squeeze %dma_start3A_169 : memref<1x128xi32, #tpu.memory_space<vmem>> -> memref<128xi32, #tpu.memory_space<vmem>>
    %dma_start3A_171 = arith.constant 0 : i32
    %dma_start3A_172 = arith.constant 0 : i32
    %dma_start3A_173 = tpu.memref_slice %arg5[%dma_start3A_171, %dma_start3A_172] : memref<50000x128xf32, #tpu.memory_space<hbm>> -> memref<50000x128xf32, #tpu.memory_space<hbm>>
    tpu.enqueue_indirect_dma source(%dma_start3A_173 : memref<50000x128xf32, #tpu.memory_space<hbm>>) target(%dma_start3A_167 : memref<128x128xf32, #tpu.memory_space<vmem>>) offsets(%dma_start3A_170 : memref<128xi32, #tpu.memory_space<vmem>>) semaphore(%arg19 : memref<!tpu.dma_semaphore, #tpu.memory_space<semaphore_mem>>)
    %dma_wait3A_174 = arith.constant 2 : i32
    %dma_wait3A_175 = arith.constant 2 : i32
    %dma_wait3A_176 = arith.constant 0 : i32
    %dma_wait3A_177 = arith.constant 0 : i32
    %dma_wait3A_178 = tpu.memref_slice %arg14[%dma_wait3A_175, %dma_wait3A_176, %dma_wait3A_177] : memref<4x128x128xf32, #tpu.memory_space<vmem>> -> memref<1x128x128xf32, #tpu.memory_space<vmem>>
    %dma_wait3A_179 = tpu.memref_squeeze %dma_wait3A_178 : memref<1x128x128xf32, #tpu.memory_space<vmem>> -> memref<128x128xf32, #tpu.memory_space<vmem>>
    %dma_wait3A_180 = arith.constant 0 : i32
    %dma_wait3A_181 = tpu.memref_slice %arg11[%dma_wait3A_174, %dma_wait3A_180] : memref<20x128xi32, #tpu.memory_space<vmem>> -> memref<1x128xi32, #tpu.memory_space<vmem>>
    %dma_wait3A_182 = tpu.memref_squeeze %dma_wait3A_181 : memref<1x128xi32, #tpu.memory_space<vmem>> -> memref<128xi32, #tpu.memory_space<vmem>>
    %dma_wait3A_183 = arith.constant 0 : i32
    %dma_wait3A_184 = arith.constant 0 : i32
    %dma_wait3A_185 = tpu.memref_slice %arg5[%dma_wait3A_183, %dma_wait3A_184] : memref<50000x128xf32, #tpu.memory_space<hbm>> -> memref<50000x128xf32, #tpu.memory_space<hbm>>
    tpu.wait_indirect_dma semaphore(%arg20 : memref<!tpu.dma_semaphore, #tpu.memory_space<semaphore_mem>>) src(%dma_wait3A_185 : memref<50000x128xf32, #tpu.memory_space<hbm>>) dst(%dma_wait3A_179 : memref<128x128xf32, #tpu.memory_space<vmem>>)
    %parallel_loop3A_186 = arith.constant 0 : i32
    %parallel_loop3A_187 = arith.constant 8 : i32
    %parallel_loop3A_188 = arith.constant 1 : i32
    %parallel_loop3A_189 = arith.constant 2 : i32
    scf.for %parallel_loop3A_636 = %parallel_loop3A_186 to %parallel_loop3A_187 step %parallel_loop3A_188  : i32 {
      %parallel_loop3A_637 = arith.constant 16 : i32
      %parallel_loop3A_638 = arith.muli %parallel_loop3A_636, %parallel_loop3A_637 : i32
      %parallel_loop3A_639 = vector.broadcast %parallel_loop3A_638 : i32 to vector<16xi32>
      %parallel_loop3A_640 = arith.addi %iota3A, %parallel_loop3A_639 : vector<16xi32>
      %parallel_loop3A_641 = arith.constant 16 : i32
      %parallel_loop3A_642 = arith.muli %parallel_loop3A_636, %parallel_loop3A_641 : i32
      %parallel_loop3A_643 = arith.constant 2 : i32
      %parallel_loop3A_644 = arith.index_cast %parallel_loop3A_643 : i32 to index
      %parallel_loop3A_645 = arith.index_cast %parallel_loop3A_642 : i32 to index
      %parallel_loop3A_646 = tpu.vector_load %arg12[%parallel_loop3A_644, %parallel_loop3A_645] {strides = array<i32>} : memref<20x128xi32, #tpu.memory_space<vmem>>, vector<16xi32>,
      %parallel_loop3A_647 = arith.constant 0 : i32
      %parallel_loop3A_648 = arith.constant 64 : i32
      %parallel_loop3A_649 = arith.constant 1 : i32
      scf.for %parallel_loop3A_650 = %parallel_loop3A_647 to %parallel_loop3A_648 step %parallel_loop3A_649  : i32 {
        %parallel_loop3A_651 = vector.broadcast %parallel_loop3A_650 : i32 to vector<16xi32>
        %parallel_loop3A_652 = arith.addi %parallel_loop3A_646, %parallel_loop3A_651 : vector<16xi32>
        %parallel_loop3A_653 = arith.constant 0 : i32
        %parallel_loop3A_654 = arith.constant 0 : i32
        %parallel_loop3A_655 = tpu.memref_slice %arg14[%parallel_loop3A_189, %parallel_loop3A_653, %parallel_loop3A_654] : memref<4x128x128xf32, #tpu.memory_space<vmem>> -> memref<1x128x128xf32, #tpu.memory_space<vmem>>
        %parallel_loop3A_656 = tpu.memref_squeeze %parallel_loop3A_655 : memref<1x128x128xf32, #tpu.memory_space<vmem>> -> memref<128x128xf32, #tpu.memory_space<vmem>>
        %parallel_loop3A_657 = tpu.vector_load_idx %parallel_loop3A_656[%parallel_loop3A_640, %parallel_loop3A_652] : memref<128x128xf32, #tpu.memory_space<vmem>>[vector<16xi32>, vector<16xi32>], vector<16xf32>,
        %parallel_loop3A_658 = arith.constant 16 : i32
        %parallel_loop3A_659 = arith.muli %parallel_loop3A_636, %parallel_loop3A_658 : i32
        %parallel_loop3A_660 = arith.index_cast %parallel_loop3A_650 : i32 to index
        %parallel_loop3A_661 = arith.index_cast %parallel_loop3A_659 : i32 to index
        %parallel_loop3A_662 = tpu.vector_load %arg16[%parallel_loop3A_660, %parallel_loop3A_661] {strides = array<i32>} : memref<64x128xf32, #tpu.memory_space<vmem>>, vector<16xf32>,
        tpu.vector_store %arg16[%parallel_loop3A_660, %parallel_loop3A_661], %parallel_loop3A_657 {add = true, strides = array<i32>} : memref<64x128xf32, #tpu.memory_space<vmem>>, vector<16xf32>,
      } {sc.loop_unroll_factor = 8 : i64, sc.parallel_access}
    } {sc.loop_unroll_factor = 1 : i64, sc.parallel_access}
    %dma_start3A_190 = arith.constant 6 : i32
    %dma_start3A_191 = arith.constant 2 : i32
    %dma_start3A_192 = arith.constant 0 : i32
    %dma_start3A_193 = arith.constant 0 : i32
    %dma_start3A_194 = tpu.memref_slice %arg14[%dma_start3A_191, %dma_start3A_192, %dma_start3A_193] : memref<4x128x128xf32, #tpu.memory_space<vmem>> -> memref<1x128x128xf32, #tpu.memory_space<vmem>>
    %dma_start3A_195 = tpu.memref_squeeze %dma_start3A_194 : memref<1x128x128xf32, #tpu.memory_space<vmem>> -> memref<128x128xf32, #tpu.memory_space<vmem>>
    %dma_start3A_196 = arith.constant 0 : i32
    %dma_start3A_197 = tpu.memref_slice %arg11[%dma_start3A_190, %dma_start3A_196] : memref<20x128xi32, #tpu.memory_space<vmem>> -> memref<1x128xi32, #tpu.memory_space<vmem>>
    %dma_start3A_198 = tpu.memref_squeeze %dma_start3A_197 : memref<1x128xi32, #tpu.memory_space<vmem>> -> memref<128xi32, #tpu.memory_space<vmem>>
    %dma_start3A_199 = arith.constant 0 : i32
    %dma_start3A_200 = arith.constant 0 : i32
    %dma_start3A_201 = tpu.memref_slice %arg5[%dma_start3A_199, %dma_start3A_200] : memref<50000x128xf32, #tpu.memory_space<hbm>> -> memref<50000x128xf32, #tpu.memory_space<hbm>>
    tpu.enqueue_indirect_dma source(%dma_start3A_201 : memref<50000x128xf32, #tpu.memory_space<hbm>>) target(%dma_start3A_195 : memref<128x128xf32, #tpu.memory_space<vmem>>) offsets(%dma_start3A_198 : memref<128xi32, #tpu.memory_space<vmem>>) semaphore(%arg20 : memref<!tpu.dma_semaphore, #tpu.memory_space<semaphore_mem>>)
    %dma_wait3A_202 = arith.constant 3 : i32
    %dma_wait3A_203 = arith.constant 3 : i32
    %dma_wait3A_204 = arith.constant 0 : i32
    %dma_wait3A_205 = arith.constant 0 : i32
    %dma_wait3A_206 = tpu.memref_slice %arg14[%dma_wait3A_203, %dma_wait3A_204, %dma_wait3A_205] : memref<4x128x128xf32, #tpu.memory_space<vmem>> -> memref<1x128x128xf32, #tpu.memory_space<vmem>>
    %dma_wait3A_207 = tpu.memref_squeeze %dma_wait3A_206 : memref<1x128x128xf32, #tpu.memory_space<vmem>> -> memref<128x128xf32, #tpu.memory_space<vmem>>
    %dma_wait3A_208 = arith.constant 0 : i32
    %dma_wait3A_209 = tpu.memref_slice %arg11[%dma_wait3A_202, %dma_wait3A_208] : memref<20x128xi32, #tpu.memory_space<vmem>> -> memref<1x128xi32, #tpu.memory_space<vmem>>
    %dma_wait3A_210 = tpu.memref_squeeze %dma_wait3A_209 : memref<1x128xi32, #tpu.memory_space<vmem>> -> memref<128xi32, #tpu.memory_space<vmem>>
    %dma_wait3A_211 = arith.constant 0 : i32
    %dma_wait3A_212 = arith.constant 0 : i32
    %dma_wait3A_213 = tpu.memref_slice %arg5[%dma_wait3A_211, %dma_wait3A_212] : memref<50000x128xf32, #tpu.memory_space<hbm>> -> memref<50000x128xf32, #tpu.memory_space<hbm>>
    tpu.wait_indirect_dma semaphore(%arg21 : memref<!tpu.dma_semaphore, #tpu.memory_space<semaphore_mem>>) src(%dma_wait3A_213 : memref<50000x128xf32, #tpu.memory_space<hbm>>) dst(%dma_wait3A_207 : memref<128x128xf32, #tpu.memory_space<vmem>>)
    %parallel_loop3A_214 = arith.constant 0 : i32
    %parallel_loop3A_215 = arith.constant 8 : i32
    %parallel_loop3A_216 = arith.constant 1 : i32
    %parallel_loop3A_217 = arith.constant 3 : i32
    scf.for %parallel_loop3A_636 = %parallel_loop3A_214 to %parallel_loop3A_215 step %parallel_loop3A_216  : i32 {
      %parallel_loop3A_637 = arith.constant 16 : i32
      %parallel_loop3A_638 = arith.muli %parallel_loop3A_636, %parallel_loop3A_637 : i32
      %parallel_loop3A_639 = vector.broadcast %parallel_loop3A_638 : i32 to vector<16xi32>
      %parallel_loop3A_640 = arith.addi %iota3A, %parallel_loop3A_639 : vector<16xi32>
      %parallel_loop3A_641 = arith.constant 16 : i32
      %parallel_loop3A_642 = arith.muli %parallel_loop3A_636, %parallel_loop3A_641 : i32
      %parallel_loop3A_643 = arith.constant 3 : i32
      %parallel_loop3A_644 = arith.index_cast %parallel_loop3A_643 : i32 to index
      %parallel_loop3A_645 = arith.index_cast %parallel_loop3A_642 : i32 to index
      %parallel_loop3A_646 = tpu.vector_load %arg12[%parallel_loop3A_644, %parallel_loop3A_645] {strides = array<i32>} : memref<20x128xi32, #tpu.memory_space<vmem>>, vector<16xi32>,
      %parallel_loop3A_647 = arith.constant 0 : i32
      %parallel_loop3A_648 = arith.constant 64 : i32
      %parallel_loop3A_649 = arith.constant 1 : i32
      scf.for %parallel_loop3A_650 = %parallel_loop3A_647 to %parallel_loop3A_648 step %parallel_loop3A_649  : i32 {
        %parallel_loop3A_651 = vector.broadcast %parallel_loop3A_650 : i32 to vector<16xi32>
        %parallel_loop3A_652 = arith.addi %parallel_loop3A_646, %parallel_loop3A_651 : vector<16xi32>
        %parallel_loop3A_653 = arith.constant 0 : i32
        %parallel_loop3A_654 = arith.constant 0 : i32
        %parallel_loop3A_655 = tpu.memref_slice %arg14[%parallel_loop3A_217, %parallel_loop3A_653, %parallel_loop3A_654] : memref<4x128x128xf32, #tpu.memory_space<vmem>> -> memref<1x128x128xf32, #tpu.memory_space<vmem>>
        %parallel_loop3A_656 = tpu.memref_squeeze %parallel_loop3A_655 : memref<1x128x128xf32, #tpu.memory_space<vmem>> -> memref<128x128xf32, #tpu.memory_space<vmem>>
        %parallel_loop3A_657 = tpu.vector_load_idx %parallel_loop3A_656[%parallel_loop3A_640, %parallel_loop3A_652] : memref<128x128xf32, #tpu.memory_space<vmem>>[vector<16xi32>, vector<16xi32>], vector<16xf32>,
        %parallel_loop3A_658 = arith.constant 16 : i32
        %parallel_loop3A_659 = arith.muli %parallel_loop3A_636, %parallel_loop3A_658 : i32
        %parallel_loop3A_660 = arith.index_cast %parallel_loop3A_650 : i32 to index
        %parallel_loop3A_661 = arith.index_cast %parallel_loop3A_659 : i32 to index
        %parallel_loop3A_662 = tpu.vector_load %arg16[%parallel_loop3A_660, %parallel_loop3A_661] {strides = array<i32>} : memref<64x128xf32, #tpu.memory_space<vmem>>, vector<16xf32>,
        tpu.vector_store %arg16[%parallel_loop3A_660, %parallel_loop3A_661], %parallel_loop3A_657 {add = true, strides = array<i32>} : memref<64x128xf32, #tpu.memory_space<vmem>>, vector<16xf32>,
      } {sc.loop_unroll_factor = 8 : i64, sc.parallel_access}
    } {sc.loop_unroll_factor = 1 : i64, sc.parallel_access}
    %dma_start3A_218 = arith.constant 7 : i32
    %dma_start3A_219 = arith.constant 3 : i32
    %dma_start3A_220 = arith.constant 0 : i32
    %dma_start3A_221 = arith.constant 0 : i32
    %dma_start3A_222 = tpu.memref_slice %arg14[%dma_start3A_219, %dma_start3A_220, %dma_start3A_221] : memref<4x128x128xf32, #tpu.memory_space<vmem>> -> memref<1x128x128xf32, #tpu.memory_space<vmem>>
    %dma_start3A_223 = tpu.memref_squeeze %dma_start3A_222 : memref<1x128x128xf32, #tpu.memory_space<vmem>> -> memref<128x128xf32, #tpu.memory_space<vmem>>
    %dma_start3A_224 = arith.constant 0 : i32
    %dma_start3A_225 = tpu.memref_slice %arg11[%dma_start3A_218, %dma_start3A_224] : memref<20x128xi32, #tpu.memory_space<vmem>> -> memref<1x128xi32, #tpu.memory_space<vmem>>
    %dma_start3A_226 = tpu.memref_squeeze %dma_start3A_225 : memref<1x128xi32, #tpu.memory_space<vmem>> -> memref<128xi32, #tpu.memory_space<vmem>>
    %dma_start3A_227 = arith.constant 0 : i32
    %dma_start3A_228 = arith.constant 0 : i32
    %dma_start3A_229 = tpu.memref_slice %arg5[%dma_start3A_227, %dma_start3A_228] : memref<50000x128xf32, #tpu.memory_space<hbm>> -> memref<50000x128xf32, #tpu.memory_space<hbm>>
    tpu.enqueue_indirect_dma source(%dma_start3A_229 : memref<50000x128xf32, #tpu.memory_space<hbm>>) target(%dma_start3A_223 : memref<128x128xf32, #tpu.memory_space<vmem>>) offsets(%dma_start3A_226 : memref<128xi32, #tpu.memory_space<vmem>>) semaphore(%arg21 : memref<!tpu.dma_semaphore, #tpu.memory_space<semaphore_mem>>)
    %dma_wait3A_230 = arith.constant 4 : i32
    %dma_wait3A_231 = arith.constant 0 : i32
    %dma_wait3A_232 = arith.constant 0 : i32
    %dma_wait3A_233 = arith.constant 0 : i32
    %dma_wait3A_234 = tpu.memref_slice %arg14[%dma_wait3A_231, %dma_wait3A_232, %dma_wait3A_233] : memref<4x128x128xf32, #tpu.memory_space<vmem>> -> memref<1x128x128xf32, #tpu.memory_space<vmem>>
    %dma_wait3A_235 = tpu.memref_squeeze %dma_wait3A_234 : memref<1x128x128xf32, #tpu.memory_space<vmem>> -> memref<128x128xf32, #tpu.memory_space<vmem>>
    %dma_wait3A_236 = arith.constant 0 : i32
    %dma_wait3A_237 = tpu.memref_slice %arg11[%dma_wait3A_230, %dma_wait3A_236] : memref<20x128xi32, #tpu.memory_space<vmem>> -> memref<1x128xi32, #tpu.memory_space<vmem>>
    %dma_wait3A_238 = tpu.memref_squeeze %dma_wait3A_237 : memref<1x128xi32, #tpu.memory_space<vmem>> -> memref<128xi32, #tpu.memory_space<vmem>>
    %dma_wait3A_239 = arith.constant 0 : i32
    %dma_wait3A_240 = arith.constant 0 : i32
    %dma_wait3A_241 = tpu.memref_slice %arg5[%dma_wait3A_239, %dma_wait3A_240] : memref<50000x128xf32, #tpu.memory_space<hbm>> -> memref<50000x128xf32, #tpu.memory_space<hbm>>
    tpu.wait_indirect_dma semaphore(%arg18 : memref<!tpu.dma_semaphore, #tpu.memory_space<semaphore_mem>>) src(%dma_wait3A_241 : memref<50000x128xf32, #tpu.memory_space<hbm>>) dst(%dma_wait3A_235 : memref<128x128xf32, #tpu.memory_space<vmem>>)
    %parallel_loop3A_242 = arith.constant 0 : i32
    %parallel_loop3A_243 = arith.constant 8 : i32
    %parallel_loop3A_244 = arith.constant 1 : i32
    %parallel_loop3A_245 = arith.constant 0 : i32
    scf.for %parallel_loop3A_636 = %parallel_loop3A_242 to %parallel_loop3A_243 step %parallel_loop3A_244  : i32 {
      %parallel_loop3A_637 = arith.constant 16 : i32
      %parallel_loop3A_638 = arith.muli %parallel_loop3A_636, %parallel_loop3A_637 : i32
      %parallel_loop3A_639 = vector.broadcast %parallel_loop3A_638 : i32 to vector<16xi32>
      %parallel_loop3A_640 = arith.addi %iota3A, %parallel_loop3A_639 : vector<16xi32>
      %parallel_loop3A_641 = arith.constant 16 : i32
      %parallel_loop3A_642 = arith.muli %parallel_loop3A_636, %parallel_loop3A_641 : i32
      %parallel_loop3A_643 = arith.constant 4 : i32
      %parallel_loop3A_644 = arith.index_cast %parallel_loop3A_643 : i32 to index
      %parallel_loop3A_645 = arith.index_cast %parallel_loop3A_642 : i32 to index
      %parallel_loop3A_646 = tpu.vector_load %arg12[%parallel_loop3A_644, %parallel_loop3A_645] {strides = array<i32>} : memref<20x128xi32, #tpu.memory_space<vmem>>, vector<16xi32>,
      %parallel_loop3A_647 = arith.constant 0 : i32
      %parallel_loop3A_648 = arith.constant 64 : i32
      %parallel_loop3A_649 = arith.constant 1 : i32
      scf.for %parallel_loop3A_650 = %parallel_loop3A_647 to %parallel_loop3A_648 step %parallel_loop3A_649  : i32 {
        %parallel_loop3A_651 = vector.broadcast %parallel_loop3A_650 : i32 to vector<16xi32>
        %parallel_loop3A_652 = arith.addi %parallel_loop3A_646, %parallel_loop3A_651 : vector<16xi32>
        %parallel_loop3A_653 = arith.constant 0 : i32
        %parallel_loop3A_654 = arith.constant 0 : i32
        %parallel_loop3A_655 = tpu.memref_slice %arg14[%parallel_loop3A_245, %parallel_loop3A_653, %parallel_loop3A_654] : memref<4x128x128xf32, #tpu.memory_space<vmem>> -> memref<1x128x128xf32, #tpu.memory_space<vmem>>
        %parallel_loop3A_656 = tpu.memref_squeeze %parallel_loop3A_655 : memref<1x128x128xf32, #tpu.memory_space<vmem>> -> memref<128x128xf32, #tpu.memory_space<vmem>>
        %parallel_loop3A_657 = tpu.vector_load_idx %parallel_loop3A_656[%parallel_loop3A_640, %parallel_loop3A_652] : memref<128x128xf32, #tpu.memory_space<vmem>>[vector<16xi32>, vector<16xi32>], vector<16xf32>,
        %parallel_loop3A_658 = arith.constant 16 : i32
        %parallel_loop3A_659 = arith.muli %parallel_loop3A_636, %parallel_loop3A_658 : i32
        %parallel_loop3A_660 = arith.index_cast %parallel_loop3A_650 : i32 to index
        %parallel_loop3A_661 = arith.index_cast %parallel_loop3A_659 : i32 to index
        %parallel_loop3A_662 = tpu.vector_load %arg16[%parallel_loop3A_660, %parallel_loop3A_661] {strides = array<i32>} : memref<64x128xf32, #tpu.memory_space<vmem>>, vector<16xf32>,
        tpu.vector_store %arg16[%parallel_loop3A_660, %parallel_loop3A_661], %parallel_loop3A_657 {add = true, strides = array<i32>} : memref<64x128xf32, #tpu.memory_space<vmem>>, vector<16xf32>,
      } {sc.loop_unroll_factor = 8 : i64, sc.parallel_access}
    } {sc.loop_unroll_factor = 1 : i64, sc.parallel_access}
    %dma_start3A_246 = arith.constant 8 : i32
    %dma_start3A_247 = arith.constant 0 : i32
    %dma_start3A_248 = arith.constant 0 : i32
    %dma_start3A_249 = arith.constant 0 : i32
    %dma_start3A_250 = tpu.memref_slice %arg14[%dma_start3A_247, %dma_start3A_248, %dma_start3A_249] : memref<4x128x128xf32, #tpu.memory_space<vmem>> -> memref<1x128x128xf32, #tpu.memory_space<vmem>>
    %dma_start3A_251 = tpu.memref_squeeze %dma_start3A_250 : memref<1x128x128xf32, #tpu.memory_space<vmem>> -> memref<128x128xf32, #tpu.memory_space<vmem>>
    %dma_start3A_252 = arith.constant 0 : i32
    %dma_start3A_253 = tpu.memref_slice %arg11[%dma_start3A_246, %dma_start3A_252] : memref<20x128xi32, #tpu.memory_space<vmem>> -> memref<1x128xi32, #tpu.memory_space<vmem>>
    %dma_start3A_254 = tpu.memref_squeeze %dma_start3A_253 : memref<1x128xi32, #tpu.memory_space<vmem>> -> memref<128xi32, #tpu.memory_space<vmem>>
    %dma_start3A_255 = arith.constant 0 : i32
    %dma_start3A_256 = arith.constant 0 : i32
    %dma_start3A_257 = tpu.memref_slice %arg5[%dma_start3A_255, %dma_start3A_256] : memref<50000x128xf32, #tpu.memory_space<hbm>> -> memref<50000x128xf32, #tpu.memory_space<hbm>>
    tpu.enqueue_indirect_dma source(%dma_start3A_257 : memref<50000x128xf32, #tpu.memory_space<hbm>>) target(%dma_start3A_251 : memref<128x128xf32, #tpu.memory_space<vmem>>) offsets(%dma_start3A_254 : memref<128xi32, #tpu.memory_space<vmem>>) semaphore(%arg18 : memref<!tpu.dma_semaphore, #tpu.memory_space<semaphore_mem>>)
    %dma_wait3A_258 = arith.constant 5 : i32
    %dma_wait3A_259 = arith.constant 1 : i32
    %dma_wait3A_260 = arith.constant 0 : i32
    %dma_wait3A_261 = arith.constant 0 : i32
    %dma_wait3A_262 = tpu.memref_slice %arg14[%dma_wait3A_259, %dma_wait3A_260, %dma_wait3A_261] : memref<4x128x128xf32, #tpu.memory_space<vmem>> -> memref<1x128x128xf32, #tpu.memory_space<vmem>>
    %dma_wait3A_263 = tpu.memref_squeeze %dma_wait3A_262 : memref<1x128x128xf32, #tpu.memory_space<vmem>> -> memref<128x128xf32, #tpu.memory_space<vmem>>
    %dma_wait3A_264 = arith.constant 0 : i32
    %dma_wait3A_265 = tpu.memref_slice %arg11[%dma_wait3A_258, %dma_wait3A_264] : memref<20x128xi32, #tpu.memory_space<vmem>> -> memref<1x128xi32, #tpu.memory_space<vmem>>
    %dma_wait3A_266 = tpu.memref_squeeze %dma_wait3A_265 : memref<1x128xi32, #tpu.memory_space<vmem>> -> memref<128xi32, #tpu.memory_space<vmem>>
    %dma_wait3A_267 = arith.constant 0 : i32
    %dma_wait3A_268 = arith.constant 0 : i32
    %dma_wait3A_269 = tpu.memref_slice %arg5[%dma_wait3A_267, %dma_wait3A_268] : memref<50000x128xf32, #tpu.memory_space<hbm>> -> memref<50000x128xf32, #tpu.memory_space<hbm>>
    tpu.wait_indirect_dma semaphore(%arg19 : memref<!tpu.dma_semaphore, #tpu.memory_space<semaphore_mem>>) src(%dma_wait3A_269 : memref<50000x128xf32, #tpu.memory_space<hbm>>) dst(%dma_wait3A_263 : memref<128x128xf32, #tpu.memory_space<vmem>>)
    %parallel_loop3A_270 = arith.constant 0 : i32
    %parallel_loop3A_271 = arith.constant 8 : i32
    %parallel_loop3A_272 = arith.constant 1 : i32
    %parallel_loop3A_273 = arith.constant 1 : i32
    scf.for %parallel_loop3A_636 = %parallel_loop3A_270 to %parallel_loop3A_271 step %parallel_loop3A_272  : i32 {
      %parallel_loop3A_637 = arith.constant 16 : i32
      %parallel_loop3A_638 = arith.muli %parallel_loop3A_636, %parallel_loop3A_637 : i32
      %parallel_loop3A_639 = vector.broadcast %parallel_loop3A_638 : i32 to vector<16xi32>
      %parallel_loop3A_640 = arith.addi %iota3A, %parallel_loop3A_639 : vector<16xi32>
      %parallel_loop3A_641 = arith.constant 16 : i32
      %parallel_loop3A_642 = arith.muli %parallel_loop3A_636, %parallel_loop3A_641 : i32
      %parallel_loop3A_643 = arith.constant 5 : i32
      %parallel_loop3A_644 = arith.index_cast %parallel_loop3A_643 : i32 to index
      %parallel_loop3A_645 = arith.index_cast %parallel_loop3A_642 : i32 to index
      %parallel_loop3A_646 = tpu.vector_load %arg12[%parallel_loop3A_644, %parallel_loop3A_645] {strides = array<i32>} : memref<20x128xi32, #tpu.memory_space<vmem>>, vector<16xi32>,
      %parallel_loop3A_647 = arith.constant 0 : i32
      %parallel_loop3A_648 = arith.constant 64 : i32
      %parallel_loop3A_649 = arith.constant 1 : i32
      scf.for %parallel_loop3A_650 = %parallel_loop3A_647 to %parallel_loop3A_648 step %parallel_loop3A_649  : i32 {
        %parallel_loop3A_651 = vector.broadcast %parallel_loop3A_650 : i32 to vector<16xi32>
        %parallel_loop3A_652 = arith.addi %parallel_loop3A_646, %parallel_loop3A_651 : vector<16xi32>
        %parallel_loop3A_653 = arith.constant 0 : i32
        %parallel_loop3A_654 = arith.constant 0 : i32
        %parallel_loop3A_655 = tpu.memref_slice %arg14[%parallel_loop3A_273, %parallel_loop3A_653, %parallel_loop3A_654] : memref<4x128x128xf32, #tpu.memory_space<vmem>> -> memref<1x128x128xf32, #tpu.memory_space<vmem>>
        %parallel_loop3A_656 = tpu.memref_squeeze %parallel_loop3A_655 : memref<1x128x128xf32, #tpu.memory_space<vmem>> -> memref<128x128xf32, #tpu.memory_space<vmem>>
        %parallel_loop3A_657 = tpu.vector_load_idx %parallel_loop3A_656[%parallel_loop3A_640, %parallel_loop3A_652] : memref<128x128xf32, #tpu.memory_space<vmem>>[vector<16xi32>, vector<16xi32>], vector<16xf32>,
        %parallel_loop3A_658 = arith.constant 16 : i32
        %parallel_loop3A_659 = arith.muli %parallel_loop3A_636, %parallel_loop3A_658 : i32
        %parallel_loop3A_660 = arith.index_cast %parallel_loop3A_650 : i32 to index
        %parallel_loop3A_661 = arith.index_cast %parallel_loop3A_659 : i32 to index
        %parallel_loop3A_662 = tpu.vector_load %arg16[%parallel_loop3A_660, %parallel_loop3A_661] {strides = array<i32>} : memref<64x128xf32, #tpu.memory_space<vmem>>, vector<16xf32>,
        tpu.vector_store %arg16[%parallel_loop3A_660, %parallel_loop3A_661], %parallel_loop3A_657 {add = true, strides = array<i32>} : memref<64x128xf32, #tpu.memory_space<vmem>>, vector<16xf32>,
      } {sc.loop_unroll_factor = 8 : i64, sc.parallel_access}
    } {sc.loop_unroll_factor = 1 : i64, sc.parallel_access}
    %dma_start3A_274 = arith.constant 9 : i32
    %dma_start3A_275 = arith.constant 1 : i32
    %dma_start3A_276 = arith.constant 0 : i32
    %dma_start3A_277 = arith.constant 0 : i32
    %dma_start3A_278 = tpu.memref_slice %arg14[%dma_start3A_275, %dma_start3A_276, %dma_start3A_277] : memref<4x128x128xf32, #tpu.memory_space<vmem>> -> memref<1x128x128xf32, #tpu.memory_space<vmem>>
    %dma_start3A_279 = tpu.memref_squeeze %dma_start3A_278 : memref<1x128x128xf32, #tpu.memory_space<vmem>> -> memref<128x128xf32, #tpu.memory_space<vmem>>
    %dma_start3A_280 = arith.constant 0 : i32
    %dma_start3A_281 = tpu.memref_slice %arg11[%dma_start3A_274, %dma_start3A_280] : memref<20x128xi32, #tpu.memory_space<vmem>> -> memref<1x128xi32, #tpu.memory_space<vmem>>
    %dma_start3A_282 = tpu.memref_squeeze %dma_start3A_281 : memref<1x128xi32, #tpu.memory_space<vmem>> -> memref<128xi32, #tpu.memory_space<vmem>>
    %dma_start3A_283 = arith.constant 0 : i32
    %dma_start3A_284 = arith.constant 0 : i32
    %dma_start3A_285 = tpu.memref_slice %arg5[%dma_start3A_283, %dma_start3A_284] : memref<50000x128xf32, #tpu.memory_space<hbm>> -> memref<50000x128xf32, #tpu.memory_space<hbm>>
    tpu.enqueue_indirect_dma source(%dma_start3A_285 : memref<50000x128xf32, #tpu.memory_space<hbm>>) target(%dma_start3A_279 : memref<128x128xf32, #tpu.memory_space<vmem>>) offsets(%dma_start3A_282 : memref<128xi32, #tpu.memory_space<vmem>>) semaphore(%arg19 : memref<!tpu.dma_semaphore, #tpu.memory_space<semaphore_mem>>)
    %dma_wait3A_286 = arith.constant 6 : i32
    %dma_wait3A_287 = arith.constant 2 : i32
    %dma_wait3A_288 = arith.constant 0 : i32
    %dma_wait3A_289 = arith.constant 0 : i32
    %dma_wait3A_290 = tpu.memref_slice %arg14[%dma_wait3A_287, %dma_wait3A_288, %dma_wait3A_289] : memref<4x128x128xf32, #tpu.memory_space<vmem>> -> memref<1x128x128xf32, #tpu.memory_space<vmem>>
    %dma_wait3A_291 = tpu.memref_squeeze %dma_wait3A_290 : memref<1x128x128xf32, #tpu.memory_space<vmem>> -> memref<128x128xf32, #tpu.memory_space<vmem>>
    %dma_wait3A_292 = arith.constant 0 : i32
    %dma_wait3A_293 = tpu.memref_slice %arg11[%dma_wait3A_286, %dma_wait3A_292] : memref<20x128xi32, #tpu.memory_space<vmem>> -> memref<1x128xi32, #tpu.memory_space<vmem>>
    %dma_wait3A_294 = tpu.memref_squeeze %dma_wait3A_293 : memref<1x128xi32, #tpu.memory_space<vmem>> -> memref<128xi32, #tpu.memory_space<vmem>>
    %dma_wait3A_295 = arith.constant 0 : i32
    %dma_wait3A_296 = arith.constant 0 : i32
    %dma_wait3A_297 = tpu.memref_slice %arg5[%dma_wait3A_295, %dma_wait3A_296] : memref<50000x128xf32, #tpu.memory_space<hbm>> -> memref<50000x128xf32, #tpu.memory_space<hbm>>
    tpu.wait_indirect_dma semaphore(%arg20 : memref<!tpu.dma_semaphore, #tpu.memory_space<semaphore_mem>>) src(%dma_wait3A_297 : memref<50000x128xf32, #tpu.memory_space<hbm>>) dst(%dma_wait3A_291 : memref<128x128xf32, #tpu.memory_space<vmem>>)
    %parallel_loop3A_298 = arith.constant 0 : i32
    %parallel_loop3A_299 = arith.constant 8 : i32
    %parallel_loop3A_300 = arith.constant 1 : i32
    %parallel_loop3A_301 = arith.constant 2 : i32
    scf.for %parallel_loop3A_636 = %parallel_loop3A_298 to %parallel_loop3A_299 step %parallel_loop3A_300  : i32 {
      %parallel_loop3A_637 = arith.constant 16 : i32
      %parallel_loop3A_638 = arith.muli %parallel_loop3A_636, %parallel_loop3A_637 : i32
      %parallel_loop3A_639 = vector.broadcast %parallel_loop3A_638 : i32 to vector<16xi32>
      %parallel_loop3A_640 = arith.addi %iota3A, %parallel_loop3A_639 : vector<16xi32>
      %parallel_loop3A_641 = arith.constant 16 : i32
      %parallel_loop3A_642 = arith.muli %parallel_loop3A_636, %parallel_loop3A_641 : i32
      %parallel_loop3A_643 = arith.constant 6 : i32
      %parallel_loop3A_644 = arith.index_cast %parallel_loop3A_643 : i32 to index
      %parallel_loop3A_645 = arith.index_cast %parallel_loop3A_642 : i32 to index
      %parallel_loop3A_646 = tpu.vector_load %arg12[%parallel_loop3A_644, %parallel_loop3A_645] {strides = array<i32>} : memref<20x128xi32, #tpu.memory_space<vmem>>, vector<16xi32>,
      %parallel_loop3A_647 = arith.constant 0 : i32
      %parallel_loop3A_648 = arith.constant 64 : i32
      %parallel_loop3A_649 = arith.constant 1 : i32
      scf.for %parallel_loop3A_650 = %parallel_loop3A_647 to %parallel_loop3A_648 step %parallel_loop3A_649  : i32 {
        %parallel_loop3A_651 = vector.broadcast %parallel_loop3A_650 : i32 to vector<16xi32>
        %parallel_loop3A_652 = arith.addi %parallel_loop3A_646, %parallel_loop3A_651 : vector<16xi32>
        %parallel_loop3A_653 = arith.constant 0 : i32
        %parallel_loop3A_654 = arith.constant 0 : i32
        %parallel_loop3A_655 = tpu.memref_slice %arg14[%parallel_loop3A_301, %parallel_loop3A_653, %parallel_loop3A_654] : memref<4x128x128xf32, #tpu.memory_space<vmem>> -> memref<1x128x128xf32, #tpu.memory_space<vmem>>
        %parallel_loop3A_656 = tpu.memref_squeeze %parallel_loop3A_655 : memref<1x128x128xf32, #tpu.memory_space<vmem>> -> memref<128x128xf32, #tpu.memory_space<vmem>>
        %parallel_loop3A_657 = tpu.vector_load_idx %parallel_loop3A_656[%parallel_loop3A_640, %parallel_loop3A_652] : memref<128x128xf32, #tpu.memory_space<vmem>>[vector<16xi32>, vector<16xi32>], vector<16xf32>,
        %parallel_loop3A_658 = arith.constant 16 : i32
        %parallel_loop3A_659 = arith.muli %parallel_loop3A_636, %parallel_loop3A_658 : i32
        %parallel_loop3A_660 = arith.index_cast %parallel_loop3A_650 : i32 to index
        %parallel_loop3A_661 = arith.index_cast %parallel_loop3A_659 : i32 to index
        %parallel_loop3A_662 = tpu.vector_load %arg16[%parallel_loop3A_660, %parallel_loop3A_661] {strides = array<i32>} : memref<64x128xf32, #tpu.memory_space<vmem>>, vector<16xf32>,
        tpu.vector_store %arg16[%parallel_loop3A_660, %parallel_loop3A_661], %parallel_loop3A_657 {add = true, strides = array<i32>} : memref<64x128xf32, #tpu.memory_space<vmem>>, vector<16xf32>,
      } {sc.loop_unroll_factor = 8 : i64, sc.parallel_access}
    } {sc.loop_unroll_factor = 1 : i64, sc.parallel_access}
    %dma_start3A_302 = arith.constant 10 : i32
    %dma_start3A_303 = arith.constant 2 : i32
    %dma_start3A_304 = arith.constant 0 : i32
    %dma_start3A_305 = arith.constant 0 : i32
    %dma_start3A_306 = tpu.memref_slice %arg14[%dma_start3A_303, %dma_start3A_304, %dma_start3A_305] : memref<4x128x128xf32, #tpu.memory_space<vmem>> -> memref<1x128x128xf32, #tpu.memory_space<vmem>>
    %dma_start3A_307 = tpu.memref_squeeze %dma_start3A_306 : memref<1x128x128xf32, #tpu.memory_space<vmem>> -> memref<128x128xf32, #tpu.memory_space<vmem>>
    %dma_start3A_308 = arith.constant 0 : i32
    %dma_start3A_309 = tpu.memref_slice %arg11[%dma_start3A_302, %dma_start3A_308] : memref<20x128xi32, #tpu.memory_space<vmem>> -> memref<1x128xi32, #tpu.memory_space<vmem>>
    %dma_start3A_310 = tpu.memref_squeeze %dma_start3A_309 : memref<1x128xi32, #tpu.memory_space<vmem>> -> memref<128xi32, #tpu.memory_space<vmem>>
    %dma_start3A_311 = arith.constant 0 : i32
    %dma_start3A_312 = arith.constant 0 : i32
    %dma_start3A_313 = tpu.memref_slice %arg5[%dma_start3A_311, %dma_start3A_312] : memref<50000x128xf32, #tpu.memory_space<hbm>> -> memref<50000x128xf32, #tpu.memory_space<hbm>>
    tpu.enqueue_indirect_dma source(%dma_start3A_313 : memref<50000x128xf32, #tpu.memory_space<hbm>>) target(%dma_start3A_307 : memref<128x128xf32, #tpu.memory_space<vmem>>) offsets(%dma_start3A_310 : memref<128xi32, #tpu.memory_space<vmem>>) semaphore(%arg20 : memref<!tpu.dma_semaphore, #tpu.memory_space<semaphore_mem>>)
    %dma_wait3A_314 = arith.constant 7 : i32
    %dma_wait3A_315 = arith.constant 3 : i32
    %dma_wait3A_316 = arith.constant 0 : i32
    %dma_wait3A_317 = arith.constant 0 : i32
    %dma_wait3A_318 = tpu.memref_slice %arg14[%dma_wait3A_315, %dma_wait3A_316, %dma_wait3A_317] : memref<4x128x128xf32, #tpu.memory_space<vmem>> -> memref<1x128x128xf32, #tpu.memory_space<vmem>>
    %dma_wait3A_319 = tpu.memref_squeeze %dma_wait3A_318 : memref<1x128x128xf32, #tpu.memory_space<vmem>> -> memref<128x128xf32, #tpu.memory_space<vmem>>
    %dma_wait3A_320 = arith.constant 0 : i32
    %dma_wait3A_321 = tpu.memref_slice %arg11[%dma_wait3A_314, %dma_wait3A_320] : memref<20x128xi32, #tpu.memory_space<vmem>> -> memref<1x128xi32, #tpu.memory_space<vmem>>
    %dma_wait3A_322 = tpu.memref_squeeze %dma_wait3A_321 : memref<1x128xi32, #tpu.memory_space<vmem>> -> memref<128xi32, #tpu.memory_space<vmem>>
    %dma_wait3A_323 = arith.constant 0 : i32
    %dma_wait3A_324 = arith.constant 0 : i32
    %dma_wait3A_325 = tpu.memref_slice %arg5[%dma_wait3A_323, %dma_wait3A_324] : memref<50000x128xf32, #tpu.memory_space<hbm>> -> memref<50000x128xf32, #tpu.memory_space<hbm>>
    tpu.wait_indirect_dma semaphore(%arg21 : memref<!tpu.dma_semaphore, #tpu.memory_space<semaphore_mem>>) src(%dma_wait3A_325 : memref<50000x128xf32, #tpu.memory_space<hbm>>) dst(%dma_wait3A_319 : memref<128x128xf32, #tpu.memory_space<vmem>>)
    %parallel_loop3A_326 = arith.constant 0 : i32
    %parallel_loop3A_327 = arith.constant 8 : i32
    %parallel_loop3A_328 = arith.constant 1 : i32
    %parallel_loop3A_329 = arith.constant 3 : i32
    scf.for %parallel_loop3A_636 = %parallel_loop3A_326 to %parallel_loop3A_327 step %parallel_loop3A_328  : i32 {
      %parallel_loop3A_637 = arith.constant 16 : i32
      %parallel_loop3A_638 = arith.muli %parallel_loop3A_636, %parallel_loop3A_637 : i32
      %parallel_loop3A_639 = vector.broadcast %parallel_loop3A_638 : i32 to vector<16xi32>
      %parallel_loop3A_640 = arith.addi %iota3A, %parallel_loop3A_639 : vector<16xi32>
      %parallel_loop3A_641 = arith.constant 16 : i32
      %parallel_loop3A_642 = arith.muli %parallel_loop3A_636, %parallel_loop3A_641 : i32
      %parallel_loop3A_643 = arith.constant 7 : i32
      %parallel_loop3A_644 = arith.index_cast %parallel_loop3A_643 : i32 to index
      %parallel_loop3A_645 = arith.index_cast %parallel_loop3A_642 : i32 to index
      %parallel_loop3A_646 = tpu.vector_load %arg12[%parallel_loop3A_644, %parallel_loop3A_645] {strides = array<i32>} : memref<20x128xi32, #tpu.memory_space<vmem>>, vector<16xi32>,
      %parallel_loop3A_647 = arith.constant 0 : i32
      %parallel_loop3A_648 = arith.constant 64 : i32
      %parallel_loop3A_649 = arith.constant 1 : i32
      scf.for %parallel_loop3A_650 = %parallel_loop3A_647 to %parallel_loop3A_648 step %parallel_loop3A_649  : i32 {
        %parallel_loop3A_651 = vector.broadcast %parallel_loop3A_650 : i32 to vector<16xi32>
        %parallel_loop3A_652 = arith.addi %parallel_loop3A_646, %parallel_loop3A_651 : vector<16xi32>
        %parallel_loop3A_653 = arith.constant 0 : i32
        %parallel_loop3A_654 = arith.constant 0 : i32
        %parallel_loop3A_655 = tpu.memref_slice %arg14[%parallel_loop3A_329, %parallel_loop3A_653, %parallel_loop3A_654] : memref<4x128x128xf32, #tpu.memory_space<vmem>> -> memref<1x128x128xf32, #tpu.memory_space<vmem>>
        %parallel_loop3A_656 = tpu.memref_squeeze %parallel_loop3A_655 : memref<1x128x128xf32, #tpu.memory_space<vmem>> -> memref<128x128xf32, #tpu.memory_space<vmem>>
        %parallel_loop3A_657 = tpu.vector_load_idx %parallel_loop3A_656[%parallel_loop3A_640, %parallel_loop3A_652] : memref<128x128xf32, #tpu.memory_space<vmem>>[vector<16xi32>, vector<16xi32>], vector<16xf32>,
        %parallel_loop3A_658 = arith.constant 16 : i32
        %parallel_loop3A_659 = arith.muli %parallel_loop3A_636, %parallel_loop3A_658 : i32
        %parallel_loop3A_660 = arith.index_cast %parallel_loop3A_650 : i32 to index
        %parallel_loop3A_661 = arith.index_cast %parallel_loop3A_659 : i32 to index
        %parallel_loop3A_662 = tpu.vector_load %arg16[%parallel_loop3A_660, %parallel_loop3A_661] {strides = array<i32>} : memref<64x128xf32, #tpu.memory_space<vmem>>, vector<16xf32>,
        tpu.vector_store %arg16[%parallel_loop3A_660, %parallel_loop3A_661], %parallel_loop3A_657 {add = true, strides = array<i32>} : memref<64x128xf32, #tpu.memory_space<vmem>>, vector<16xf32>,
      } {sc.loop_unroll_factor = 8 : i64, sc.parallel_access}
    } {sc.loop_unroll_factor = 1 : i64, sc.parallel_access}
    %dma_start3A_330 = arith.constant 11 : i32
    %dma_start3A_331 = arith.constant 3 : i32
    %dma_start3A_332 = arith.constant 0 : i32
    %dma_start3A_333 = arith.constant 0 : i32
    %dma_start3A_334 = tpu.memref_slice %arg14[%dma_start3A_331, %dma_start3A_332, %dma_start3A_333] : memref<4x128x128xf32, #tpu.memory_space<vmem>> -> memref<1x128x128xf32, #tpu.memory_space<vmem>>
    %dma_start3A_335 = tpu.memref_squeeze %dma_start3A_334 : memref<1x128x128xf32, #tpu.memory_space<vmem>> -> memref<128x128xf32, #tpu.memory_space<vmem>>
    %dma_start3A_336 = arith.constant 0 : i32
    %dma_start3A_337 = tpu.memref_slice %arg11[%dma_start3A_330, %dma_start3A_336] : memref<20x128xi32, #tpu.memory_space<vmem>> -> memref<1x128xi32, #tpu.memory_space<vmem>>
    %dma_start3A_338 = tpu.memref_squeeze %dma_start3A_337 : memref<1x128xi32, #tpu.memory_space<vmem>> -> memref<128xi32, #tpu.memory_space<vmem>>
    %dma_start3A_339 = arith.constant 0 : i32
    %dma_start3A_340 = arith.constant 0 : i32
    %dma_start3A_341 = tpu.memref_slice %arg5[%dma_start3A_339, %dma_start3A_340] : memref<50000x128xf32, #tpu.memory_space<hbm>> -> memref<50000x128xf32, #tpu.memory_space<hbm>>
    tpu.enqueue_indirect_dma source(%dma_start3A_341 : memref<50000x128xf32, #tpu.memory_space<hbm>>) target(%dma_start3A_335 : memref<128x128xf32, #tpu.memory_space<vmem>>) offsets(%dma_start3A_338 : memref<128xi32, #tpu.memory_space<vmem>>) semaphore(%arg21 : memref<!tpu.dma_semaphore, #tpu.memory_space<semaphore_mem>>)
    %dma_wait3A_342 = arith.constant 8 : i32
    %dma_wait3A_343 = arith.constant 0 : i32
    %dma_wait3A_344 = arith.constant 0 : i32
    %dma_wait3A_345 = arith.constant 0 : i32
    %dma_wait3A_346 = tpu.memref_slice %arg14[%dma_wait3A_343, %dma_wait3A_344, %dma_wait3A_345] : memref<4x128x128xf32, #tpu.memory_space<vmem>> -> memref<1x128x128xf32, #tpu.memory_space<vmem>>
    %dma_wait3A_347 = tpu.memref_squeeze %dma_wait3A_346 : memref<1x128x128xf32, #tpu.memory_space<vmem>> -> memref<128x128xf32, #tpu.memory_space<vmem>>
    %dma_wait3A_348 = arith.constant 0 : i32
    %dma_wait3A_349 = tpu.memref_slice %arg11[%dma_wait3A_342, %dma_wait3A_348] : memref<20x128xi32, #tpu.memory_space<vmem>> -> memref<1x128xi32, #tpu.memory_space<vmem>>
    %dma_wait3A_350 = tpu.memref_squeeze %dma_wait3A_349 : memref<1x128xi32, #tpu.memory_space<vmem>> -> memref<128xi32, #tpu.memory_space<vmem>>
    %dma_wait3A_351 = arith.constant 0 : i32
    %dma_wait3A_352 = arith.constant 0 : i32
    %dma_wait3A_353 = tpu.memref_slice %arg5[%dma_wait3A_351, %dma_wait3A_352] : memref<50000x128xf32, #tpu.memory_space<hbm>> -> memref<50000x128xf32, #tpu.memory_space<hbm>>
    tpu.wait_indirect_dma semaphore(%arg18 : memref<!tpu.dma_semaphore, #tpu.memory_space<semaphore_mem>>) src(%dma_wait3A_353 : memref<50000x128xf32, #tpu.memory_space<hbm>>) dst(%dma_wait3A_347 : memref<128x128xf32, #tpu.memory_space<vmem>>)
    %parallel_loop3A_354 = arith.constant 0 : i32
    %parallel_loop3A_355 = arith.constant 8 : i32
    %parallel_loop3A_356 = arith.constant 1 : i32
    %parallel_loop3A_357 = arith.constant 0 : i32
    scf.for %parallel_loop3A_636 = %parallel_loop3A_354 to %parallel_loop3A_355 step %parallel_loop3A_356  : i32 {
      %parallel_loop3A_637 = arith.constant 16 : i32
      %parallel_loop3A_638 = arith.muli %parallel_loop3A_636, %parallel_loop3A_637 : i32
      %parallel_loop3A_639 = vector.broadcast %parallel_loop3A_638 : i32 to vector<16xi32>
      %parallel_loop3A_640 = arith.addi %iota3A, %parallel_loop3A_639 : vector<16xi32>
      %parallel_loop3A_641 = arith.constant 16 : i32
      %parallel_loop3A_642 = arith.muli %parallel_loop3A_636, %parallel_loop3A_641 : i32
      %parallel_loop3A_643 = arith.constant 8 : i32
      %parallel_loop3A_644 = arith.index_cast %parallel_loop3A_643 : i32 to index
      %parallel_loop3A_645 = arith.index_cast %parallel_loop3A_642 : i32 to index
      %parallel_loop3A_646 = tpu.vector_load %arg12[%parallel_loop3A_644, %parallel_loop3A_645] {strides = array<i32>} : memref<20x128xi32, #tpu.memory_space<vmem>>, vector<16xi32>,
      %parallel_loop3A_647 = arith.constant 0 : i32
      %parallel_loop3A_648 = arith.constant 64 : i32
      %parallel_loop3A_649 = arith.constant 1 : i32
      scf.for %parallel_loop3A_650 = %parallel_loop3A_647 to %parallel_loop3A_648 step %parallel_loop3A_649  : i32 {
        %parallel_loop3A_651 = vector.broadcast %parallel_loop3A_650 : i32 to vector<16xi32>
        %parallel_loop3A_652 = arith.addi %parallel_loop3A_646, %parallel_loop3A_651 : vector<16xi32>
        %parallel_loop3A_653 = arith.constant 0 : i32
        %parallel_loop3A_654 = arith.constant 0 : i32
        %parallel_loop3A_655 = tpu.memref_slice %arg14[%parallel_loop3A_357, %parallel_loop3A_653, %parallel_loop3A_654] : memref<4x128x128xf32, #tpu.memory_space<vmem>> -> memref<1x128x128xf32, #tpu.memory_space<vmem>>
        %parallel_loop3A_656 = tpu.memref_squeeze %parallel_loop3A_655 : memref<1x128x128xf32, #tpu.memory_space<vmem>> -> memref<128x128xf32, #tpu.memory_space<vmem>>
        %parallel_loop3A_657 = tpu.vector_load_idx %parallel_loop3A_656[%parallel_loop3A_640, %parallel_loop3A_652] : memref<128x128xf32, #tpu.memory_space<vmem>>[vector<16xi32>, vector<16xi32>], vector<16xf32>,
        %parallel_loop3A_658 = arith.constant 16 : i32
        %parallel_loop3A_659 = arith.muli %parallel_loop3A_636, %parallel_loop3A_658 : i32
        %parallel_loop3A_660 = arith.index_cast %parallel_loop3A_650 : i32 to index
        %parallel_loop3A_661 = arith.index_cast %parallel_loop3A_659 : i32 to index
        %parallel_loop3A_662 = tpu.vector_load %arg16[%parallel_loop3A_660, %parallel_loop3A_661] {strides = array<i32>} : memref<64x128xf32, #tpu.memory_space<vmem>>, vector<16xf32>,
        tpu.vector_store %arg16[%parallel_loop3A_660, %parallel_loop3A_661], %parallel_loop3A_657 {add = true, strides = array<i32>} : memref<64x128xf32, #tpu.memory_space<vmem>>, vector<16xf32>,
      } {sc.loop_unroll_factor = 8 : i64, sc.parallel_access}
    } {sc.loop_unroll_factor = 1 : i64, sc.parallel_access}
    %dma_start3A_358 = arith.constant 12 : i32
    %dma_start3A_359 = arith.constant 0 : i32
    %dma_start3A_360 = arith.constant 0 : i32
    %dma_start3A_361 = arith.constant 0 : i32
    %dma_start3A_362 = tpu.memref_slice %arg14[%dma_start3A_359, %dma_start3A_360, %dma_start3A_361] : memref<4x128x128xf32, #tpu.memory_space<vmem>> -> memref<1x128x128xf32, #tpu.memory_space<vmem>>
    %dma_start3A_363 = tpu.memref_squeeze %dma_start3A_362 : memref<1x128x128xf32, #tpu.memory_space<vmem>> -> memref<128x128xf32, #tpu.memory_space<vmem>>
    %dma_start3A_364 = arith.constant 0 : i32
    %dma_start3A_365 = tpu.memref_slice %arg11[%dma_start3A_358, %dma_start3A_364] : memref<20x128xi32, #tpu.memory_space<vmem>> -> memref<1x128xi32, #tpu.memory_space<vmem>>
    %dma_start3A_366 = tpu.memref_squeeze %dma_start3A_365 : memref<1x128xi32, #tpu.memory_space<vmem>> -> memref<128xi32, #tpu.memory_space<vmem>>
    %dma_start3A_367 = arith.constant 0 : i32
    %dma_start3A_368 = arith.constant 0 : i32
    %dma_start3A_369 = tpu.memref_slice %arg5[%dma_start3A_367, %dma_start3A_368] : memref<50000x128xf32, #tpu.memory_space<hbm>> -> memref<50000x128xf32, #tpu.memory_space<hbm>>
    tpu.enqueue_indirect_dma source(%dma_start3A_369 : memref<50000x128xf32, #tpu.memory_space<hbm>>) target(%dma_start3A_363 : memref<128x128xf32, #tpu.memory_space<vmem>>) offsets(%dma_start3A_366 : memref<128xi32, #tpu.memory_space<vmem>>) semaphore(%arg18 : memref<!tpu.dma_semaphore, #tpu.memory_space<semaphore_mem>>)
    %dma_wait3A_370 = arith.constant 9 : i32
    %dma_wait3A_371 = arith.constant 1 : i32
    %dma_wait3A_372 = arith.constant 0 : i32
    %dma_wait3A_373 = arith.constant 0 : i32
    %dma_wait3A_374 = tpu.memref_slice %arg14[%dma_wait3A_371, %dma_wait3A_372, %dma_wait3A_373] : memref<4x128x128xf32, #tpu.memory_space<vmem>> -> memref<1x128x128xf32, #tpu.memory_space<vmem>>
    %dma_wait3A_375 = tpu.memref_squeeze %dma_wait3A_374 : memref<1x128x128xf32, #tpu.memory_space<vmem>> -> memref<128x128xf32, #tpu.memory_space<vmem>>
    %dma_wait3A_376 = arith.constant 0 : i32
    %dma_wait3A_377 = tpu.memref_slice %arg11[%dma_wait3A_370, %dma_wait3A_376] : memref<20x128xi32, #tpu.memory_space<vmem>> -> memref<1x128xi32, #tpu.memory_space<vmem>>
    %dma_wait3A_378 = tpu.memref_squeeze %dma_wait3A_377 : memref<1x128xi32, #tpu.memory_space<vmem>> -> memref<128xi32, #tpu.memory_space<vmem>>
    %dma_wait3A_379 = arith.constant 0 : i32
    %dma_wait3A_380 = arith.constant 0 : i32
    %dma_wait3A_381 = tpu.memref_slice %arg5[%dma_wait3A_379, %dma_wait3A_380] : memref<50000x128xf32, #tpu.memory_space<hbm>> -> memref<50000x128xf32, #tpu.memory_space<hbm>>
    tpu.wait_indirect_dma semaphore(%arg19 : memref<!tpu.dma_semaphore, #tpu.memory_space<semaphore_mem>>) src(%dma_wait3A_381 : memref<50000x128xf32, #tpu.memory_space<hbm>>) dst(%dma_wait3A_375 : memref<128x128xf32, #tpu.memory_space<vmem>>)
    %parallel_loop3A_382 = arith.constant 0 : i32
    %parallel_loop3A_383 = arith.constant 8 : i32
    %parallel_loop3A_384 = arith.constant 1 : i32
    %parallel_loop3A_385 = arith.constant 1 : i32
    scf.for %parallel_loop3A_636 = %parallel_loop3A_382 to %parallel_loop3A_383 step %parallel_loop3A_384  : i32 {
      %parallel_loop3A_637 = arith.constant 16 : i32
      %parallel_loop3A_638 = arith.muli %parallel_loop3A_636, %parallel_loop3A_637 : i32
      %parallel_loop3A_639 = vector.broadcast %parallel_loop3A_638 : i32 to vector<16xi32>
      %parallel_loop3A_640 = arith.addi %iota3A, %parallel_loop3A_639 : vector<16xi32>
      %parallel_loop3A_641 = arith.constant 16 : i32
      %parallel_loop3A_642 = arith.muli %parallel_loop3A_636, %parallel_loop3A_641 : i32
      %parallel_loop3A_643 = arith.constant 9 : i32
      %parallel_loop3A_644 = arith.index_cast %parallel_loop3A_643 : i32 to index
      %parallel_loop3A_645 = arith.index_cast %parallel_loop3A_642 : i32 to index
      %parallel_loop3A_646 = tpu.vector_load %arg12[%parallel_loop3A_644, %parallel_loop3A_645] {strides = array<i32>} : memref<20x128xi32, #tpu.memory_space<vmem>>, vector<16xi32>,
      %parallel_loop3A_647 = arith.constant 0 : i32
      %parallel_loop3A_648 = arith.constant 64 : i32
      %parallel_loop3A_649 = arith.constant 1 : i32
      scf.for %parallel_loop3A_650 = %parallel_loop3A_647 to %parallel_loop3A_648 step %parallel_loop3A_649  : i32 {
        %parallel_loop3A_651 = vector.broadcast %parallel_loop3A_650 : i32 to vector<16xi32>
        %parallel_loop3A_652 = arith.addi %parallel_loop3A_646, %parallel_loop3A_651 : vector<16xi32>
        %parallel_loop3A_653 = arith.constant 0 : i32
        %parallel_loop3A_654 = arith.constant 0 : i32
        %parallel_loop3A_655 = tpu.memref_slice %arg14[%parallel_loop3A_385, %parallel_loop3A_653, %parallel_loop3A_654] : memref<4x128x128xf32, #tpu.memory_space<vmem>> -> memref<1x128x128xf32, #tpu.memory_space<vmem>>
        %parallel_loop3A_656 = tpu.memref_squeeze %parallel_loop3A_655 : memref<1x128x128xf32, #tpu.memory_space<vmem>> -> memref<128x128xf32, #tpu.memory_space<vmem>>
        %parallel_loop3A_657 = tpu.vector_load_idx %parallel_loop3A_656[%parallel_loop3A_640, %parallel_loop3A_652] : memref<128x128xf32, #tpu.memory_space<vmem>>[vector<16xi32>, vector<16xi32>], vector<16xf32>,
        %parallel_loop3A_658 = arith.constant 16 : i32
        %parallel_loop3A_659 = arith.muli %parallel_loop3A_636, %parallel_loop3A_658 : i32
        %parallel_loop3A_660 = arith.index_cast %parallel_loop3A_650 : i32 to index
        %parallel_loop3A_661 = arith.index_cast %parallel_loop3A_659 : i32 to index
        %parallel_loop3A_662 = tpu.vector_load %arg16[%parallel_loop3A_660, %parallel_loop3A_661] {strides = array<i32>} : memref<64x128xf32, #tpu.memory_space<vmem>>, vector<16xf32>,
        tpu.vector_store %arg16[%parallel_loop3A_660, %parallel_loop3A_661], %parallel_loop3A_657 {add = true, strides = array<i32>} : memref<64x128xf32, #tpu.memory_space<vmem>>, vector<16xf32>,
      } {sc.loop_unroll_factor = 8 : i64, sc.parallel_access}
    } {sc.loop_unroll_factor = 1 : i64, sc.parallel_access}
    %dma_start3A_386 = arith.constant 13 : i32
    %dma_start3A_387 = arith.constant 1 : i32
    %dma_start3A_388 = arith.constant 0 : i32
    %dma_start3A_389 = arith.constant 0 : i32
    %dma_start3A_390 = tpu.memref_slice %arg14[%dma_start3A_387, %dma_start3A_388, %dma_start3A_389] : memref<4x128x128xf32, #tpu.memory_space<vmem>> -> memref<1x128x128xf32, #tpu.memory_space<vmem>>
    %dma_start3A_391 = tpu.memref_squeeze %dma_start3A_390 : memref<1x128x128xf32, #tpu.memory_space<vmem>> -> memref<128x128xf32, #tpu.memory_space<vmem>>
    %dma_start3A_392 = arith.constant 0 : i32
    %dma_start3A_393 = tpu.memref_slice %arg11[%dma_start3A_386, %dma_start3A_392] : memref<20x128xi32, #tpu.memory_space<vmem>> -> memref<1x128xi32, #tpu.memory_space<vmem>>
    %dma_start3A_394 = tpu.memref_squeeze %dma_start3A_393 : memref<1x128xi32, #tpu.memory_space<vmem>> -> memref<128xi32, #tpu.memory_space<vmem>>
    %dma_start3A_395 = arith.constant 0 : i32
    %dma_start3A_396 = arith.constant 0 : i32
    %dma_start3A_397 = tpu.memref_slice %arg5[%dma_start3A_395, %dma_start3A_396] : memref<50000x128xf32, #tpu.memory_space<hbm>> -> memref<50000x128xf32, #tpu.memory_space<hbm>>
    tpu.enqueue_indirect_dma source(%dma_start3A_397 : memref<50000x128xf32, #tpu.memory_space<hbm>>) target(%dma_start3A_391 : memref<128x128xf32, #tpu.memory_space<vmem>>) offsets(%dma_start3A_394 : memref<128xi32, #tpu.memory_space<vmem>>) semaphore(%arg19 : memref<!tpu.dma_semaphore, #tpu.memory_space<semaphore_mem>>)
    %dma_wait3A_398 = arith.constant 10 : i32
    %dma_wait3A_399 = arith.constant 2 : i32
    %dma_wait3A_400 = arith.constant 0 : i32
    %dma_wait3A_401 = arith.constant 0 : i32
    %dma_wait3A_402 = tpu.memref_slice %arg14[%dma_wait3A_399, %dma_wait3A_400, %dma_wait3A_401] : memref<4x128x128xf32, #tpu.memory_space<vmem>> -> memref<1x128x128xf32, #tpu.memory_space<vmem>>
    %dma_wait3A_403 = tpu.memref_squeeze %dma_wait3A_402 : memref<1x128x128xf32, #tpu.memory_space<vmem>> -> memref<128x128xf32, #tpu.memory_space<vmem>>
    %dma_wait3A_404 = arith.constant 0 : i32
    %dma_wait3A_405 = tpu.memref_slice %arg11[%dma_wait3A_398, %dma_wait3A_404] : memref<20x128xi32, #tpu.memory_space<vmem>> -> memref<1x128xi32, #tpu.memory_space<vmem>>
    %dma_wait3A_406 = tpu.memref_squeeze %dma_wait3A_405 : memref<1x128xi32, #tpu.memory_space<vmem>> -> memref<128xi32, #tpu.memory_space<vmem>>
    %dma_wait3A_407 = arith.constant 0 : i32
    %dma_wait3A_408 = arith.constant 0 : i32
    %dma_wait3A_409 = tpu.memref_slice %arg5[%dma_wait3A_407, %dma_wait3A_408] : memref<50000x128xf32, #tpu.memory_space<hbm>> -> memref<50000x128xf32, #tpu.memory_space<hbm>>
    tpu.wait_indirect_dma semaphore(%arg20 : memref<!tpu.dma_semaphore, #tpu.memory_space<semaphore_mem>>) src(%dma_wait3A_409 : memref<50000x128xf32, #tpu.memory_space<hbm>>) dst(%dma_wait3A_403 : memref<128x128xf32, #tpu.memory_space<vmem>>)
    %parallel_loop3A_410 = arith.constant 0 : i32
    %parallel_loop3A_411 = arith.constant 8 : i32
    %parallel_loop3A_412 = arith.constant 1 : i32
    %parallel_loop3A_413 = arith.constant 2 : i32
    scf.for %parallel_loop3A_636 = %parallel_loop3A_410 to %parallel_loop3A_411 step %parallel_loop3A_412  : i32 {
      %parallel_loop3A_637 = arith.constant 16 : i32
      %parallel_loop3A_638 = arith.muli %parallel_loop3A_636, %parallel_loop3A_637 : i32
      %parallel_loop3A_639 = vector.broadcast %parallel_loop3A_638 : i32 to vector<16xi32>
      %parallel_loop3A_640 = arith.addi %iota3A, %parallel_loop3A_639 : vector<16xi32>
      %parallel_loop3A_641 = arith.constant 16 : i32
      %parallel_loop3A_642 = arith.muli %parallel_loop3A_636, %parallel_loop3A_641 : i32
      %parallel_loop3A_643 = arith.constant 10 : i32
      %parallel_loop3A_644 = arith.index_cast %parallel_loop3A_643 : i32 to index
      %parallel_loop3A_645 = arith.index_cast %parallel_loop3A_642 : i32 to index
      %parallel_loop3A_646 = tpu.vector_load %arg12[%parallel_loop3A_644, %parallel_loop3A_645] {strides = array<i32>} : memref<20x128xi32, #tpu.memory_space<vmem>>, vector<16xi32>,
      %parallel_loop3A_647 = arith.constant 0 : i32
      %parallel_loop3A_648 = arith.constant 64 : i32
      %parallel_loop3A_649 = arith.constant 1 : i32
      scf.for %parallel_loop3A_650 = %parallel_loop3A_647 to %parallel_loop3A_648 step %parallel_loop3A_649  : i32 {
        %parallel_loop3A_651 = vector.broadcast %parallel_loop3A_650 : i32 to vector<16xi32>
        %parallel_loop3A_652 = arith.addi %parallel_loop3A_646, %parallel_loop3A_651 : vector<16xi32>
        %parallel_loop3A_653 = arith.constant 0 : i32
        %parallel_loop3A_654 = arith.constant 0 : i32
        %parallel_loop3A_655 = tpu.memref_slice %arg14[%parallel_loop3A_413, %parallel_loop3A_653, %parallel_loop3A_654] : memref<4x128x128xf32, #tpu.memory_space<vmem>> -> memref<1x128x128xf32, #tpu.memory_space<vmem>>
        %parallel_loop3A_656 = tpu.memref_squeeze %parallel_loop3A_655 : memref<1x128x128xf32, #tpu.memory_space<vmem>> -> memref<128x128xf32, #tpu.memory_space<vmem>>
        %parallel_loop3A_657 = tpu.vector_load_idx %parallel_loop3A_656[%parallel_loop3A_640, %parallel_loop3A_652] : memref<128x128xf32, #tpu.memory_space<vmem>>[vector<16xi32>, vector<16xi32>], vector<16xf32>,
        %parallel_loop3A_658 = arith.constant 16 : i32
        %parallel_loop3A_659 = arith.muli %parallel_loop3A_636, %parallel_loop3A_658 : i32
        %parallel_loop3A_660 = arith.index_cast %parallel_loop3A_650 : i32 to index
        %parallel_loop3A_661 = arith.index_cast %parallel_loop3A_659 : i32 to index
        %parallel_loop3A_662 = tpu.vector_load %arg16[%parallel_loop3A_660, %parallel_loop3A_661] {strides = array<i32>} : memref<64x128xf32, #tpu.memory_space<vmem>>, vector<16xf32>,
        tpu.vector_store %arg16[%parallel_loop3A_660, %parallel_loop3A_661], %parallel_loop3A_657 {add = true, strides = array<i32>} : memref<64x128xf32, #tpu.memory_space<vmem>>, vector<16xf32>,
      } {sc.loop_unroll_factor = 8 : i64, sc.parallel_access}
    } {sc.loop_unroll_factor = 1 : i64, sc.parallel_access}
    %dma_start3A_414 = arith.constant 14 : i32
    %dma_start3A_415 = arith.constant 2 : i32
    %dma_start3A_416 = arith.constant 0 : i32
    %dma_start3A_417 = arith.constant 0 : i32
    %dma_start3A_418 = tpu.memref_slice %arg14[%dma_start3A_415, %dma_start3A_416, %dma_start3A_417] : memref<4x128x128xf32, #tpu.memory_space<vmem>> -> memref<1x128x128xf32, #tpu.memory_space<vmem>>
    %dma_start3A_419 = tpu.memref_squeeze %dma_start3A_418 : memref<1x128x128xf32, #tpu.memory_space<vmem>> -> memref<128x128xf32, #tpu.memory_space<vmem>>
    %dma_start3A_420 = arith.constant 0 : i32
    %dma_start3A_421 = tpu.memref_slice %arg11[%dma_start3A_414, %dma_start3A_420] : memref<20x128xi32, #tpu.memory_space<vmem>> -> memref<1x128xi32, #tpu.memory_space<vmem>>
    %dma_start3A_422 = tpu.memref_squeeze %dma_start3A_421 : memref<1x128xi32, #tpu.memory_space<vmem>> -> memref<128xi32, #tpu.memory_space<vmem>>
    %dma_start3A_423 = arith.constant 0 : i32
    %dma_start3A_424 = arith.constant 0 : i32
    %dma_start3A_425 = tpu.memref_slice %arg5[%dma_start3A_423, %dma_start3A_424] : memref<50000x128xf32, #tpu.memory_space<hbm>> -> memref<50000x128xf32, #tpu.memory_space<hbm>>
    tpu.enqueue_indirect_dma source(%dma_start3A_425 : memref<50000x128xf32, #tpu.memory_space<hbm>>) target(%dma_start3A_419 : memref<128x128xf32, #tpu.memory_space<vmem>>) offsets(%dma_start3A_422 : memref<128xi32, #tpu.memory_space<vmem>>) semaphore(%arg20 : memref<!tpu.dma_semaphore, #tpu.memory_space<semaphore_mem>>)
    %dma_wait3A_426 = arith.constant 11 : i32
    %dma_wait3A_427 = arith.constant 3 : i32
    %dma_wait3A_428 = arith.constant 0 : i32
    %dma_wait3A_429 = arith.constant 0 : i32
    %dma_wait3A_430 = tpu.memref_slice %arg14[%dma_wait3A_427, %dma_wait3A_428, %dma_wait3A_429] : memref<4x128x128xf32, #tpu.memory_space<vmem>> -> memref<1x128x128xf32, #tpu.memory_space<vmem>>
    %dma_wait3A_431 = tpu.memref_squeeze %dma_wait3A_430 : memref<1x128x128xf32, #tpu.memory_space<vmem>> -> memref<128x128xf32, #tpu.memory_space<vmem>>
    %dma_wait3A_432 = arith.constant 0 : i32
    %dma_wait3A_433 = tpu.memref_slice %arg11[%dma_wait3A_426, %dma_wait3A_432] : memref<20x128xi32, #tpu.memory_space<vmem>> -> memref<1x128xi32, #tpu.memory_space<vmem>>
    %dma_wait3A_434 = tpu.memref_squeeze %dma_wait3A_433 : memref<1x128xi32, #tpu.memory_space<vmem>> -> memref<128xi32, #tpu.memory_space<vmem>>
    %dma_wait3A_435 = arith.constant 0 : i32
    %dma_wait3A_436 = arith.constant 0 : i32
    %dma_wait3A_437 = tpu.memref_slice %arg5[%dma_wait3A_435, %dma_wait3A_436] : memref<50000x128xf32, #tpu.memory_space<hbm>> -> memref<50000x128xf32, #tpu.memory_space<hbm>>
    tpu.wait_indirect_dma semaphore(%arg21 : memref<!tpu.dma_semaphore, #tpu.memory_space<semaphore_mem>>) src(%dma_wait3A_437 : memref<50000x128xf32, #tpu.memory_space<hbm>>) dst(%dma_wait3A_431 : memref<128x128xf32, #tpu.memory_space<vmem>>)
    %parallel_loop3A_438 = arith.constant 0 : i32
    %parallel_loop3A_439 = arith.constant 8 : i32
    %parallel_loop3A_440 = arith.constant 1 : i32
    %parallel_loop3A_441 = arith.constant 3 : i32
    scf.for %parallel_loop3A_636 = %parallel_loop3A_438 to %parallel_loop3A_439 step %parallel_loop3A_440  : i32 {
      %parallel_loop3A_637 = arith.constant 16 : i32
      %parallel_loop3A_638 = arith.muli %parallel_loop3A_636, %parallel_loop3A_637 : i32
      %parallel_loop3A_639 = vector.broadcast %parallel_loop3A_638 : i32 to vector<16xi32>
      %parallel_loop3A_640 = arith.addi %iota3A, %parallel_loop3A_639 : vector<16xi32>
      %parallel_loop3A_641 = arith.constant 16 : i32
      %parallel_loop3A_642 = arith.muli %parallel_loop3A_636, %parallel_loop3A_641 : i32
      %parallel_loop3A_643 = arith.constant 11 : i32
      %parallel_loop3A_644 = arith.index_cast %parallel_loop3A_643 : i32 to index
      %parallel_loop3A_645 = arith.index_cast %parallel_loop3A_642 : i32 to index
      %parallel_loop3A_646 = tpu.vector_load %arg12[%parallel_loop3A_644, %parallel_loop3A_645] {strides = array<i32>} : memref<20x128xi32, #tpu.memory_space<vmem>>, vector<16xi32>,
      %parallel_loop3A_647 = arith.constant 0 : i32
      %parallel_loop3A_648 = arith.constant 64 : i32
      %parallel_loop3A_649 = arith.constant 1 : i32
      scf.for %parallel_loop3A_650 = %parallel_loop3A_647 to %parallel_loop3A_648 step %parallel_loop3A_649  : i32 {
        %parallel_loop3A_651 = vector.broadcast %parallel_loop3A_650 : i32 to vector<16xi32>
        %parallel_loop3A_652 = arith.addi %parallel_loop3A_646, %parallel_loop3A_651 : vector<16xi32>
        %parallel_loop3A_653 = arith.constant 0 : i32
        %parallel_loop3A_654 = arith.constant 0 : i32
        %parallel_loop3A_655 = tpu.memref_slice %arg14[%parallel_loop3A_441, %parallel_loop3A_653, %parallel_loop3A_654] : memref<4x128x128xf32, #tpu.memory_space<vmem>> -> memref<1x128x128xf32, #tpu.memory_space<vmem>>
        %parallel_loop3A_656 = tpu.memref_squeeze %parallel_loop3A_655 : memref<1x128x128xf32, #tpu.memory_space<vmem>> -> memref<128x128xf32, #tpu.memory_space<vmem>>
        %parallel_loop3A_657 = tpu.vector_load_idx %parallel_loop3A_656[%parallel_loop3A_640, %parallel_loop3A_652] : memref<128x128xf32, #tpu.memory_space<vmem>>[vector<16xi32>, vector<16xi32>], vector<16xf32>,
        %parallel_loop3A_658 = arith.constant 16 : i32
        %parallel_loop3A_659 = arith.muli %parallel_loop3A_636, %parallel_loop3A_658 : i32
        %parallel_loop3A_660 = arith.index_cast %parallel_loop3A_650 : i32 to index
        %parallel_loop3A_661 = arith.index_cast %parallel_loop3A_659 : i32 to index
        %parallel_loop3A_662 = tpu.vector_load %arg16[%parallel_loop3A_660, %parallel_loop3A_661] {strides = array<i32>} : memref<64x128xf32, #tpu.memory_space<vmem>>, vector<16xf32>,
        tpu.vector_store %arg16[%parallel_loop3A_660, %parallel_loop3A_661], %parallel_loop3A_657 {add = true, strides = array<i32>} : memref<64x128xf32, #tpu.memory_space<vmem>>, vector<16xf32>,
      } {sc.loop_unroll_factor = 8 : i64, sc.parallel_access}
    } {sc.loop_unroll_factor = 1 : i64, sc.parallel_access}
    %dma_start3A_442 = arith.constant 15 : i32
    %dma_start3A_443 = arith.constant 3 : i32
    %dma_start3A_444 = arith.constant 0 : i32
    %dma_start3A_445 = arith.constant 0 : i32
    %dma_start3A_446 = tpu.memref_slice %arg14[%dma_start3A_443, %dma_start3A_444, %dma_start3A_445] : memref<4x128x128xf32, #tpu.memory_space<vmem>> -> memref<1x128x128xf32, #tpu.memory_space<vmem>>
    %dma_start3A_447 = tpu.memref_squeeze %dma_start3A_446 : memref<1x128x128xf32, #tpu.memory_space<vmem>> -> memref<128x128xf32, #tpu.memory_space<vmem>>
    %dma_start3A_448 = arith.constant 0 : i32
    %dma_start3A_449 = tpu.memref_slice %arg11[%dma_start3A_442, %dma_start3A_448] : memref<20x128xi32, #tpu.memory_space<vmem>> -> memref<1x128xi32, #tpu.memory_space<vmem>>
    %dma_start3A_450 = tpu.memref_squeeze %dma_start3A_449 : memref<1x128xi32, #tpu.memory_space<vmem>> -> memref<128xi32, #tpu.memory_space<vmem>>
    %dma_start3A_451 = arith.constant 0 : i32
    %dma_start3A_452 = arith.constant 0 : i32
    %dma_start3A_453 = tpu.memref_slice %arg5[%dma_start3A_451, %dma_start3A_452] : memref<50000x128xf32, #tpu.memory_space<hbm>> -> memref<50000x128xf32, #tpu.memory_space<hbm>>
    tpu.enqueue_indirect_dma source(%dma_start3A_453 : memref<50000x128xf32, #tpu.memory_space<hbm>>) target(%dma_start3A_447 : memref<128x128xf32, #tpu.memory_space<vmem>>) offsets(%dma_start3A_450 : memref<128xi32, #tpu.memory_space<vmem>>) semaphore(%arg21 : memref<!tpu.dma_semaphore, #tpu.memory_space<semaphore_mem>>)
    %dma_wait3A_454 = arith.constant 12 : i32
    %dma_wait3A_455 = arith.constant 0 : i32
    %dma_wait3A_456 = arith.constant 0 : i32
    %dma_wait3A_457 = arith.constant 0 : i32
    %dma_wait3A_458 = tpu.memref_slice %arg14[%dma_wait3A_455, %dma_wait3A_456, %dma_wait3A_457] : memref<4x128x128xf32, #tpu.memory_space<vmem>> -> memref<1x128x128xf32, #tpu.memory_space<vmem>>
    %dma_wait3A_459 = tpu.memref_squeeze %dma_wait3A_458 : memref<1x128x128xf32, #tpu.memory_space<vmem>> -> memref<128x128xf32, #tpu.memory_space<vmem>>
    %dma_wait3A_460 = arith.constant 0 : i32
    %dma_wait3A_461 = tpu.memref_slice %arg11[%dma_wait3A_454, %dma_wait3A_460] : memref<20x128xi32, #tpu.memory_space<vmem>> -> memref<1x128xi32, #tpu.memory_space<vmem>>
    %dma_wait3A_462 = tpu.memref_squeeze %dma_wait3A_461 : memref<1x128xi32, #tpu.memory_space<vmem>> -> memref<128xi32, #tpu.memory_space<vmem>>
    %dma_wait3A_463 = arith.constant 0 : i32
    %dma_wait3A_464 = arith.constant 0 : i32
    %dma_wait3A_465 = tpu.memref_slice %arg5[%dma_wait3A_463, %dma_wait3A_464] : memref<50000x128xf32, #tpu.memory_space<hbm>> -> memref<50000x128xf32, #tpu.memory_space<hbm>>
    tpu.wait_indirect_dma semaphore(%arg18 : memref<!tpu.dma_semaphore, #tpu.memory_space<semaphore_mem>>) src(%dma_wait3A_465 : memref<50000x128xf32, #tpu.memory_space<hbm>>) dst(%dma_wait3A_459 : memref<128x128xf32, #tpu.memory_space<vmem>>)
    %parallel_loop3A_466 = arith.constant 0 : i32
    %parallel_loop3A_467 = arith.constant 8 : i32
    %parallel_loop3A_468 = arith.constant 1 : i32
    %parallel_loop3A_469 = arith.constant 0 : i32
    scf.for %parallel_loop3A_636 = %parallel_loop3A_466 to %parallel_loop3A_467 step %parallel_loop3A_468  : i32 {
      %parallel_loop3A_637 = arith.constant 16 : i32
      %parallel_loop3A_638 = arith.muli %parallel_loop3A_636, %parallel_loop3A_637 : i32
      %parallel_loop3A_639 = vector.broadcast %parallel_loop3A_638 : i32 to vector<16xi32>
      %parallel_loop3A_640 = arith.addi %iota3A, %parallel_loop3A_639 : vector<16xi32>
      %parallel_loop3A_641 = arith.constant 16 : i32
      %parallel_loop3A_642 = arith.muli %parallel_loop3A_636, %parallel_loop3A_641 : i32
      %parallel_loop3A_643 = arith.constant 12 : i32
      %parallel_loop3A_644 = arith.index_cast %parallel_loop3A_643 : i32 to index
      %parallel_loop3A_645 = arith.index_cast %parallel_loop3A_642 : i32 to index
      %parallel_loop3A_646 = tpu.vector_load %arg12[%parallel_loop3A_644, %parallel_loop3A_645] {strides = array<i32>} : memref<20x128xi32, #tpu.memory_space<vmem>>, vector<16xi32>,
      %parallel_loop3A_647 = arith.constant 0 : i32
      %parallel_loop3A_648 = arith.constant 64 : i32
      %parallel_loop3A_649 = arith.constant 1 : i32
      scf.for %parallel_loop3A_650 = %parallel_loop3A_647 to %parallel_loop3A_648 step %parallel_loop3A_649  : i32 {
        %parallel_loop3A_651 = vector.broadcast %parallel_loop3A_650 : i32 to vector<16xi32>
        %parallel_loop3A_652 = arith.addi %parallel_loop3A_646, %parallel_loop3A_651 : vector<16xi32>
        %parallel_loop3A_653 = arith.constant 0 : i32
        %parallel_loop3A_654 = arith.constant 0 : i32
        %parallel_loop3A_655 = tpu.memref_slice %arg14[%parallel_loop3A_469, %parallel_loop3A_653, %parallel_loop3A_654] : memref<4x128x128xf32, #tpu.memory_space<vmem>> -> memref<1x128x128xf32, #tpu.memory_space<vmem>>
        %parallel_loop3A_656 = tpu.memref_squeeze %parallel_loop3A_655 : memref<1x128x128xf32, #tpu.memory_space<vmem>> -> memref<128x128xf32, #tpu.memory_space<vmem>>
        %parallel_loop3A_657 = tpu.vector_load_idx %parallel_loop3A_656[%parallel_loop3A_640, %parallel_loop3A_652] : memref<128x128xf32, #tpu.memory_space<vmem>>[vector<16xi32>, vector<16xi32>], vector<16xf32>,
        %parallel_loop3A_658 = arith.constant 16 : i32
        %parallel_loop3A_659 = arith.muli %parallel_loop3A_636, %parallel_loop3A_658 : i32
        %parallel_loop3A_660 = arith.index_cast %parallel_loop3A_650 : i32 to index
        %parallel_loop3A_661 = arith.index_cast %parallel_loop3A_659 : i32 to index
        %parallel_loop3A_662 = tpu.vector_load %arg16[%parallel_loop3A_660, %parallel_loop3A_661] {strides = array<i32>} : memref<64x128xf32, #tpu.memory_space<vmem>>, vector<16xf32>,
        tpu.vector_store %arg16[%parallel_loop3A_660, %parallel_loop3A_661], %parallel_loop3A_657 {add = true, strides = array<i32>} : memref<64x128xf32, #tpu.memory_space<vmem>>, vector<16xf32>,
      } {sc.loop_unroll_factor = 8 : i64, sc.parallel_access}
    } {sc.loop_unroll_factor = 1 : i64, sc.parallel_access}
    %dma_start3A_470 = arith.constant 16 : i32
    %dma_start3A_471 = arith.constant 0 : i32
    %dma_start3A_472 = arith.constant 0 : i32
    %dma_start3A_473 = arith.constant 0 : i32
    %dma_start3A_474 = tpu.memref_slice %arg14[%dma_start3A_471, %dma_start3A_472, %dma_start3A_473] : memref<4x128x128xf32, #tpu.memory_space<vmem>> -> memref<1x128x128xf32, #tpu.memory_space<vmem>>
    %dma_start3A_475 = tpu.memref_squeeze %dma_start3A_474 : memref<1x128x128xf32, #tpu.memory_space<vmem>> -> memref<128x128xf32, #tpu.memory_space<vmem>>
    %dma_start3A_476 = arith.constant 0 : i32
    %dma_start3A_477 = tpu.memref_slice %arg11[%dma_start3A_470, %dma_start3A_476] : memref<20x128xi32, #tpu.memory_space<vmem>> -> memref<1x128xi32, #tpu.memory_space<vmem>>
    %dma_start3A_478 = tpu.memref_squeeze %dma_start3A_477 : memref<1x128xi32, #tpu.memory_space<vmem>> -> memref<128xi32, #tpu.memory_space<vmem>>
    %dma_start3A_479 = arith.constant 0 : i32
    %dma_start3A_480 = arith.constant 0 : i32
    %dma_start3A_481 = tpu.memref_slice %arg5[%dma_start3A_479, %dma_start3A_480] : memref<50000x128xf32, #tpu.memory_space<hbm>> -> memref<50000x128xf32, #tpu.memory_space<hbm>>
    tpu.enqueue_indirect_dma source(%dma_start3A_481 : memref<50000x128xf32, #tpu.memory_space<hbm>>) target(%dma_start3A_475 : memref<128x128xf32, #tpu.memory_space<vmem>>) offsets(%dma_start3A_478 : memref<128xi32, #tpu.memory_space<vmem>>) semaphore(%arg18 : memref<!tpu.dma_semaphore, #tpu.memory_space<semaphore_mem>>)
    %dma_wait3A_482 = arith.constant 13 : i32
    %dma_wait3A_483 = arith.constant 1 : i32
    %dma_wait3A_484 = arith.constant 0 : i32
    %dma_wait3A_485 = arith.constant 0 : i32
    %dma_wait3A_486 = tpu.memref_slice %arg14[%dma_wait3A_483, %dma_wait3A_484, %dma_wait3A_485] : memref<4x128x128xf32, #tpu.memory_space<vmem>> -> memref<1x128x128xf32, #tpu.memory_space<vmem>>
    %dma_wait3A_487 = tpu.memref_squeeze %dma_wait3A_486 : memref<1x128x128xf32, #tpu.memory_space<vmem>> -> memref<128x128xf32, #tpu.memory_space<vmem>>
    %dma_wait3A_488 = arith.constant 0 : i32
    %dma_wait3A_489 = tpu.memref_slice %arg11[%dma_wait3A_482, %dma_wait3A_488] : memref<20x128xi32, #tpu.memory_space<vmem>> -> memref<1x128xi32, #tpu.memory_space<vmem>>
    %dma_wait3A_490 = tpu.memref_squeeze %dma_wait3A_489 : memref<1x128xi32, #tpu.memory_space<vmem>> -> memref<128xi32, #tpu.memory_space<vmem>>
    %dma_wait3A_491 = arith.constant 0 : i32
    %dma_wait3A_492 = arith.constant 0 : i32
    %dma_wait3A_493 = tpu.memref_slice %arg5[%dma_wait3A_491, %dma_wait3A_492] : memref<50000x128xf32, #tpu.memory_space<hbm>> -> memref<50000x128xf32, #tpu.memory_space<hbm>>
    tpu.wait_indirect_dma semaphore(%arg19 : memref<!tpu.dma_semaphore, #tpu.memory_space<semaphore_mem>>) src(%dma_wait3A_493 : memref<50000x128xf32, #tpu.memory_space<hbm>>) dst(%dma_wait3A_487 : memref<128x128xf32, #tpu.memory_space<vmem>>)
    %parallel_loop3A_494 = arith.constant 0 : i32
    %parallel_loop3A_495 = arith.constant 8 : i32
    %parallel_loop3A_496 = arith.constant 1 : i32
    %parallel_loop3A_497 = arith.constant 1 : i32
    scf.for %parallel_loop3A_636 = %parallel_loop3A_494 to %parallel_loop3A_495 step %parallel_loop3A_496  : i32 {
      %parallel_loop3A_637 = arith.constant 16 : i32
      %parallel_loop3A_638 = arith.muli %parallel_loop3A_636, %parallel_loop3A_637 : i32
      %parallel_loop3A_639 = vector.broadcast %parallel_loop3A_638 : i32 to vector<16xi32>
      %parallel_loop3A_640 = arith.addi %iota3A, %parallel_loop3A_639 : vector<16xi32>
      %parallel_loop3A_641 = arith.constant 16 : i32
      %parallel_loop3A_642 = arith.muli %parallel_loop3A_636, %parallel_loop3A_641 : i32
      %parallel_loop3A_643 = arith.constant 13 : i32
      %parallel_loop3A_644 = arith.index_cast %parallel_loop3A_643 : i32 to index
      %parallel_loop3A_645 = arith.index_cast %parallel_loop3A_642 : i32 to index
      %parallel_loop3A_646 = tpu.vector_load %arg12[%parallel_loop3A_644, %parallel_loop3A_645] {strides = array<i32>} : memref<20x128xi32, #tpu.memory_space<vmem>>, vector<16xi32>,
      %parallel_loop3A_647 = arith.constant 0 : i32
      %parallel_loop3A_648 = arith.constant 64 : i32
      %parallel_loop3A_649 = arith.constant 1 : i32
      scf.for %parallel_loop3A_650 = %parallel_loop3A_647 to %parallel_loop3A_648 step %parallel_loop3A_649  : i32 {
        %parallel_loop3A_651 = vector.broadcast %parallel_loop3A_650 : i32 to vector<16xi32>
        %parallel_loop3A_652 = arith.addi %parallel_loop3A_646, %parallel_loop3A_651 : vector<16xi32>
        %parallel_loop3A_653 = arith.constant 0 : i32
        %parallel_loop3A_654 = arith.constant 0 : i32
        %parallel_loop3A_655 = tpu.memref_slice %arg14[%parallel_loop3A_497, %parallel_loop3A_653, %parallel_loop3A_654] : memref<4x128x128xf32, #tpu.memory_space<vmem>> -> memref<1x128x128xf32, #tpu.memory_space<vmem>>
        %parallel_loop3A_656 = tpu.memref_squeeze %parallel_loop3A_655 : memref<1x128x128xf32, #tpu.memory_space<vmem>> -> memref<128x128xf32, #tpu.memory_space<vmem>>
        %parallel_loop3A_657 = tpu.vector_load_idx %parallel_loop3A_656[%parallel_loop3A_640, %parallel_loop3A_652] : memref<128x128xf32, #tpu.memory_space<vmem>>[vector<16xi32>, vector<16xi32>], vector<16xf32>,
        %parallel_loop3A_658 = arith.constant 16 : i32
        %parallel_loop3A_659 = arith.muli %parallel_loop3A_636, %parallel_loop3A_658 : i32
        %parallel_loop3A_660 = arith.index_cast %parallel_loop3A_650 : i32 to index
        %parallel_loop3A_661 = arith.index_cast %parallel_loop3A_659 : i32 to index
        %parallel_loop3A_662 = tpu.vector_load %arg16[%parallel_loop3A_660, %parallel_loop3A_661] {strides = array<i32>} : memref<64x128xf32, #tpu.memory_space<vmem>>, vector<16xf32>,
        tpu.vector_store %arg16[%parallel_loop3A_660, %parallel_loop3A_661], %parallel_loop3A_657 {add = true, strides = array<i32>} : memref<64x128xf32, #tpu.memory_space<vmem>>, vector<16xf32>,
      } {sc.loop_unroll_factor = 8 : i64, sc.parallel_access}
    } {sc.loop_unroll_factor = 1 : i64, sc.parallel_access}
    %dma_start3A_498 = arith.constant 17 : i32
    %dma_start3A_499 = arith.constant 1 : i32
    %dma_start3A_500 = arith.constant 0 : i32
    %dma_start3A_501 = arith.constant 0 : i32
    %dma_start3A_502 = tpu.memref_slice %arg14[%dma_start3A_499, %dma_start3A_500, %dma_start3A_501] : memref<4x128x128xf32, #tpu.memory_space<vmem>> -> memref<1x128x128xf32, #tpu.memory_space<vmem>>
    %dma_start3A_503 = tpu.memref_squeeze %dma_start3A_502 : memref<1x128x128xf32, #tpu.memory_space<vmem>> -> memref<128x128xf32, #tpu.memory_space<vmem>>
    %dma_start3A_504 = arith.constant 0 : i32
    %dma_start3A_505 = tpu.memref_slice %arg11[%dma_start3A_498, %dma_start3A_504] : memref<20x128xi32, #tpu.memory_space<vmem>> -> memref<1x128xi32, #tpu.memory_space<vmem>>
    %dma_start3A_506 = tpu.memref_squeeze %dma_start3A_505 : memref<1x128xi32, #tpu.memory_space<vmem>> -> memref<128xi32, #tpu.memory_space<vmem>>
    %dma_start3A_507 = arith.constant 0 : i32
    %dma_start3A_508 = arith.constant 0 : i32
    %dma_start3A_509 = tpu.memref_slice %arg5[%dma_start3A_507, %dma_start3A_508] : memref<50000x128xf32, #tpu.memory_space<hbm>> -> memref<50000x128xf32, #tpu.memory_space<hbm>>
    tpu.enqueue_indirect_dma source(%dma_start3A_509 : memref<50000x128xf32, #tpu.memory_space<hbm>>) target(%dma_start3A_503 : memref<128x128xf32, #tpu.memory_space<vmem>>) offsets(%dma_start3A_506 : memref<128xi32, #tpu.memory_space<vmem>>) semaphore(%arg19 : memref<!tpu.dma_semaphore, #tpu.memory_space<semaphore_mem>>)
    %dma_wait3A_510 = arith.constant 14 : i32
    %dma_wait3A_511 = arith.constant 2 : i32
    %dma_wait3A_512 = arith.constant 0 : i32
    %dma_wait3A_513 = arith.constant 0 : i32
    %dma_wait3A_514 = tpu.memref_slice %arg14[%dma_wait3A_511, %dma_wait3A_512, %dma_wait3A_513] : memref<4x128x128xf32, #tpu.memory_space<vmem>> -> memref<1x128x128xf32, #tpu.memory_space<vmem>>
    %dma_wait3A_515 = tpu.memref_squeeze %dma_wait3A_514 : memref<1x128x128xf32, #tpu.memory_space<vmem>> -> memref<128x128xf32, #tpu.memory_space<vmem>>
    %dma_wait3A_516 = arith.constant 0 : i32
    %dma_wait3A_517 = tpu.memref_slice %arg11[%dma_wait3A_510, %dma_wait3A_516] : memref<20x128xi32, #tpu.memory_space<vmem>> -> memref<1x128xi32, #tpu.memory_space<vmem>>
    %dma_wait3A_518 = tpu.memref_squeeze %dma_wait3A_517 : memref<1x128xi32, #tpu.memory_space<vmem>> -> memref<128xi32, #tpu.memory_space<vmem>>
    %dma_wait3A_519 = arith.constant 0 : i32
    %dma_wait3A_520 = arith.constant 0 : i32
    %dma_wait3A_521 = tpu.memref_slice %arg5[%dma_wait3A_519, %dma_wait3A_520] : memref<50000x128xf32, #tpu.memory_space<hbm>> -> memref<50000x128xf32, #tpu.memory_space<hbm>>
    tpu.wait_indirect_dma semaphore(%arg20 : memref<!tpu.dma_semaphore, #tpu.memory_space<semaphore_mem>>) src(%dma_wait3A_521 : memref<50000x128xf32, #tpu.memory_space<hbm>>) dst(%dma_wait3A_515 : memref<128x128xf32, #tpu.memory_space<vmem>>)
    %parallel_loop3A_522 = arith.constant 0 : i32
    %parallel_loop3A_523 = arith.constant 8 : i32
    %parallel_loop3A_524 = arith.constant 1 : i32
    %parallel_loop3A_525 = arith.constant 2 : i32
    scf.for %parallel_loop3A_636 = %parallel_loop3A_522 to %parallel_loop3A_523 step %parallel_loop3A_524  : i32 {
      %parallel_loop3A_637 = arith.constant 16 : i32
      %parallel_loop3A_638 = arith.muli %parallel_loop3A_636, %parallel_loop3A_637 : i32
      %parallel_loop3A_639 = vector.broadcast %parallel_loop3A_638 : i32 to vector<16xi32>
      %parallel_loop3A_640 = arith.addi %iota3A, %parallel_loop3A_639 : vector<16xi32>
      %parallel_loop3A_641 = arith.constant 16 : i32
      %parallel_loop3A_642 = arith.muli %parallel_loop3A_636, %parallel_loop3A_641 : i32
      %parallel_loop3A_643 = arith.constant 14 : i32
      %parallel_loop3A_644 = arith.index_cast %parallel_loop3A_643 : i32 to index
      %parallel_loop3A_645 = arith.index_cast %parallel_loop3A_642 : i32 to index
      %parallel_loop3A_646 = tpu.vector_load %arg12[%parallel_loop3A_644, %parallel_loop3A_645] {strides = array<i32>} : memref<20x128xi32, #tpu.memory_space<vmem>>, vector<16xi32>,
      %parallel_loop3A_647 = arith.constant 0 : i32
      %parallel_loop3A_648 = arith.constant 64 : i32
      %parallel_loop3A_649 = arith.constant 1 : i32
      scf.for %parallel_loop3A_650 = %parallel_loop3A_647 to %parallel_loop3A_648 step %parallel_loop3A_649  : i32 {
        %parallel_loop3A_651 = vector.broadcast %parallel_loop3A_650 : i32 to vector<16xi32>
        %parallel_loop3A_652 = arith.addi %parallel_loop3A_646, %parallel_loop3A_651 : vector<16xi32>
        %parallel_loop3A_653 = arith.constant 0 : i32
        %parallel_loop3A_654 = arith.constant 0 : i32
        %parallel_loop3A_655 = tpu.memref_slice %arg14[%parallel_loop3A_525, %parallel_loop3A_653, %parallel_loop3A_654] : memref<4x128x128xf32, #tpu.memory_space<vmem>> -> memref<1x128x128xf32, #tpu.memory_space<vmem>>
        %parallel_loop3A_656 = tpu.memref_squeeze %parallel_loop3A_655 : memref<1x128x128xf32, #tpu.memory_space<vmem>> -> memref<128x128xf32, #tpu.memory_space<vmem>>
        %parallel_loop3A_657 = tpu.vector_load_idx %parallel_loop3A_656[%parallel_loop3A_640, %parallel_loop3A_652] : memref<128x128xf32, #tpu.memory_space<vmem>>[vector<16xi32>, vector<16xi32>], vector<16xf32>,
        %parallel_loop3A_658 = arith.constant 16 : i32
        %parallel_loop3A_659 = arith.muli %parallel_loop3A_636, %parallel_loop3A_658 : i32
        %parallel_loop3A_660 = arith.index_cast %parallel_loop3A_650 : i32 to index
        %parallel_loop3A_661 = arith.index_cast %parallel_loop3A_659 : i32 to index
        %parallel_loop3A_662 = tpu.vector_load %arg16[%parallel_loop3A_660, %parallel_loop3A_661] {strides = array<i32>} : memref<64x128xf32, #tpu.memory_space<vmem>>, vector<16xf32>,
        tpu.vector_store %arg16[%parallel_loop3A_660, %parallel_loop3A_661], %parallel_loop3A_657 {add = true, strides = array<i32>} : memref<64x128xf32, #tpu.memory_space<vmem>>, vector<16xf32>,
      } {sc.loop_unroll_factor = 8 : i64, sc.parallel_access}
    } {sc.loop_unroll_factor = 1 : i64, sc.parallel_access}
    %dma_start3A_526 = arith.constant 18 : i32
    %dma_start3A_527 = arith.constant 2 : i32
    %dma_start3A_528 = arith.constant 0 : i32
    %dma_start3A_529 = arith.constant 0 : i32
    %dma_start3A_530 = tpu.memref_slice %arg14[%dma_start3A_527, %dma_start3A_528, %dma_start3A_529] : memref<4x128x128xf32, #tpu.memory_space<vmem>> -> memref<1x128x128xf32, #tpu.memory_space<vmem>>
    %dma_start3A_531 = tpu.memref_squeeze %dma_start3A_530 : memref<1x128x128xf32, #tpu.memory_space<vmem>> -> memref<128x128xf32, #tpu.memory_space<vmem>>
    %dma_start3A_532 = arith.constant 0 : i32
    %dma_start3A_533 = tpu.memref_slice %arg11[%dma_start3A_526, %dma_start3A_532] : memref<20x128xi32, #tpu.memory_space<vmem>> -> memref<1x128xi32, #tpu.memory_space<vmem>>
    %dma_start3A_534 = tpu.memref_squeeze %dma_start3A_533 : memref<1x128xi32, #tpu.memory_space<vmem>> -> memref<128xi32, #tpu.memory_space<vmem>>
    %dma_start3A_535 = arith.constant 0 : i32
    %dma_start3A_536 = arith.constant 0 : i32
    %dma_start3A_537 = tpu.memref_slice %arg5[%dma_start3A_535, %dma_start3A_536] : memref<50000x128xf32, #tpu.memory_space<hbm>> -> memref<50000x128xf32, #tpu.memory_space<hbm>>
    tpu.enqueue_indirect_dma source(%dma_start3A_537 : memref<50000x128xf32, #tpu.memory_space<hbm>>) target(%dma_start3A_531 : memref<128x128xf32, #tpu.memory_space<vmem>>) offsets(%dma_start3A_534 : memref<128xi32, #tpu.memory_space<vmem>>) semaphore(%arg20 : memref<!tpu.dma_semaphore, #tpu.memory_space<semaphore_mem>>)
    %dma_wait3A_538 = arith.constant 15 : i32
    %dma_wait3A_539 = arith.constant 3 : i32
    %dma_wait3A_540 = arith.constant 0 : i32
    %dma_wait3A_541 = arith.constant 0 : i32
    %dma_wait3A_542 = tpu.memref_slice %arg14[%dma_wait3A_539, %dma_wait3A_540, %dma_wait3A_541] : memref<4x128x128xf32, #tpu.memory_space<vmem>> -> memref<1x128x128xf32, #tpu.memory_space<vmem>>
    %dma_wait3A_543 = tpu.memref_squeeze %dma_wait3A_542 : memref<1x128x128xf32, #tpu.memory_space<vmem>> -> memref<128x128xf32, #tpu.memory_space<vmem>>
    %dma_wait3A_544 = arith.constant 0 : i32
    %dma_wait3A_545 = tpu.memref_slice %arg11[%dma_wait3A_538, %dma_wait3A_544] : memref<20x128xi32, #tpu.memory_space<vmem>> -> memref<1x128xi32, #tpu.memory_space<vmem>>
    %dma_wait3A_546 = tpu.memref_squeeze %dma_wait3A_545 : memref<1x128xi32, #tpu.memory_space<vmem>> -> memref<128xi32, #tpu.memory_space<vmem>>
    %dma_wait3A_547 = arith.constant 0 : i32
    %dma_wait3A_548 = arith.constant 0 : i32
    %dma_wait3A_549 = tpu.memref_slice %arg5[%dma_wait3A_547, %dma_wait3A_548] : memref<50000x128xf32, #tpu.memory_space<hbm>> -> memref<50000x128xf32, #tpu.memory_space<hbm>>
    tpu.wait_indirect_dma semaphore(%arg21 : memref<!tpu.dma_semaphore, #tpu.memory_space<semaphore_mem>>) src(%dma_wait3A_549 : memref<50000x128xf32, #tpu.memory_space<hbm>>) dst(%dma_wait3A_543 : memref<128x128xf32, #tpu.memory_space<vmem>>)
    %parallel_loop3A_550 = arith.constant 0 : i32
    %parallel_loop3A_551 = arith.constant 8 : i32
    %parallel_loop3A_552 = arith.constant 1 : i32
    %parallel_loop3A_553 = arith.constant 3 : i32
    scf.for %parallel_loop3A_636 = %parallel_loop3A_550 to %parallel_loop3A_551 step %parallel_loop3A_552  : i32 {
      %parallel_loop3A_637 = arith.constant 16 : i32
      %parallel_loop3A_638 = arith.muli %parallel_loop3A_636, %parallel_loop3A_637 : i32
      %parallel_loop3A_639 = vector.broadcast %parallel_loop3A_638 : i32 to vector<16xi32>
      %parallel_loop3A_640 = arith.addi %iota3A, %parallel_loop3A_639 : vector<16xi32>
      %parallel_loop3A_641 = arith.constant 16 : i32
      %parallel_loop3A_642 = arith.muli %parallel_loop3A_636, %parallel_loop3A_641 : i32
      %parallel_loop3A_643 = arith.constant 15 : i32
      %parallel_loop3A_644 = arith.index_cast %parallel_loop3A_643 : i32 to index
      %parallel_loop3A_645 = arith.index_cast %parallel_loop3A_642 : i32 to index
      %parallel_loop3A_646 = tpu.vector_load %arg12[%parallel_loop3A_644, %parallel_loop3A_645] {strides = array<i32>} : memref<20x128xi32, #tpu.memory_space<vmem>>, vector<16xi32>,
      %parallel_loop3A_647 = arith.constant 0 : i32
      %parallel_loop3A_648 = arith.constant 64 : i32
      %parallel_loop3A_649 = arith.constant 1 : i32
      scf.for %parallel_loop3A_650 = %parallel_loop3A_647 to %parallel_loop3A_648 step %parallel_loop3A_649  : i32 {
        %parallel_loop3A_651 = vector.broadcast %parallel_loop3A_650 : i32 to vector<16xi32>
        %parallel_loop3A_652 = arith.addi %parallel_loop3A_646, %parallel_loop3A_651 : vector<16xi32>
        %parallel_loop3A_653 = arith.constant 0 : i32
        %parallel_loop3A_654 = arith.constant 0 : i32
        %parallel_loop3A_655 = tpu.memref_slice %arg14[%parallel_loop3A_553, %parallel_loop3A_653, %parallel_loop3A_654] : memref<4x128x128xf32, #tpu.memory_space<vmem>> -> memref<1x128x128xf32, #tpu.memory_space<vmem>>
        %parallel_loop3A_656 = tpu.memref_squeeze %parallel_loop3A_655 : memref<1x128x128xf32, #tpu.memory_space<vmem>> -> memref<128x128xf32, #tpu.memory_space<vmem>>
        %parallel_loop3A_657 = tpu.vector_load_idx %parallel_loop3A_656[%parallel_loop3A_640, %parallel_loop3A_652] : memref<128x128xf32, #tpu.memory_space<vmem>>[vector<16xi32>, vector<16xi32>], vector<16xf32>,
        %parallel_loop3A_658 = arith.constant 16 : i32
        %parallel_loop3A_659 = arith.muli %parallel_loop3A_636, %parallel_loop3A_658 : i32
        %parallel_loop3A_660 = arith.index_cast %parallel_loop3A_650 : i32 to index
        %parallel_loop3A_661 = arith.index_cast %parallel_loop3A_659 : i32 to index
        %parallel_loop3A_662 = tpu.vector_load %arg16[%parallel_loop3A_660, %parallel_loop3A_661] {strides = array<i32>} : memref<64x128xf32, #tpu.memory_space<vmem>>, vector<16xf32>,
        tpu.vector_store %arg16[%parallel_loop3A_660, %parallel_loop3A_661], %parallel_loop3A_657 {add = true, strides = array<i32>} : memref<64x128xf32, #tpu.memory_space<vmem>>, vector<16xf32>,
      } {sc.loop_unroll_factor = 8 : i64, sc.parallel_access}
    } {sc.loop_unroll_factor = 1 : i64, sc.parallel_access}
    %dma_start3A_554 = arith.constant 19 : i32
    %dma_start3A_555 = arith.constant 3 : i32
    %dma_start3A_556 = arith.constant 0 : i32
    %dma_start3A_557 = arith.constant 0 : i32
    %dma_start3A_558 = tpu.memref_slice %arg14[%dma_start3A_555, %dma_start3A_556, %dma_start3A_557] : memref<4x128x128xf32, #tpu.memory_space<vmem>> -> memref<1x128x128xf32, #tpu.memory_space<vmem>>
    %dma_start3A_559 = tpu.memref_squeeze %dma_start3A_558 : memref<1x128x128xf32, #tpu.memory_space<vmem>> -> memref<128x128xf32, #tpu.memory_space<vmem>>
    %dma_start3A_560 = arith.constant 0 : i32
    %dma_start3A_561 = tpu.memref_slice %arg11[%dma_start3A_554, %dma_start3A_560] : memref<20x128xi32, #tpu.memory_space<vmem>> -> memref<1x128xi32, #tpu.memory_space<vmem>>
    %dma_start3A_562 = tpu.memref_squeeze %dma_start3A_561 : memref<1x128xi32, #tpu.memory_space<vmem>> -> memref<128xi32, #tpu.memory_space<vmem>>
    %dma_start3A_563 = arith.constant 0 : i32
    %dma_start3A_564 = arith.constant 0 : i32
    %dma_start3A_565 = tpu.memref_slice %arg5[%dma_start3A_563, %dma_start3A_564] : memref<50000x128xf32, #tpu.memory_space<hbm>> -> memref<50000x128xf32, #tpu.memory_space<hbm>>
    tpu.enqueue_indirect_dma source(%dma_start3A_565 : memref<50000x128xf32, #tpu.memory_space<hbm>>) target(%dma_start3A_559 : memref<128x128xf32, #tpu.memory_space<vmem>>) offsets(%dma_start3A_562 : memref<128xi32, #tpu.memory_space<vmem>>) semaphore(%arg21 : memref<!tpu.dma_semaphore, #tpu.memory_space<semaphore_mem>>)
    %dma_wait3A_566 = arith.constant 16 : i32
    %dma_wait3A_567 = arith.constant 0 : i32
    %dma_wait3A_568 = arith.constant 0 : i32
    %dma_wait3A_569 = arith.constant 0 : i32
    %dma_wait3A_570 = tpu.memref_slice %arg14[%dma_wait3A_567, %dma_wait3A_568, %dma_wait3A_569] : memref<4x128x128xf32, #tpu.memory_space<vmem>> -> memref<1x128x128xf32, #tpu.memory_space<vmem>>
    %dma_wait3A_571 = tpu.memref_squeeze %dma_wait3A_570 : memref<1x128x128xf32, #tpu.memory_space<vmem>> -> memref<128x128xf32, #tpu.memory_space<vmem>>
    %dma_wait3A_572 = arith.constant 0 : i32
    %dma_wait3A_573 = tpu.memref_slice %arg11[%dma_wait3A_566, %dma_wait3A_572] : memref<20x128xi32, #tpu.memory_space<vmem>> -> memref<1x128xi32, #tpu.memory_space<vmem>>
    %dma_wait3A_574 = tpu.memref_squeeze %dma_wait3A_573 : memref<1x128xi32, #tpu.memory_space<vmem>> -> memref<128xi32, #tpu.memory_space<vmem>>
    %dma_wait3A_575 = arith.constant 0 : i32
    %dma_wait3A_576 = arith.constant 0 : i32
    %dma_wait3A_577 = tpu.memref_slice %arg5[%dma_wait3A_575, %dma_wait3A_576] : memref<50000x128xf32, #tpu.memory_space<hbm>> -> memref<50000x128xf32, #tpu.memory_space<hbm>>
    tpu.wait_indirect_dma semaphore(%arg18 : memref<!tpu.dma_semaphore, #tpu.memory_space<semaphore_mem>>) src(%dma_wait3A_577 : memref<50000x128xf32, #tpu.memory_space<hbm>>) dst(%dma_wait3A_571 : memref<128x128xf32, #tpu.memory_space<vmem>>)
    %parallel_loop3A_578 = arith.constant 0 : i32
    %parallel_loop3A_579 = arith.constant 8 : i32
    %parallel_loop3A_580 = arith.constant 1 : i32
    %parallel_loop3A_581 = arith.constant 0 : i32
    scf.for %parallel_loop3A_636 = %parallel_loop3A_578 to %parallel_loop3A_579 step %parallel_loop3A_580  : i32 {
      %parallel_loop3A_637 = arith.constant 16 : i32
      %parallel_loop3A_638 = arith.muli %parallel_loop3A_636, %parallel_loop3A_637 : i32
      %parallel_loop3A_639 = vector.broadcast %parallel_loop3A_638 : i32 to vector<16xi32>
      %parallel_loop3A_640 = arith.addi %iota3A, %parallel_loop3A_639 : vector<16xi32>
      %parallel_loop3A_641 = arith.constant 16 : i32
      %parallel_loop3A_642 = arith.muli %parallel_loop3A_636, %parallel_loop3A_641 : i32
      %parallel_loop3A_643 = arith.constant 16 : i32
      %parallel_loop3A_644 = arith.index_cast %parallel_loop3A_643 : i32 to index
      %parallel_loop3A_645 = arith.index_cast %parallel_loop3A_642 : i32 to index
      %parallel_loop3A_646 = tpu.vector_load %arg12[%parallel_loop3A_644, %parallel_loop3A_645] {strides = array<i32>} : memref<20x128xi32, #tpu.memory_space<vmem>>, vector<16xi32>,
      %parallel_loop3A_647 = arith.constant 0 : i32
      %parallel_loop3A_648 = arith.constant 64 : i32
      %parallel_loop3A_649 = arith.constant 1 : i32
      scf.for %parallel_loop3A_650 = %parallel_loop3A_647 to %parallel_loop3A_648 step %parallel_loop3A_649  : i32 {
        %parallel_loop3A_651 = vector.broadcast %parallel_loop3A_650 : i32 to vector<16xi32>
        %parallel_loop3A_652 = arith.addi %parallel_loop3A_646, %parallel_loop3A_651 : vector<16xi32>
        %parallel_loop3A_653 = arith.constant 0 : i32
        %parallel_loop3A_654 = arith.constant 0 : i32
        %parallel_loop3A_655 = tpu.memref_slice %arg14[%parallel_loop3A_581, %parallel_loop3A_653, %parallel_loop3A_654] : memref<4x128x128xf32, #tpu.memory_space<vmem>> -> memref<1x128x128xf32, #tpu.memory_space<vmem>>
        %parallel_loop3A_656 = tpu.memref_squeeze %parallel_loop3A_655 : memref<1x128x128xf32, #tpu.memory_space<vmem>> -> memref<128x128xf32, #tpu.memory_space<vmem>>
        %parallel_loop3A_657 = tpu.vector_load_idx %parallel_loop3A_656[%parallel_loop3A_640, %parallel_loop3A_652] : memref<128x128xf32, #tpu.memory_space<vmem>>[vector<16xi32>, vector<16xi32>], vector<16xf32>,
        %parallel_loop3A_658 = arith.constant 16 : i32
        %parallel_loop3A_659 = arith.muli %parallel_loop3A_636, %parallel_loop3A_658 : i32
        %parallel_loop3A_660 = arith.index_cast %parallel_loop3A_650 : i32 to index
        %parallel_loop3A_661 = arith.index_cast %parallel_loop3A_659 : i32 to index
        %parallel_loop3A_662 = tpu.vector_load %arg16[%parallel_loop3A_660, %parallel_loop3A_661] {strides = array<i32>} : memref<64x128xf32, #tpu.memory_space<vmem>>, vector<16xf32>,
        tpu.vector_store %arg16[%parallel_loop3A_660, %parallel_loop3A_661], %parallel_loop3A_657 {add = true, strides = array<i32>} : memref<64x128xf32, #tpu.memory_space<vmem>>, vector<16xf32>,
      } {sc.loop_unroll_factor = 8 : i64, sc.parallel_access}
    } {sc.loop_unroll_factor = 1 : i64, sc.parallel_access}
    %dma_wait3A_582 = arith.constant 17 : i32
    %dma_wait3A_583 = arith.constant 1 : i32
    %dma_wait3A_584 = arith.constant 0 : i32
    %dma_wait3A_585 = arith.constant 0 : i32
    %dma_wait3A_586 = tpu.memref_slice %arg14[%dma_wait3A_583, %dma_wait3A_584, %dma_wait3A_585] : memref<4x128x128xf32, #tpu.memory_space<vmem>> -> memref<1x128x128xf32, #tpu.memory_space<vmem>>
    %dma_wait3A_587 = tpu.memref_squeeze %dma_wait3A_586 : memref<1x128x128xf32, #tpu.memory_space<vmem>> -> memref<128x128xf32, #tpu.memory_space<vmem>>
    %dma_wait3A_588 = arith.constant 0 : i32
    %dma_wait3A_589 = tpu.memref_slice %arg11[%dma_wait3A_582, %dma_wait3A_588] : memref<20x128xi32, #tpu.memory_space<vmem>> -> memref<1x128xi32, #tpu.memory_space<vmem>>
    %dma_wait3A_590 = tpu.memref_squeeze %dma_wait3A_589 : memref<1x128xi32, #tpu.memory_space<vmem>> -> memref<128xi32, #tpu.memory_space<vmem>>
    %dma_wait3A_591 = arith.constant 0 : i32
    %dma_wait3A_592 = arith.constant 0 : i32
    %dma_wait3A_593 = tpu.memref_slice %arg5[%dma_wait3A_591, %dma_wait3A_592] : memref<50000x128xf32, #tpu.memory_space<hbm>> -> memref<50000x128xf32, #tpu.memory_space<hbm>>
    tpu.wait_indirect_dma semaphore(%arg19 : memref<!tpu.dma_semaphore, #tpu.memory_space<semaphore_mem>>) src(%dma_wait3A_593 : memref<50000x128xf32, #tpu.memory_space<hbm>>) dst(%dma_wait3A_587 : memref<128x128xf32, #tpu.memory_space<vmem>>)
    %parallel_loop3A_594 = arith.constant 0 : i32
    %parallel_loop3A_595 = arith.constant 8 : i32
    %parallel_loop3A_596 = arith.constant 1 : i32
    %parallel_loop3A_597 = arith.constant 1 : i32
    scf.for %parallel_loop3A_636 = %parallel_loop3A_594 to %parallel_loop3A_595 step %parallel_loop3A_596  : i32 {
      %parallel_loop3A_637 = arith.constant 16 : i32
      %parallel_loop3A_638 = arith.muli %parallel_loop3A_636, %parallel_loop3A_637 : i32
      %parallel_loop3A_639 = vector.broadcast %parallel_loop3A_638 : i32 to vector<16xi32>
      %parallel_loop3A_640 = arith.addi %iota3A, %parallel_loop3A_639 : vector<16xi32>
      %parallel_loop3A_641 = arith.constant 16 : i32
      %parallel_loop3A_642 = arith.muli %parallel_loop3A_636, %parallel_loop3A_641 : i32
      %parallel_loop3A_643 = arith.constant 17 : i32
      %parallel_loop3A_644 = arith.index_cast %parallel_loop3A_643 : i32 to index
      %parallel_loop3A_645 = arith.index_cast %parallel_loop3A_642 : i32 to index
      %parallel_loop3A_646 = tpu.vector_load %arg12[%parallel_loop3A_644, %parallel_loop3A_645] {strides = array<i32>} : memref<20x128xi32, #tpu.memory_space<vmem>>, vector<16xi32>,
      %parallel_loop3A_647 = arith.constant 0 : i32
      %parallel_loop3A_648 = arith.constant 64 : i32
      %parallel_loop3A_649 = arith.constant 1 : i32
      scf.for %parallel_loop3A_650 = %parallel_loop3A_647 to %parallel_loop3A_648 step %parallel_loop3A_649  : i32 {
        %parallel_loop3A_651 = vector.broadcast %parallel_loop3A_650 : i32 to vector<16xi32>
        %parallel_loop3A_652 = arith.addi %parallel_loop3A_646, %parallel_loop3A_651 : vector<16xi32>
        %parallel_loop3A_653 = arith.constant 0 : i32
        %parallel_loop3A_654 = arith.constant 0 : i32
        %parallel_loop3A_655 = tpu.memref_slice %arg14[%parallel_loop3A_597, %parallel_loop3A_653, %parallel_loop3A_654] : memref<4x128x128xf32, #tpu.memory_space<vmem>> -> memref<1x128x128xf32, #tpu.memory_space<vmem>>
        %parallel_loop3A_656 = tpu.memref_squeeze %parallel_loop3A_655 : memref<1x128x128xf32, #tpu.memory_space<vmem>> -> memref<128x128xf32, #tpu.memory_space<vmem>>
        %parallel_loop3A_657 = tpu.vector_load_idx %parallel_loop3A_656[%parallel_loop3A_640, %parallel_loop3A_652] : memref<128x128xf32, #tpu.memory_space<vmem>>[vector<16xi32>, vector<16xi32>], vector<16xf32>,
        %parallel_loop3A_658 = arith.constant 16 : i32
        %parallel_loop3A_659 = arith.muli %parallel_loop3A_636, %parallel_loop3A_658 : i32
        %parallel_loop3A_660 = arith.index_cast %parallel_loop3A_650 : i32 to index
        %parallel_loop3A_661 = arith.index_cast %parallel_loop3A_659 : i32 to index
        %parallel_loop3A_662 = tpu.vector_load %arg16[%parallel_loop3A_660, %parallel_loop3A_661] {strides = array<i32>} : memref<64x128xf32, #tpu.memory_space<vmem>>, vector<16xf32>,
        tpu.vector_store %arg16[%parallel_loop3A_660, %parallel_loop3A_661], %parallel_loop3A_657 {add = true, strides = array<i32>} : memref<64x128xf32, #tpu.memory_space<vmem>>, vector<16xf32>,
      } {sc.loop_unroll_factor = 8 : i64, sc.parallel_access}
    } {sc.loop_unroll_factor = 1 : i64, sc.parallel_access}
    %dma_wait3A_598 = arith.constant 18 : i32
    %dma_wait3A_599 = arith.constant 2 : i32
    %dma_wait3A_600 = arith.constant 0 : i32
    %dma_wait3A_601 = arith.constant 0 : i32
    %dma_wait3A_602 = tpu.memref_slice %arg14[%dma_wait3A_599, %dma_wait3A_600, %dma_wait3A_601] : memref<4x128x128xf32, #tpu.memory_space<vmem>> -> memref<1x128x128xf32, #tpu.memory_space<vmem>>
    %dma_wait3A_603 = tpu.memref_squeeze %dma_wait3A_602 : memref<1x128x128xf32, #tpu.memory_space<vmem>> -> memref<128x128xf32, #tpu.memory_space<vmem>>
    %dma_wait3A_604 = arith.constant 0 : i32
    %dma_wait3A_605 = tpu.memref_slice %arg11[%dma_wait3A_598, %dma_wait3A_604] : memref<20x128xi32, #tpu.memory_space<vmem>> -> memref<1x128xi32, #tpu.memory_space<vmem>>
    %dma_wait3A_606 = tpu.memref_squeeze %dma_wait3A_605 : memref<1x128xi32, #tpu.memory_space<vmem>> -> memref<128xi32, #tpu.memory_space<vmem>>
    %dma_wait3A_607 = arith.constant 0 : i32
    %dma_wait3A_608 = arith.constant 0 : i32
    %dma_wait3A_609 = tpu.memref_slice %arg5[%dma_wait3A_607, %dma_wait3A_608] : memref<50000x128xf32, #tpu.memory_space<hbm>> -> memref<50000x128xf32, #tpu.memory_space<hbm>>
    tpu.wait_indirect_dma semaphore(%arg20 : memref<!tpu.dma_semaphore, #tpu.memory_space<semaphore_mem>>) src(%dma_wait3A_609 : memref<50000x128xf32, #tpu.memory_space<hbm>>) dst(%dma_wait3A_603 : memref<128x128xf32, #tpu.memory_space<vmem>>)
    %parallel_loop3A_610 = arith.constant 0 : i32
    %parallel_loop3A_611 = arith.constant 8 : i32
    %parallel_loop3A_612 = arith.constant 1 : i32
    %parallel_loop3A_613 = arith.constant 2 : i32
    scf.for %parallel_loop3A_636 = %parallel_loop3A_610 to %parallel_loop3A_611 step %parallel_loop3A_612  : i32 {
      %parallel_loop3A_637 = arith.constant 16 : i32
      %parallel_loop3A_638 = arith.muli %parallel_loop3A_636, %parallel_loop3A_637 : i32
      %parallel_loop3A_639 = vector.broadcast %parallel_loop3A_638 : i32 to vector<16xi32>
      %parallel_loop3A_640 = arith.addi %iota3A, %parallel_loop3A_639 : vector<16xi32>
      %parallel_loop3A_641 = arith.constant 16 : i32
      %parallel_loop3A_642 = arith.muli %parallel_loop3A_636, %parallel_loop3A_641 : i32
      %parallel_loop3A_643 = arith.constant 18 : i32
      %parallel_loop3A_644 = arith.index_cast %parallel_loop3A_643 : i32 to index
      %parallel_loop3A_645 = arith.index_cast %parallel_loop3A_642 : i32 to index
      %parallel_loop3A_646 = tpu.vector_load %arg12[%parallel_loop3A_644, %parallel_loop3A_645] {strides = array<i32>} : memref<20x128xi32, #tpu.memory_space<vmem>>, vector<16xi32>,
      %parallel_loop3A_647 = arith.constant 0 : i32
      %parallel_loop3A_648 = arith.constant 64 : i32
      %parallel_loop3A_649 = arith.constant 1 : i32
      scf.for %parallel_loop3A_650 = %parallel_loop3A_647 to %parallel_loop3A_648 step %parallel_loop3A_649  : i32 {
        %parallel_loop3A_651 = vector.broadcast %parallel_loop3A_650 : i32 to vector<16xi32>
        %parallel_loop3A_652 = arith.addi %parallel_loop3A_646, %parallel_loop3A_651 : vector<16xi32>
        %parallel_loop3A_653 = arith.constant 0 : i32
        %parallel_loop3A_654 = arith.constant 0 : i32
        %parallel_loop3A_655 = tpu.memref_slice %arg14[%parallel_loop3A_613, %parallel_loop3A_653, %parallel_loop3A_654] : memref<4x128x128xf32, #tpu.memory_space<vmem>> -> memref<1x128x128xf32, #tpu.memory_space<vmem>>
        %parallel_loop3A_656 = tpu.memref_squeeze %parallel_loop3A_655 : memref<1x128x128xf32, #tpu.memory_space<vmem>> -> memref<128x128xf32, #tpu.memory_space<vmem>>
        %parallel_loop3A_657 = tpu.vector_load_idx %parallel_loop3A_656[%parallel_loop3A_640, %parallel_loop3A_652] : memref<128x128xf32, #tpu.memory_space<vmem>>[vector<16xi32>, vector<16xi32>], vector<16xf32>,
        %parallel_loop3A_658 = arith.constant 16 : i32
        %parallel_loop3A_659 = arith.muli %parallel_loop3A_636, %parallel_loop3A_658 : i32
        %parallel_loop3A_660 = arith.index_cast %parallel_loop3A_650 : i32 to index
        %parallel_loop3A_661 = arith.index_cast %parallel_loop3A_659 : i32 to index
        %parallel_loop3A_662 = tpu.vector_load %arg16[%parallel_loop3A_660, %parallel_loop3A_661] {strides = array<i32>} : memref<64x128xf32, #tpu.memory_space<vmem>>, vector<16xf32>,
        tpu.vector_store %arg16[%parallel_loop3A_660, %parallel_loop3A_661], %parallel_loop3A_657 {add = true, strides = array<i32>} : memref<64x128xf32, #tpu.memory_space<vmem>>, vector<16xf32>,
      } {sc.loop_unroll_factor = 8 : i64, sc.parallel_access}
    } {sc.loop_unroll_factor = 1 : i64, sc.parallel_access}
    %dma_wait3A_614 = arith.constant 19 : i32
    %dma_wait3A_615 = arith.constant 3 : i32
    %dma_wait3A_616 = arith.constant 0 : i32
    %dma_wait3A_617 = arith.constant 0 : i32
    %dma_wait3A_618 = tpu.memref_slice %arg14[%dma_wait3A_615, %dma_wait3A_616, %dma_wait3A_617] : memref<4x128x128xf32, #tpu.memory_space<vmem>> -> memref<1x128x128xf32, #tpu.memory_space<vmem>>
    %dma_wait3A_619 = tpu.memref_squeeze %dma_wait3A_618 : memref<1x128x128xf32, #tpu.memory_space<vmem>> -> memref<128x128xf32, #tpu.memory_space<vmem>>
    %dma_wait3A_620 = arith.constant 0 : i32
    %dma_wait3A_621 = tpu.memref_slice %arg11[%dma_wait3A_614, %dma_wait3A_620] : memref<20x128xi32, #tpu.memory_space<vmem>> -> memref<1x128xi32, #tpu.memory_space<vmem>>
    %dma_wait3A_622 = tpu.memref_squeeze %dma_wait3A_621 : memref<1x128xi32, #tpu.memory_space<vmem>> -> memref<128xi32, #tpu.memory_space<vmem>>
    %dma_wait3A_623 = arith.constant 0 : i32
    %dma_wait3A_624 = arith.constant 0 : i32
    %dma_wait3A_625 = tpu.memref_slice %arg5[%dma_wait3A_623, %dma_wait3A_624] : memref<50000x128xf32, #tpu.memory_space<hbm>> -> memref<50000x128xf32, #tpu.memory_space<hbm>>
    tpu.wait_indirect_dma semaphore(%arg21 : memref<!tpu.dma_semaphore, #tpu.memory_space<semaphore_mem>>) src(%dma_wait3A_625 : memref<50000x128xf32, #tpu.memory_space<hbm>>) dst(%dma_wait3A_619 : memref<128x128xf32, #tpu.memory_space<vmem>>)
    %parallel_loop3A_626 = arith.constant 0 : i32
    %parallel_loop3A_627 = arith.constant 8 : i32
    %parallel_loop3A_628 = arith.constant 1 : i32
    %parallel_loop3A_629 = arith.constant 3 : i32
    scf.for %parallel_loop3A_636 = %parallel_loop3A_626 to %parallel_loop3A_627 step %parallel_loop3A_628  : i32 {
      %parallel_loop3A_637 = arith.constant 16 : i32
      %parallel_loop3A_638 = arith.muli %parallel_loop3A_636, %parallel_loop3A_637 : i32
      %parallel_loop3A_639 = vector.broadcast %parallel_loop3A_638 : i32 to vector<16xi32>
      %parallel_loop3A_640 = arith.addi %iota3A, %parallel_loop3A_639 : vector<16xi32>
      %parallel_loop3A_641 = arith.constant 16 : i32
      %parallel_loop3A_642 = arith.muli %parallel_loop3A_636, %parallel_loop3A_641 : i32
      %parallel_loop3A_643 = arith.constant 19 : i32
      %parallel_loop3A_644 = arith.index_cast %parallel_loop3A_643 : i32 to index
      %parallel_loop3A_645 = arith.index_cast %parallel_loop3A_642 : i32 to index
      %parallel_loop3A_646 = tpu.vector_load %arg12[%parallel_loop3A_644, %parallel_loop3A_645] {strides = array<i32>} : memref<20x128xi32, #tpu.memory_space<vmem>>, vector<16xi32>,
      %parallel_loop3A_647 = arith.constant 0 : i32
      %parallel_loop3A_648 = arith.constant 64 : i32
      %parallel_loop3A_649 = arith.constant 1 : i32
      scf.for %parallel_loop3A_650 = %parallel_loop3A_647 to %parallel_loop3A_648 step %parallel_loop3A_649  : i32 {
        %parallel_loop3A_651 = vector.broadcast %parallel_loop3A_650 : i32 to vector<16xi32>
        %parallel_loop3A_652 = arith.addi %parallel_loop3A_646, %parallel_loop3A_651 : vector<16xi32>
        %parallel_loop3A_653 = arith.constant 0 : i32
        %parallel_loop3A_654 = arith.constant 0 : i32
        %parallel_loop3A_655 = tpu.memref_slice %arg14[%parallel_loop3A_629, %parallel_loop3A_653, %parallel_loop3A_654] : memref<4x128x128xf32, #tpu.memory_space<vmem>> -> memref<1x128x128xf32, #tpu.memory_space<vmem>>
        %parallel_loop3A_656 = tpu.memref_squeeze %parallel_loop3A_655 : memref<1x128x128xf32, #tpu.memory_space<vmem>> -> memref<128x128xf32, #tpu.memory_space<vmem>>
        %parallel_loop3A_657 = tpu.vector_load_idx %parallel_loop3A_656[%parallel_loop3A_640, %parallel_loop3A_652] : memref<128x128xf32, #tpu.memory_space<vmem>>[vector<16xi32>, vector<16xi32>], vector<16xf32>,
        %parallel_loop3A_658 = arith.constant 16 : i32
        %parallel_loop3A_659 = arith.muli %parallel_loop3A_636, %parallel_loop3A_658 : i32
        %parallel_loop3A_660 = arith.index_cast %parallel_loop3A_650 : i32 to index
        %parallel_loop3A_661 = arith.index_cast %parallel_loop3A_659 : i32 to index
        %parallel_loop3A_662 = tpu.vector_load %arg16[%parallel_loop3A_660, %parallel_loop3A_661] {strides = array<i32>} : memref<64x128xf32, #tpu.memory_space<vmem>>, vector<16xf32>,
        tpu.vector_store %arg16[%parallel_loop3A_660, %parallel_loop3A_661], %parallel_loop3A_657 {add = true, strides = array<i32>} : memref<64x128xf32, #tpu.memory_space<vmem>>, vector<16xf32>,
      } {sc.loop_unroll_factor = 8 : i64, sc.parallel_access}
    } {sc.loop_unroll_factor = 1 : i64, sc.parallel_access}
    "tpu.region"() ({
      %run_scoped3A = tpu.sem_alloc : memref<!tpu.dma_semaphore, #tpu.memory_space<semaphore_mem>>
      %dma_start3A_636 = arith.constant 0 : i32
      %dma_start3A_637 = tpu.memref_slice %arg7[%dma_start3A_636, %mul3A_2] : memref<64x4096xf32, #tpu.memory_space<hbm>> -> memref<64x128xf32, #tpu.memory_space<hbm>>
      %dma_start3A_638 = arith.constant 0 : i32
      %dma_start3A_639 = tpu.memref_slice %arg7[%dma_start3A_638, %mul3A_2] : memref<64x4096xf32, #tpu.memory_space<hbm>> -> memref<64x128xf32, #tpu.memory_space<hbm>>
      tpu.enqueue_dma source(%arg16 : memref<64x128xf32, #tpu.memory_space<vmem>>) target(%dma_start3A_639 : memref<64x128xf32, #tpu.memory_space<hbm>>) target_semaphore(%run_scoped3A : memref<!tpu.dma_semaphore, #tpu.memory_space<semaphore_mem>>)
      %dma_wait3A_640 = arith.constant 0 : i32
      %dma_wait3A_641 = tpu.memref_slice %arg7[%dma_wait3A_640, %mul3A_2] : memref<64x4096xf32, #tpu.memory_space<hbm>> -> memref<64x128xf32, #tpu.memory_space<hbm>>
      %dma_wait3A_642 = arith.constant 0 : i32
      %dma_wait3A_643 = tpu.memref_slice %arg7[%dma_wait3A_642, %mul3A_2] : memref<64x4096xf32, #tpu.memory_space<hbm>> -> memref<64x128xf32, #tpu.memory_space<hbm>>
      tpu.wait_dma2 semaphore(%run_scoped3A : memref<!tpu.dma_semaphore, #tpu.memory_space<semaphore_mem>>) src(%arg16 : memref<64x128xf32, #tpu.memory_space<vmem>>) dst(%dma_wait3A_643 : memref<64x128xf32, #tpu.memory_space<hbm>>)
      tpu.yield
    }) : () -> ()
    %dma_wait3A_630 = arith.constant 0 : i32
    %dma_wait3A_631 = arith.constant 0 : i32
    %dma_wait3A_632 = tpu.memref_slice %arg4[%dma_wait3A_630, %dma_wait3A_631] : memref<50000x128xf32, #tpu.memory_space<hbm>> -> memref<50000x128xf32, #tpu.memory_space<hbm>>
    tpu.wait_indirect_dma semaphore(%arg17 : memref<!tpu.dma_semaphore, #tpu.memory_space<semaphore_mem>>) src(%dma_wait3A_632 : memref<50000x128xf32, #tpu.memory_space<hbm>>) dst(%arg13 : memref<128x128xf32, #tpu.memory_space<vmem>>)
    %parallel_loop3A_633 = arith.constant 0 : i32
    %parallel_loop3A_634 = arith.constant 8 : i32
    %parallel_loop3A_635 = arith.constant 1 : i32
    scf.for %parallel_loop3A_636 = %parallel_loop3A_633 to %parallel_loop3A_634 step %parallel_loop3A_635  : i32 {
      %parallel_loop3A_637 = arith.constant 16 : i32
      %parallel_loop3A_638 = arith.muli %parallel_loop3A_636, %parallel_loop3A_637 : i32
      %parallel_loop3A_639 = vector.broadcast %parallel_loop3A_638 : i32 to vector<16xi32>
      %parallel_loop3A_640 = arith.addi %iota3A, %parallel_loop3A_639 : vector<16xi32>
      %parallel_loop3A_641 = arith.constant 16 : i32
      %parallel_loop3A_642 = arith.muli %parallel_loop3A_636, %parallel_loop3A_641 : i32
      %parallel_loop3A_643 = arith.index_cast %parallel_loop3A_642 : i32 to index
      %parallel_loop3A_644 = tpu.vector_load %arg9[%parallel_loop3A_643] {strides = array<i32>} : memref<128xi32, #tpu.memory_space<vmem>>, vector<16xi32>,
      %parallel_loop3A_645 = arith.constant 0 : i32
      %parallel_loop3A_646 = arith.constant 64 : i32
      %parallel_loop3A_647 = arith.constant 1 : i32
      scf.for %parallel_loop3A_648 = %parallel_loop3A_645 to %parallel_loop3A_646 step %parallel_loop3A_647  : i32 {
        %parallel_loop3A_649 = vector.broadcast %parallel_loop3A_648 : i32 to vector<16xi32>
        %parallel_loop3A_650 = arith.addi %parallel_loop3A_644, %parallel_loop3A_649 : vector<16xi32>
        %parallel_loop3A_651 = tpu.vector_load_idx %arg13[%parallel_loop3A_640, %parallel_loop3A_650] : memref<128x128xf32, #tpu.memory_space<vmem>>[vector<16xi32>, vector<16xi32>], vector<16xf32>,
        %parallel_loop3A_652 = arith.constant 16 : i32
        %parallel_loop3A_653 = arith.muli %parallel_loop3A_636, %parallel_loop3A_652 : i32
        %parallel_loop3A_654 = arith.index_cast %parallel_loop3A_648 : i32 to index
        %parallel_loop3A_655 = arith.index_cast %parallel_loop3A_653 : i32 to index
        %parallel_loop3A_656 = tpu.vector_load %arg15[%parallel_loop3A_654, %parallel_loop3A_655] {strides = array<i32>} : memref<64x128xf32, #tpu.memory_space<vmem>>, vector<16xf32>,
        tpu.vector_store %arg15[%parallel_loop3A_654, %parallel_loop3A_655], %parallel_loop3A_651 {strides = array<i32>} : memref<64x128xf32, #tpu.memory_space<vmem>>, vector<16xf32>,
      } {sc.loop_unroll_factor = 8 : i64, sc.parallel_access}
    } {sc.loop_unroll_factor = 1 : i64, sc.parallel_access}
    "tpu.region"() ({
      %run_scoped3A = tpu.sem_alloc : memref<!tpu.dma_semaphore, #tpu.memory_space<semaphore_mem>>
      %dma_start3A_636 = arith.constant 0 : i32
      %dma_start3A_637 = tpu.memref_slice %arg6[%dma_start3A_636, %mul3A_2] : memref<64x4096xf32, #tpu.memory_space<hbm>> -> memref<64x128xf32, #tpu.memory_space<hbm>>
      %dma_start3A_638 = arith.constant 0 : i32
      %dma_start3A_639 = tpu.memref_slice %arg6[%dma_start3A_638, %mul3A_2] : memref<64x4096xf32, #tpu.memory_space<hbm>> -> memref<64x128xf32, #tpu.memory_space<hbm>>
      tpu.enqueue_dma source(%arg15 : memref<64x128xf32, #tpu.memory_space<vmem>>) target(%dma_start3A_639 : memref<64x128xf32, #tpu.memory_space<hbm>>) target_semaphore(%run_scoped3A : memref<!tpu.dma_semaphore, #tpu.memory_space<semaphore_mem>>)
      %dma_wait3A_640 = arith.constant 0 : i32
      %dma_wait3A_641 = tpu.memref_slice %arg6[%dma_wait3A_640, %mul3A_2] : memref<64x4096xf32, #tpu.memory_space<hbm>> -> memref<64x128xf32, #tpu.memory_space<hbm>>
      %dma_wait3A_642 = arith.constant 0 : i32
      %dma_wait3A_643 = tpu.memref_slice %arg6[%dma_wait3A_642, %mul3A_2] : memref<64x4096xf32, #tpu.memory_space<hbm>> -> memref<64x128xf32, #tpu.memory_space<hbm>>
      tpu.wait_dma2 semaphore(%run_scoped3A : memref<!tpu.dma_semaphore, #tpu.memory_space<semaphore_mem>>) src(%arg15 : memref<64x128xf32, #tpu.memory_space<vmem>>) dst(%dma_wait3A_643 : memref<64x128xf32, #tpu.memory_space<hbm>>)
      tpu.yield
    }) : () -> ()
    return
  }
}

module attributes {stable_mosaic.version = 14 : i64} {
  func.func @body(%arg0: i32, %arg1: memref<64x512xf32, #tpu.memory_space<vmem>>, %arg2: memref<64x512xf32, #tpu.memory_space<vmem>>, %arg3: memref<128x256xf32, #tpu.memory_space<vmem>>, %arg4: memref<1x256xf32, #tpu.memory_space<vmem>>, %arg5: memref<256x128xf32, #tpu.memory_space<vmem>>, %arg6: memref<1x128xf32, #tpu.memory_space<vmem>>, %arg7: memref<128x1xf32, #tpu.memory_space<vmem>>, %arg8: memref<1x1xf32, #tpu.memory_space<vmem>>, %arg9: memref<512x1xf32, #tpu.memory_space<vmem>>) attributes {dimension_semantics = [#tpu.dimension_semantics<arbitrary>], iteration_bounds = array<i64: 8>, scalar_prefetch = 0 : i64, scratch_operands = 0 : i64, tpu.core_type = #tpu.core_type<tc>, window_params = [{transform_indices = @transform_0, window_bounds = array<i64: 64, 512>}, {transform_indices = @transform_1, window_bounds = array<i64: 64, 512>}, {pipeline_mode = #tpu.pipeline_mode<synchronous>, transform_indices = @transform_2, window_bounds = array<i64: 128, 256>}, {pipeline_mode = #tpu.pipeline_mode<synchronous>, transform_indices = @transform_3, window_bounds = array<i64: 1, 256>}, {pipeline_mode = #tpu.pipeline_mode<synchronous>, transform_indices = @transform_4, window_bounds = array<i64: 256, 128>}, {pipeline_mode = #tpu.pipeline_mode<synchronous>, transform_indices = @transform_5, window_bounds = array<i64: 1, 128>}, {pipeline_mode = #tpu.pipeline_mode<synchronous>, transform_indices = @transform_6, window_bounds = array<i64: 128, 1>}, {pipeline_mode = #tpu.pipeline_mode<synchronous>, transform_indices = @transform_7, window_bounds = array<i64: 1, 1>}, {transform_indices = @transform_8, window_bounds = array<i64: 512, 1>}]} {
    %get3A = arith.constant 0 : index
    %get3A_0 = arith.constant 0 : index
    %get3A_1 = vector.load %arg1[%get3A, %get3A_0] : memref<64x512xf32, #tpu.memory_space<vmem>>, vector<64x512xf32>
    %get3A_2 = arith.constant 0 : index
    %get3A_3 = arith.constant 0 : index
    %get3A_4 = vector.load %arg3[%get3A_2, %get3A_3] : memref<128x256xf32, #tpu.memory_space<vmem>>, vector<64x256xf32>
    %dot_general3A = arith.constant dense<0.000000e+00> : vector<512x256xf32>
    %dot_general3A_5 = tpu.matmul %get3A_1, %get3A_4, %dot_general3A {dimension_numbers = #tpu.dot_dimension_numbers<[0], [0], [1], [1], [0, 1, 1, 1], [], []>, transpose_lhs_hint = false} : vector<64x512xf32>, vector<64x256xf32>, vector<512x256xf32> -> vector<512x256xf32>
    %get3A_6 = arith.constant 0 : index
    %get3A_7 = arith.constant 0 : index
    %get3A_8 = vector.load %arg2[%get3A_6, %get3A_7] : memref<64x512xf32, #tpu.memory_space<vmem>>, vector<64x512xf32>
    %get3A_9 = arith.constant 64 : index
    %get3A_10 = arith.constant 0 : index
    %get3A_11 = vector.load %arg3[%get3A_9, %get3A_10] : memref<128x256xf32, #tpu.memory_space<vmem>>, vector<64x256xf32>
    %dot_general3A_12 = arith.constant dense<0.000000e+00> : vector<512x256xf32>
    %dot_general3A_13 = tpu.matmul %get3A_8, %get3A_11, %dot_general3A_12 {dimension_numbers = #tpu.dot_dimension_numbers<[0], [0], [1], [1], [0, 1, 1, 1], [], []>, transpose_lhs_hint = false} : vector<64x512xf32>, vector<64x256xf32>, vector<512x256xf32> -> vector<512x256xf32>
    %add3A = arith.addf %dot_general3A_5, %dot_general3A_13 : vector<512x256xf32>
    %get3A_14 = arith.constant 0 : index
    %get3A_15 = arith.constant 0 : index
    %get3A_16 = vector.load %arg4[%get3A_14, %get3A_15] : memref<1x256xf32, #tpu.memory_space<vmem>>, vector<1x256xf32>
    %add3A_17 = vector.broadcast %get3A_16 : vector<1x256xf32> to vector<512x256xf32>
    %add3A_18 = arith.addf %add3A, %add3A_17 : vector<512x256xf32>
    %max3A = arith.constant 0.000000e+00 : f32
    %max3A_19 = vector.broadcast %max3A : f32 to vector<512x256xf32>
    %max3A_20 = arith.maximumf %add3A_18, %max3A_19 : vector<512x256xf32>
    %get3A_21 = arith.constant 0 : index
    %get3A_22 = arith.constant 0 : index
    %get3A_23 = vector.load %arg5[%get3A_21, %get3A_22] : memref<256x128xf32, #tpu.memory_space<vmem>>, vector<256x128xf32>
    %dot_general3A_24 = arith.constant dense<0.000000e+00> : vector<512x128xf32>
    %dot_general3A_25 = tpu.matmul %max3A_20, %get3A_23, %dot_general3A_24 {dimension_numbers = #tpu.dot_dimension_numbers<[1], [0], [0], [1], [0, 0, 1, 1], [], []>, transpose_lhs_hint = false} : vector<512x256xf32>, vector<256x128xf32>, vector<512x128xf32> -> vector<512x128xf32>
    %get3A_26 = arith.constant 0 : index
    %get3A_27 = arith.constant 0 : index
    %get3A_28 = vector.load %arg6[%get3A_26, %get3A_27] : memref<1x128xf32, #tpu.memory_space<vmem>>, vector<1x128xf32>
    %add3A_29 = vector.broadcast %get3A_28 : vector<1x128xf32> to vector<512x128xf32>
    %add3A_30 = arith.addf %dot_general3A_25, %add3A_29 : vector<512x128xf32>
    %max3A_31 = arith.constant 0.000000e+00 : f32
    %max3A_32 = vector.broadcast %max3A_31 : f32 to vector<512x128xf32>
    %max3A_33 = arith.maximumf %add3A_30, %max3A_32 : vector<512x128xf32>
    %get3A_34 = arith.constant 0 : index
    %get3A_35 = arith.constant 0 : index
    %get3A_36 = vector.load %arg7[%get3A_34, %get3A_35] : memref<128x1xf32, #tpu.memory_space<vmem>>, vector<128x1xf32>
    %dot_general3A_37 = arith.constant dense<0.000000e+00> : vector<512x1xf32>
    %dot_general3A_38 = tpu.matmul %max3A_33, %get3A_36, %dot_general3A_37 {dimension_numbers = #tpu.dot_dimension_numbers<[1], [0], [0], [1], [0, 0, 1, 1], [], []>, transpose_lhs_hint = false} : vector<512x128xf32>, vector<128x1xf32>, vector<512x1xf32> -> vector<512x1xf32>
    %get3A_39 = arith.constant 0 : index
    %get3A_40 = arith.constant 0 : index
    %get3A_41 = vector.load %arg8[%get3A_39, %get3A_40] : memref<1x1xf32, #tpu.memory_space<vmem>>, vector<1x1xf32>
    %add3A_42 = vector.broadcast %get3A_41 : vector<1x1xf32> to vector<512x1xf32>
    %add3A_43 = arith.addf %dot_general3A_38, %add3A_42 : vector<512x1xf32>
    %swap3A = arith.constant 0 : index
    %swap3A_44 = arith.constant 0 : index
    %swap3A_45 = vector.load %arg9[%swap3A, %swap3A_44] : memref<512x1xf32, #tpu.memory_space<vmem>>, vector<512x1xf32>
    tpu.vector_store %arg9[%swap3A, %swap3A_44], %add3A_43 {strides = array<i32>} : memref<512x1xf32, #tpu.memory_space<vmem>>, vector<512x1xf32>,
    return
  }
  func.func @transform_0(%arg0: i32) -> (i32, i32) {
    %c0_i32 = arith.constant 0 : i32
    %c0_i32_0 = arith.constant 0 : i32
    return %c0_i32, %arg0 : i32, i32
  }
  func.func @transform_1(%arg0: i32) -> (i32, i32) {
    %c0_i32 = arith.constant 0 : i32
    %c0_i32_0 = arith.constant 0 : i32
    return %c0_i32, %arg0 : i32, i32
  }
  func.func @transform_2(%arg0: i32) -> (i32, i32) {
    %c0_i32 = arith.constant 0 : i32
    %c0_i32_0 = arith.constant 0 : i32
    %c0_i32_1 = arith.constant 0 : i32
    return %c0_i32, %c0_i32_0 : i32, i32
  }
  func.func @transform_3(%arg0: i32) -> (i32, i32) {
    %c0_i32 = arith.constant 0 : i32
    %c0_i32_0 = arith.constant 0 : i32
    %c0_i32_1 = arith.constant 0 : i32
    return %c0_i32, %c0_i32_0 : i32, i32
  }
  func.func @transform_4(%arg0: i32) -> (i32, i32) {
    %c0_i32 = arith.constant 0 : i32
    %c0_i32_0 = arith.constant 0 : i32
    %c0_i32_1 = arith.constant 0 : i32
    return %c0_i32, %c0_i32_0 : i32, i32
  }
  func.func @transform_5(%arg0: i32) -> (i32, i32) {
    %c0_i32 = arith.constant 0 : i32
    %c0_i32_0 = arith.constant 0 : i32
    %c0_i32_1 = arith.constant 0 : i32
    return %c0_i32, %c0_i32_0 : i32, i32
  }
  func.func @transform_6(%arg0: i32) -> (i32, i32) {
    %c0_i32 = arith.constant 0 : i32
    %c0_i32_0 = arith.constant 0 : i32
    %c0_i32_1 = arith.constant 0 : i32
    return %c0_i32, %c0_i32_0 : i32, i32
  }
  func.func @transform_7(%arg0: i32) -> (i32, i32) {
    %c0_i32 = arith.constant 0 : i32
    %c0_i32_0 = arith.constant 0 : i32
    %c0_i32_1 = arith.constant 0 : i32
    return %c0_i32, %c0_i32_0 : i32, i32
  }
  func.func @transform_8(%arg0: i32) -> (i32, i32) {
    %c0_i32 = arith.constant 0 : i32
    %c0_i32_0 = arith.constant 0 : i32
    return %arg0, %c0_i32 : i32, i32
  }
}

</mosaic_0001>

<sc_bundles>
// kernel: kernel.4.cloned.1.call-start
scs
__scs_entry_jumppad:
0x0: {  	(pc) =	sbr.rel $0x88, $3  }
0x1: {  	(tag) =	ssettag $0x0;
	lr =	simm.s32 $0x1  }
0x2: {  	[smem:$0x3F97] =	sst lr;
	_ =	strace $0xD0000000  }
0x3: {  	_ = 	snop  }
0x4: {  	_ = 	snop  }
0x5: {  	_ = 	snop  }
0x6: {  	_ = 	snop  }
0x7: {  	_ = 	snop  }
__scs_overlays_trampoline_lowered:
0x8: {  	[smem:$0x3FA6] =	sst s0  }
0x9: {  	[smem:$0x3FA7] =	sst s1  }
0xa: {  	[smem:$0x3FA8] =	sst s2  }
0xb: {  	[smem:$0x3FA9] =	sst s3  }
0xc: {  	[smem:$0x3FAA] =	sst s4  }
0xd: {  	[smem:$0x3FAB] =	sst s5  }
0xe: {  	[smem:$0x3FAC] =	sst s6  }
0xf: {  	[smem:$0x3FAD] =	sst s7  }
0x10: {  	[smem:$0x3FAE] =	sst s8  }
0x11: {  	[smem:$0x3FAF] =	sst s9;
	s0 =	simm.s32 @!p0 $0x0  }
0x12: {  	s1 =	sld [smem:$0x3F95];
	s0 =	simm.s32 @p0 $0x1  }
0x13: {  	[smem:$0x3FB0] =	sst s0;
	s0 =	simm.s32 @!p1 $0x0  }
0x14: {  	s2 =	sld [smem:$0x3F94];
	s0 =	simm.s32 @p1 $0x1  }
0x15: {  	[smem:$0x3FB1] =	sst s0;
	s0 =	simm.s32 @!p2 $0x0  }
0x16: {  	s3 =	sld [smem:$0x3FDB];
	s0 =	simm.s32 @p2 $0x1  }
0x17: {  	s4 =	simm.s32 $0x1BF5;
	[smem:$0x3FB3] =	sst s0  }
0x18: {  	s0 =	sld [smem:$0x3F96];
	_ =	swait.ge [sflag:s4], $0x0  }
0x19: {  	s7 =	sld [smem:$0x3F97]  }
0x1a: {  	s8 =	sadd.s32 $0xFFFFE003, lr  }
0x1b: {  	s9 =	sadd.s32 $0xFFFFFEF7, lr;
	s5 =	simm.s32 $0xFFFFFFFF;
	p2 =	slt.u32 s8, $0xFFFFF086  }
0x1c: {  	p1 =	slt.u32 s9, $0xF7A;
	s5 =	simm.s32 @!p2 $0x0  }
0x1d: {  	s5 =	simm.s32 @p1 $0x1;
	p0 =	seq.s32 s7, s2  }
0x1e: {  	s7 =	smul.u32 @!p0 $0xF7A, s2;
	p2 =	seq.s32 @!p0 s5, $0x0  }
0x1f: {  	s9 =	smul.u32 $0xF7A, s1;
	s8 =	simm.s32 @!p0 $0x1BF5;
	p2 =	por !p2, p0  }
0x20: {  	[sflag:s8] =	ssyncset.s32 @!p0 $0xFFFFF086;
	s6 =	sadd.s32 @!p0 s3, s7;
	s7 =	simm.s32 @!p0 $0x108  }
0x21: {  	s3 =	sadd.s32 s3, s9;
	s6 =	sadd.s32 @!p0 $0x88, s6;
	s7 =	simm.s32 @p2 $0x1082  }
0x22: {  	[simem:s7], [sflag:s8] =	dma.local @!p0 [hbm:s6], $0xF7A  }
0x23: {  	s9 =	sor.u32 $0xD0000000, s2;
	s6 =	simm.s32 $0x108;
	_ =	swait.ge @!p0 [sflag:s8], $0x0  }
0x24: {  	s3 =	sadd.s32 $0x88, s3;
	s6 =	simm.s32 @!p1 $0x1082;
	[sflag:s4] =	ssyncset.s32 $0xFFFFF086  }
0x25: {  	[simem:s6], [sflag:s4] =	dma.local [hbm:s3], $0xF7A  }
0x26: {  	[smem:$0x3F97] =	sst s1;
	(tag) =	ssettag s2;
	_ =	strace s9  }
0x27: {  	s1 =	sld [smem:$0x3FA7]  }
0x28: {  	s2 =	sld [smem:$0x3FA8]  }
0x29: {  	s4 =	sld [smem:$0x3FAA]  }
0x2a: {  	p0 =	seq.s32 s5, $0x0;
	s5 =	sld [smem:$0x3FAB]  }
0x2b: {  	s6 =	sld [smem:$0x3FAC]  }
0x2c: {  	s7 =	sld [smem:$0x3FAD]  }
0x2d: {  	s3 =	simm.s32 $0x108;
	s8 =	sld [smem:$0x3FAE]  }
0x2e: {  	s3 =	simm.s32 @!p0 $0x1082;
	s9 =	sld [smem:$0x3FAF]  }
0x2f: {  	lr =	sadd.s32 s0, s3;
	s0 =	sld [smem:$0x3FA6]  }
0x30: {  	s3 =	sld [smem:$0x3FA9]  }
0x31: {  	[smem:$0x3FB2] =	sst s10  }
0x32: {  	s10 =	sld [smem:$0x3FB0];
	_ =	sdelay $0x3  }
0x33: {  	p0 =	seq.s32 s10, $0x1;
	s10 =	sld [smem:$0x3FB2];
	_ =	sdelay $0x3  }
0x34: {  	[smem:$0x3FB2] =	sst s10  }
0x35: {  	s10 =	sld [smem:$0x3FB1];
	_ =	sdelay $0x3  }
0x36: {  	p1 =	seq.s32 s10, $0x1;
	s10 =	sld [smem:$0x3FB2];
	_ =	sdelay $0x3  }
0x37: {  	[smem:$0x3FB2] =	sst s10  }
0x38: {  	s10 =	sld [smem:$0x3FB3]  }
0x39: {  	_ = 	snop;
	(pc) =	sbr.ind lr, $3  }
0x3a: {  	_ = 	snop  }
0x3b: {  	_ = 	snop  }
0x3c: {  	p2 =	seq.s32 s10, $0x1;
	s10 =	sld [smem:$0x3FB2]  }
0x3d: {  	_ =	shalt  }
0x3e: {  	_ =	shalt  }
0x3f: {  	_ =	shalt  }
0x40: {  	_ =	shalt  }
0x41: {  	_ =	shalt  }
0x42: {  	_ =	shalt  }
0x43: {  	_ =	shalt  }
0x44: {  	_ =	shalt  }
0x45: {  	_ =	shalt  }
0x46: {  	_ =	shalt  }
0x47: {  	_ =	shalt  }
0x48: {  	_ =	shalt  }
0x49: {  	_ =	shalt  }
0x4a: {  	_ =	shalt  }
0x4b: {  	_ =	shalt  }
0x4c: {  	_ =	shalt  }
0x4d: {  	_ =	shalt  }
0x4e: {  	_ =	shalt  }
0x4f: {  	_ =	shalt  }
0x50: {  	_ =	shalt  }
0x51: {  	_ =	shalt  }
0x52: {  	_ =	shalt  }
0x53: {  	_ =	shalt  }
0x54: {  	_ =	shalt  }
0x55: {  	_ =	shalt  }
0x56: {  	_ =	shalt  }
0x57: {  	_ =	shalt  }
0x58: {  	_ =	shalt  }
0x59: {  	_ =	shalt  }
0x5a: {  	_ =	shalt  }
0x5b: {  	_ =	shalt  }
0x5c: {  	_ =	shalt  }
0x5d: {  	_ =	shalt  }
0x5e: {  	_ =	shalt  }
0x5f: {  	_ =	shalt  }
0x60: {  	_ =	shalt  }
0x61: {  	_ =	shalt  }
0x62: {  	_ =	shalt  }
0x63: {  	_ =	shalt  }
0x64: {  	_ =	shalt  }
0x65: {  	_ =	shalt  }
0x66: {  	_ =	shalt  }
0x67: {  	_ =	shalt  }
0x68: {  	_ =	shalt  }
0x69: {  	_ =	shalt  }
0x6a: {  	_ =	shalt  }
0x6b: {  	_ =	shalt  }
0x6c: {  	_ =	shalt  }
0x6d: {  	_ =	shalt  }
0x6e: {  	_ =	shalt  }
0x6f: {  	_ =	shalt  }
0x70: {  	_ =	shalt  }
0x71: {  	_ =	shalt  }
0x72: {  	_ =	shalt  }
0x73: {  	_ =	shalt  }
0x74: {  	_ =	shalt  }
0x75: {  	_ =	shalt  }
0x76: {  	_ =	shalt  }
0x77: {  	_ =	shalt  }
0x78: {  	_ =	shalt  }
0x79: {  	_ =	shalt  }
0x7a: {  	_ =	shalt  }
0x7b: {  	_ =	shalt  }
0x7c: {  	_ =	shalt  }
0x7d: {  	_ =	shalt  }
0x7e: {  	_ =	shalt  }
0x7f: {  	_ =	shalt  }
0x80: {  	_ =	shalt  }
0x81: {  	_ =	shalt  }
0x82: {  	_ =	shalt  }
0x83: {  	_ =	shalt  }
0x84: {  	_ =	shalt  }
0x85: {  	_ =	shalt  }
0x86: {  	_ =	shalt  }
0x87: {  	_ =	shalt  }
.Lfunc_end0:
.L_simem_size_0:
called_computation_lowered:
.L_overlay_start_0:
0x88: {  	s2 =	sld [smem:$0x3FD9]  }
0x89: {  	s3 =	sld [smem:$0x3FFE];
	_ =	sdelay $0x1  }
0x8a: {  	s1 =	srdreg.scid  }
0x8b: {  	s0 =	sand.u32 $0x1, s1  }
0x8c: {  	s17 =	sshll.u32 s0, $0xA;
	s2 =	sadd.s32 s3, s2  }
0x8d: {  	s2 =	sadd.s32 s2, s17  }
0x8e: {  	[smem:$0x3FBE] =	sst s2  }
0x8f: {  	_ = 	snop  }
0x90: {  	s2 =	sld [smem:$0x3FC9]  }
0x91: {  	s18 =	sld [smem:$0x3FC8];
	(tm) =	ssettm $0x1  }
0x92: {  	s4 =	sld [smem:$0x3FFB];
	_ =	sdelay $0x3  }
0x93: {  	_ =	strace s4  }
0x94: {  	s4 =	sld [smem:$0x3FFC];
	_ =	sdelay $0x3  }
0x95: {  	_ =	strace s4  }
0x96: {  	s4 =	sld [smem:$0x3FFD];
	_ =	sdelay $0x3  }
0x97: {  	_ =	strace s4  }
0x98: {  	_ =	strace $0x8FFFFFFF  }
0x99: {  	s19 =	sld [smem:$0x3FDB];
	_ =	sdelay $0x1  }
0x9a: {  	s5 =	simm.s32 $_scs_section_size  }
0x9b: {  	s6 =	simm.s32 $_size__tile_overlayer_lowered;
	s7 =	simm.s32 $_tile_overlayer_lowered  }
0x9c: {  	s22 =	simm.s32 $0x1BFF;
	s21 =	sshll.u32 s7, $0x1;
	s4 =	sadd.s32 s5, s19  }
0x9d: {  	s8 =	simm.s32 $0x0;
	s20 =	sshll.u32 s6, $0x1;
	s6 =	sadd.s32 s21, s4  }
0x9e: {  	[timem:s8], [sflag:s22] =	dma.local [hbm:s6], s20  }
0x9f: {  	_ =	swait.ge [sflag:s22], s20  }
0xa0: {  	s5 =	ssub.s32 $0x0, s20;
	[sflag:s22] =	ssyncset.done $0x0  }
0xa1: {  	[sflag:s22] =	ssyncadd.s32 s5;
	_ =	sdelay $0x1  }
0xa2: {  	s23 =	simm.s32 $0x1B8B  }
0xa3: {  	_ =	swait.ge [sflag:s23], $0x1  }
0xa4: {  	[sflag:s23] =	ssyncset.done $0x0  }
0xa5: {  	s25 =	simm.s32 $0x1B8E;
	s24 =	sld [smem:$0x3FFE];
	[sflag:s23] =	ssyncadd.s32 $0xFFFFFFFF  }
0xa6: {  	s26 =	simm.s32 $execute0_lowered;
	[smem:$0x3FD2] =	sst s25  }
0xa7: {  	s6 =	sshll.u32 s26, $0x1;
	_ =	strace $0x80000046;
	[dreg:$0x1] =	wrdreg $0xFFFFFFFF  }
0xa8: {  	s28 =	simm.s32 $_size_execute0_lowered;
	s4 =	sadd.s32 s4, s6;
	[dreg:$0x0] =	wrdreg $0x0  }
0xa9: {  	s6 =	sshll.u32 s28, $0x1;
	[dreg:$0x2] =	wrdreg s4  }
0xaa: {  	[dreg:$0x3] =	wrdreg s6  }
0xab: {  	[dreg:$0x4] =	wrdreg $0xC0  }
0xac: {  	_ =	task [dreg:s8], $0x5FFFF  }
0xad: {  	[dreg:$0x1] =	wrdreg $0xFFFFFFFF  }
0xae: {  	[dreg:$0x0] =	wrdreg $0x60  }
0xaf: {  	[dreg:$0x2] =	wrdreg s2  }
0xb0: {  	[dreg:$0x3] =	wrdreg s18  }
0xb1: {  	[dreg:$0x4] =	wrdreg s24  }
0xb2: {  	[dreg:$0x5] =	wrdreg $0x9  }
0xb3: {  	_ =	task.clear_ibuf [dreg:s8], $0x6FFFF;
	_ =	strace $0x90000046  }
0xb4: {  	s29 =	simm.s32 $0x9;
	_ =	strace $0x80000048  }
0xb5: {  	_ =	swait.ge [sflag:s29], $0x1  }
0xb6: {  	[sflag:s29] =	ssyncadd.s32 $0xFFFFFFFF  }
0xb7: {  	_ =	strace $0x90000048  }
0xb8: {  	_ =	sfence  }
0xb9: {  	s30 =	sld [smem:$0x0];
	_ =	sdelay $0x2  }
0xba: {  	s31 =	sshll.u32 s1, $0xD;
	s1 =	sshrl.u32 s1, $0x2  }
0xbb: {  	s3 =	sand.u32 $0x4000, s31;
	s1 =	sadd.s32 s1, s30  }
0xbc: {  	s0 =	sor.u32 s3, s0;
	s1 =	sshll.u32 s1, $0x11  }
0xbd: {  	s0 =	sor.u32 s1, s0  }
0xbe: {  	s0 =	sadd.s32 $0x8F2B, s0  }
0xbf: {  	[sflag:s0] =	ssyncadd.remote.s32 $0x1  }
0xc0: {  	_ =	sfence.sel $0xFFFF  }
0xc1: {  	[dreg:$0x0] =	wrdreg $0xFFFFFFFF;
	(pc) =	sbr.abs _section_cstart, $3  }
0xc2: {  	[dreg:$0x1] =	wrdreg $0xFFFFFFFF  }
0xc3: {  	_ =	task.clear_ibuf [dreg:s8], $0x2FFFF;
	_ =	strace $0x9FFFFFFF  }
0xc4: {  	(tm) =	ssettm $0x7FFFFFFF  }
0xc5: {  	_ =	shalt  }
tec
execute0_lowered:
.L_overlay_start_1:
0x0: {  	(tag) =	ssettag $0x1  }
0x1: {  	s0 =	rddreg [dreg:$0x0]  }
0x2: {  	s1 =	rddreg [dreg:$0x1]  }
0x3: {  	s5 =	rddreg [dreg:$0x2];
	s2 =	simm.s32 $0x0  }
0x4: {  	s3 =	srdreg.scid;
	s26 =	stileid.u32;
	s11 =	simm.s32 $0x400  }
0x5: {  	s12 =	simm.s32 $0x8000;
	s16 =	simm.s32 $0x80;
	s17 =	simm.s32 $0x2500  }
0x6: {  	s19 =	simm.s32 $0x6500;
	s21 =	simm.s32 $0xA500;
	s23 =	simm.s32 $0xE500  }
0x7: {  	s25 =	simm.s32 $0x12500;
	s29 =	simm.s32 $0x3;
	s31 =	simm.s32 $0x4  }
0x8: {  	s24 =	simm.s32 $0x1;
	s30 =	simm.s32 $0x0;
	[smem:$0x7FF] =	sst s2  }
0x9: {  	s4 =	sand.u32 $0x1, s3;
	s6 =	sshll.u32 s26, $0x1;
	s3 =	sadd.s32 $0x189800, s5  }
0xa: {  	s26 =	simm.s32 $0x2;
	_ =	strace $0x80000047;
	s6 =	sor.u32 s4, s6  }
0xb: {  	s7 =	ssub.s32 $0x2, s4;
	s4 =	sadd.s32 $0x24CE00, s5;
	s8 =	sshll.u32 s6, $0x7  }
0xc: {  	s9 =	sshrl.u32 s7, $0x1;
	s28 =	sshll.u32 s6, $0x4;
	s10 =	sadd.s32 s8, s5  }
0xd: {  	s9 =	ssub.s32 s7, s9;
	s5 =	sadd.s32 s0, s28;
	s6 =	sadd.s32 s1, s8  }
0xe: {  	v1 =	vlaneseq.u32;
	s1 =	simm.s32 $0x5;
	s7 =	sadd.s32 $0xAE00, s10;
	s8 =	sadd.s32 $0x2E00, s10  }
0xf: {  	v0 =	vimm.f32 $0.0e+00;
	v1 =	vmul.u32 $0x80, v1;
	s9 =	smax.u32 s9, $0x1;
	s10 =	simm.s32 $0x6;
	s14 =	sadd.s32 $0x2000, s6  }
.LBB2_1:
0x10: {  	s0 =	simm.s32 $0x0  }
0x11: {  	[tilespmem:s0], [sflag:$0x6] =	stream.linear.gather [hbm4b:s5+s0], $0x80, $0x38;
	[tilespmem:$0x1A500] =	vst v63  }
0x12: {  	_ =	swait.ge [sflag:s10], $0x80  }
0x13: {  	[sflag:s10] =	ssyncset.done $0x0  }
0x14: {  	s2 =	simm.s32 $0x100;
	[sflag:s10] =	ssyncadd.s32 $0xFFFFFF80  }
0x15: {  	[tilespmem:s2], [sflag:$0x6] =	stream.strided.gather [hbm4b:s6+s11], $0x800, s12, s11, $0x38;
	[tilespmem:$0x1A500] =	vst v63  }
0x16: {  	s28 =	simm.s32 $0x900  }
0x17: {  	[tilespmem:s28], [sflag:$0x6] =	stream.linear.gather [hbm4b:s14+s0], $0x200, $0x38;
	[tilespmem:$0x1A500] =	vst v63  }
0x18: {  	_ =	swait.ge [sflag:s10], $0xA00  }
0x19: {  	[sflag:s10] =	ssyncset.done $0x0  }
0x1a: {  	s0 =	simm.s32 $0x0;
	[sflag:s10] =	ssyncadd.s32 $0xFFFFF600  }
0x1b: {  	v2 =	vld [tilespmem:s0+$0x0]  }
0x1c: {  	s13 =	simm.s32 $0x40  }
.LBB2_2:
0x1d: {  	p0 =	sne.s32 s13, $0x1C0  }
.Ltmp0:
0x1e: {  	_ = 	snop;
	(pc) =	sbr.rel @p0 .LBB2_2-.Ltmp0, $4  }
0x1f: {  	_ = 	snop  }
0x20: {  	s15 =	sshra.s32 s13, $0x2;
	s13 =	sadd.s32 $0x40, s13;
	v3 =	vshll.u32 v2, $0x6;
	v4 =	vshra.s32 v2, $0x1  }
0x21: {  	v2 =	vld [tilespmem:s15+$0x0];
	v3 =	vand.u32 $0x40, v3;
	[tilespmem:s0+$0x0] =	vst v4  }
0x22: {  	[tilespmem:s0+$0x80] =	vst v3;
	s0 =	smov.u32 s15  }
0x23: {  	_ =	sdelay $0x2  }
0x24: {  	v3 =	vshll.u32 v2, $0x6;
	v2 =	vshra.s32 v2, $0x1  }
0x25: {  	v3 =	vand.u32 $0x40, v3;
	[tilespmem:s0+$0x0] =	vst v2  }
0x26: {  	s28 =	simm.s32 $0x0;
	[tilespmem:s0+$0x80] =	vst v3;
	s0 =	simm.s32 $0x0  }
0x27: {  	[tilespmem:s17], [sflag:$0x1] =	stream.indirect.gather [hbm4b:s3+s16], $0x80, s28, s16, $0xb8;
	[tilespmem:$0x1A500] =	vst v63  }
0x28: {  	v2 =	vld [tilespmem:s0+$0x100]  }
0x29: {  	s15 =	simm.s32 $0x40;
	s13 =	simm.s32 $0x0  }
.LBB2_4:
0x2a: {  	p0 =	sne.s32 s15, $0x1C0  }
.Ltmp1:
0x2b: {  	_ = 	snop;
	(pc) =	sbr.rel @p0 .LBB2_4-.Ltmp1, $4  }
0x2c: {  	_ = 	snop  }
0x2d: {  	s18 =	sshra.s32 s15, $0x2;
	s15 =	sadd.s32 $0x40, s15;
	v3 =	vshra.s32 v2, $0x1;
	v4 =	vshll.u32 v2, $0x6  }
0x2e: {  	v2 =	vld [tilespmem:s18+$0x100];
	[tilespmem:s13+$0xD00] =	vst v3;
	v3 =	vand.u32 $0x40, v4  }
0x2f: {  	[tilespmem:s13+$0x1900] =	vst v3;
	s13 =	smov.u32 s18  }
0x30: {  	_ =	sdelay $0x2  }
0x31: {  	v3 =	vshra.s32 v2, $0x1;
	v2 =	vshll.u32 v2, $0x6  }
0x32: {  	[tilespmem:s13+$0xD00] =	vst v3;
	v2 =	vand.u32 $0x40, v2  }
0x33: {  	[tilespmem:s13+$0x1900] =	vst v2  }
0x34: {  	v2 =	vld [tilespmem:s0+$0x180]  }
0x35: {  	s13 =	simm.s32 $0x40  }
.LBB2_6:
0x36: {  	p0 =	sne.s32 s13, $0x1C0  }
.Ltmp2:
0x37: {  	_ = 	snop;
	(pc) =	sbr.rel @p0 .LBB2_6-.Ltmp2, $4  }
0x38: {  	_ = 	snop  }
0x39: {  	s15 =	sshra.s32 s13, $0x2;
	s13 =	sadd.s32 $0x40, s13;
	v3 =	vshra.s32 v2, $0x1;
	v4 =	vshll.u32 v2, $0x6  }
0x3a: {  	v2 =	vld [tilespmem:s15+$0x180];
	[tilespmem:s0+$0xD80] =	vst v3;
	v3 =	vand.u32 $0x40, v4  }
0x3b: {  	[tilespmem:s0+$0x1980] =	vst v3;
	s0 =	smov.u32 s15  }
0x3c: {  	_ =	sdelay $0x2  }
0x3d: {  	v3 =	vshra.s32 v2, $0x1;
	v2 =	vshll.u32 v2, $0x6  }
0x3e: {  	[tilespmem:s0+$0xD80] =	vst v3;
	v2 =	vand.u32 $0x40, v2  }
0x3f: {  	[tilespmem:s0+$0x1980] =	vst v2;
	s0 =	simm.s32 $0x0  }
0x40: {  	v2 =	vld [tilespmem:s0+$0x200]  }
0x41: {  	s15 =	simm.s32 $0x40;
	s13 =	simm.s32 $0x0  }
.LBB2_8:
0x42: {  	p0 =	sne.s32 s15, $0x1C0  }
.Ltmp3:
0x43: {  	_ = 	snop;
	(pc) =	sbr.rel @p0 .LBB2_8-.Ltmp3, $4  }
0x44: {  	_ = 	snop  }
0x45: {  	s18 =	sshra.s32 s15, $0x2;
	s15 =	sadd.s32 $0x40, s15;
	v3 =	vshra.s32 v2, $0x1;
	v4 =	vshll.u32 v2, $0x6  }
0x46: {  	v2 =	vld [tilespmem:s18+$0x200];
	[tilespmem:s13+$0xE00] =	vst v3;
	v3 =	vand.u32 $0x40, v4  }
0x47: {  	[tilespmem:s13+$0x1A00] =	vst v3;
	s13 =	smov.u32 s18  }
0x48: {  	_ =	sdelay $0x2  }
0x49: {  	v3 =	vshra.s32 v2, $0x1;
	v2 =	vshll.u32 v2, $0x6  }
0x4a: {  	[tilespmem:s13+$0xE00] =	vst v3;
	v2 =	vand.u32 $0x40, v2  }
0x4b: {  	[tilespmem:s13+$0x1A00] =	vst v2  }
0x4c: {  	v2 =	vld [tilespmem:s0+$0x280]  }
0x4d: {  	s13 =	simm.s32 $0x40  }
.LBB2_10:
0x4e: {  	p0 =	sne.s32 s13, $0x1C0  }
.Ltmp4:
0x4f: {  	_ = 	snop;
	(pc) =	sbr.rel @p0 .LBB2_10-.Ltmp4, $4  }
0x50: {  	_ = 	snop  }
0x51: {  	s15 =	sshra.s32 s13, $0x2;
	s13 =	sadd.s32 $0x40, s13;
	v3 =	vshra.s32 v2, $0x1;
	v4 =	vshll.u32 v2, $0x6  }
0x52: {  	v2 =	vld [tilespmem:s15+$0x280];
	[tilespmem:s0+$0xE80] =	vst v3;
	v3 =	vand.u32 $0x40, v4  }
0x53: {  	[tilespmem:s0+$0x1A80] =	vst v3;
	s0 =	smov.u32 s15  }
0x54: {  	_ =	sdelay $0x2  }
0x55: {  	v3 =	vshra.s32 v2, $0x1;
	v2 =	vshll.u32 v2, $0x6  }
0x56: {  	[tilespmem:s0+$0xE80] =	vst v3;
	v2 =	vand.u32 $0x40, v2  }
0x57: {  	[tilespmem:s0+$0x1A80] =	vst v2;
	s0 =	simm.s32 $0x0  }
0x58: {  	v2 =	vld [tilespmem:s0+$0x300]  }
0x59: {  	s15 =	simm.s32 $0x40;
	s13 =	simm.s32 $0x0  }
.LBB2_12:
0x5a: {  	p0 =	sne.s32 s15, $0x1C0  }
.Ltmp5:
0x5b: {  	_ = 	snop;
	(pc) =	sbr.rel @p0 .LBB2_12-.Ltmp5, $4  }
0x5c: {  	_ = 	snop  }
0x5d: {  	s18 =	sshra.s32 s15, $0x2;
	s15 =	sadd.s32 $0x40, s15;
	v3 =	vshra.s32 v2, $0x1;
	v4 =	vshll.u32 v2, $0x6  }
0x5e: {  	v2 =	vld [tilespmem:s18+$0x300];
	[tilespmem:s13+$0xF00] =	vst v3;
	v3 =	vand.u32 $0x40, v4  }
0x5f: {  	[tilespmem:s13+$0x1B00] =	vst v3;
	s13 =	smov.u32 s18  }
0x60: {  	_ =	sdelay $0x2  }
0x61: {  	v3 =	vshra.s32 v2, $0x1;
	v2 =	vshll.u32 v2, $0x6  }
0x62: {  	[tilespmem:s13+$0xF00] =	vst v3;
	v2 =	vand.u32 $0x40, v2  }
0x63: {  	[tilespmem:s13+$0x1B00] =	vst v2  }
0x64: {  	v2 =	vld [tilespmem:s0+$0x380]  }
0x65: {  	s13 =	simm.s32 $0x40  }
.LBB2_14:
0x66: {  	p0 =	sne.s32 s13, $0x1C0  }
.Ltmp6:
0x67: {  	_ = 	snop;
	(pc) =	sbr.rel @p0 .LBB2_14-.Ltmp6, $4  }
0x68: {  	_ = 	snop  }
0x69: {  	s15 =	sshra.s32 s13, $0x2;
	s13 =	sadd.s32 $0x40, s13;
	v3 =	vshra.s32 v2, $0x1;
	v4 =	vshll.u32 v2, $0x6  }
0x6a: {  	v2 =	vld [tilespmem:s15+$0x380];
	[tilespmem:s0+$0xF80] =	vst v3;
	v3 =	vand.u32 $0x40, v4  }
0x6b: {  	[tilespmem:s0+$0x1B80] =	vst v3;
	s0 =	smov.u32 s15  }
0x6c: {  	_ =	sdelay $0x2  }
0x6d: {  	v3 =	vshra.s32 v2, $0x1;
	v2 =	vshll.u32 v2, $0x6  }
0x6e: {  	[tilespmem:s0+$0xF80] =	vst v3;
	v2 =	vand.u32 $0x40, v2  }
0x6f: {  	[tilespmem:s0+$0x1B80] =	vst v2;
	s0 =	simm.s32 $0x0  }
0x70: {  	v2 =	vld [tilespmem:s0+$0x400]  }
0x71: {  	s15 =	simm.s32 $0x40;
	s13 =	simm.s32 $0x0  }
.LBB2_16:
0x72: {  	p0 =	sne.s32 s15, $0x1C0  }
.Ltmp7:
0x73: {  	_ = 	snop;
	(pc) =	sbr.rel @p0 .LBB2_16-.Ltmp7, $4  }
0x74: {  	_ = 	snop  }
0x75: {  	s18 =	sshra.s32 s15, $0x2;
	s15 =	sadd.s32 $0x40, s15;
	v3 =	vshra.s32 v2, $0x1;
	v4 =	vshll.u32 v2, $0x6  }
0x76: {  	v2 =	vld [tilespmem:s18+$0x400];
	[tilespmem:s13+$0x1000] =	vst v3;
	v3 =	vand.u32 $0x40, v4  }
0x77: {  	[tilespmem:s13+$0x1C00] =	vst v3;
	s13 =	smov.u32 s18  }
0x78: {  	_ =	sdelay $0x2  }
0x79: {  	v3 =	vshra.s32 v2, $0x1;
	v2 =	vshll.u32 v2, $0x6  }
0x7a: {  	[tilespmem:s13+$0x1000] =	vst v3;
	v2 =	vand.u32 $0x40, v2  }
0x7b: {  	[tilespmem:s13+$0x1C00] =	vst v2  }
0x7c: {  	v2 =	vld [tilespmem:s0+$0x480]  }
0x7d: {  	s13 =	simm.s32 $0x40  }
.LBB2_18:
0x7e: {  	p0 =	sne.s32 s13, $0x1C0  }
.Ltmp8:
0x7f: {  	_ = 	snop;
	(pc) =	sbr.rel @p0 .LBB2_18-.Ltmp8, $4  }
0x80: {  	_ = 	snop  }
0x81: {  	s15 =	sshra.s32 s13, $0x2;
	s13 =	sadd.s32 $0x40, s13;
	v3 =	vshra.s32 v2, $0x1;
	v4 =	vshll.u32 v2, $0x6  }
0x82: {  	v2 =	vld [tilespmem:s15+$0x480];
	[tilespmem:s0+$0x1080] =	vst v3;
	v3 =	vand.u32 $0x40, v4  }
0x83: {  	[tilespmem:s0+$0x1C80] =	vst v3;
	s0 =	smov.u32 s15  }
0x84: {  	_ =	sdelay $0x2  }
0x85: {  	v3 =	vshra.s32 v2, $0x1;
	v2 =	vshll.u32 v2, $0x6  }
0x86: {  	[tilespmem:s0+$0x1080] =	vst v3;
	v2 =	vand.u32 $0x40, v2  }
0x87: {  	[tilespmem:s0+$0x1C80] =	vst v2;
	s0 =	simm.s32 $0x0  }
0x88: {  	v2 =	vld [tilespmem:s0+$0x500]  }
0x89: {  	s15 =	simm.s32 $0x40;
	s13 =	simm.s32 $0x0  }
.LBB2_20:
0x8a: {  	p0 =	sne.s32 s15, $0x1C0  }
.Ltmp9:
0x8b: {  	_ = 	snop;
	(pc) =	sbr.rel @p0 .LBB2_20-.Ltmp9, $4  }
0x8c: {  	_ = 	snop  }
0x8d: {  	s18 =	sshra.s32 s15, $0x2;
	s15 =	sadd.s32 $0x40, s15;
	v3 =	vshra.s32 v2, $0x1;
	v4 =	vshll.u32 v2, $0x6  }
0x8e: {  	v2 =	vld [tilespmem:s18+$0x500];
	[tilespmem:s13+$0x1100] =	vst v3;
	v3 =	vand.u32 $0x40, v4  }
0x8f: {  	[tilespmem:s13+$0x1D00] =	vst v3;
	s13 =	smov.u32 s18  }
0x90: {  	_ =	sdelay $0x2  }
0x91: {  	v3 =	vshra.s32 v2, $0x1;
	v2 =	vshll.u32 v2, $0x6  }
0x92: {  	[tilespmem:s13+$0x1100] =	vst v3;
	v2 =	vand.u32 $0x40, v2  }
0x93: {  	[tilespmem:s13+$0x1D00] =	vst v2  }
0x94: {  	v2 =	vld [tilespmem:s0+$0x580]  }
0x95: {  	s13 =	simm.s32 $0x40  }
.LBB2_22:
0x96: {  	p0 =	sne.s32 s13, $0x1C0  }
.Ltmp10:
0x97: {  	_ = 	snop;
	(pc) =	sbr.rel @p0 .LBB2_22-.Ltmp10, $4  }
0x98: {  	_ = 	snop  }
0x99: {  	s15 =	sshra.s32 s13, $0x2;
	s13 =	sadd.s32 $0x40, s13;
	v3 =	vshra.s32 v2, $0x1;
	v4 =	vshll.u32 v2, $0x6  }
0x9a: {  	v2 =	vld [tilespmem:s15+$0x580];
	[tilespmem:s0+$0x1180] =	vst v3;
	v3 =	vand.u32 $0x40, v4  }
0x9b: {  	[tilespmem:s0+$0x1D80] =	vst v3;
	s0 =	smov.u32 s15  }
0x9c: {  	_ =	sdelay $0x2  }
0x9d: {  	v3 =	vshra.s32 v2, $0x1;
	v2 =	vshll.u32 v2, $0x6  }
0x9e: {  	[tilespmem:s0+$0x1180] =	vst v3;
	v2 =	vand.u32 $0x40, v2  }
0x9f: {  	[tilespmem:s0+$0x1D80] =	vst v2;
	s0 =	simm.s32 $0x0  }
0xa0: {  	v2 =	vld [tilespmem:s0+$0x600]  }
0xa1: {  	s15 =	simm.s32 $0x40;
	s13 =	simm.s32 $0x0  }
.LBB2_24:
0xa2: {  	p0 =	sne.s32 s15, $0x1C0  }
.Ltmp11:
0xa3: {  	_ = 	snop;
	(pc) =	sbr.rel @p0 .LBB2_24-.Ltmp11, $4  }
0xa4: {  	_ = 	snop  }
0xa5: {  	s18 =	sshra.s32 s15, $0x2;
	s15 =	sadd.s32 $0x40, s15;
	v3 =	vshra.s32 v2, $0x1;
	v4 =	vshll.u32 v2, $0x6  }
0xa6: {  	v2 =	vld [tilespmem:s18+$0x600];
	[tilespmem:s13+$0x1200] =	vst v3;
	v3 =	vand.u32 $0x40, v4  }
0xa7: {  	[tilespmem:s13+$0x1E00] =	vst v3;
	s13 =	smov.u32 s18  }
0xa8: {  	_ =	sdelay $0x2  }
0xa9: {  	v3 =	vshra.s32 v2, $0x1;
	v2 =	vshll.u32 v2, $0x6  }
0xaa: {  	[tilespmem:s13+$0x1200] =	vst v3;
	v2 =	vand.u32 $0x40, v2  }
0xab: {  	[tilespmem:s13+$0x1E00] =	vst v2  }
0xac: {  	v2 =	vld [tilespmem:s0+$0x680]  }
0xad: {  	s13 =	simm.s32 $0x40  }
.LBB2_26:
0xae: {  	p0 =	sne.s32 s13, $0x1C0  }
.Ltmp12:
0xaf: {  	_ = 	snop;
	(pc) =	sbr.rel @p0 .LBB2_26-.Ltmp12, $4  }
0xb0: {  	_ = 	snop  }
0xb1: {  	s15 =	sshra.s32 s13, $0x2;
	s13 =	sadd.s32 $0x40, s13;
	v3 =	vshra.s32 v2, $0x1;
	v4 =	vshll.u32 v2, $0x6  }
0xb2: {  	v2 =	vld [tilespmem:s15+$0x680];
	[tilespmem:s0+$0x1280] =	vst v3;
	v3 =	vand.u32 $0x40, v4  }
0xb3: {  	[tilespmem:s0+$0x1E80] =	vst v3;
	s0 =	smov.u32 s15  }
0xb4: {  	_ =	sdelay $0x2  }
0xb5: {  	v3 =	vshra.s32 v2, $0x1;
	v2 =	vshll.u32 v2, $0x6  }
0xb6: {  	[tilespmem:s0+$0x1280] =	vst v3;
	v2 =	vand.u32 $0x40, v2  }
0xb7: {  	[tilespmem:s0+$0x1E80] =	vst v2;
	s0 =	simm.s32 $0x0  }
0xb8: {  	v2 =	vld [tilespmem:s0+$0x700]  }
0xb9: {  	s15 =	simm.s32 $0x40;
	s13 =	simm.s32 $0x0  }
.LBB2_28:
0xba: {  	p0 =	sne.s32 s15, $0x1C0  }
.Ltmp13:
0xbb: {  	_ = 	snop;
	(pc) =	sbr.rel @p0 .LBB2_28-.Ltmp13, $4  }
0xbc: {  	_ = 	snop  }
0xbd: {  	s18 =	sshra.s32 s15, $0x2;
	s15 =	sadd.s32 $0x40, s15;
	v3 =	vshra.s32 v2, $0x1;
	v4 =	vshll.u32 v2, $0x6  }
0xbe: {  	v2 =	vld [tilespmem:s18+$0x700];
	[tilespmem:s13+$0x1300] =	vst v3;
	v3 =	vand.u32 $0x40, v4  }
0xbf: {  	[tilespmem:s13+$0x1F00] =	vst v3;
	s13 =	smov.u32 s18  }
0xc0: {  	_ =	sdelay $0x2  }
0xc1: {  	v3 =	vshra.s32 v2, $0x1;
	v2 =	vshll.u32 v2, $0x6  }
0xc2: {  	[tilespmem:s13+$0x1300] =	vst v3;
	v2 =	vand.u32 $0x40, v2  }
0xc3: {  	[tilespmem:s13+$0x1F00] =	vst v2  }
0xc4: {  	v2 =	vld [tilespmem:s0+$0x780]  }
0xc5: {  	s13 =	simm.s32 $0x40  }
.LBB2_30:
0xc6: {  	p0 =	sne.s32 s13, $0x1C0  }
.Ltmp14:
0xc7: {  	_ = 	snop;
	(pc) =	sbr.rel @p0 .LBB2_30-.Ltmp14, $4  }
0xc8: {  	_ = 	snop  }
0xc9: {  	s15 =	sshra.s32 s13, $0x2;
	s13 =	sadd.s32 $0x40, s13;
	v3 =	vshra.s32 v2, $0x1;
	v4 =	vshll.u32 v2, $0x6  }
0xca: {  	v2 =	vld [tilespmem:s15+$0x780];
	[tilespmem:s0+$0x1380] =	vst v3;
	v3 =	vand.u32 $0x40, v4  }
0xcb: {  	[tilespmem:s0+$0x1F80] =	vst v3;
	s0 =	smov.u32 s15  }
0xcc: {  	_ =	sdelay $0x2  }
0xcd: {  	v3 =	vshra.s32 v2, $0x1;
	v2 =	vshll.u32 v2, $0x6  }
0xce: {  	[tilespmem:s0+$0x1380] =	vst v3;
	v2 =	vand.u32 $0x40, v2  }
0xcf: {  	[tilespmem:s0+$0x1F80] =	vst v2;
	s0 =	simm.s32 $0x0  }
0xd0: {  	v2 =	vld [tilespmem:s0+$0x800]  }
0xd1: {  	s15 =	simm.s32 $0x40;
	s13 =	simm.s32 $0x0  }
.LBB2_32:
0xd2: {  	p0 =	sne.s32 s15, $0x1C0  }
.Ltmp15:
0xd3: {  	_ = 	snop;
	(pc) =	sbr.rel @p0 .LBB2_32-.Ltmp15, $4  }
0xd4: {  	_ = 	snop  }
0xd5: {  	s18 =	sshra.s32 s15, $0x2;
	s15 =	sadd.s32 $0x40, s15;
	v3 =	vshra.s32 v2, $0x1;
	v4 =	vshll.u32 v2, $0x6  }
0xd6: {  	v2 =	vld [tilespmem:s18+$0x800];
	[tilespmem:s13+$0x1400] =	vst v3;
	v3 =	vand.u32 $0x40, v4  }
0xd7: {  	[tilespmem:s13+$0x2000] =	vst v3;
	s13 =	smov.u32 s18  }
0xd8: {  	_ =	sdelay $0x2  }
0xd9: {  	v3 =	vshra.s32 v2, $0x1;
	v2 =	vshll.u32 v2, $0x6  }
0xda: {  	[tilespmem:s13+$0x1400] =	vst v3;
	v2 =	vand.u32 $0x40, v2  }
0xdb: {  	[tilespmem:s13+$0x2000] =	vst v2  }
0xdc: {  	v2 =	vld [tilespmem:s0+$0x880]  }
0xdd: {  	s13 =	simm.s32 $0x40  }
.LBB2_34:
0xde: {  	p0 =	sne.s32 s13, $0x1C0  }
.Ltmp16:
0xdf: {  	_ = 	snop;
	(pc) =	sbr.rel @p0 .LBB2_34-.Ltmp16, $4  }
0xe0: {  	_ = 	snop  }
0xe1: {  	s15 =	sshra.s32 s13, $0x2;
	s13 =	sadd.s32 $0x40, s13;
	v3 =	vshra.s32 v2, $0x1;
	v4 =	vshll.u32 v2, $0x6  }
0xe2: {  	v2 =	vld [tilespmem:s15+$0x880];
	[tilespmem:s0+$0x1480] =	vst v3;
	v3 =	vand.u32 $0x40, v4  }
0xe3: {  	[tilespmem:s0+$0x2080] =	vst v3;
	s0 =	smov.u32 s15  }
0xe4: {  	_ =	sdelay $0x2  }
0xe5: {  	v3 =	vshra.s32 v2, $0x1;
	v2 =	vshll.u32 v2, $0x6  }
0xe6: {  	[tilespmem:s0+$0x1480] =	vst v3;
	v2 =	vand.u32 $0x40, v2  }
0xe7: {  	[tilespmem:s0+$0x2080] =	vst v2;
	s0 =	simm.s32 $0x0  }
0xe8: {  	v2 =	vld [tilespmem:s0+$0x900]  }
0xe9: {  	s15 =	simm.s32 $0x40;
	s13 =	simm.s32 $0x0  }
.LBB2_36:
0xea: {  	p0 =	sne.s32 s15, $0x1C0  }
.Ltmp17:
0xeb: {  	_ = 	snop;
	(pc) =	sbr.rel @p0 .LBB2_36-.Ltmp17, $4  }
0xec: {  	_ = 	snop  }
0xed: {  	s18 =	sshra.s32 s15, $0x2;
	s15 =	sadd.s32 $0x40, s15;
	v3 =	vshra.s32 v2, $0x1;
	v4 =	vshll.u32 v2, $0x6  }
0xee: {  	v2 =	vld [tilespmem:s18+$0x900];
	[tilespmem:s13+$0x1500] =	vst v3;
	v3 =	vand.u32 $0x40, v4  }
0xef: {  	[tilespmem:s13+$0x2100] =	vst v3;
	s13 =	smov.u32 s18  }
0xf0: {  	_ =	sdelay $0x2  }
0xf1: {  	v3 =	vshra.s32 v2, $0x1;
	v2 =	vshll.u32 v2, $0x6  }
0xf2: {  	[tilespmem:s13+$0x1500] =	vst v3;
	v2 =	vand.u32 $0x40, v2  }
0xf3: {  	[tilespmem:s13+$0x2100] =	vst v2  }
0xf4: {  	v2 =	vld [tilespmem:s0+$0x980]  }
0xf5: {  	s13 =	simm.s32 $0x40  }
.LBB2_38:
0xf6: {  	p0 =	sne.s32 s13, $0x1C0  }
.Ltmp18:
0xf7: {  	_ = 	snop;
	(pc) =	sbr.rel @p0 .LBB2_38-.Ltmp18, $4  }
0xf8: {  	_ = 	snop  }
0xf9: {  	s15 =	sshra.s32 s13, $0x2;
	s13 =	sadd.s32 $0x40, s13;
	v3 =	vshra.s32 v2, $0x1;
	v4 =	vshll.u32 v2, $0x6  }
0xfa: {  	v2 =	vld [tilespmem:s15+$0x980];
	[tilespmem:s0+$0x1580] =	vst v3;
	v3 =	vand.u32 $0x40, v4  }
0xfb: {  	[tilespmem:s0+$0x2180] =	vst v3;
	s0 =	smov.u32 s15  }
0xfc: {  	_ =	sdelay $0x2  }
0xfd: {  	v3 =	vshra.s32 v2, $0x1;
	v2 =	vshll.u32 v2, $0x6  }
0xfe: {  	[tilespmem:s0+$0x1580] =	vst v3;
	v2 =	vand.u32 $0x40, v2  }
0xff: {  	[tilespmem:s0+$0x2180] =	vst v2;
	s0 =	simm.s32 $0x0  }
0x100: {  	v2 =	vld [tilespmem:s0+$0xA00]  }
0x101: {  	s15 =	simm.s32 $0x40;
	s13 =	simm.s32 $0x0  }
.LBB2_40:
0x102: {  	p0 =	sne.s32 s15, $0x1C0  }
.Ltmp19:
0x103: {  	_ = 	snop;
	(pc) =	sbr.rel @p0 .LBB2_40-.Ltmp19, $4  }
0x104: {  	_ = 	snop  }
0x105: {  	s18 =	sshra.s32 s15, $0x2;
	s15 =	sadd.s32 $0x40, s15;
	v3 =	vshra.s32 v2, $0x1;
	v4 =	vshll.u32 v2, $0x6  }
0x106: {  	v2 =	vld [tilespmem:s18+$0xA00];
	[tilespmem:s13+$0x1600] =	vst v3;
	v3 =	vand.u32 $0x40, v4  }
0x107: {  	[tilespmem:s13+$0x2200] =	vst v3;
	s13 =	smov.u32 s18  }
0x108: {  	_ =	sdelay $0x2  }
0x109: {  	v3 =	vshra.s32 v2, $0x1;
	v2 =	vshll.u32 v2, $0x6  }
0x10a: {  	[tilespmem:s13+$0x1600] =	vst v3;
	v2 =	vand.u32 $0x40, v2  }
0x10b: {  	[tilespmem:s13+$0x2200] =	vst v2  }
0x10c: {  	v2 =	vld [tilespmem:s0+$0xA80]  }
0x10d: {  	s13 =	simm.s32 $0x40  }
.LBB2_42:
0x10e: {  	p0 =	sne.s32 s13, $0x1C0  }
.Ltmp20:
0x10f: {  	_ = 	snop;
	(pc) =	sbr.rel @p0 .LBB2_42-.Ltmp20, $4  }
0x110: {  	_ = 	snop  }
0x111: {  	s15 =	sshra.s32 s13, $0x2;
	s13 =	sadd.s32 $0x40, s13;
	v3 =	vshra.s32 v2, $0x1;
	v4 =	vshll.u32 v2, $0x6  }
0x112: {  	v2 =	vld [tilespmem:s15+$0xA80];
	[tilespmem:s0+$0x1680] =	vst v3;
	v3 =	vand.u32 $0x40, v4  }
0x113: {  	[tilespmem:s0+$0x2280] =	vst v3;
	s0 =	smov.u32 s15  }
0x114: {  	_ =	sdelay $0x2  }
0x115: {  	v3 =	vshra.s32 v2, $0x1;
	v2 =	vshll.u32 v2, $0x6  }
0x116: {  	[tilespmem:s0+$0x1680] =	vst v3;
	v2 =	vand.u32 $0x40, v2  }
0x117: {  	s18 =	simm.s32 $0xD00;
	[tilespmem:s0+$0x2280] =	vst v2  }
0x118: {  	[tilespmem:s19], [sflag:$0x2] =	stream.indirect.gather [hbm4b:s4+s16], $0x80, s18, s16, $0xb8;
	[tilespmem:$0x1A500] =	vst v63  }
0x119: {  	s20 =	simm.s32 $0xD80  }
0x11a: {  	[tilespmem:s21], [sflag:$0x3] =	stream.indirect.gather [hbm4b:s4+s16], $0x80, s20, s16, $0xb8;
	[tilespmem:$0x1A500] =	vst v63  }
0x11b: {  	s22 =	simm.s32 $0xE00  }
0x11c: {  	[tilespmem:s23], [sflag:$0x4] =	stream.indirect.gather [hbm4b:s4+s16], $0x80, s22, s16, $0xb8;
	[tilespmem:$0x1A500] =	vst v63  }
0x11d: {  	s28 =	simm.s32 $0xE80;
	s13 =	simm.s32 $0x200;
	s0 =	simm.s32 $0x0  }
0x11e: {  	[tilespmem:s25], [sflag:$0x5] =	stream.indirect.gather [hbm4b:s4+s16], $0x80, s28, s16, $0xb8;
	[tilespmem:$0x1A500] =	vst v63  }
.LBB2_44:
0x11f: {  	p0 =	sne.s32 s13, $0x7E00;
	[tilespmem:s0+$0x18570] =	vst v0  }
0x120: {  	[tilespmem:s0+$0x18500] =	vst v0  }
0x121: {  	[tilespmem:s0+$0x18510] =	vst v0  }
.Ltmp21:
0x122: {  	[tilespmem:s0+$0x18520] =	vst v0;
	(pc) =	sbr.rel @p0 .LBB2_44-.Ltmp21, $4  }
0x123: {  	[tilespmem:s0+$0x18530] =	vst v0  }
0x124: {  	[tilespmem:s0+$0x18540] =	vst v0  }
0x125: {  	[tilespmem:s0+$0x18550] =	vst v0  }
0x126: {  	[tilespmem:s0+$0x18560] =	vst v0;
	s0 =	sshra.s32 s13, $0x2;
	s13 =	sadd.s32 $0x200, s13  }
0x127: {  	[tilespmem:s0+$0x18570] =	vst v0  }
0x128: {  	[tilespmem:s0+$0x18500] =	vst v0  }
0x129: {  	[tilespmem:s0+$0x18510] =	vst v0  }
0x12a: {  	[tilespmem:s0+$0x18520] =	vst v0  }
0x12b: {  	[tilespmem:s0+$0x18530] =	vst v0  }
0x12c: {  	[tilespmem:s0+$0x18540] =	vst v0  }
0x12d: {  	[tilespmem:s0+$0x18550] =	vst v0  }
0x12e: {  	[tilespmem:s0+$0x18560] =	vst v0  }
0x12f: {  	_ =	swait.ge [sflag:s26], $0x4000  }
0x130: {  	s0 =	simm.s32 $0x0;
	[sflag:s26] =	ssyncset.done $0x0  }
0x131: {  	s13 =	simm.s32 $0x18880;
	s15 =	simm.s32 $0x0;
	[sflag:s26] =	ssyncadd.s32 $0xFFFFC000  }
.LBB2_46:
0x132: {  	s18 =	sshll.u32 s15, $0x4  }
0x133: {  	v3 =	vld [tilespmem:s18+$0x1900];
	_ =	sdelay $0x2  }
0x134: {  	v2 =	vmov s18  }
0x135: {  	s2 =	simm.s32 $0x1;
	v2 =	vshll.u32 v2, $0x7  }
0x136: {  	s20 =	simm.s32 $0x2;
	s22 =	simm.s32 $0x3;
	s28 =	simm.s32 $0x6;
	v2 =	vor.u32 v1, v2;
	v4 =	vadd.s32 s0, v3;
	v6 =	vadd.s32 s2, v3  }
0x137: {  	v7 =	vadd.s32 s20, v3;
	v8 =	vadd.s32 s22, v3;
	s20 =	simm.s32 $0x4;
	v11 =	vadd.s32 s28, v3  }
0x138: {  	s22 =	simm.s32 $0x5;
	v5 =	vand.u32 $0xFFFFFF80, v4;
	v4 =	vand.u32 $0x7F, v4;
	v9 =	vadd.s32 s20, v3  }
0x139: {  	v10 =	vadd.s32 s22, v3;
	v12 =	vand.u32 $0x7F, v6;
	v13 =	vand.u32 $0x7F, v7  }
0x13a: {  	s2 =	simm.s32 $0x7;
	v14 =	vand.u32 $0x7F, v8;
	v6 =	vand.u32 $0xFFFFFF80, v6;
	v7 =	vand.u32 $0xFFFFFF80, v7  }
0x13b: {  	v17 =	vadd.s32 s2, v3;
	v8 =	vand.u32 $0xFFFFFF80, v8;
	v5 =	vadd.s32 v2, v5  }
0x13c: {  	v4 =	vor.u32 v4, v5;
	v5 =	vadd.s32 v2, v6;
	v6 =	vand.u32 $0xFFFFFF80, v17  }
0x13d: {  	v5 =	vor.u32 v12, v5;
	v12 =	vand.u32 $0x7F, v17;
	v6 =	vadd.s32 v2, v6  }
0x13e: {  	v15 =	vand.u32 $0x7F, v9;
	v7 =	vadd.s32 v2, v7;
	v6 =	vor.u32 v12, v6  }
0x13f: {  	v8 =	vadd.s32 v2, v8;
	v9 =	vand.u32 $0xFFFFFF80, v9;
	v7 =	vor.u32 v13, v7  }
0x140: {  	v12 =	vor.u32 v14, v8;
	v8 =	vadd.s32 v2, v9;
	v9 =	vand.u32 $0xFFFFFF80, v10  }
0x141: {  	v16 =	vand.u32 $0x7F, v10;
	v10 =	vor.u32 v15, v8;
	v8 =	vadd.s32 v2, v9;
	v4 =	vld.idx.msk [tilespmem:v4+s19+$0x0], $0xffff  }
0x142: {  	v9 =	vand.u32 $0xFFFFFF80, v11;
	v23 =	vld.idx.msk [tilespmem:v5+s19+$0x0], $0xffff;
	v5 =	vor.u32 v16, v8  }
0x143: {  	v9 =	vadd.s32 v2, v9;
	v8 =	vand.u32 $0x7F, v11;
	v16 =	vld.idx.msk [tilespmem:v6+s19+$0x0], $0xffff  }
0x144: {  	s28 =	simm.s32 $0xA;
	v14 =	vor.u32 v8, v9;
	v8 =	vld.idx.msk [tilespmem:v7+s19+$0x0], $0xffff  }
0x145: {  	s22 =	simm.s32 $0x9;
	v20 =	vadd.s32 s28, v3;
	v7 =	vld.idx.msk [tilespmem:v12+s19+$0x0], $0xffff  }
0x146: {  	s20 =	simm.s32 $0x8;
	s2 =	simm.s32 $0xB;
	v19 =	vadd.s32 s22, v3;
	v18 =	vand.u32 $0x7F, v20;
	v9 =	vld.idx.msk [tilespmem:v10+s19+$0x0], $0xffff  }
0x147: {  	v21 =	vand.u32 $0x7F, v19;
	v11 =	vadd.s32 s2, v3;
	v6 =	vadd.s32 s20, v3;
	s20 =	simm.s32 $0xC;
	v13 =	vld.idx.msk [tilespmem:v5+s19+$0x0], $0xffff  }
0x148: {  	s22 =	simm.s32 $0xD;
	v17 =	vand.u32 $0xFFFFFF80, v6;
	v15 =	vand.u32 $0x7F, v6;
	v12 =	vadd.s32 s20, v3;
	[tilespmem:s13+$0xFFFFFD00] =	vst.add.f32.msk $0xffff, v23  }
0x149: {  	s28 =	simm.s32 $0xE;
	v6 =	vadd.s32 s22, v3;
	v22 =	vadd.s32 v2, v17;
	v17 =	vand.u32 $0x7F, v11;
	v14 =	vld.idx.msk [tilespmem:v14+s19+$0x0], $0xffff  }
0x14a: {  	s18 =	smov.u32 s13;
	s22 =	simm.s32 $0xF;
	s20 =	simm.s32 $0x10;
	v10 =	vand.u32 $0x7F, v6;
	v5 =	vadd.s32 s28, v3;
	[tilespmem:s13+$0x0] =	vst.add.f32.msk $0xffff, v16;
	v16 =	vand.u32 $0x7F, v12  }
.LBB2_47:
0x14b: {  	p0 =	slt.u32 s20, $0x38;
	v19 =	vand.u32 $0xFFFFFF80, v19;
	v20 =	vand.u32 $0xFFFFFF80, v20;
	v23 =	vadd.s32 s22, v3;
	[tilespmem:s18+$0xFFFFFD80] =	vst.add.f32.msk $0xffff, v8  }
0x14c: {  	v8 =	vor.u32 v15, v22;
	v15 =	vadd.s32 v2, v19;
	v19 =	vand.u32 $0xFFFFFF80, v23;
	[tilespmem:s18+$0xFFFFFE00] =	vst.add.f32.msk $0xffff, v7  }
0x14d: {  	v7 =	vor.u32 v21, v15;
	v15 =	vand.u32 $0x7F, v23;
	v19 =	vadd.s32 v2, v19;
	[tilespmem:s18+$0xFFFFFE80] =	vst.add.f32.msk $0xffff, v9  }
0x14e: {  	v11 =	vand.u32 $0xFFFFFF80, v11;
	v9 =	vadd.s32 v2, v20;
	v15 =	vor.u32 v15, v19;
	[tilespmem:s18+$0xFFFFFF00] =	vst.add.f32.msk $0xffff, v13  }
0x14f: {  	v12 =	vand.u32 $0xFFFFFF80, v12;
	v11 =	vadd.s32 v2, v11;
	v9 =	vor.u32 v18, v9;
	[tilespmem:s18+$0xFFFFFF80] =	vst.add.f32.msk $0xffff, v14  }
0x150: {  	v6 =	vand.u32 $0xFFFFFF80, v6;
	v12 =	vadd.s32 v2, v12;
	v11 =	vor.u32 v17, v11;
	[tilespmem:s18+$0xFFFFFC80] =	vst.add.f32.msk $0xffff, v4  }
0x151: {  	v6 =	vadd.s32 v2, v6;
	v12 =	vor.u32 v16, v12;
	v4 =	vld.idx.msk [tilespmem:v8+s19+$0x0], $0xffff;
	v8 =	vand.u32 $0xFFFFFF80, v5  }
0x152: {  	v6 =	vor.u32 v10, v6;
	v5 =	vand.u32 $0x7F, v5;
	v23 =	vld.idx.msk [tilespmem:v7+s19+$0x0], $0xffff;
	v7 =	vadd.s32 v2, v8  }
0x153: {  	v10 =	vor.u32 v5, v7;
	v16 =	vld.idx.msk [tilespmem:v15+s19+$0x0], $0xffff  }
0x154: {  	v8 =	vld.idx.msk [tilespmem:v9+s19+$0x0], $0xffff  }
0x155: {  	s22 =	sadd.s32 $0x1, s20;
	v5 =	vadd.s32 s20, v3;
	v7 =	vld.idx.msk [tilespmem:v11+s19+$0x0], $0xffff  }
.Ltmp22:
0x156: {  	s28 =	sadd.s32 $0x2, s20;
	s2 =	sadd.s32 $0x3, s20;
	v17 =	vand.u32 $0xFFFFFF80, v5;
	v15 =	vand.u32 $0x7F, v5;
	v9 =	vld.idx.msk [tilespmem:v12+s19+$0x0], $0xffff;
	(pc) =	sbr.rel @p0 .LBB2_47-.Ltmp22, $4  }
0x157: {  	v20 =	vadd.s32 s28, v3;
	s28 =	sadd.s32 $0x6, s20;
	v19 =	vadd.s32 s22, v3;
	s22 =	sadd.s32 $0x5, s20;
	v11 =	vadd.s32 s2, v3;
	s2 =	sadd.s32 $0x4, s20;
	v13 =	vld.idx.msk [tilespmem:v6+s19+$0x0], $0xffff  }
0x158: {  	s18 =	sadd.s32 $0x400, s18;
	v5 =	vadd.s32 s28, v3;
	v12 =	vadd.s32 s2, v3;
	v6 =	vadd.s32 s22, v3;
	v14 =	vld.idx.msk [tilespmem:v10+s19+$0x0], $0xffff  }
0x159: {  	v18 =	vand.u32 $0x7F, v20;
	v21 =	vand.u32 $0x7F, v19;
	v22 =	vadd.s32 v2, v17;
	[tilespmem:s18+$0x0] =	vst.add.f32.msk $0xffff, v16  }
0x15a: {  	v17 =	vand.u32 $0x7F, v11;
	s22 =	sadd.s32 $0x7, s20;
	s20 =	sadd.s32 $0x8, s20;
	v10 =	vand.u32 $0x7F, v6;
	v16 =	vand.u32 $0x7F, v12;
	[tilespmem:s18+$0xFFFFFD00] =	vst.add.f32.msk $0xffff, v23  }
0x15b: {  	v19 =	vand.u32 $0xFFFFFF80, v19;
	v20 =	vand.u32 $0xFFFFFF80, v20;
	v3 =	vadd.s32 s22, v3;
	[tilespmem:s18+$0xFFFFFD80] =	vst.add.f32.msk $0xffff, v8  }
0x15c: {  	v52 =	vor.u32 v15, v22;
	[tilespmem:s18+$0xFFFFFE00] =	vst.add.f32.msk $0xffff, v7;
	v11 =	vand.u32 $0xFFFFFF80, v11;
	v53 =	vadd.s32 v2, v19  }
0x15d: {  	[tilespmem:s18+$0xFFFFFE80] =	vst.add.f32.msk $0xffff, v9;
	v12 =	vand.u32 $0xFFFFFF80, v12;
	v57 =	vadd.s32 v2, v20;
	v55 =	vor.u32 v21, v53  }
0x15e: {  	v6 =	vand.u32 $0xFFFFFF80, v6;
	[tilespmem:s18+$0xFFFFFC80] =	vst.add.f32.msk $0xffff, v4;
	v11 =	vadd.s32 v2, v11;
	v9 =	vor.u32 v18, v57  }
0x15f: {  	v60 =	vand.u32 $0xFFFFFF80, v5;
	[tilespmem:s18+$0xFFFFFF00] =	vst.add.f32.msk $0xffff, v13;
	v12 =	vadd.s32 v2, v12;
	v11 =	vor.u32 v17, v11  }
0x160: {  	v54 =	vand.u32 $0xFFFFFF80, v3;
	v6 =	vadd.s32 v2, v6;
	[tilespmem:s18+$0xFFFFFF80] =	vst.add.f32.msk $0xffff, v14;
	v59 =	vor.u32 v16, v12  }
0x161: {  	v3 =	vand.u32 $0x7F, v3;
	v56 =	vadd.s32 v2, v54;
	v6 =	vor.u32 v10, v6;
	v58 =	vld.idx.msk [tilespmem:v52+s19+$0x0], $0xffff  }
0x162: {  	v61 =	vand.u32 $0x7F, v5;
	v2 =	vadd.s32 v2, v60;
	v3 =	vor.u32 v3, v56;
	v7 =	vld.idx.msk [tilespmem:v55+s19+$0x0], $0xffff  }
0x163: {  	v2 =	vor.u32 v61, v2;
	v62 =	vld.idx.msk [tilespmem:v9+s19+$0x0], $0xffff  }
0x164: {  	v63 =	vld.idx.msk [tilespmem:v11+s19+$0x0], $0xffff  }
0x165: {  	v8 =	vld.idx.msk [tilespmem:v59+s19+$0x0], $0xffff  }
0x166: {  	v6 =	vld.idx.msk [tilespmem:v6+s19+$0x0], $0xffff  }
0x167: {  	v3 =	vld.idx.msk [tilespmem:v3+s19+$0x0], $0xffff  }
0x168: {  	s2 =	sadd.s32 $0x400, s18;
	v2 =	vld.idx.msk [tilespmem:v2+s19+$0x0], $0xffff  }
0x169: {  	[tilespmem:s2+$0xFFFFFC80] =	vst.add.f32.msk $0xffff, v58  }
0x16a: {  	s15 =	sadd.s32 $0x1, s15;
	[tilespmem:s2+$0xFFFFFD00] =	vst.add.f32.msk $0xffff, v7  }
0x16b: {  	p0 =	sne.s32 s15, $0x8;
	[tilespmem:s2+$0xFFFFFD80] =	vst.add.f32.msk $0xffff, v62  }
.Ltmp23:
0x16c: {  	[tilespmem:s2+$0xFFFFFE00] =	vst.add.f32.msk $0xffff, v63;
	(pc) =	sbr.rel @p0 .LBB2_46-.Ltmp23, $4  }
0x16d: {  	[tilespmem:s2+$0xFFFFFE80] =	vst.add.f32.msk $0xffff, v8  }
0x16e: {  	[tilespmem:s2+$0xFFFFFF00] =	vst.add.f32.msk $0xffff, v6  }
0x16f: {  	[tilespmem:s2+$0x0] =	vst.add.f32.msk $0xffff, v3  }
0x170: {  	s13 =	sadd.s32 $0x10, s13;
	[tilespmem:s2+$0xFFFFFF80] =	vst.add.f32.msk $0xffff, v2  }
0x171: {  	s0 =	simm.s32 $0xF00  }
0x172: {  	[tilespmem:s19], [sflag:$0x2] =	stream.indirect.gather [hbm4b:s4+s16], $0x80, s0, s16, $0xb8;
	[tilespmem:$0x1A500] =	vst v63  }
0x173: {  	_ =	swait.ge [sflag:s29], $0x4000  }
0x174: {  	s13 =	simm.s32 $0x18880;
	[sflag:s29] =	ssyncset.done $0x0  }
0x175: {  	s15 =	simm.s32 $0x0;
	s0 =	simm.s32 $0x0;
	[sflag:s29] =	ssyncadd.s32 $0xFFFFC000  }
.LBB2_50:
0x176: {  	s2 =	sshll.u32 s15, $0x4  }
0x177: {  	v3 =	vld [tilespmem:s2+$0x1980];
	_ =	sdelay $0x2  }
0x178: {  	v2 =	vmov s2  }
0x179: {  	s28 =	simm.s32 $0x1;
	v2 =	vshll.u32 v2, $0x7  }
0x17a: {  	s18 =	simm.s32 $0x2;
	s20 =	simm.s32 $0x3;
	s22 =	simm.s32 $0x6;
	v2 =	vor.u32 v1, v2;
	v4 =	vadd.s32 s0, v3;
	v6 =	vadd.s32 s28, v3  }
0x17b: {  	v7 =	vadd.s32 s18, v3;
	v8 =	vadd.s32 s20, v3;
	s18 =	simm.s32 $0x4;
	v11 =	vadd.s32 s22, v3  }
0x17c: {  	s20 =	simm.s32 $0x5;
	v5 =	vand.u32 $0xFFFFFF80, v4;
	v4 =	vand.u32 $0x7F, v4;
	v9 =	vadd.s32 s18, v3  }
0x17d: {  	v10 =	vadd.s32 s20, v3;
	v12 =	vand.u32 $0x7F, v6;
	v13 =	vand.u32 $0x7F, v7  }
0x17e: {  	s28 =	simm.s32 $0x7;
	v14 =	vand.u32 $0x7F, v8;
	v6 =	vand.u32 $0xFFFFFF80, v6;
	v7 =	vand.u32 $0xFFFFFF80, v7  }
0x17f: {  	v17 =	vadd.s32 s28, v3;
	v8 =	vand.u32 $0xFFFFFF80, v8;
	v5 =	vadd.s32 v2, v5  }
0x180: {  	v4 =	vor.u32 v4, v5;
	v5 =	vadd.s32 v2, v6;
	v6 =	vand.u32 $0xFFFFFF80, v17  }
0x181: {  	v5 =	vor.u32 v12, v5;
	v12 =	vand.u32 $0x7F, v17;
	v6 =	vadd.s32 v2, v6  }
0x182: {  	v15 =	vand.u32 $0x7F, v9;
	v7 =	vadd.s32 v2, v7;
	v6 =	vor.u32 v12, v6  }
0x183: {  	v8 =	vadd.s32 v2, v8;
	v9 =	vand.u32 $0xFFFFFF80, v9;
	v7 =	vor.u32 v13, v7  }
0x184: {  	v12 =	vor.u32 v14, v8;
	v8 =	vadd.s32 v2, v9;
	v9 =	vand.u32 $0xFFFFFF80, v10  }
0x185: {  	v16 =	vand.u32 $0x7F, v10;
	v10 =	vor.u32 v15, v8;
	v8 =	vadd.s32 v2, v9;
	v4 =	vld.idx.msk [tilespmem:v4+s21+$0x0], $0xffff  }
0x186: {  	v9 =	vand.u32 $0xFFFFFF80, v11;
	v23 =	vld.idx.msk [tilespmem:v5+s21+$0x0], $0xffff;
	v5 =	vor.u32 v16, v8  }
0x187: {  	v9 =	vadd.s32 v2, v9;
	v8 =	vand.u32 $0x7F, v11;
	v16 =	vld.idx.msk [tilespmem:v6+s21+$0x0], $0xffff  }
0x188: {  	s22 =	simm.s32 $0xA;
	v14 =	vor.u32 v8, v9;
	v8 =	vld.idx.msk [tilespmem:v7+s21+$0x0], $0xffff  }
0x189: {  	s20 =	simm.s32 $0x9;
	v20 =	vadd.s32 s22, v3;
	v7 =	vld.idx.msk [tilespmem:v12+s21+$0x0], $0xffff  }
0x18a: {  	s18 =	simm.s32 $0x8;
	s28 =	simm.s32 $0xB;
	v19 =	vadd.s32 s20, v3;
	v18 =	vand.u32 $0x7F, v20;
	v9 =	vld.idx.msk [tilespmem:v10+s21+$0x0], $0xffff  }
0x18b: {  	s20 =	simm.s32 $0xC;
	v21 =	vand.u32 $0x7F, v19;
	v11 =	vadd.s32 s28, v3;
	v6 =	vadd.s32 s18, v3;
	v13 =	vld.idx.msk [tilespmem:v5+s21+$0x0], $0xffff  }
0x18c: {  	s22 =	simm.s32 $0xD;
	v12 =	vadd.s32 s20, v3;
	v17 =	vand.u32 $0xFFFFFF80, v6;
	v15 =	vand.u32 $0x7F, v6;
	[tilespmem:s13+$0xFFFFFD00] =	vst.add.f32.msk $0xffff, v23  }
0x18d: {  	s28 =	simm.s32 $0xE;
	v6 =	vadd.s32 s22, v3;
	v22 =	vadd.s32 v2, v17;
	v17 =	vand.u32 $0x7F, v11;
	v14 =	vld.idx.msk [tilespmem:v14+s21+$0x0], $0xffff  }
0x18e: {  	s20 =	simm.s32 $0x10;
	s18 =	smov.u32 s13;
	s22 =	simm.s32 $0xF;
	v10 =	vand.u32 $0x7F, v6;
	v5 =	vadd.s32 s28, v3;
	[tilespmem:s13+$0x0] =	vst.add.f32.msk $0xffff, v16;
	v16 =	vand.u32 $0x7F, v12  }
.LBB2_51:
0x18f: {  	p0 =	slt.u32 s20, $0x38;
	v19 =	vand.u32 $0xFFFFFF80, v19;
	v20 =	vand.u32 $0xFFFFFF80, v20;
	v23 =	vadd.s32 s22, v3;
	[tilespmem:s18+$0xFFFFFD80] =	vst.add.f32.msk $0xffff, v8  }
0x190: {  	v8 =	vor.u32 v15, v22;
	v15 =	vadd.s32 v2, v19;
	v19 =	vand.u32 $0xFFFFFF80, v23;
	[tilespmem:s18+$0xFFFFFE00] =	vst.add.f32.msk $0xffff, v7  }
0x191: {  	v7 =	vor.u32 v21, v15;
	v15 =	vand.u32 $0x7F, v23;
	v19 =	vadd.s32 v2, v19;
	[tilespmem:s18+$0xFFFFFE80] =	vst.add.f32.msk $0xffff, v9  }
0x192: {  	v11 =	vand.u32 $0xFFFFFF80, v11;
	v9 =	vadd.s32 v2, v20;
	v15 =	vor.u32 v15, v19;
	[tilespmem:s18+$0xFFFFFF00] =	vst.add.f32.msk $0xffff, v13  }
0x193: {  	v12 =	vand.u32 $0xFFFFFF80, v12;
	v11 =	vadd.s32 v2, v11;
	v9 =	vor.u32 v18, v9;
	[tilespmem:s18+$0xFFFFFF80] =	vst.add.f32.msk $0xffff, v14  }
0x194: {  	v6 =	vand.u32 $0xFFFFFF80, v6;
	v12 =	vadd.s32 v2, v12;
	v11 =	vor.u32 v17, v11;
	[tilespmem:s18+$0xFFFFFC80] =	vst.add.f32.msk $0xffff, v4  }
0x195: {  	v6 =	vadd.s32 v2, v6;
	v12 =	vor.u32 v16, v12;
	v4 =	vld.idx.msk [tilespmem:v8+s21+$0x0], $0xffff;
	v8 =	vand.u32 $0xFFFFFF80, v5  }
0x196: {  	v6 =	vor.u32 v10, v6;
	v5 =	vand.u32 $0x7F, v5;
	v23 =	vld.idx.msk [tilespmem:v7+s21+$0x0], $0xffff;
	v7 =	vadd.s32 v2, v8  }
0x197: {  	v10 =	vor.u32 v5, v7;
	v16 =	vld.idx.msk [tilespmem:v15+s21+$0x0], $0xffff  }
0x198: {  	v8 =	vld.idx.msk [tilespmem:v9+s21+$0x0], $0xffff  }
0x199: {  	s2 =	sadd.s32 $0x1, s20;
	v5 =	vadd.s32 s20, v3;
	v7 =	vld.idx.msk [tilespmem:v11+s21+$0x0], $0xffff  }
.Ltmp24:
0x19a: {  	s22 =	sadd.s32 $0x2, s20;
	s28 =	sadd.s32 $0x3, s20;
	v17 =	vand.u32 $0xFFFFFF80, v5;
	v15 =	vand.u32 $0x7F, v5;
	v9 =	vld.idx.msk [tilespmem:v12+s21+$0x0], $0xffff;
	(pc) =	sbr.rel @p0 .LBB2_51-.Ltmp24, $4  }
0x19b: {  	v20 =	vadd.s32 s22, v3;
	s22 =	sadd.s32 $0x5, s20;
	v19 =	vadd.s32 s2, v3;
	s2 =	sadd.s32 $0x4, s20;
	v11 =	vadd.s32 s28, v3;
	s28 =	sadd.s32 $0x6, s20;
	v13 =	vld.idx.msk [tilespmem:v6+s21+$0x0], $0xffff  }
0x19c: {  	s18 =	sadd.s32 $0x400, s18;
	v12 =	vadd.s32 s2, v3;
	v5 =	vadd.s32 s28, v3;
	v6 =	vadd.s32 s22, v3;
	v14 =	vld.idx.msk [tilespmem:v10+s21+$0x0], $0xffff  }
0x19d: {  	v18 =	vand.u32 $0x7F, v20;
	v21 =	vand.u32 $0x7F, v19;
	v22 =	vadd.s32 v2, v17;
	[tilespmem:s18+$0x0] =	vst.add.f32.msk $0xffff, v16  }
0x19e: {  	v17 =	vand.u32 $0x7F, v11;
	s22 =	sadd.s32 $0x7, s20;
	s20 =	sadd.s32 $0x8, s20;
	v10 =	vand.u32 $0x7F, v6;
	v16 =	vand.u32 $0x7F, v12;
	[tilespmem:s18+$0xFFFFFD00] =	vst.add.f32.msk $0xffff, v23  }
0x19f: {  	v19 =	vand.u32 $0xFFFFFF80, v19;
	v20 =	vand.u32 $0xFFFFFF80, v20;
	v3 =	vadd.s32 s22, v3;
	[tilespmem:s18+$0xFFFFFD80] =	vst.add.f32.msk $0xffff, v8  }
0x1a0: {  	v52 =	vor.u32 v15, v22;
	[tilespmem:s18+$0xFFFFFE00] =	vst.add.f32.msk $0xffff, v7;
	v11 =	vand.u32 $0xFFFFFF80, v11;
	v53 =	vadd.s32 v2, v19  }
0x1a1: {  	[tilespmem:s18+$0xFFFFFE80] =	vst.add.f32.msk $0xffff, v9;
	v12 =	vand.u32 $0xFFFFFF80, v12;
	v57 =	vadd.s32 v2, v20;
	v55 =	vor.u32 v21, v53  }
0x1a2: {  	v6 =	vand.u32 $0xFFFFFF80, v6;
	[tilespmem:s18+$0xFFFFFC80] =	vst.add.f32.msk $0xffff, v4;
	v11 =	vadd.s32 v2, v11;
	v9 =	vor.u32 v18, v57  }
0x1a3: {  	v60 =	vand.u32 $0xFFFFFF80, v5;
	[tilespmem:s18+$0xFFFFFF00] =	vst.add.f32.msk $0xffff, v13;
	v12 =	vadd.s32 v2, v12;
	v11 =	vor.u32 v17, v11  }
0x1a4: {  	v54 =	vand.u32 $0xFFFFFF80, v3;
	v6 =	vadd.s32 v2, v6;
	[tilespmem:s18+$0xFFFFFF80] =	vst.add.f32.msk $0xffff, v14;
	v59 =	vor.u32 v16, v12  }
0x1a5: {  	v3 =	vand.u32 $0x7F, v3;
	v56 =	vadd.s32 v2, v54;
	v6 =	vor.u32 v10, v6;
	v58 =	vld.idx.msk [tilespmem:v52+s21+$0x0], $0xffff  }
0x1a6: {  	v61 =	vand.u32 $0x7F, v5;
	v2 =	vadd.s32 v2, v60;
	v3 =	vor.u32 v3, v56;
	v7 =	vld.idx.msk [tilespmem:v55+s21+$0x0], $0xffff  }
0x1a7: {  	v2 =	vor.u32 v61, v2;
	v62 =	vld.idx.msk [tilespmem:v9+s21+$0x0], $0xffff  }
0x1a8: {  	v63 =	vld.idx.msk [tilespmem:v11+s21+$0x0], $0xffff  }
0x1a9: {  	v8 =	vld.idx.msk [tilespmem:v59+s21+$0x0], $0xffff  }
0x1aa: {  	v6 =	vld.idx.msk [tilespmem:v6+s21+$0x0], $0xffff  }
0x1ab: {  	v3 =	vld.idx.msk [tilespmem:v3+s21+$0x0], $0xffff  }
0x1ac: {  	s2 =	sadd.s32 $0x400, s18;
	v2 =	vld.idx.msk [tilespmem:v2+s21+$0x0], $0xffff  }
0x1ad: {  	[tilespmem:s2+$0xFFFFFC80] =	vst.add.f32.msk $0xffff, v58  }
0x1ae: {  	s15 =	sadd.s32 $0x1, s15;
	[tilespmem:s2+$0xFFFFFD00] =	vst.add.f32.msk $0xffff, v7  }
0x1af: {  	p0 =	sne.s32 s15, $0x8;
	[tilespmem:s2+$0xFFFFFD80] =	vst.add.f32.msk $0xffff, v62  }
.Ltmp25:
0x1b0: {  	[tilespmem:s2+$0xFFFFFE00] =	vst.add.f32.msk $0xffff, v63;
	(pc) =	sbr.rel @p0 .LBB2_50-.Ltmp25, $4  }
0x1b1: {  	[tilespmem:s2+$0xFFFFFE80] =	vst.add.f32.msk $0xffff, v8  }
0x1b2: {  	[tilespmem:s2+$0xFFFFFF00] =	vst.add.f32.msk $0xffff, v6  }
0x1b3: {  	[tilespmem:s2+$0x0] =	vst.add.f32.msk $0xffff, v3  }
0x1b4: {  	s13 =	sadd.s32 $0x10, s13;
	[tilespmem:s2+$0xFFFFFF80] =	vst.add.f32.msk $0xffff, v2  }
0x1b5: {  	s0 =	simm.s32 $0xF80  }
0x1b6: {  	[tilespmem:s21], [sflag:$0x3] =	stream.indirect.gather [hbm4b:s4+s16], $0x80, s0, s16, $0xb8;
	[tilespmem:$0x1A500] =	vst v63  }
0x1b7: {  	_ =	swait.ge [sflag:s31], $0x4000  }
0x1b8: {  	s13 =	simm.s32 $0x18880;
	[sflag:s31] =	ssyncset.done $0x0  }
0x1b9: {  	s15 =	simm.s32 $0x0;
	s0 =	simm.s32 $0x0;
	[sflag:s31] =	ssyncadd.s32 $0xFFFFC000  }
.LBB2_54:
0x1ba: {  	s2 =	sshll.u32 s15, $0x4  }
0x1bb: {  	v3 =	vld [tilespmem:s2+$0x1A00];
	_ =	sdelay $0x2  }
0x1bc: {  	v2 =	vmov s2  }
0x1bd: {  	s28 =	simm.s32 $0x1;
	v2 =	vshll.u32 v2, $0x7  }
0x1be: {  	s18 =	simm.s32 $0x2;
	s20 =	simm.s32 $0x3;
	s22 =	simm.s32 $0x6;
	v2 =	vor.u32 v1, v2;
	v4 =	vadd.s32 s0, v3;
	v6 =	vadd.s32 s28, v3  }
0x1bf: {  	v7 =	vadd.s32 s18, v3;
	v8 =	vadd.s32 s20, v3;
	s18 =	simm.s32 $0x4;
	v11 =	vadd.s32 s22, v3  }
0x1c0: {  	s20 =	simm.s32 $0x5;
	v5 =	vand.u32 $0xFFFFFF80, v4;
	v4 =	vand.u32 $0x7F, v4;
	v9 =	vadd.s32 s18, v3  }
0x1c1: {  	v10 =	vadd.s32 s20, v3;
	v12 =	vand.u32 $0x7F, v6;
	v13 =	vand.u32 $0x7F, v7  }
0x1c2: {  	s28 =	simm.s32 $0x7;
	v14 =	vand.u32 $0x7F, v8;
	v6 =	vand.u32 $0xFFFFFF80, v6;
	v7 =	vand.u32 $0xFFFFFF80, v7  }
0x1c3: {  	v17 =	vadd.s32 s28, v3;
	v8 =	vand.u32 $0xFFFFFF80, v8;
	v5 =	vadd.s32 v2, v5  }
0x1c4: {  	v4 =	vor.u32 v4, v5;
	v5 =	vadd.s32 v2, v6;
	v6 =	vand.u32 $0xFFFFFF80, v17  }
0x1c5: {  	v5 =	vor.u32 v12, v5;
	v12 =	vand.u32 $0x7F, v17;
	v6 =	vadd.s32 v2, v6  }
0x1c6: {  	v15 =	vand.u32 $0x7F, v9;
	v7 =	vadd.s32 v2, v7;
	v6 =	vor.u32 v12, v6  }
0x1c7: {  	v8 =	vadd.s32 v2, v8;
	v9 =	vand.u32 $0xFFFFFF80, v9;
	v7 =	vor.u32 v13, v7  }
0x1c8: {  	v12 =	vor.u32 v14, v8;
	v8 =	vadd.s32 v2, v9;
	v9 =	vand.u32 $0xFFFFFF80, v10  }
0x1c9: {  	v16 =	vand.u32 $0x7F, v10;
	v10 =	vor.u32 v15, v8;
	v8 =	vadd.s32 v2, v9;
	v4 =	vld.idx.msk [tilespmem:v4+s23+$0x0], $0xffff  }
0x1ca: {  	v9 =	vand.u32 $0xFFFFFF80, v11;
	v23 =	vld.idx.msk [tilespmem:v5+s23+$0x0], $0xffff;
	v5 =	vor.u32 v16, v8  }
0x1cb: {  	v9 =	vadd.s32 v2, v9;
	v8 =	vand.u32 $0x7F, v11;
	v16 =	vld.idx.msk [tilespmem:v6+s23+$0x0], $0xffff  }
0x1cc: {  	s22 =	simm.s32 $0xA;
	v14 =	vor.u32 v8, v9;
	v8 =	vld.idx.msk [tilespmem:v7+s23+$0x0], $0xffff  }
0x1cd: {  	s20 =	simm.s32 $0x9;
	v20 =	vadd.s32 s22, v3;
	v7 =	vld.idx.msk [tilespmem:v12+s23+$0x0], $0xffff  }
0x1ce: {  	s18 =	simm.s32 $0x8;
	s28 =	simm.s32 $0xB;
	v19 =	vadd.s32 s20, v3;
	v18 =	vand.u32 $0x7F, v20;
	v9 =	vld.idx.msk [tilespmem:v10+s23+$0x0], $0xffff  }
0x1cf: {  	s20 =	simm.s32 $0xC;
	v21 =	vand.u32 $0x7F, v19;
	v11 =	vadd.s32 s28, v3;
	v6 =	vadd.s32 s18, v3;
	v13 =	vld.idx.msk [tilespmem:v5+s23+$0x0], $0xffff  }
0x1d0: {  	s22 =	simm.s32 $0xD;
	v12 =	vadd.s32 s20, v3;
	v17 =	vand.u32 $0xFFFFFF80, v6;
	v15 =	vand.u32 $0x7F, v6;
	[tilespmem:s13+$0xFFFFFD00] =	vst.add.f32.msk $0xffff, v23  }
0x1d1: {  	s28 =	simm.s32 $0xE;
	v6 =	vadd.s32 s22, v3;
	v22 =	vadd.s32 v2, v17;
	v17 =	vand.u32 $0x7F, v11;
	v14 =	vld.idx.msk [tilespmem:v14+s23+$0x0], $0xffff  }
0x1d2: {  	s20 =	simm.s32 $0x10;
	s18 =	smov.u32 s13;
	s22 =	simm.s32 $0xF;
	v10 =	vand.u32 $0x7F, v6;
	v5 =	vadd.s32 s28, v3;
	[tilespmem:s13+$0x0] =	vst.add.f32.msk $0xffff, v16;
	v16 =	vand.u32 $0x7F, v12  }
.LBB2_55:
0x1d3: {  	p0 =	slt.u32 s20, $0x38;
	v19 =	vand.u32 $0xFFFFFF80, v19;
	v20 =	vand.u32 $0xFFFFFF80, v20;
	v23 =	vadd.s32 s22, v3;
	[tilespmem:s18+$0xFFFFFD80] =	vst.add.f32.msk $0xffff, v8  }
0x1d4: {  	v8 =	vor.u32 v15, v22;
	v15 =	vadd.s32 v2, v19;
	v19 =	vand.u32 $0xFFFFFF80, v23;
	[tilespmem:s18+$0xFFFFFE00] =	vst.add.f32.msk $0xffff, v7  }
0x1d5: {  	v7 =	vor.u32 v21, v15;
	v15 =	vand.u32 $0x7F, v23;
	v19 =	vadd.s32 v2, v19;
	[tilespmem:s18+$0xFFFFFE80] =	vst.add.f32.msk $0xffff, v9  }
0x1d6: {  	v11 =	vand.u32 $0xFFFFFF80, v11;
	v9 =	vadd.s32 v2, v20;
	v15 =	vor.u32 v15, v19;
	[tilespmem:s18+$0xFFFFFF00] =	vst.add.f32.msk $0xffff, v13  }
0x1d7: {  	v12 =	vand.u32 $0xFFFFFF80, v12;
	v11 =	vadd.s32 v2, v11;
	v9 =	vor.u32 v18, v9;
	[tilespmem:s18+$0xFFFFFF80] =	vst.add.f32.msk $0xffff, v14  }
0x1d8: {  	v6 =	vand.u32 $0xFFFFFF80, v6;
	v12 =	vadd.s32 v2, v12;
	v11 =	vor.u32 v17, v11;
	[tilespmem:s18+$0xFFFFFC80] =	vst.add.f32.msk $0xffff, v4  }
0x1d9: {  	v6 =	vadd.s32 v2, v6;
	v12 =	vor.u32 v16, v12;
	v4 =	vld.idx.msk [tilespmem:v8+s23+$0x0], $0xffff;
	v8 =	vand.u32 $0xFFFFFF80, v5  }
0x1da: {  	v6 =	vor.u32 v10, v6;
	v5 =	vand.u32 $0x7F, v5;
	v23 =	vld.idx.msk [tilespmem:v7+s23+$0x0], $0xffff;
	v7 =	vadd.s32 v2, v8  }
0x1db: {  	v10 =	vor.u32 v5, v7;
	v16 =	vld.idx.msk [tilespmem:v15+s23+$0x0], $0xffff  }
0x1dc: {  	v8 =	vld.idx.msk [tilespmem:v9+s23+$0x0], $0xffff  }
0x1dd: {  	s2 =	sadd.s32 $0x1, s20;
	v5 =	vadd.s32 s20, v3;
	v7 =	vld.idx.msk [tilespmem:v11+s23+$0x0], $0xffff  }
.Ltmp26:
0x1de: {  	s22 =	sadd.s32 $0x2, s20;
	s28 =	sadd.s32 $0x3, s20;
	v17 =	vand.u32 $0xFFFFFF80, v5;
	v15 =	vand.u32 $0x7F, v5;
	v9 =	vld.idx.msk [tilespmem:v12+s23+$0x0], $0xffff;
	(pc) =	sbr.rel @p0 .LBB2_55-.Ltmp26, $4  }
0x1df: {  	v20 =	vadd.s32 s22, v3;
	s22 =	sadd.s32 $0x5, s20;
	v19 =	vadd.s32 s2, v3;
	s2 =	sadd.s32 $0x4, s20;
	v11 =	vadd.s32 s28, v3;
	s28 =	sadd.s32 $0x6, s20;
	v13 =	vld.idx.msk [tilespmem:v6+s23+$0x0], $0xffff  }
0x1e0: {  	s18 =	sadd.s32 $0x400, s18;
	v12 =	vadd.s32 s2, v3;
	v5 =	vadd.s32 s28, v3;
	v6 =	vadd.s32 s22, v3;
	v14 =	vld.idx.msk [tilespmem:v10+s23+$0x0], $0xffff  }
0x1e1: {  	v18 =	vand.u32 $0x7F, v20;
	v21 =	vand.u32 $0x7F, v19;
	v22 =	vadd.s32 v2, v17;
	[tilespmem:s18+$0x0] =	vst.add.f32.msk $0xffff, v16  }
0x1e2: {  	v17 =	vand.u32 $0x7F, v11;
	s22 =	sadd.s32 $0x7, s20;
	s20 =	sadd.s32 $0x8, s20;
	v10 =	vand.u32 $0x7F, v6;
	v16 =	vand.u32 $0x7F, v12;
	[tilespmem:s18+$0xFFFFFD00] =	vst.add.f32.msk $0xffff, v23  }
0x1e3: {  	v19 =	vand.u32 $0xFFFFFF80, v19;
	v20 =	vand.u32 $0xFFFFFF80, v20;
	v3 =	vadd.s32 s22, v3;
	[tilespmem:s18+$0xFFFFFD80] =	vst.add.f32.msk $0xffff, v8  }
0x1e4: {  	v52 =	vor.u32 v15, v22;
	[tilespmem:s18+$0xFFFFFE00] =	vst.add.f32.msk $0xffff, v7;
	v11 =	vand.u32 $0xFFFFFF80, v11;
	v53 =	vadd.s32 v2, v19  }
0x1e5: {  	[tilespmem:s18+$0xFFFFFE80] =	vst.add.f32.msk $0xffff, v9;
	v12 =	vand.u32 $0xFFFFFF80, v12;
	v57 =	vadd.s32 v2, v20;
	v55 =	vor.u32 v21, v53  }
0x1e6: {  	v6 =	vand.u32 $0xFFFFFF80, v6;
	[tilespmem:s18+$0xFFFFFC80] =	vst.add.f32.msk $0xffff, v4;
	v11 =	vadd.s32 v2, v11;
	v9 =	vor.u32 v18, v57  }
0x1e7: {  	v60 =	vand.u32 $0xFFFFFF80, v5;
	[tilespmem:s18+$0xFFFFFF00] =	vst.add.f32.msk $0xffff, v13;
	v12 =	vadd.s32 v2, v12;
	v11 =	vor.u32 v17, v11  }
0x1e8: {  	v54 =	vand.u32 $0xFFFFFF80, v3;
	v6 =	vadd.s32 v2, v6;
	[tilespmem:s18+$0xFFFFFF80] =	vst.add.f32.msk $0xffff, v14;
	v59 =	vor.u32 v16, v12  }
0x1e9: {  	v3 =	vand.u32 $0x7F, v3;
	v56 =	vadd.s32 v2, v54;
	v6 =	vor.u32 v10, v6;
	v58 =	vld.idx.msk [tilespmem:v52+s23+$0x0], $0xffff  }
0x1ea: {  	v61 =	vand.u32 $0x7F, v5;
	v2 =	vadd.s32 v2, v60;
	v3 =	vor.u32 v3, v56;
	v7 =	vld.idx.msk [tilespmem:v55+s23+$0x0], $0xffff  }
0x1eb: {  	v2 =	vor.u32 v61, v2;
	v62 =	vld.idx.msk [tilespmem:v9+s23+$0x0], $0xffff  }
0x1ec: {  	v63 =	vld.idx.msk [tilespmem:v11+s23+$0x0], $0xffff  }
0x1ed: {  	v8 =	vld.idx.msk [tilespmem:v59+s23+$0x0], $0xffff  }
0x1ee: {  	v6 =	vld.idx.msk [tilespmem:v6+s23+$0x0], $0xffff  }
0x1ef: {  	v3 =	vld.idx.msk [tilespmem:v3+s23+$0x0], $0xffff  }
0x1f0: {  	s2 =	sadd.s32 $0x400, s18;
	v2 =	vld.idx.msk [tilespmem:v2+s23+$0x0], $0xffff  }
0x1f1: {  	[tilespmem:s2+$0xFFFFFC80] =	vst.add.f32.msk $0xffff, v58  }
0x1f2: {  	s15 =	sadd.s32 $0x1, s15;
	[tilespmem:s2+$0xFFFFFD00] =	vst.add.f32.msk $0xffff, v7  }
0x1f3: {  	p0 =	sne.s32 s15, $0x8;
	[tilespmem:s2+$0xFFFFFD80] =	vst.add.f32.msk $0xffff, v62  }
.Ltmp27:
0x1f4: {  	[tilespmem:s2+$0xFFFFFE00] =	vst.add.f32.msk $0xffff, v63;
	(pc) =	sbr.rel @p0 .LBB2_54-.Ltmp27, $4  }
0x1f5: {  	[tilespmem:s2+$0xFFFFFE80] =	vst.add.f32.msk $0xffff, v8  }
0x1f6: {  	[tilespmem:s2+$0xFFFFFF00] =	vst.add.f32.msk $0xffff, v6  }
0x1f7: {  	[tilespmem:s2+$0x0] =	vst.add.f32.msk $0xffff, v3  }
0x1f8: {  	s13 =	sadd.s32 $0x10, s13;
	[tilespmem:s2+$0xFFFFFF80] =	vst.add.f32.msk $0xffff, v2  }
0x1f9: {  	s0 =	simm.s32 $0x1000  }
0x1fa: {  	[tilespmem:s23], [sflag:$0x4] =	stream.indirect.gather [hbm4b:s4+s16], $0x80, s0, s16, $0xb8;
	[tilespmem:$0x1A500] =	vst v63  }
0x1fb: {  	_ =	swait.ge [sflag:s1], $0x4000  }
0x1fc: {  	s13 =	simm.s32 $0x18880;
	[sflag:s1] =	ssyncset.done $0x0  }
0x1fd: {  	s15 =	simm.s32 $0x0;
	s0 =	simm.s32 $0x0;
	[sflag:s1] =	ssyncadd.s32 $0xFFFFC000  }
.LBB2_58:
0x1fe: {  	s2 =	sshll.u32 s15, $0x4  }
0x1ff: {  	v3 =	vld [tilespmem:s2+$0x1A80];
	_ =	sdelay $0x2  }
0x200: {  	v2 =	vmov s2  }
0x201: {  	s28 =	simm.s32 $0x1;
	v2 =	vshll.u32 v2, $0x7  }
0x202: {  	s18 =	simm.s32 $0x2;
	s20 =	simm.s32 $0x3;
	s22 =	simm.s32 $0x6;
	v2 =	vor.u32 v1, v2;
	v4 =	vadd.s32 s0, v3;
	v6 =	vadd.s32 s28, v3  }
0x203: {  	v7 =	vadd.s32 s18, v3;
	v8 =	vadd.s32 s20, v3;
	s18 =	simm.s32 $0x4;
	v11 =	vadd.s32 s22, v3  }
0x204: {  	s20 =	simm.s32 $0x5;
	v5 =	vand.u32 $0xFFFFFF80, v4;
	v4 =	vand.u32 $0x7F, v4;
	v9 =	vadd.s32 s18, v3  }
0x205: {  	v10 =	vadd.s32 s20, v3;
	v12 =	vand.u32 $0x7F, v6;
	v13 =	vand.u32 $0x7F, v7  }
0x206: {  	s28 =	simm.s32 $0x7;
	v14 =	vand.u32 $0x7F, v8;
	v6 =	vand.u32 $0xFFFFFF80, v6;
	v7 =	vand.u32 $0xFFFFFF80, v7  }
0x207: {  	v17 =	vadd.s32 s28, v3;
	v8 =	vand.u32 $0xFFFFFF80, v8;
	v5 =	vadd.s32 v2, v5  }
0x208: {  	v4 =	vor.u32 v4, v5;
	v5 =	vadd.s32 v2, v6;
	v6 =	vand.u32 $0xFFFFFF80, v17  }
0x209: {  	v5 =	vor.u32 v12, v5;
	v12 =	vand.u32 $0x7F, v17;
	v6 =	vadd.s32 v2, v6  }
0x20a: {  	v15 =	vand.u32 $0x7F, v9;
	v7 =	vadd.s32 v2, v7;
	v6 =	vor.u32 v12, v6  }
0x20b: {  	v8 =	vadd.s32 v2, v8;
	v9 =	vand.u32 $0xFFFFFF80, v9;
	v7 =	vor.u32 v13, v7  }
0x20c: {  	v12 =	vor.u32 v14, v8;
	v8 =	vadd.s32 v2, v9;
	v9 =	vand.u32 $0xFFFFFF80, v10  }
0x20d: {  	v16 =	vand.u32 $0x7F, v10;
	v10 =	vor.u32 v15, v8;
	v8 =	vadd.s32 v2, v9;
	v4 =	vld.idx.msk [tilespmem:v4+s25+$0x0], $0xffff  }
0x20e: {  	v9 =	vand.u32 $0xFFFFFF80, v11;
	v23 =	vld.idx.msk [tilespmem:v5+s25+$0x0], $0xffff;
	v5 =	vor.u32 v16, v8  }
0x20f: {  	v9 =	vadd.s32 v2, v9;
	v8 =	vand.u32 $0x7F, v11;
	v16 =	vld.idx.msk [tilespmem:v6+s25+$0x0], $0xffff  }
0x210: {  	s22 =	simm.s32 $0xA;
	v14 =	vor.u32 v8, v9;
	v8 =	vld.idx.msk [tilespmem:v7+s25+$0x0], $0xffff  }
0x211: {  	s20 =	simm.s32 $0x9;
	v20 =	vadd.s32 s22, v3;
	v7 =	vld.idx.msk [tilespmem:v12+s25+$0x0], $0xffff  }
0x212: {  	s18 =	simm.s32 $0x8;
	s28 =	simm.s32 $0xB;
	v19 =	vadd.s32 s20, v3;
	v18 =	vand.u32 $0x7F, v20;
	v9 =	vld.idx.msk [tilespmem:v10+s25+$0x0], $0xffff  }
0x213: {  	s20 =	simm.s32 $0xC;
	v21 =	vand.u32 $0x7F, v19;
	v11 =	vadd.s32 s28, v3;
	v6 =	vadd.s32 s18, v3;
	v13 =	vld.idx.msk [tilespmem:v5+s25+$0x0], $0xffff  }
0x214: {  	s22 =	simm.s32 $0xD;
	v12 =	vadd.s32 s20, v3;
	v17 =	vand.u32 $0xFFFFFF80, v6;
	v15 =	vand.u32 $0x7F, v6;
	[tilespmem:s13+$0xFFFFFD00] =	vst.add.f32.msk $0xffff, v23  }
0x215: {  	s28 =	simm.s32 $0xE;
	v6 =	vadd.s32 s22, v3;
	v22 =	vadd.s32 v2, v17;
	v17 =	vand.u32 $0x7F, v11;
	v14 =	vld.idx.msk [tilespmem:v14+s25+$0x0], $0xffff  }
0x216: {  	s20 =	simm.s32 $0x10;
	s18 =	smov.u32 s13;
	s22 =	simm.s32 $0xF;
	v10 =	vand.u32 $0x7F, v6;
	v5 =	vadd.s32 s28, v3;
	[tilespmem:s13+$0x0] =	vst.add.f32.msk $0xffff, v16;
	v16 =	vand.u32 $0x7F, v12  }
.LBB2_59:
0x217: {  	p0 =	slt.u32 s20, $0x38;
	v19 =	vand.u32 $0xFFFFFF80, v19;
	v20 =	vand.u32 $0xFFFFFF80, v20;
	v23 =	vadd.s32 s22, v3;
	[tilespmem:s18+$0xFFFFFD80] =	vst.add.f32.msk $0xffff, v8  }
0x218: {  	v8 =	vor.u32 v15, v22;
	v15 =	vadd.s32 v2, v19;
	v19 =	vand.u32 $0xFFFFFF80, v23;
	[tilespmem:s18+$0xFFFFFE00] =	vst.add.f32.msk $0xffff, v7  }
0x219: {  	v7 =	vor.u32 v21, v15;
	v15 =	vand.u32 $0x7F, v23;
	v19 =	vadd.s32 v2, v19;
	[tilespmem:s18+$0xFFFFFE80] =	vst.add.f32.msk $0xffff, v9  }
0x21a: {  	v11 =	vand.u32 $0xFFFFFF80, v11;
	v9 =	vadd.s32 v2, v20;
	v15 =	vor.u32 v15, v19;
	[tilespmem:s18+$0xFFFFFF00] =	vst.add.f32.msk $0xffff, v13  }
0x21b: {  	v12 =	vand.u32 $0xFFFFFF80, v12;
	v11 =	vadd.s32 v2, v11;
	v9 =	vor.u32 v18, v9;
	[tilespmem:s18+$0xFFFFFF80] =	vst.add.f32.msk $0xffff, v14  }
0x21c: {  	v6 =	vand.u32 $0xFFFFFF80, v6;
	v12 =	vadd.s32 v2, v12;
	v11 =	vor.u32 v17, v11;
	[tilespmem:s18+$0xFFFFFC80] =	vst.add.f32.msk $0xffff, v4  }
0x21d: {  	v6 =	vadd.s32 v2, v6;
	v12 =	vor.u32 v16, v12;
	v4 =	vld.idx.msk [tilespmem:v8+s25+$0x0], $0xffff;
	v8 =	vand.u32 $0xFFFFFF80, v5  }
0x21e: {  	v6 =	vor.u32 v10, v6;
	v5 =	vand.u32 $0x7F, v5;
	v23 =	vld.idx.msk [tilespmem:v7+s25+$0x0], $0xffff;
	v7 =	vadd.s32 v2, v8  }
0x21f: {  	v10 =	vor.u32 v5, v7;
	v16 =	vld.idx.msk [tilespmem:v15+s25+$0x0], $0xffff  }
0x220: {  	v8 =	vld.idx.msk [tilespmem:v9+s25+$0x0], $0xffff  }
0x221: {  	s2 =	sadd.s32 $0x1, s20;
	v5 =	vadd.s32 s20, v3;
	v7 =	vld.idx.msk [tilespmem:v11+s25+$0x0], $0xffff  }
.Ltmp28:
0x222: {  	s22 =	sadd.s32 $0x2, s20;
	s28 =	sadd.s32 $0x3, s20;
	v17 =	vand.u32 $0xFFFFFF80, v5;
	v15 =	vand.u32 $0x7F, v5;
	v9 =	vld.idx.msk [tilespmem:v12+s25+$0x0], $0xffff;
	(pc) =	sbr.rel @p0 .LBB2_59-.Ltmp28, $4  }
0x223: {  	v20 =	vadd.s32 s22, v3;
	s22 =	sadd.s32 $0x5, s20;
	v19 =	vadd.s32 s2, v3;
	s2 =	sadd.s32 $0x4, s20;
	v11 =	vadd.s32 s28, v3;
	s28 =	sadd.s32 $0x6, s20;
	v13 =	vld.idx.msk [tilespmem:v6+s25+$0x0], $0xffff  }
0x224: {  	s18 =	sadd.s32 $0x400, s18;
	v12 =	vadd.s32 s2, v3;
	v5 =	vadd.s32 s28, v3;
	v6 =	vadd.s32 s22, v3;
	v14 =	vld.idx.msk [tilespmem:v10+s25+$0x0], $0xffff  }
0x225: {  	v18 =	vand.u32 $0x7F, v20;
	v21 =	vand.u32 $0x7F, v19;
	v22 =	vadd.s32 v2, v17;
	[tilespmem:s18+$0x0] =	vst.add.f32.msk $0xffff, v16  }
0x226: {  	v17 =	vand.u32 $0x7F, v11;
	s22 =	sadd.s32 $0x7, s20;
	s20 =	sadd.s32 $0x8, s20;
	v10 =	vand.u32 $0x7F, v6;
	v16 =	vand.u32 $0x7F, v12;
	[tilespmem:s18+$0xFFFFFD00] =	vst.add.f32.msk $0xffff, v23  }
0x227: {  	v19 =	vand.u32 $0xFFFFFF80, v19;
	v20 =	vand.u32 $0xFFFFFF80, v20;
	v3 =	vadd.s32 s22, v3;
	[tilespmem:s18+$0xFFFFFD80] =	vst.add.f32.msk $0xffff, v8  }
0x228: {  	v52 =	vor.u32 v15, v22;
	[tilespmem:s18+$0xFFFFFE00] =	vst.add.f32.msk $0xffff, v7;
	v11 =	vand.u32 $0xFFFFFF80, v11;
	v53 =	vadd.s32 v2, v19  }
0x229: {  	[tilespmem:s18+$0xFFFFFE80] =	vst.add.f32.msk $0xffff, v9;
	v12 =	vand.u32 $0xFFFFFF80, v12;
	v57 =	vadd.s32 v2, v20;
	v55 =	vor.u32 v21, v53  }
0x22a: {  	v6 =	vand.u32 $0xFFFFFF80, v6;
	[tilespmem:s18+$0xFFFFFC80] =	vst.add.f32.msk $0xffff, v4;
	v11 =	vadd.s32 v2, v11;
	v9 =	vor.u32 v18, v57  }
0x22b: {  	v60 =	vand.u32 $0xFFFFFF80, v5;
	[tilespmem:s18+$0xFFFFFF00] =	vst.add.f32.msk $0xffff, v13;
	v12 =	vadd.s32 v2, v12;
	v11 =	vor.u32 v17, v11  }
0x22c: {  	v54 =	vand.u32 $0xFFFFFF80, v3;
	v6 =	vadd.s32 v2, v6;
	[tilespmem:s18+$0xFFFFFF80] =	vst.add.f32.msk $0xffff, v14;
	v59 =	vor.u32 v16, v12  }
0x22d: {  	v3 =	vand.u32 $0x7F, v3;
	v56 =	vadd.s32 v2, v54;
	v6 =	vor.u32 v10, v6;
	v58 =	vld.idx.msk [tilespmem:v52+s25+$0x0], $0xffff  }
0x22e: {  	v61 =	vand.u32 $0x7F, v5;
	v2 =	vadd.s32 v2, v60;
	v3 =	vor.u32 v3, v56;
	v7 =	vld.idx.msk [tilespmem:v55+s25+$0x0], $0xffff  }
0x22f: {  	v2 =	vor.u32 v61, v2;
	v62 =	vld.idx.msk [tilespmem:v9+s25+$0x0], $0xffff  }
0x230: {  	v63 =	vld.idx.msk [tilespmem:v11+s25+$0x0], $0xffff  }
0x231: {  	v8 =	vld.idx.msk [tilespmem:v59+s25+$0x0], $0xffff  }
0x232: {  	v6 =	vld.idx.msk [tilespmem:v6+s25+$0x0], $0xffff  }
0x233: {  	v3 =	vld.idx.msk [tilespmem:v3+s25+$0x0], $0xffff  }
0x234: {  	s2 =	sadd.s32 $0x400, s18;
	v2 =	vld.idx.msk [tilespmem:v2+s25+$0x0], $0xffff  }
0x235: {  	[tilespmem:s2+$0xFFFFFC80] =	vst.add.f32.msk $0xffff, v58  }
0x236: {  	s15 =	sadd.s32 $0x1, s15;
	[tilespmem:s2+$0xFFFFFD00] =	vst.add.f32.msk $0xffff, v7  }
0x237: {  	p0 =	sne.s32 s15, $0x8;
	[tilespmem:s2+$0xFFFFFD80] =	vst.add.f32.msk $0xffff, v62  }
.Ltmp29:
0x238: {  	[tilespmem:s2+$0xFFFFFE00] =	vst.add.f32.msk $0xffff, v63;
	(pc) =	sbr.rel @p0 .LBB2_58-.Ltmp29, $4  }
0x239: {  	[tilespmem:s2+$0xFFFFFE80] =	vst.add.f32.msk $0xffff, v8  }
0x23a: {  	[tilespmem:s2+$0xFFFFFF00] =	vst.add.f32.msk $0xffff, v6  }
0x23b: {  	[tilespmem:s2+$0x0] =	vst.add.f32.msk $0xffff, v3  }
0x23c: {  	s13 =	sadd.s32 $0x10, s13;
	[tilespmem:s2+$0xFFFFFF80] =	vst.add.f32.msk $0xffff, v2  }
0x23d: {  	s0 =	simm.s32 $0x1080  }
0x23e: {  	[tilespmem:s25], [sflag:$0x5] =	stream.indirect.gather [hbm4b:s4+s16], $0x80, s0, s16, $0xb8;
	[tilespmem:$0x1A500] =	vst v63  }
0x23f: {  	_ =	swait.ge [sflag:s26], $0x4000  }
0x240: {  	s13 =	simm.s32 $0x18880;
	[sflag:s26] =	ssyncset.done $0x0  }
0x241: {  	s15 =	simm.s32 $0x0;
	s0 =	simm.s32 $0x0;
	[sflag:s26] =	ssyncadd.s32 $0xFFFFC000  }
.LBB2_62:
0x242: {  	s2 =	sshll.u32 s15, $0x4  }
0x243: {  	v3 =	vld [tilespmem:s2+$0x1B00];
	_ =	sdelay $0x2  }
0x244: {  	v2 =	vmov s2  }
0x245: {  	s28 =	simm.s32 $0x1;
	v2 =	vshll.u32 v2, $0x7  }
0x246: {  	s18 =	simm.s32 $0x2;
	s20 =	simm.s32 $0x3;
	s22 =	simm.s32 $0x6;
	v2 =	vor.u32 v1, v2;
	v4 =	vadd.s32 s0, v3;
	v6 =	vadd.s32 s28, v3  }
0x247: {  	v7 =	vadd.s32 s18, v3;
	v8 =	vadd.s32 s20, v3;
	s18 =	simm.s32 $0x4;
	v11 =	vadd.s32 s22, v3  }
0x248: {  	s20 =	simm.s32 $0x5;
	v5 =	vand.u32 $0xFFFFFF80, v4;
	v4 =	vand.u32 $0x7F, v4;
	v9 =	vadd.s32 s18, v3  }
0x249: {  	v10 =	vadd.s32 s20, v3;
	v12 =	vand.u32 $0x7F, v6;
	v13 =	vand.u32 $0x7F, v7  }
0x24a: {  	s28 =	simm.s32 $0x7;
	v14 =	vand.u32 $0x7F, v8;
	v6 =	vand.u32 $0xFFFFFF80, v6;
	v7 =	vand.u32 $0xFFFFFF80, v7  }
0x24b: {  	v17 =	vadd.s32 s28, v3;
	v8 =	vand.u32 $0xFFFFFF80, v8;
	v5 =	vadd.s32 v2, v5  }
0x24c: {  	v4 =	vor.u32 v4, v5;
	v5 =	vadd.s32 v2, v6;
	v6 =	vand.u32 $0xFFFFFF80, v17  }
0x24d: {  	v5 =	vor.u32 v12, v5;
	v12 =	vand.u32 $0x7F, v17;
	v6 =	vadd.s32 v2, v6  }
0x24e: {  	v15 =	vand.u32 $0x7F, v9;
	v7 =	vadd.s32 v2, v7;
	v6 =	vor.u32 v12, v6  }
0x24f: {  	v8 =	vadd.s32 v2, v8;
	v9 =	vand.u32 $0xFFFFFF80, v9;
	v7 =	vor.u32 v13, v7  }
0x250: {  	v12 =	vor.u32 v14, v8;
	v8 =	vadd.s32 v2, v9;
	v9 =	vand.u32 $0xFFFFFF80, v10  }
0x251: {  	v16 =	vand.u32 $0x7F, v10;
	v10 =	vor.u32 v15, v8;
	v8 =	vadd.s32 v2, v9;
	v4 =	vld.idx.msk [tilespmem:v4+s19+$0x0], $0xffff  }
0x252: {  	v9 =	vand.u32 $0xFFFFFF80, v11;
	v23 =	vld.idx.msk [tilespmem:v5+s19+$0x0], $0xffff;
	v5 =	vor.u32 v16, v8  }
0x253: {  	v9 =	vadd.s32 v2, v9;
	v8 =	vand.u32 $0x7F, v11;
	v16 =	vld.idx.msk [tilespmem:v6+s19+$0x0], $0xffff  }
0x254: {  	s22 =	simm.s32 $0xA;
	v14 =	vor.u32 v8, v9;
	v8 =	vld.idx.msk [tilespmem:v7+s19+$0x0], $0xffff  }
0x255: {  	s20 =	simm.s32 $0x9;
	v20 =	vadd.s32 s22, v3;
	v7 =	vld.idx.msk [tilespmem:v12+s19+$0x0], $0xffff  }
0x256: {  	s18 =	simm.s32 $0x8;
	s28 =	simm.s32 $0xB;
	v19 =	vadd.s32 s20, v3;
	v18 =	vand.u32 $0x7F, v20;
	v9 =	vld.idx.msk [tilespmem:v10+s19+$0x0], $0xffff  }
0x257: {  	s20 =	simm.s32 $0xC;
	v21 =	vand.u32 $0x7F, v19;
	v11 =	vadd.s32 s28, v3;
	v6 =	vadd.s32 s18, v3;
	v13 =	vld.idx.msk [tilespmem:v5+s19+$0x0], $0xffff  }
0x258: {  	s22 =	simm.s32 $0xD;
	v12 =	vadd.s32 s20, v3;
	v17 =	vand.u32 $0xFFFFFF80, v6;
	v15 =	vand.u32 $0x7F, v6;
	[tilespmem:s13+$0xFFFFFD00] =	vst.add.f32.msk $0xffff, v23  }
0x259: {  	s28 =	simm.s32 $0xE;
	v6 =	vadd.s32 s22, v3;
	v22 =	vadd.s32 v2, v17;
	v17 =	vand.u32 $0x7F, v11;
	v14 =	vld.idx.msk [tilespmem:v14+s19+$0x0], $0xffff  }
0x25a: {  	s20 =	simm.s32 $0x10;
	s18 =	smov.u32 s13;
	s22 =	simm.s32 $0xF;
	v10 =	vand.u32 $0x7F, v6;
	v5 =	vadd.s32 s28, v3;
	[tilespmem:s13+$0x0] =	vst.add.f32.msk $0xffff, v16;
	v16 =	vand.u32 $0x7F, v12  }
.LBB2_63:
0x25b: {  	p0 =	slt.u32 s20, $0x38;
	v19 =	vand.u32 $0xFFFFFF80, v19;
	v20 =	vand.u32 $0xFFFFFF80, v20;
	v23 =	vadd.s32 s22, v3;
	[tilespmem:s18+$0xFFFFFD80] =	vst.add.f32.msk $0xffff, v8  }
0x25c: {  	v8 =	vor.u32 v15, v22;
	v15 =	vadd.s32 v2, v19;
	v19 =	vand.u32 $0xFFFFFF80, v23;
	[tilespmem:s18+$0xFFFFFE00] =	vst.add.f32.msk $0xffff, v7  }
0x25d: {  	v7 =	vor.u32 v21, v15;
	v15 =	vand.u32 $0x7F, v23;
	v19 =	vadd.s32 v2, v19;
	[tilespmem:s18+$0xFFFFFE80] =	vst.add.f32.msk $0xffff, v9  }
0x25e: {  	v11 =	vand.u32 $0xFFFFFF80, v11;
	v9 =	vadd.s32 v2, v20;
	v15 =	vor.u32 v15, v19;
	[tilespmem:s18+$0xFFFFFF00] =	vst.add.f32.msk $0xffff, v13  }
0x25f: {  	v12 =	vand.u32 $0xFFFFFF80, v12;
	v11 =	vadd.s32 v2, v11;
	v9 =	vor.u32 v18, v9;
	[tilespmem:s18+$0xFFFFFF80] =	vst.add.f32.msk $0xffff, v14  }
0x260: {  	v6 =	vand.u32 $0xFFFFFF80, v6;
	v12 =	vadd.s32 v2, v12;
	v11 =	vor.u32 v17, v11;
	[tilespmem:s18+$0xFFFFFC80] =	vst.add.f32.msk $0xffff, v4  }
0x261: {  	v6 =	vadd.s32 v2, v6;
	v12 =	vor.u32 v16, v12;
	v4 =	vld.idx.msk [tilespmem:v8+s19+$0x0], $0xffff;
	v8 =	vand.u32 $0xFFFFFF80, v5  }
0x262: {  	v6 =	vor.u32 v10, v6;
	v5 =	vand.u32 $0x7F, v5;
	v23 =	vld.idx.msk [tilespmem:v7+s19+$0x0], $0xffff;
	v7 =	vadd.s32 v2, v8  }
0x263: {  	v10 =	vor.u32 v5, v7;
	v16 =	vld.idx.msk [tilespmem:v15+s19+$0x0], $0xffff  }
0x264: {  	v8 =	vld.idx.msk [tilespmem:v9+s19+$0x0], $0xffff  }
0x265: {  	s2 =	sadd.s32 $0x1, s20;
	v5 =	vadd.s32 s20, v3;
	v7 =	vld.idx.msk [tilespmem:v11+s19+$0x0], $0xffff  }
.Ltmp30:
0x266: {  	s22 =	sadd.s32 $0x2, s20;
	s28 =	sadd.s32 $0x3, s20;
	v17 =	vand.u32 $0xFFFFFF80, v5;
	v15 =	vand.u32 $0x7F, v5;
	v9 =	vld.idx.msk [tilespmem:v12+s19+$0x0], $0xffff;
	(pc) =	sbr.rel @p0 .LBB2_63-.Ltmp30, $4  }
0x267: {  	v20 =	vadd.s32 s22, v3;
	s22 =	sadd.s32 $0x5, s20;
	v19 =	vadd.s32 s2, v3;
	s2 =	sadd.s32 $0x4, s20;
	v11 =	vadd.s32 s28, v3;
	s28 =	sadd.s32 $0x6, s20;
	v13 =	vld.idx.msk [tilespmem:v6+s19+$0x0], $0xffff  }
0x268: {  	s18 =	sadd.s32 $0x400, s18;
	v12 =	vadd.s32 s2, v3;
	v5 =	vadd.s32 s28, v3;
	v6 =	vadd.s32 s22, v3;
	v14 =	vld.idx.msk [tilespmem:v10+s19+$0x0], $0xffff  }
0x269: {  	v18 =	vand.u32 $0x7F, v20;
	v21 =	vand.u32 $0x7F, v19;
	v22 =	vadd.s32 v2, v17;
	[tilespmem:s18+$0x0] =	vst.add.f32.msk $0xffff, v16  }
0x26a: {  	v17 =	vand.u32 $0x7F, v11;
	s22 =	sadd.s32 $0x7, s20;
	s20 =	sadd.s32 $0x8, s20;
	v10 =	vand.u32 $0x7F, v6;
	v16 =	vand.u32 $0x7F, v12;
	[tilespmem:s18+$0xFFFFFD00] =	vst.add.f32.msk $0xffff, v23  }
0x26b: {  	v19 =	vand.u32 $0xFFFFFF80, v19;
	v20 =	vand.u32 $0xFFFFFF80, v20;
	v3 =	vadd.s32 s22, v3;
	[tilespmem:s18+$0xFFFFFD80] =	vst.add.f32.msk $0xffff, v8  }
0x26c: {  	v52 =	vor.u32 v15, v22;
	[tilespmem:s18+$0xFFFFFE00] =	vst.add.f32.msk $0xffff, v7;
	v11 =	vand.u32 $0xFFFFFF80, v11;
	v53 =	vadd.s32 v2, v19  }
0x26d: {  	[tilespmem:s18+$0xFFFFFE80] =	vst.add.f32.msk $0xffff, v9;
	v12 =	vand.u32 $0xFFFFFF80, v12;
	v57 =	vadd.s32 v2, v20;
	v55 =	vor.u32 v21, v53  }
0x26e: {  	v6 =	vand.u32 $0xFFFFFF80, v6;
	[tilespmem:s18+$0xFFFFFC80] =	vst.add.f32.msk $0xffff, v4;
	v11 =	vadd.s32 v2, v11;
	v9 =	vor.u32 v18, v57  }
0x26f: {  	v60 =	vand.u32 $0xFFFFFF80, v5;
	[tilespmem:s18+$0xFFFFFF00] =	vst.add.f32.msk $0xffff, v13;
	v12 =	vadd.s32 v2, v12;
	v11 =	vor.u32 v17, v11  }
0x270: {  	v54 =	vand.u32 $0xFFFFFF80, v3;
	v6 =	vadd.s32 v2, v6;
	[tilespmem:s18+$0xFFFFFF80] =	vst.add.f32.msk $0xffff, v14;
	v59 =	vor.u32 v16, v12  }
0x271: {  	v3 =	vand.u32 $0x7F, v3;
	v56 =	vadd.s32 v2, v54;
	v6 =	vor.u32 v10, v6;
	v58 =	vld.idx.msk [tilespmem:v52+s19+$0x0], $0xffff  }
0x272: {  	v61 =	vand.u32 $0x7F, v5;
	v2 =	vadd.s32 v2, v60;
	v3 =	vor.u32 v3, v56;
	v7 =	vld.idx.msk [tilespmem:v55+s19+$0x0], $0xffff  }
0x273: {  	v2 =	vor.u32 v61, v2;
	v62 =	vld.idx.msk [tilespmem:v9+s19+$0x0], $0xffff  }
0x274: {  	v63 =	vld.idx.msk [tilespmem:v11+s19+$0x0], $0xffff  }
0x275: {  	v8 =	vld.idx.msk [tilespmem:v59+s19+$0x0], $0xffff  }
0x276: {  	v6 =	vld.idx.msk [tilespmem:v6+s19+$0x0], $0xffff  }
0x277: {  	v3 =	vld.idx.msk [tilespmem:v3+s19+$0x0], $0xffff  }
0x278: {  	s2 =	sadd.s32 $0x400, s18;
	v2 =	vld.idx.msk [tilespmem:v2+s19+$0x0], $0xffff  }
0x279: {  	[tilespmem:s2+$0xFFFFFC80] =	vst.add.f32.msk $0xffff, v58  }
0x27a: {  	s15 =	sadd.s32 $0x1, s15;
	[tilespmem:s2+$0xFFFFFD00] =	vst.add.f32.msk $0xffff, v7  }
0x27b: {  	p0 =	sne.s32 s15, $0x8;
	[tilespmem:s2+$0xFFFFFD80] =	vst.add.f32.msk $0xffff, v62  }
.Ltmp31:
0x27c: {  	[tilespmem:s2+$0xFFFFFE00] =	vst.add.f32.msk $0xffff, v63;
	(pc) =	sbr.rel @p0 .LBB2_62-.Ltmp31, $4  }
0x27d: {  	[tilespmem:s2+$0xFFFFFE80] =	vst.add.f32.msk $0xffff, v8  }
0x27e: {  	[tilespmem:s2+$0xFFFFFF00] =	vst.add.f32.msk $0xffff, v6  }
0x27f: {  	[tilespmem:s2+$0x0] =	vst.add.f32.msk $0xffff, v3  }
0x280: {  	s13 =	sadd.s32 $0x10, s13;
	[tilespmem:s2+$0xFFFFFF80] =	vst.add.f32.msk $0xffff, v2  }
0x281: {  	s0 =	simm.s32 $0x1100  }
0x282: {  	[tilespmem:s19], [sflag:$0x2] =	stream.indirect.gather [hbm4b:s4+s16], $0x80, s0, s16, $0xb8;
	[tilespmem:$0x1A500] =	vst v63  }
0x283: {  	_ =	swait.ge [sflag:s29], $0x4000  }
0x284: {  	s13 =	simm.s32 $0x18880;
	[sflag:s29] =	ssyncset.done $0x0  }
0x285: {  	s15 =	simm.s32 $0x0;
	s0 =	simm.s32 $0x0;
	[sflag:s29] =	ssyncadd.s32 $0xFFFFC000  }
.LBB2_66:
0x286: {  	s2 =	sshll.u32 s15, $0x4  }
0x287: {  	v3 =	vld [tilespmem:s2+$0x1B80];
	_ =	sdelay $0x2  }
0x288: {  	v2 =	vmov s2  }
0x289: {  	s28 =	simm.s32 $0x1;
	v2 =	vshll.u32 v2, $0x7  }
0x28a: {  	s18 =	simm.s32 $0x2;
	s20 =	simm.s32 $0x3;
	s22 =	simm.s32 $0x6;
	v2 =	vor.u32 v1, v2;
	v4 =	vadd.s32 s0, v3;
	v6 =	vadd.s32 s28, v3  }
0x28b: {  	v7 =	vadd.s32 s18, v3;
	v8 =	vadd.s32 s20, v3;
	s18 =	simm.s32 $0x4;
	v11 =	vadd.s32 s22, v3  }
0x28c: {  	s20 =	simm.s32 $0x5;
	v5 =	vand.u32 $0xFFFFFF80, v4;
	v4 =	vand.u32 $0x7F, v4;
	v9 =	vadd.s32 s18, v3  }
0x28d: {  	v10 =	vadd.s32 s20, v3;
	v12 =	vand.u32 $0x7F, v6;
	v13 =	vand.u32 $0x7F, v7  }
0x28e: {  	s28 =	simm.s32 $0x7;
	v14 =	vand.u32 $0x7F, v8;
	v6 =	vand.u32 $0xFFFFFF80, v6;
	v7 =	vand.u32 $0xFFFFFF80, v7  }
0x28f: {  	v17 =	vadd.s32 s28, v3;
	v8 =	vand.u32 $0xFFFFFF80, v8;
	v5 =	vadd.s32 v2, v5  }
0x290: {  	v4 =	vor.u32 v4, v5;
	v5 =	vadd.s32 v2, v6;
	v6 =	vand.u32 $0xFFFFFF80, v17  }
0x291: {  	v5 =	vor.u32 v12, v5;
	v12 =	vand.u32 $0x7F, v17;
	v6 =	vadd.s32 v2, v6  }
0x292: {  	v15 =	vand.u32 $0x7F, v9;
	v7 =	vadd.s32 v2, v7;
	v6 =	vor.u32 v12, v6  }
0x293: {  	v8 =	vadd.s32 v2, v8;
	v9 =	vand.u32 $0xFFFFFF80, v9;
	v7 =	vor.u32 v13, v7  }
0x294: {  	v12 =	vor.u32 v14, v8;
	v8 =	vadd.s32 v2, v9;
	v9 =	vand.u32 $0xFFFFFF80, v10  }
0x295: {  	v16 =	vand.u32 $0x7F, v10;
	v10 =	vor.u32 v15, v8;
	v8 =	vadd.s32 v2, v9;
	v4 =	vld.idx.msk [tilespmem:v4+s21+$0x0], $0xffff  }
0x296: {  	v9 =	vand.u32 $0xFFFFFF80, v11;
	v23 =	vld.idx.msk [tilespmem:v5+s21+$0x0], $0xffff;
	v5 =	vor.u32 v16, v8  }
0x297: {  	v9 =	vadd.s32 v2, v9;
	v8 =	vand.u32 $0x7F, v11;
	v16 =	vld.idx.msk [tilespmem:v6+s21+$0x0], $0xffff  }
0x298: {  	s22 =	simm.s32 $0xA;
	v14 =	vor.u32 v8, v9;
	v8 =	vld.idx.msk [tilespmem:v7+s21+$0x0], $0xffff  }
0x299: {  	s20 =	simm.s32 $0x9;
	v20 =	vadd.s32 s22, v3;
	v7 =	vld.idx.msk [tilespmem:v12+s21+$0x0], $0xffff  }
0x29a: {  	s18 =	simm.s32 $0x8;
	s28 =	simm.s32 $0xB;
	v19 =	vadd.s32 s20, v3;
	v18 =	vand.u32 $0x7F, v20;
	v9 =	vld.idx.msk [tilespmem:v10+s21+$0x0], $0xffff  }
0x29b: {  	s20 =	simm.s32 $0xC;
	v21 =	vand.u32 $0x7F, v19;
	v11 =	vadd.s32 s28, v3;
	v6 =	vadd.s32 s18, v3;
	v13 =	vld.idx.msk [tilespmem:v5+s21+$0x0], $0xffff  }
0x29c: {  	s22 =	simm.s32 $0xD;
	v12 =	vadd.s32 s20, v3;
	v17 =	vand.u32 $0xFFFFFF80, v6;
	v15 =	vand.u32 $0x7F, v6;
	[tilespmem:s13+$0xFFFFFD00] =	vst.add.f32.msk $0xffff, v23  }
0x29d: {  	s28 =	simm.s32 $0xE;
	v6 =	vadd.s32 s22, v3;
	v22 =	vadd.s32 v2, v17;
	v17 =	vand.u32 $0x7F, v11;
	v14 =	vld.idx.msk [tilespmem:v14+s21+$0x0], $0xffff  }
0x29e: {  	s20 =	simm.s32 $0x10;
	s18 =	smov.u32 s13;
	s22 =	simm.s32 $0xF;
	v10 =	vand.u32 $0x7F, v6;
	v5 =	vadd.s32 s28, v3;
	[tilespmem:s13+$0x0] =	vst.add.f32.msk $0xffff, v16;
	v16 =	vand.u32 $0x7F, v12  }
.LBB2_67:
0x29f: {  	p0 =	slt.u32 s20, $0x38;
	v19 =	vand.u32 $0xFFFFFF80, v19;
	v20 =	vand.u32 $0xFFFFFF80, v20;
	v23 =	vadd.s32 s22, v3;
	[tilespmem:s18+$0xFFFFFD80] =	vst.add.f32.msk $0xffff, v8  }
0x2a0: {  	v8 =	vor.u32 v15, v22;
	v15 =	vadd.s32 v2, v19;
	v19 =	vand.u32 $0xFFFFFF80, v23;
	[tilespmem:s18+$0xFFFFFE00] =	vst.add.f32.msk $0xffff, v7  }
0x2a1: {  	v7 =	vor.u32 v21, v15;
	v15 =	vand.u32 $0x7F, v23;
	v19 =	vadd.s32 v2, v19;
	[tilespmem:s18+$0xFFFFFE80] =	vst.add.f32.msk $0xffff, v9  }
0x2a2: {  	v11 =	vand.u32 $0xFFFFFF80, v11;
	v9 =	vadd.s32 v2, v20;
	v15 =	vor.u32 v15, v19;
	[tilespmem:s18+$0xFFFFFF00] =	vst.add.f32.msk $0xffff, v13  }
0x2a3: {  	v12 =	vand.u32 $0xFFFFFF80, v12;
	v11 =	vadd.s32 v2, v11;
	v9 =	vor.u32 v18, v9;
	[tilespmem:s18+$0xFFFFFF80] =	vst.add.f32.msk $0xffff, v14  }
0x2a4: {  	v6 =	vand.u32 $0xFFFFFF80, v6;
	v12 =	vadd.s32 v2, v12;
	v11 =	vor.u32 v17, v11;
	[tilespmem:s18+$0xFFFFFC80] =	vst.add.f32.msk $0xffff, v4  }
0x2a5: {  	v6 =	vadd.s32 v2, v6;
	v12 =	vor.u32 v16, v12;
	v4 =	vld.idx.msk [tilespmem:v8+s21+$0x0], $0xffff;
	v8 =	vand.u32 $0xFFFFFF80, v5  }
0x2a6: {  	v6 =	vor.u32 v10, v6;
	v5 =	vand.u32 $0x7F, v5;
	v23 =	vld.idx.msk [tilespmem:v7+s21+$0x0], $0xffff;
	v7 =	vadd.s32 v2, v8  }
0x2a7: {  	v10 =	vor.u32 v5, v7;
	v16 =	vld.idx.msk [tilespmem:v15+s21+$0x0], $0xffff  }
0x2a8: {  	v8 =	vld.idx.msk [tilespmem:v9+s21+$0x0], $0xffff  }
0x2a9: {  	s2 =	sadd.s32 $0x1, s20;
	v5 =	vadd.s32 s20, v3;
	v7 =	vld.idx.msk [tilespmem:v11+s21+$0x0], $0xffff  }
.Ltmp32:
0x2aa: {  	s22 =	sadd.s32 $0x2, s20;
	s28 =	sadd.s32 $0x3, s20;
	v17 =	vand.u32 $0xFFFFFF80, v5;
	v15 =	vand.u32 $0x7F, v5;
	v9 =	vld.idx.msk [tilespmem:v12+s21+$0x0], $0xffff;
	(pc) =	sbr.rel @p0 .LBB2_67-.Ltmp32, $4  }
0x2ab: {  	v20 =	vadd.s32 s22, v3;
	s22 =	sadd.s32 $0x5, s20;
	v19 =	vadd.s32 s2, v3;
	s2 =	sadd.s32 $0x4, s20;
	v11 =	vadd.s32 s28, v3;
	s28 =	sadd.s32 $0x6, s20;
	v13 =	vld.idx.msk [tilespmem:v6+s21+$0x0], $0xffff  }
0x2ac: {  	s18 =	sadd.s32 $0x400, s18;
	v12 =	vadd.s32 s2, v3;
	v5 =	vadd.s32 s28, v3;
	v6 =	vadd.s32 s22, v3;
	v14 =	vld.idx.msk [tilespmem:v10+s21+$0x0], $0xffff  }
0x2ad: {  	v18 =	vand.u32 $0x7F, v20;
	v21 =	vand.u32 $0x7F, v19;
	v22 =	vadd.s32 v2, v17;
	[tilespmem:s18+$0x0] =	vst.add.f32.msk $0xffff, v16  }
0x2ae: {  	v17 =	vand.u32 $0x7F, v11;
	s22 =	sadd.s32 $0x7, s20;
	s20 =	sadd.s32 $0x8, s20;
	v10 =	vand.u32 $0x7F, v6;
	v16 =	vand.u32 $0x7F, v12;
	[tilespmem:s18+$0xFFFFFD00] =	vst.add.f32.msk $0xffff, v23  }
0x2af: {  	v19 =	vand.u32 $0xFFFFFF80, v19;
	v20 =	vand.u32 $0xFFFFFF80, v20;
	v3 =	vadd.s32 s22, v3;
	[tilespmem:s18+$0xFFFFFD80] =	vst.add.f32.msk $0xffff, v8  }
0x2b0: {  	v52 =	vor.u32 v15, v22;
	[tilespmem:s18+$0xFFFFFE00] =	vst.add.f32.msk $0xffff, v7;
	v11 =	vand.u32 $0xFFFFFF80, v11;
	v53 =	vadd.s32 v2, v19  }
0x2b1: {  	[tilespmem:s18+$0xFFFFFE80] =	vst.add.f32.msk $0xffff, v9;
	v12 =	vand.u32 $0xFFFFFF80, v12;
	v57 =	vadd.s32 v2, v20;
	v55 =	vor.u32 v21, v53  }
0x2b2: {  	v6 =	vand.u32 $0xFFFFFF80, v6;
	[tilespmem:s18+$0xFFFFFC80] =	vst.add.f32.msk $0xffff, v4;
	v11 =	vadd.s32 v2, v11;
	v9 =	vor.u32 v18, v57  }
0x2b3: {  	v60 =	vand.u32 $0xFFFFFF80, v5;
	[tilespmem:s18+$0xFFFFFF00] =	vst.add.f32.msk $0xffff, v13;
	v12 =	vadd.s32 v2, v12;
	v11 =	vor.u32 v17, v11  }
0x2b4: {  	v54 =	vand.u32 $0xFFFFFF80, v3;
	v6 =	vadd.s32 v2, v6;
	[tilespmem:s18+$0xFFFFFF80] =	vst.add.f32.msk $0xffff, v14;
	v59 =	vor.u32 v16, v12  }
0x2b5: {  	v3 =	vand.u32 $0x7F, v3;
	v56 =	vadd.s32 v2, v54;
	v6 =	vor.u32 v10, v6;
	v58 =	vld.idx.msk [tilespmem:v52+s21+$0x0], $0xffff  }
0x2b6: {  	v61 =	vand.u32 $0x7F, v5;
	v2 =	vadd.s32 v2, v60;
	v3 =	vor.u32 v3, v56;
	v7 =	vld.idx.msk [tilespmem:v55+s21+$0x0], $0xffff  }
0x2b7: {  	v2 =	vor.u32 v61, v2;
	v62 =	vld.idx.msk [tilespmem:v9+s21+$0x0], $0xffff  }
0x2b8: {  	v63 =	vld.idx.msk [tilespmem:v11+s21+$0x0], $0xffff  }
0x2b9: {  	v8 =	vld.idx.msk [tilespmem:v59+s21+$0x0], $0xffff  }
0x2ba: {  	v6 =	vld.idx.msk [tilespmem:v6+s21+$0x0], $0xffff  }
0x2bb: {  	v3 =	vld.idx.msk [tilespmem:v3+s21+$0x0], $0xffff  }
0x2bc: {  	s2 =	sadd.s32 $0x400, s18;
	v2 =	vld.idx.msk [tilespmem:v2+s21+$0x0], $0xffff  }
0x2bd: {  	[tilespmem:s2+$0xFFFFFC80] =	vst.add.f32.msk $0xffff, v58  }
0x2be: {  	s15 =	sadd.s32 $0x1, s15;
	[tilespmem:s2+$0xFFFFFD00] =	vst.add.f32.msk $0xffff, v7  }
0x2bf: {  	p0 =	sne.s32 s15, $0x8;
	[tilespmem:s2+$0xFFFFFD80] =	vst.add.f32.msk $0xffff, v62  }
.Ltmp33:
0x2c0: {  	[tilespmem:s2+$0xFFFFFE00] =	vst.add.f32.msk $0xffff, v63;
	(pc) =	sbr.rel @p0 .LBB2_66-.Ltmp33, $4  }
0x2c1: {  	[tilespmem:s2+$0xFFFFFE80] =	vst.add.f32.msk $0xffff, v8  }
0x2c2: {  	[tilespmem:s2+$0xFFFFFF00] =	vst.add.f32.msk $0xffff, v6  }
0x2c3: {  	[tilespmem:s2+$0x0] =	vst.add.f32.msk $0xffff, v3  }
0x2c4: {  	s13 =	sadd.s32 $0x10, s13;
	[tilespmem:s2+$0xFFFFFF80] =	vst.add.f32.msk $0xffff, v2  }
0x2c5: {  	s0 =	simm.s32 $0x1180  }
0x2c6: {  	[tilespmem:s21], [sflag:$0x3] =	stream.indirect.gather [hbm4b:s4+s16], $0x80, s0, s16, $0xb8;
	[tilespmem:$0x1A500] =	vst v63  }
0x2c7: {  	_ =	swait.ge [sflag:s31], $0x4000  }
0x2c8: {  	s13 =	simm.s32 $0x18880;
	[sflag:s31] =	ssyncset.done $0x0  }
0x2c9: {  	s15 =	simm.s32 $0x0;
	s0 =	simm.s32 $0x0;
	[sflag:s31] =	ssyncadd.s32 $0xFFFFC000  }
.LBB2_70:
0x2ca: {  	s2 =	sshll.u32 s15, $0x4  }
0x2cb: {  	v3 =	vld [tilespmem:s2+$0x1C00];
	_ =	sdelay $0x2  }
0x2cc: {  	v2 =	vmov s2  }
0x2cd: {  	s28 =	simm.s32 $0x1;
	v2 =	vshll.u32 v2, $0x7  }
0x2ce: {  	s18 =	simm.s32 $0x2;
	s20 =	simm.s32 $0x3;
	s22 =	simm.s32 $0x6;
	v2 =	vor.u32 v1, v2;
	v4 =	vadd.s32 s0, v3;
	v6 =	vadd.s32 s28, v3  }
0x2cf: {  	v7 =	vadd.s32 s18, v3;
	v8 =	vadd.s32 s20, v3;
	s18 =	simm.s32 $0x4;
	v11 =	vadd.s32 s22, v3  }
0x2d0: {  	s20 =	simm.s32 $0x5;
	v5 =	vand.u32 $0xFFFFFF80, v4;
	v4 =	vand.u32 $0x7F, v4;
	v9 =	vadd.s32 s18, v3  }
0x2d1: {  	v10 =	vadd.s32 s20, v3;
	v12 =	vand.u32 $0x7F, v6;
	v13 =	vand.u32 $0x7F, v7  }
0x2d2: {  	s28 =	simm.s32 $0x7;
	v14 =	vand.u32 $0x7F, v8;
	v6 =	vand.u32 $0xFFFFFF80, v6;
	v7 =	vand.u32 $0xFFFFFF80, v7  }
0x2d3: {  	v17 =	vadd.s32 s28, v3;
	v8 =	vand.u32 $0xFFFFFF80, v8;
	v5 =	vadd.s32 v2, v5  }
0x2d4: {  	v4 =	vor.u32 v4, v5;
	v5 =	vadd.s32 v2, v6;
	v6 =	vand.u32 $0xFFFFFF80, v17  }
0x2d5: {  	v5 =	vor.u32 v12, v5;
	v12 =	vand.u32 $0x7F, v17;
	v6 =	vadd.s32 v2, v6  }
0x2d6: {  	v15 =	vand.u32 $0x7F, v9;
	v7 =	vadd.s32 v2, v7;
	v6 =	vor.u32 v12, v6  }
0x2d7: {  	v8 =	vadd.s32 v2, v8;
	v9 =	vand.u32 $0xFFFFFF80, v9;
	v7 =	vor.u32 v13, v7  }
0x2d8: {  	v12 =	vor.u32 v14, v8;
	v8 =	vadd.s32 v2, v9;
	v9 =	vand.u32 $0xFFFFFF80, v10  }
0x2d9: {  	v16 =	vand.u32 $0x7F, v10;
	v10 =	vor.u32 v15, v8;
	v8 =	vadd.s32 v2, v9;
	v4 =	vld.idx.msk [tilespmem:v4+s23+$0x0], $0xffff  }
0x2da: {  	v9 =	vand.u32 $0xFFFFFF80, v11;
	v23 =	vld.idx.msk [tilespmem:v5+s23+$0x0], $0xffff;
	v5 =	vor.u32 v16, v8  }
0x2db: {  	v9 =	vadd.s32 v2, v9;
	v8 =	vand.u32 $0x7F, v11;
	v16 =	vld.idx.msk [tilespmem:v6+s23+$0x0], $0xffff  }
0x2dc: {  	s22 =	simm.s32 $0xA;
	v14 =	vor.u32 v8, v9;
	v8 =	vld.idx.msk [tilespmem:v7+s23+$0x0], $0xffff  }
0x2dd: {  	s20 =	simm.s32 $0x9;
	v20 =	vadd.s32 s22, v3;
	v7 =	vld.idx.msk [tilespmem:v12+s23+$0x0], $0xffff  }
0x2de: {  	s18 =	simm.s32 $0x8;
	s28 =	simm.s32 $0xB;
	v19 =	vadd.s32 s20, v3;
	v18 =	vand.u32 $0x7F, v20;
	v9 =	vld.idx.msk [tilespmem:v10+s23+$0x0], $0xffff  }
0x2df: {  	s20 =	simm.s32 $0xC;
	v21 =	vand.u32 $0x7F, v19;
	v11 =	vadd.s32 s28, v3;
	v6 =	vadd.s32 s18, v3;
	v13 =	vld.idx.msk [tilespmem:v5+s23+$0x0], $0xffff  }
0x2e0: {  	s22 =	simm.s32 $0xD;
	v12 =	vadd.s32 s20, v3;
	v17 =	vand.u32 $0xFFFFFF80, v6;
	v15 =	vand.u32 $0x7F, v6;
	[tilespmem:s13+$0xFFFFFD00] =	vst.add.f32.msk $0xffff, v23  }
0x2e1: {  	s28 =	simm.s32 $0xE;
	v6 =	vadd.s32 s22, v3;
	v22 =	vadd.s32 v2, v17;
	v17 =	vand.u32 $0x7F, v11;
	v14 =	vld.idx.msk [tilespmem:v14+s23+$0x0], $0xffff  }
0x2e2: {  	s20 =	simm.s32 $0x10;
	s18 =	smov.u32 s13;
	s22 =	simm.s32 $0xF;
	v10 =	vand.u32 $0x7F, v6;
	v5 =	vadd.s32 s28, v3;
	[tilespmem:s13+$0x0] =	vst.add.f32.msk $0xffff, v16;
	v16 =	vand.u32 $0x7F, v12  }
.LBB2_71:
0x2e3: {  	p0 =	slt.u32 s20, $0x38;
	v19 =	vand.u32 $0xFFFFFF80, v19;
	v20 =	vand.u32 $0xFFFFFF80, v20;
	v23 =	vadd.s32 s22, v3;
	[tilespmem:s18+$0xFFFFFD80] =	vst.add.f32.msk $0xffff, v8  }
0x2e4: {  	v8 =	vor.u32 v15, v22;
	v15 =	vadd.s32 v2, v19;
	v19 =	vand.u32 $0xFFFFFF80, v23;
	[tilespmem:s18+$0xFFFFFE00] =	vst.add.f32.msk $0xffff, v7  }
0x2e5: {  	v7 =	vor.u32 v21, v15;
	v15 =	vand.u32 $0x7F, v23;
	v19 =	vadd.s32 v2, v19;
	[tilespmem:s18+$0xFFFFFE80] =	vst.add.f32.msk $0xffff, v9  }
0x2e6: {  	v11 =	vand.u32 $0xFFFFFF80, v11;
	v9 =	vadd.s32 v2, v20;
	v15 =	vor.u32 v15, v19;
	[tilespmem:s18+$0xFFFFFF00] =	vst.add.f32.msk $0xffff, v13  }
0x2e7: {  	v12 =	vand.u32 $0xFFFFFF80, v12;
	v11 =	vadd.s32 v2, v11;
	v9 =	vor.u32 v18, v9;
	[tilespmem:s18+$0xFFFFFF80] =	vst.add.f32.msk $0xffff, v14  }
0x2e8: {  	v6 =	vand.u32 $0xFFFFFF80, v6;
	v12 =	vadd.s32 v2, v12;
	v11 =	vor.u32 v17, v11;
	[tilespmem:s18+$0xFFFFFC80] =	vst.add.f32.msk $0xffff, v4  }
0x2e9: {  	v6 =	vadd.s32 v2, v6;
	v12 =	vor.u32 v16, v12;
	v4 =	vld.idx.msk [tilespmem:v8+s23+$0x0], $0xffff;
	v8 =	vand.u32 $0xFFFFFF80, v5  }
0x2ea: {  	v6 =	vor.u32 v10, v6;
	v5 =	vand.u32 $0x7F, v5;
	v23 =	vld.idx.msk [tilespmem:v7+s23+$0x0], $0xffff;
	v7 =	vadd.s32 v2, v8  }
0x2eb: {  	v10 =	vor.u32 v5, v7;
	v16 =	vld.idx.msk [tilespmem:v15+s23+$0x0], $0xffff  }
0x2ec: {  	v8 =	vld.idx.msk [tilespmem:v9+s23+$0x0], $0xffff  }
0x2ed: {  	s2 =	sadd.s32 $0x1, s20;
	v5 =	vadd.s32 s20, v3;
	v7 =	vld.idx.msk [tilespmem:v11+s23+$0x0], $0xffff  }
.Ltmp34:
0x2ee: {  	s22 =	sadd.s32 $0x2, s20;
	s28 =	sadd.s32 $0x3, s20;
	v17 =	vand.u32 $0xFFFFFF80, v5;
	v15 =	vand.u32 $0x7F, v5;
	v9 =	vld.idx.msk [tilespmem:v12+s23+$0x0], $0xffff;
	(pc) =	sbr.rel @p0 .LBB2_71-.Ltmp34, $4  }
0x2ef: {  	v20 =	vadd.s32 s22, v3;
	s22 =	sadd.s32 $0x5, s20;
	v19 =	vadd.s32 s2, v3;
	s2 =	sadd.s32 $0x4, s20;
	v11 =	vadd.s32 s28, v3;
	s28 =	sadd.s32 $0x6, s20;
	v13 =	vld.idx.msk [tilespmem:v6+s23+$0x0], $0xffff  }
0x2f0: {  	s18 =	sadd.s32 $0x400, s18;
	v12 =	vadd.s32 s2, v3;
	v5 =	vadd.s32 s28, v3;
	v6 =	vadd.s32 s22, v3;
	v14 =	vld.idx.msk [tilespmem:v10+s23+$0x0], $0xffff  }
0x2f1: {  	v18 =	vand.u32 $0x7F, v20;
	v21 =	vand.u32 $0x7F, v19;
	v22 =	vadd.s32 v2, v17;
	[tilespmem:s18+$0x0] =	vst.add.f32.msk $0xffff, v16  }
0x2f2: {  	v17 =	vand.u32 $0x7F, v11;
	s22 =	sadd.s32 $0x7, s20;
	s20 =	sadd.s32 $0x8, s20;
	v10 =	vand.u32 $0x7F, v6;
	v16 =	vand.u32 $0x7F, v12;
	[tilespmem:s18+$0xFFFFFD00] =	vst.add.f32.msk $0xffff, v23  }
0x2f3: {  	v19 =	vand.u32 $0xFFFFFF80, v19;
	v20 =	vand.u32 $0xFFFFFF80, v20;
	v3 =	vadd.s32 s22, v3;
	[tilespmem:s18+$0xFFFFFD80] =	vst.add.f32.msk $0xffff, v8  }
0x2f4: {  	v52 =	vor.u32 v15, v22;
	[tilespmem:s18+$0xFFFFFE00] =	vst.add.f32.msk $0xffff, v7;
	v11 =	vand.u32 $0xFFFFFF80, v11;
	v53 =	vadd.s32 v2, v19  }
0x2f5: {  	[tilespmem:s18+$0xFFFFFE80] =	vst.add.f32.msk $0xffff, v9;
	v12 =	vand.u32 $0xFFFFFF80, v12;
	v57 =	vadd.s32 v2, v20;
	v55 =	vor.u32 v21, v53  }
0x2f6: {  	v6 =	vand.u32 $0xFFFFFF80, v6;
	[tilespmem:s18+$0xFFFFFC80] =	vst.add.f32.msk $0xffff, v4;
	v11 =	vadd.s32 v2, v11;
	v9 =	vor.u32 v18, v57  }
0x2f7: {  	v60 =	vand.u32 $0xFFFFFF80, v5;
	[tilespmem:s18+$0xFFFFFF00] =	vst.add.f32.msk $0xffff, v13;
	v12 =	vadd.s32 v2, v12;
	v11 =	vor.u32 v17, v11  }
0x2f8: {  	v54 =	vand.u32 $0xFFFFFF80, v3;
	v6 =	vadd.s32 v2, v6;
	[tilespmem:s18+$0xFFFFFF80] =	vst.add.f32.msk $0xffff, v14;
	v59 =	vor.u32 v16, v12  }
0x2f9: {  	v3 =	vand.u32 $0x7F, v3;
	v56 =	vadd.s32 v2, v54;
	v6 =	vor.u32 v10, v6;
	v58 =	vld.idx.msk [tilespmem:v52+s23+$0x0], $0xffff  }
0x2fa: {  	v61 =	vand.u32 $0x7F, v5;
	v2 =	vadd.s32 v2, v60;
	v3 =	vor.u32 v3, v56;
	v7 =	vld.idx.msk [tilespmem:v55+s23+$0x0], $0xffff  }
0x2fb: {  	v2 =	vor.u32 v61, v2;
	v62 =	vld.idx.msk [tilespmem:v9+s23+$0x0], $0xffff  }
0x2fc: {  	v63 =	vld.idx.msk [tilespmem:v11+s23+$0x0], $0xffff  }
0x2fd: {  	v8 =	vld.idx.msk [tilespmem:v59+s23+$0x0], $0xffff  }
0x2fe: {  	v6 =	vld.idx.msk [tilespmem:v6+s23+$0x0], $0xffff  }
0x2ff: {  	v3 =	vld.idx.msk [tilespmem:v3+s23+$0x0], $0xffff  }
0x300: {  	s2 =	sadd.s32 $0x400, s18;
	v2 =	vld.idx.msk [tilespmem:v2+s23+$0x0], $0xffff  }
0x301: {  	[tilespmem:s2+$0xFFFFFC80] =	vst.add.f32.msk $0xffff, v58  }
0x302: {  	s15 =	sadd.s32 $0x1, s15;
	[tilespmem:s2+$0xFFFFFD00] =	vst.add.f32.msk $0xffff, v7  }
0x303: {  	p0 =	sne.s32 s15, $0x8;
	[tilespmem:s2+$0xFFFFFD80] =	vst.add.f32.msk $0xffff, v62  }
.Ltmp35:
0x304: {  	[tilespmem:s2+$0xFFFFFE00] =	vst.add.f32.msk $0xffff, v63;
	(pc) =	sbr.rel @p0 .LBB2_70-.Ltmp35, $4  }
0x305: {  	[tilespmem:s2+$0xFFFFFE80] =	vst.add.f32.msk $0xffff, v8  }
0x306: {  	[tilespmem:s2+$0xFFFFFF00] =	vst.add.f32.msk $0xffff, v6  }
0x307: {  	[tilespmem:s2+$0x0] =	vst.add.f32.msk $0xffff, v3  }
0x308: {  	s13 =	sadd.s32 $0x10, s13;
	[tilespmem:s2+$0xFFFFFF80] =	vst.add.f32.msk $0xffff, v2  }
0x309: {  	s0 =	simm.s32 $0x1200  }
0x30a: {  	[tilespmem:s23], [sflag:$0x4] =	stream.indirect.gather [hbm4b:s4+s16], $0x80, s0, s16, $0xb8;
	[tilespmem:$0x1A500] =	vst v63  }
0x30b: {  	_ =	swait.ge [sflag:s1], $0x4000  }
0x30c: {  	s13 =	simm.s32 $0x18880;
	[sflag:s1] =	ssyncset.done $0x0  }
0x30d: {  	s15 =	simm.s32 $0x0;
	s0 =	simm.s32 $0x0;
	[sflag:s1] =	ssyncadd.s32 $0xFFFFC000  }
.LBB2_74:
0x30e: {  	s2 =	sshll.u32 s15, $0x4  }
0x30f: {  	v3 =	vld [tilespmem:s2+$0x1C80];
	_ =	sdelay $0x2  }
0x310: {  	v2 =	vmov s2  }
0x311: {  	s28 =	simm.s32 $0x1;
	v2 =	vshll.u32 v2, $0x7  }
0x312: {  	s18 =	simm.s32 $0x2;
	s20 =	simm.s32 $0x3;
	s22 =	simm.s32 $0x6;
	v2 =	vor.u32 v1, v2;
	v4 =	vadd.s32 s0, v3;
	v6 =	vadd.s32 s28, v3  }
0x313: {  	v7 =	vadd.s32 s18, v3;
	v8 =	vadd.s32 s20, v3;
	s18 =	simm.s32 $0x4;
	v11 =	vadd.s32 s22, v3  }
0x314: {  	s20 =	simm.s32 $0x5;
	v5 =	vand.u32 $0xFFFFFF80, v4;
	v4 =	vand.u32 $0x7F, v4;
	v9 =	vadd.s32 s18, v3  }
0x315: {  	v10 =	vadd.s32 s20, v3;
	v12 =	vand.u32 $0x7F, v6;
	v13 =	vand.u32 $0x7F, v7  }
0x316: {  	s28 =	simm.s32 $0x7;
	v14 =	vand.u32 $0x7F, v8;
	v6 =	vand.u32 $0xFFFFFF80, v6;
	v7 =	vand.u32 $0xFFFFFF80, v7  }
0x317: {  	v17 =	vadd.s32 s28, v3;
	v8 =	vand.u32 $0xFFFFFF80, v8;
	v5 =	vadd.s32 v2, v5  }
0x318: {  	v4 =	vor.u32 v4, v5;
	v5 =	vadd.s32 v2, v6;
	v6 =	vand.u32 $0xFFFFFF80, v17  }
0x319: {  	v5 =	vor.u32 v12, v5;
	v12 =	vand.u32 $0x7F, v17;
	v6 =	vadd.s32 v2, v6  }
0x31a: {  	v15 =	vand.u32 $0x7F, v9;
	v7 =	vadd.s32 v2, v7;
	v6 =	vor.u32 v12, v6  }
0x31b: {  	v8 =	vadd.s32 v2, v8;
	v9 =	vand.u32 $0xFFFFFF80, v9;
	v7 =	vor.u32 v13, v7  }
0x31c: {  	v12 =	vor.u32 v14, v8;
	v8 =	vadd.s32 v2, v9;
	v9 =	vand.u32 $0xFFFFFF80, v10  }
0x31d: {  	v16 =	vand.u32 $0x7F, v10;
	v10 =	vor.u32 v15, v8;
	v8 =	vadd.s32 v2, v9;
	v4 =	vld.idx.msk [tilespmem:v4+s25+$0x0], $0xffff  }
0x31e: {  	v9 =	vand.u32 $0xFFFFFF80, v11;
	v23 =	vld.idx.msk [tilespmem:v5+s25+$0x0], $0xffff;
	v5 =	vor.u32 v16, v8  }
0x31f: {  	v9 =	vadd.s32 v2, v9;
	v8 =	vand.u32 $0x7F, v11;
	v16 =	vld.idx.msk [tilespmem:v6+s25+$0x0], $0xffff  }
0x320: {  	s22 =	simm.s32 $0xA;
	v14 =	vor.u32 v8, v9;
	v8 =	vld.idx.msk [tilespmem:v7+s25+$0x0], $0xffff  }
0x321: {  	s20 =	simm.s32 $0x9;
	v20 =	vadd.s32 s22, v3;
	v7 =	vld.idx.msk [tilespmem:v12+s25+$0x0], $0xffff  }
0x322: {  	s18 =	simm.s32 $0x8;
	s28 =	simm.s32 $0xB;
	v19 =	vadd.s32 s20, v3;
	v18 =	vand.u32 $0x7F, v20;
	v9 =	vld.idx.msk [tilespmem:v10+s25+$0x0], $0xffff  }
0x323: {  	s20 =	simm.s32 $0xC;
	v21 =	vand.u32 $0x7F, v19;
	v11 =	vadd.s32 s28, v3;
	v6 =	vadd.s32 s18, v3;
	v13 =	vld.idx.msk [tilespmem:v5+s25+$0x0], $0xffff  }
0x324: {  	s22 =	simm.s32 $0xD;
	v12 =	vadd.s32 s20, v3;
	v17 =	vand.u32 $0xFFFFFF80, v6;
	v15 =	vand.u32 $0x7F, v6;
	[tilespmem:s13+$0xFFFFFD00] =	vst.add.f32.msk $0xffff, v23  }
0x325: {  	s28 =	simm.s32 $0xE;
	v6 =	vadd.s32 s22, v3;
	v22 =	vadd.s32 v2, v17;
	v17 =	vand.u32 $0x7F, v11;
	v14 =	vld.idx.msk [tilespmem:v14+s25+$0x0], $0xffff  }
0x326: {  	s20 =	simm.s32 $0x10;
	s18 =	smov.u32 s13;
	s22 =	simm.s32 $0xF;
	v10 =	vand.u32 $0x7F, v6;
	v5 =	vadd.s32 s28, v3;
	[tilespmem:s13+$0x0] =	vst.add.f32.msk $0xffff, v16;
	v16 =	vand.u32 $0x7F, v12  }
.LBB2_75:
0x327: {  	p0 =	slt.u32 s20, $0x38;
	v19 =	vand.u32 $0xFFFFFF80, v19;
	v20 =	vand.u32 $0xFFFFFF80, v20;
	v23 =	vadd.s32 s22, v3;
	[tilespmem:s18+$0xFFFFFD80] =	vst.add.f32.msk $0xffff, v8  }
0x328: {  	v8 =	vor.u32 v15, v22;
	v15 =	vadd.s32 v2, v19;
	v19 =	vand.u32 $0xFFFFFF80, v23;
	[tilespmem:s18+$0xFFFFFE00] =	vst.add.f32.msk $0xffff, v7  }
0x329: {  	v7 =	vor.u32 v21, v15;
	v15 =	vand.u32 $0x7F, v23;
	v19 =	vadd.s32 v2, v19;
	[tilespmem:s18+$0xFFFFFE80] =	vst.add.f32.msk $0xffff, v9  }
0x32a: {  	v11 =	vand.u32 $0xFFFFFF80, v11;
	v9 =	vadd.s32 v2, v20;
	v15 =	vor.u32 v15, v19;
	[tilespmem:s18+$0xFFFFFF00] =	vst.add.f32.msk $0xffff, v13  }
0x32b: {  	v12 =	vand.u32 $0xFFFFFF80, v12;
	v11 =	vadd.s32 v2, v11;
	v9 =	vor.u32 v18, v9;
	[tilespmem:s18+$0xFFFFFF80] =	vst.add.f32.msk $0xffff, v14  }
0x32c: {  	v6 =	vand.u32 $0xFFFFFF80, v6;
	v12 =	vadd.s32 v2, v12;
	v11 =	vor.u32 v17, v11;
	[tilespmem:s18+$0xFFFFFC80] =	vst.add.f32.msk $0xffff, v4  }
0x32d: {  	v6 =	vadd.s32 v2, v6;
	v12 =	vor.u32 v16, v12;
	v4 =	vld.idx.msk [tilespmem:v8+s25+$0x0], $0xffff;
	v8 =	vand.u32 $0xFFFFFF80, v5  }
0x32e: {  	v6 =	vor.u32 v10, v6;
	v5 =	vand.u32 $0x7F, v5;
	v23 =	vld.idx.msk [tilespmem:v7+s25+$0x0], $0xffff;
	v7 =	vadd.s32 v2, v8  }
0x32f: {  	v10 =	vor.u32 v5, v7;
	v16 =	vld.idx.msk [tilespmem:v15+s25+$0x0], $0xffff  }
0x330: {  	v8 =	vld.idx.msk [tilespmem:v9+s25+$0x0], $0xffff  }
0x331: {  	s2 =	sadd.s32 $0x1, s20;
	v5 =	vadd.s32 s20, v3;
	v7 =	vld.idx.msk [tilespmem:v11+s25+$0x0], $0xffff  }
.Ltmp36:
0x332: {  	s22 =	sadd.s32 $0x2, s20;
	s28 =	sadd.s32 $0x3, s20;
	v17 =	vand.u32 $0xFFFFFF80, v5;
	v15 =	vand.u32 $0x7F, v5;
	v9 =	vld.idx.msk [tilespmem:v12+s25+$0x0], $0xffff;
	(pc) =	sbr.rel @p0 .LBB2_75-.Ltmp36, $4  }
0x333: {  	v20 =	vadd.s32 s22, v3;
	s22 =	sadd.s32 $0x5, s20;
	v19 =	vadd.s32 s2, v3;
	s2 =	sadd.s32 $0x4, s20;
	v11 =	vadd.s32 s28, v3;
	s28 =	sadd.s32 $0x6, s20;
	v13 =	vld.idx.msk [tilespmem:v6+s25+$0x0], $0xffff  }
0x334: {  	s18 =	sadd.s32 $0x400, s18;
	v12 =	vadd.s32 s2, v3;
	v5 =	vadd.s32 s28, v3;
	v6 =	vadd.s32 s22, v3;
	v14 =	vld.idx.msk [tilespmem:v10+s25+$0x0], $0xffff  }
0x335: {  	v18 =	vand.u32 $0x7F, v20;
	v21 =	vand.u32 $0x7F, v19;
	v22 =	vadd.s32 v2, v17;
	[tilespmem:s18+$0x0] =	vst.add.f32.msk $0xffff, v16  }
0x336: {  	v17 =	vand.u32 $0x7F, v11;
	s22 =	sadd.s32 $0x7, s20;
	s20 =	sadd.s32 $0x8, s20;
	v10 =	vand.u32 $0x7F, v6;
	v16 =	vand.u32 $0x7F, v12;
	[tilespmem:s18+$0xFFFFFD00] =	vst.add.f32.msk $0xffff, v23  }
0x337: {  	v19 =	vand.u32 $0xFFFFFF80, v19;
	v20 =	vand.u32 $0xFFFFFF80, v20;
	v3 =	vadd.s32 s22, v3;
	[tilespmem:s18+$0xFFFFFD80] =	vst.add.f32.msk $0xffff, v8  }
0x338: {  	v52 =	vor.u32 v15, v22;
	[tilespmem:s18+$0xFFFFFE00] =	vst.add.f32.msk $0xffff, v7;
	v11 =	vand.u32 $0xFFFFFF80, v11;
	v53 =	vadd.s32 v2, v19  }
0x339: {  	[tilespmem:s18+$0xFFFFFE80] =	vst.add.f32.msk $0xffff, v9;
	v12 =	vand.u32 $0xFFFFFF80, v12;
	v57 =	vadd.s32 v2, v20;
	v55 =	vor.u32 v21, v53  }
0x33a: {  	v6 =	vand.u32 $0xFFFFFF80, v6;
	[tilespmem:s18+$0xFFFFFC80] =	vst.add.f32.msk $0xffff, v4;
	v11 =	vadd.s32 v2, v11;
	v9 =	vor.u32 v18, v57  }
0x33b: {  	v60 =	vand.u32 $0xFFFFFF80, v5;
	[tilespmem:s18+$0xFFFFFF00] =	vst.add.f32.msk $0xffff, v13;
	v12 =	vadd.s32 v2, v12;
	v11 =	vor.u32 v17, v11  }
0x33c: {  	v54 =	vand.u32 $0xFFFFFF80, v3;
	v6 =	vadd.s32 v2, v6;
	[tilespmem:s18+$0xFFFFFF80] =	vst.add.f32.msk $0xffff, v14;
	v59 =	vor.u32 v16, v12  }
0x33d: {  	v3 =	vand.u32 $0x7F, v3;
	v56 =	vadd.s32 v2, v54;
	v6 =	vor.u32 v10, v6;
	v58 =	vld.idx.msk [tilespmem:v52+s25+$0x0], $0xffff  }
0x33e: {  	v61 =	vand.u32 $0x7F, v5;
	v2 =	vadd.s32 v2, v60;
	v3 =	vor.u32 v3, v56;
	v7 =	vld.idx.msk [tilespmem:v55+s25+$0x0], $0xffff  }
0x33f: {  	v2 =	vor.u32 v61, v2;
	v62 =	vld.idx.msk [tilespmem:v9+s25+$0x0], $0xffff  }
0x340: {  	v63 =	vld.idx.msk [tilespmem:v11+s25+$0x0], $0xffff  }
0x341: {  	v8 =	vld.idx.msk [tilespmem:v59+s25+$0x0], $0xffff  }
0x342: {  	v6 =	vld.idx.msk [tilespmem:v6+s25+$0x0], $0xffff  }
0x343: {  	v3 =	vld.idx.msk [tilespmem:v3+s25+$0x0], $0xffff  }
0x344: {  	s2 =	sadd.s32 $0x400, s18;
	v2 =	vld.idx.msk [tilespmem:v2+s25+$0x0], $0xffff  }
0x345: {  	[tilespmem:s2+$0xFFFFFC80] =	vst.add.f32.msk $0xffff, v58  }
0x346: {  	s15 =	sadd.s32 $0x1, s15;
	[tilespmem:s2+$0xFFFFFD00] =	vst.add.f32.msk $0xffff, v7  }
0x347: {  	p0 =	sne.s32 s15, $0x8;
	[tilespmem:s2+$0xFFFFFD80] =	vst.add.f32.msk $0xffff, v62  }
.Ltmp37:
0x348: {  	[tilespmem:s2+$0xFFFFFE00] =	vst.add.f32.msk $0xffff, v63;
	(pc) =	sbr.rel @p0 .LBB2_74-.Ltmp37, $4  }
0x349: {  	[tilespmem:s2+$0xFFFFFE80] =	vst.add.f32.msk $0xffff, v8  }
0x34a: {  	[tilespmem:s2+$0xFFFFFF00] =	vst.add.f32.msk $0xffff, v6  }
0x34b: {  	[tilespmem:s2+$0x0] =	vst.add.f32.msk $0xffff, v3  }
0x34c: {  	s13 =	sadd.s32 $0x10, s13;
	[tilespmem:s2+$0xFFFFFF80] =	vst.add.f32.msk $0xffff, v2  }
0x34d: {  	s0 =	simm.s32 $0x1280  }
0x34e: {  	[tilespmem:s25], [sflag:$0x5] =	stream.indirect.gather [hbm4b:s4+s16], $0x80, s0, s16, $0xb8;
	[tilespmem:$0x1A500] =	vst v63  }
0x34f: {  	_ =	swait.ge [sflag:s26], $0x4000  }
0x350: {  	s13 =	simm.s32 $0x18880;
	[sflag:s26] =	ssyncset.done $0x0  }
0x351: {  	s15 =	simm.s32 $0x0;
	s0 =	simm.s32 $0x0;
	[sflag:s26] =	ssyncadd.s32 $0xFFFFC000  }
.LBB2_78:
0x352: {  	s2 =	sshll.u32 s15, $0x4  }
0x353: {  	v3 =	vld [tilespmem:s2+$0x1D00];
	_ =	sdelay $0x2  }
0x354: {  	v2 =	vmov s2  }
0x355: {  	s28 =	simm.s32 $0x1;
	v2 =	vshll.u32 v2, $0x7  }
0x356: {  	s18 =	simm.s32 $0x2;
	s20 =	simm.s32 $0x3;
	s22 =	simm.s32 $0x6;
	v2 =	vor.u32 v1, v2;
	v4 =	vadd.s32 s0, v3;
	v6 =	vadd.s32 s28, v3  }
0x357: {  	v7 =	vadd.s32 s18, v3;
	v8 =	vadd.s32 s20, v3;
	s18 =	simm.s32 $0x4;
	v11 =	vadd.s32 s22, v3  }
0x358: {  	s20 =	simm.s32 $0x5;
	v5 =	vand.u32 $0xFFFFFF80, v4;
	v4 =	vand.u32 $0x7F, v4;
	v9 =	vadd.s32 s18, v3  }
0x359: {  	v10 =	vadd.s32 s20, v3;
	v12 =	vand.u32 $0x7F, v6;
	v13 =	vand.u32 $0x7F, v7  }
0x35a: {  	s28 =	simm.s32 $0x7;
	v14 =	vand.u32 $0x7F, v8;
	v6 =	vand.u32 $0xFFFFFF80, v6;
	v7 =	vand.u32 $0xFFFFFF80, v7  }
0x35b: {  	v17 =	vadd.s32 s28, v3;
	v8 =	vand.u32 $0xFFFFFF80, v8;
	v5 =	vadd.s32 v2, v5  }
0x35c: {  	v4 =	vor.u32 v4, v5;
	v5 =	vadd.s32 v2, v6;
	v6 =	vand.u32 $0xFFFFFF80, v17  }
0x35d: {  	v5 =	vor.u32 v12, v5;
	v12 =	vand.u32 $0x7F, v17;
	v6 =	vadd.s32 v2, v6  }
0x35e: {  	v15 =	vand.u32 $0x7F, v9;
	v7 =	vadd.s32 v2, v7;
	v6 =	vor.u32 v12, v6  }
0x35f: {  	v8 =	vadd.s32 v2, v8;
	v9 =	vand.u32 $0xFFFFFF80, v9;
	v7 =	vor.u32 v13, v7  }
0x360: {  	v12 =	vor.u32 v14, v8;
	v8 =	vadd.s32 v2, v9;
	v9 =	vand.u32 $0xFFFFFF80, v10  }
0x361: {  	v16 =	vand.u32 $0x7F, v10;
	v10 =	vor.u32 v15, v8;
	v8 =	vadd.s32 v2, v9;
	v4 =	vld.idx.msk [tilespmem:v4+s19+$0x0], $0xffff  }
0x362: {  	v9 =	vand.u32 $0xFFFFFF80, v11;
	v23 =	vld.idx.msk [tilespmem:v5+s19+$0x0], $0xffff;
	v5 =	vor.u32 v16, v8  }
0x363: {  	v9 =	vadd.s32 v2, v9;
	v8 =	vand.u32 $0x7F, v11;
	v16 =	vld.idx.msk [tilespmem:v6+s19+$0x0], $0xffff  }
0x364: {  	s22 =	simm.s32 $0xA;
	v14 =	vor.u32 v8, v9;
	v8 =	vld.idx.msk [tilespmem:v7+s19+$0x0], $0xffff  }
0x365: {  	s20 =	simm.s32 $0x9;
	v20 =	vadd.s32 s22, v3;
	v7 =	vld.idx.msk [tilespmem:v12+s19+$0x0], $0xffff  }
0x366: {  	s18 =	simm.s32 $0x8;
	s28 =	simm.s32 $0xB;
	v19 =	vadd.s32 s20, v3;
	v18 =	vand.u32 $0x7F, v20;
	v9 =	vld.idx.msk [tilespmem:v10+s19+$0x0], $0xffff  }
0x367: {  	s20 =	simm.s32 $0xC;
	v21 =	vand.u32 $0x7F, v19;
	v11 =	vadd.s32 s28, v3;
	v6 =	vadd.s32 s18, v3;
	v13 =	vld.idx.msk [tilespmem:v5+s19+$0x0], $0xffff  }
0x368: {  	s22 =	simm.s32 $0xD;
	v12 =	vadd.s32 s20, v3;
	v17 =	vand.u32 $0xFFFFFF80, v6;
	v15 =	vand.u32 $0x7F, v6;
	[tilespmem:s13+$0xFFFFFD00] =	vst.add.f32.msk $0xffff, v23  }
0x369: {  	s28 =	simm.s32 $0xE;
	v6 =	vadd.s32 s22, v3;
	v22 =	vadd.s32 v2, v17;
	v17 =	vand.u32 $0x7F, v11;
	v14 =	vld.idx.msk [tilespmem:v14+s19+$0x0], $0xffff  }
0x36a: {  	s20 =	simm.s32 $0x10;
	s18 =	smov.u32 s13;
	s22 =	simm.s32 $0xF;
	v10 =	vand.u32 $0x7F, v6;
	v5 =	vadd.s32 s28, v3;
	[tilespmem:s13+$0x0] =	vst.add.f32.msk $0xffff, v16;
	v16 =	vand.u32 $0x7F, v12  }
.LBB2_79:
0x36b: {  	p0 =	slt.u32 s20, $0x38;
	v19 =	vand.u32 $0xFFFFFF80, v19;
	v20 =	vand.u32 $0xFFFFFF80, v20;
	v23 =	vadd.s32 s22, v3;
	[tilespmem:s18+$0xFFFFFD80] =	vst.add.f32.msk $0xffff, v8  }
0x36c: {  	v8 =	vor.u32 v15, v22;
	v15 =	vadd.s32 v2, v19;
	v19 =	vand.u32 $0xFFFFFF80, v23;
	[tilespmem:s18+$0xFFFFFE00] =	vst.add.f32.msk $0xffff, v7  }
0x36d: {  	v7 =	vor.u32 v21, v15;
	v15 =	vand.u32 $0x7F, v23;
	v19 =	vadd.s32 v2, v19;
	[tilespmem:s18+$0xFFFFFE80] =	vst.add.f32.msk $0xffff, v9  }
0x36e: {  	v11 =	vand.u32 $0xFFFFFF80, v11;
	v9 =	vadd.s32 v2, v20;
	v15 =	vor.u32 v15, v19;
	[tilespmem:s18+$0xFFFFFF00] =	vst.add.f32.msk $0xffff, v13  }
0x36f: {  	v12 =	vand.u32 $0xFFFFFF80, v12;
	v11 =	vadd.s32 v2, v11;
	v9 =	vor.u32 v18, v9;
	[tilespmem:s18+$0xFFFFFF80] =	vst.add.f32.msk $0xffff, v14  }
0x370: {  	v6 =	vand.u32 $0xFFFFFF80, v6;
	v12 =	vadd.s32 v2, v12;
	v11 =	vor.u32 v17, v11;
	[tilespmem:s18+$0xFFFFFC80] =	vst.add.f32.msk $0xffff, v4  }
0x371: {  	v6 =	vadd.s32 v2, v6;
	v12 =	vor.u32 v16, v12;
	v4 =	vld.idx.msk [tilespmem:v8+s19+$0x0], $0xffff;
	v8 =	vand.u32 $0xFFFFFF80, v5  }
0x372: {  	v6 =	vor.u32 v10, v6;
	v5 =	vand.u32 $0x7F, v5;
	v23 =	vld.idx.msk [tilespmem:v7+s19+$0x0], $0xffff;
	v7 =	vadd.s32 v2, v8  }
0x373: {  	v10 =	vor.u32 v5, v7;
	v16 =	vld.idx.msk [tilespmem:v15+s19+$0x0], $0xffff  }
0x374: {  	v8 =	vld.idx.msk [tilespmem:v9+s19+$0x0], $0xffff  }
0x375: {  	s2 =	sadd.s32 $0x1, s20;
	v5 =	vadd.s32 s20, v3;
	v7 =	vld.idx.msk [tilespmem:v11+s19+$0x0], $0xffff  }
.Ltmp38:
0x376: {  	s22 =	sadd.s32 $0x2, s20;
	s28 =	sadd.s32 $0x3, s20;
	v17 =	vand.u32 $0xFFFFFF80, v5;
	v15 =	vand.u32 $0x7F, v5;
	v9 =	vld.idx.msk [tilespmem:v12+s19+$0x0], $0xffff;
	(pc) =	sbr.rel @p0 .LBB2_79-.Ltmp38, $4  }
0x377: {  	v20 =	vadd.s32 s22, v3;
	s22 =	sadd.s32 $0x5, s20;
	v19 =	vadd.s32 s2, v3;
	s2 =	sadd.s32 $0x4, s20;
	v11 =	vadd.s32 s28, v3;
	s28 =	sadd.s32 $0x6, s20;
	v13 =	vld.idx.msk [tilespmem:v6+s19+$0x0], $0xffff  }
0x378: {  	s18 =	sadd.s32 $0x400, s18;
	v12 =	vadd.s32 s2, v3;
	v5 =	vadd.s32 s28, v3;
	v6 =	vadd.s32 s22, v3;
	v14 =	vld.idx.msk [tilespmem:v10+s19+$0x0], $0xffff  }
0x379: {  	v18 =	vand.u32 $0x7F, v20;
	v21 =	vand.u32 $0x7F, v19;
	v22 =	vadd.s32 v2, v17;
	[tilespmem:s18+$0x0] =	vst.add.f32.msk $0xffff, v16  }
0x37a: {  	v17 =	vand.u32 $0x7F, v11;
	s22 =	sadd.s32 $0x7, s20;
	s20 =	sadd.s32 $0x8, s20;
	v10 =	vand.u32 $0x7F, v6;
	v16 =	vand.u32 $0x7F, v12;
	[tilespmem:s18+$0xFFFFFD00] =	vst.add.f32.msk $0xffff, v23  }
0x37b: {  	v19 =	vand.u32 $0xFFFFFF80, v19;
	v20 =	vand.u32 $0xFFFFFF80, v20;
	v3 =	vadd.s32 s22, v3;
	[tilespmem:s18+$0xFFFFFD80] =	vst.add.f32.msk $0xffff, v8  }
0x37c: {  	v52 =	vor.u32 v15, v22;
	[tilespmem:s18+$0xFFFFFE00] =	vst.add.f32.msk $0xffff, v7;
	v11 =	vand.u32 $0xFFFFFF80, v11;
	v53 =	vadd.s32 v2, v19  }
0x37d: {  	[tilespmem:s18+$0xFFFFFE80] =	vst.add.f32.msk $0xffff, v9;
	v12 =	vand.u32 $0xFFFFFF80, v12;
	v57 =	vadd.s32 v2, v20;
	v55 =	vor.u32 v21, v53  }
0x37e: {  	v6 =	vand.u32 $0xFFFFFF80, v6;
	[tilespmem:s18+$0xFFFFFC80] =	vst.add.f32.msk $0xffff, v4;
	v11 =	vadd.s32 v2, v11;
	v9 =	vor.u32 v18, v57  }
0x37f: {  	v60 =	vand.u32 $0xFFFFFF80, v5;
	[tilespmem:s18+$0xFFFFFF00] =	vst.add.f32.msk $0xffff, v13;
	v12 =	vadd.s32 v2, v12;
	v11 =	vor.u32 v17, v11  }
0x380: {  	v54 =	vand.u32 $0xFFFFFF80, v3;
	v6 =	vadd.s32 v2, v6;
	[tilespmem:s18+$0xFFFFFF80] =	vst.add.f32.msk $0xffff, v14;
	v59 =	vor.u32 v16, v12  }
0x381: {  	v3 =	vand.u32 $0x7F, v3;
	v56 =	vadd.s32 v2, v54;
	v6 =	vor.u32 v10, v6;
	v58 =	vld.idx.msk [tilespmem:v52+s19+$0x0], $0xffff  }
0x382: {  	v61 =	vand.u32 $0x7F, v5;
	v2 =	vadd.s32 v2, v60;
	v3 =	vor.u32 v3, v56;
	v7 =	vld.idx.msk [tilespmem:v55+s19+$0x0], $0xffff  }
0x383: {  	v2 =	vor.u32 v61, v2;
	v62 =	vld.idx.msk [tilespmem:v9+s19+$0x0], $0xffff  }
0x384: {  	v63 =	vld.idx.msk [tilespmem:v11+s19+$0x0], $0xffff  }
0x385: {  	v8 =	vld.idx.msk [tilespmem:v59+s19+$0x0], $0xffff  }
0x386: {  	v6 =	vld.idx.msk [tilespmem:v6+s19+$0x0], $0xffff  }
0x387: {  	v3 =	vld.idx.msk [tilespmem:v3+s19+$0x0], $0xffff  }
0x388: {  	s2 =	sadd.s32 $0x400, s18;
	v2 =	vld.idx.msk [tilespmem:v2+s19+$0x0], $0xffff  }
0x389: {  	[tilespmem:s2+$0xFFFFFC80] =	vst.add.f32.msk $0xffff, v58  }
0x38a: {  	s15 =	sadd.s32 $0x1, s15;
	[tilespmem:s2+$0xFFFFFD00] =	vst.add.f32.msk $0xffff, v7  }
0x38b: {  	p0 =	sne.s32 s15, $0x8;
	[tilespmem:s2+$0xFFFFFD80] =	vst.add.f32.msk $0xffff, v62  }
.Ltmp39:
0x38c: {  	[tilespmem:s2+$0xFFFFFE00] =	vst.add.f32.msk $0xffff, v63;
	(pc) =	sbr.rel @p0 .LBB2_78-.Ltmp39, $4  }
0x38d: {  	[tilespmem:s2+$0xFFFFFE80] =	vst.add.f32.msk $0xffff, v8  }
0x38e: {  	[tilespmem:s2+$0xFFFFFF00] =	vst.add.f32.msk $0xffff, v6  }
0x38f: {  	[tilespmem:s2+$0x0] =	vst.add.f32.msk $0xffff, v3  }
0x390: {  	s13 =	sadd.s32 $0x10, s13;
	[tilespmem:s2+$0xFFFFFF80] =	vst.add.f32.msk $0xffff, v2  }
0x391: {  	s0 =	simm.s32 $0x1300  }
0x392: {  	[tilespmem:s19], [sflag:$0x2] =	stream.indirect.gather [hbm4b:s4+s16], $0x80, s0, s16, $0xb8;
	[tilespmem:$0x1A500] =	vst v63  }
0x393: {  	_ =	swait.ge [sflag:s29], $0x4000  }
0x394: {  	s13 =	simm.s32 $0x18880;
	[sflag:s29] =	ssyncset.done $0x0  }
0x395: {  	s15 =	simm.s32 $0x0;
	s0 =	simm.s32 $0x0;
	[sflag:s29] =	ssyncadd.s32 $0xFFFFC000  }
.LBB2_82:
0x396: {  	s2 =	sshll.u32 s15, $0x4  }
0x397: {  	v3 =	vld [tilespmem:s2+$0x1D80];
	_ =	sdelay $0x2  }
0x398: {  	v2 =	vmov s2  }
0x399: {  	s28 =	simm.s32 $0x1;
	v2 =	vshll.u32 v2, $0x7  }
0x39a: {  	s18 =	simm.s32 $0x2;
	s20 =	simm.s32 $0x3;
	s22 =	simm.s32 $0x6;
	v2 =	vor.u32 v1, v2;
	v4 =	vadd.s32 s0, v3;
	v6 =	vadd.s32 s28, v3  }
0x39b: {  	v7 =	vadd.s32 s18, v3;
	v8 =	vadd.s32 s20, v3;
	s18 =	simm.s32 $0x4;
	v11 =	vadd.s32 s22, v3  }
0x39c: {  	s20 =	simm.s32 $0x5;
	v5 =	vand.u32 $0xFFFFFF80, v4;
	v4 =	vand.u32 $0x7F, v4;
	v9 =	vadd.s32 s18, v3  }
0x39d: {  	v10 =	vadd.s32 s20, v3;
	v12 =	vand.u32 $0x7F, v6;
	v13 =	vand.u32 $0x7F, v7  }
0x39e: {  	s28 =	simm.s32 $0x7;
	v14 =	vand.u32 $0x7F, v8;
	v6 =	vand.u32 $0xFFFFFF80, v6;
	v7 =	vand.u32 $0xFFFFFF80, v7  }
0x39f: {  	v17 =	vadd.s32 s28, v3;
	v8 =	vand.u32 $0xFFFFFF80, v8;
	v5 =	vadd.s32 v2, v5  }
0x3a0: {  	v4 =	vor.u32 v4, v5;
	v5 =	vadd.s32 v2, v6;
	v6 =	vand.u32 $0xFFFFFF80, v17  }
0x3a1: {  	v5 =	vor.u32 v12, v5;
	v12 =	vand.u32 $0x7F, v17;
	v6 =	vadd.s32 v2, v6  }
0x3a2: {  	v15 =	vand.u32 $0x7F, v9;
	v7 =	vadd.s32 v2, v7;
	v6 =	vor.u32 v12, v6  }
0x3a3: {  	v8 =	vadd.s32 v2, v8;
	v9 =	vand.u32 $0xFFFFFF80, v9;
	v7 =	vor.u32 v13, v7  }
0x3a4: {  	v12 =	vor.u32 v14, v8;
	v8 =	vadd.s32 v2, v9;
	v9 =	vand.u32 $0xFFFFFF80, v10  }
0x3a5: {  	v16 =	vand.u32 $0x7F, v10;
	v10 =	vor.u32 v15, v8;
	v8 =	vadd.s32 v2, v9;
	v4 =	vld.idx.msk [tilespmem:v4+s21+$0x0], $0xffff  }
0x3a6: {  	v9 =	vand.u32 $0xFFFFFF80, v11;
	v23 =	vld.idx.msk [tilespmem:v5+s21+$0x0], $0xffff;
	v5 =	vor.u32 v16, v8  }
0x3a7: {  	v9 =	vadd.s32 v2, v9;
	v8 =	vand.u32 $0x7F, v11;
	v16 =	vld.idx.msk [tilespmem:v6+s21+$0x0], $0xffff  }
0x3a8: {  	s22 =	simm.s32 $0xA;
	v14 =	vor.u32 v8, v9;
	v8 =	vld.idx.msk [tilespmem:v7+s21+$0x0], $0xffff  }
0x3a9: {  	s20 =	simm.s32 $0x9;
	v20 =	vadd.s32 s22, v3;
	v7 =	vld.idx.msk [tilespmem:v12+s21+$0x0], $0xffff  }
0x3aa: {  	s18 =	simm.s32 $0x8;
	s28 =	simm.s32 $0xB;
	v19 =	vadd.s32 s20, v3;
	v18 =	vand.u32 $0x7F, v20;
	v9 =	vld.idx.msk [tilespmem:v10+s21+$0x0], $0xffff  }
0x3ab: {  	s20 =	simm.s32 $0xC;
	v21 =	vand.u32 $0x7F, v19;
	v11 =	vadd.s32 s28, v3;
	v6 =	vadd.s32 s18, v3;
	v13 =	vld.idx.msk [tilespmem:v5+s21+$0x0], $0xffff  }
0x3ac: {  	s22 =	simm.s32 $0xD;
	v12 =	vadd.s32 s20, v3;
	v17 =	vand.u32 $0xFFFFFF80, v6;
	v15 =	vand.u32 $0x7F, v6;
	[tilespmem:s13+$0xFFFFFD00] =	vst.add.f32.msk $0xffff, v23  }
0x3ad: {  	s28 =	simm.s32 $0xE;
	v6 =	vadd.s32 s22, v3;
	v22 =	vadd.s32 v2, v17;
	v17 =	vand.u32 $0x7F, v11;
	v14 =	vld.idx.msk [tilespmem:v14+s21+$0x0], $0xffff  }
0x3ae: {  	s20 =	simm.s32 $0x10;
	s18 =	smov.u32 s13;
	s22 =	simm.s32 $0xF;
	v10 =	vand.u32 $0x7F, v6;
	v5 =	vadd.s32 s28, v3;
	[tilespmem:s13+$0x0] =	vst.add.f32.msk $0xffff, v16;
	v16 =	vand.u32 $0x7F, v12  }
.LBB2_83:
0x3af: {  	p0 =	slt.u32 s20, $0x38;
	v19 =	vand.u32 $0xFFFFFF80, v19;
	v20 =	vand.u32 $0xFFFFFF80, v20;
	v23 =	vadd.s32 s22, v3;
	[tilespmem:s18+$0xFFFFFD80] =	vst.add.f32.msk $0xffff, v8  }
0x3b0: {  	v8 =	vor.u32 v15, v22;
	v15 =	vadd.s32 v2, v19;
	v19 =	vand.u32 $0xFFFFFF80, v23;
	[tilespmem:s18+$0xFFFFFE00] =	vst.add.f32.msk $0xffff, v7  }
0x3b1: {  	v7 =	vor.u32 v21, v15;
	v15 =	vand.u32 $0x7F, v23;
	v19 =	vadd.s32 v2, v19;
	[tilespmem:s18+$0xFFFFFE80] =	vst.add.f32.msk $0xffff, v9  }
0x3b2: {  	v11 =	vand.u32 $0xFFFFFF80, v11;
	v9 =	vadd.s32 v2, v20;
	v15 =	vor.u32 v15, v19;
	[tilespmem:s18+$0xFFFFFF00] =	vst.add.f32.msk $0xffff, v13  }
0x3b3: {  	v12 =	vand.u32 $0xFFFFFF80, v12;
	v11 =	vadd.s32 v2, v11;
	v9 =	vor.u32 v18, v9;
	[tilespmem:s18+$0xFFFFFF80] =	vst.add.f32.msk $0xffff, v14  }
0x3b4: {  	v6 =	vand.u32 $0xFFFFFF80, v6;
	v12 =	vadd.s32 v2, v12;
	v11 =	vor.u32 v17, v11;
	[tilespmem:s18+$0xFFFFFC80] =	vst.add.f32.msk $0xffff, v4  }
0x3b5: {  	v6 =	vadd.s32 v2, v6;
	v12 =	vor.u32 v16, v12;
	v4 =	vld.idx.msk [tilespmem:v8+s21+$0x0], $0xffff;
	v8 =	vand.u32 $0xFFFFFF80, v5  }
0x3b6: {  	v6 =	vor.u32 v10, v6;
	v5 =	vand.u32 $0x7F, v5;
	v23 =	vld.idx.msk [tilespmem:v7+s21+$0x0], $0xffff;
	v7 =	vadd.s32 v2, v8  }
0x3b7: {  	v10 =	vor.u32 v5, v7;
	v16 =	vld.idx.msk [tilespmem:v15+s21+$0x0], $0xffff  }
0x3b8: {  	v8 =	vld.idx.msk [tilespmem:v9+s21+$0x0], $0xffff  }
0x3b9: {  	s2 =	sadd.s32 $0x1, s20;
	v5 =	vadd.s32 s20, v3;
	v7 =	vld.idx.msk [tilespmem:v11+s21+$0x0], $0xffff  }
.Ltmp40:
0x3ba: {  	s22 =	sadd.s32 $0x2, s20;
	s28 =	sadd.s32 $0x3, s20;
	v17 =	vand.u32 $0xFFFFFF80, v5;
	v15 =	vand.u32 $0x7F, v5;
	v9 =	vld.idx.msk [tilespmem:v12+s21+$0x0], $0xffff;
	(pc) =	sbr.rel @p0 .LBB2_83-.Ltmp40, $4  }
0x3bb: {  	v20 =	vadd.s32 s22, v3;
	s22 =	sadd.s32 $0x5, s20;
	v19 =	vadd.s32 s2, v3;
	s2 =	sadd.s32 $0x4, s20;
	v11 =	vadd.s32 s28, v3;
	s28 =	sadd.s32 $0x6, s20;
	v13 =	vld.idx.msk [tilespmem:v6+s21+$0x0], $0xffff  }
0x3bc: {  	s18 =	sadd.s32 $0x400, s18;
	v12 =	vadd.s32 s2, v3;
	v5 =	vadd.s32 s28, v3;
	v6 =	vadd.s32 s22, v3;
	v14 =	vld.idx.msk [tilespmem:v10+s21+$0x0], $0xffff  }
0x3bd: {  	v18 =	vand.u32 $0x7F, v20;
	v21 =	vand.u32 $0x7F, v19;
	v22 =	vadd.s32 v2, v17;
	[tilespmem:s18+$0x0] =	vst.add.f32.msk $0xffff, v16  }
0x3be: {  	v17 =	vand.u32 $0x7F, v11;
	s22 =	sadd.s32 $0x7, s20;
	s20 =	sadd.s32 $0x8, s20;
	v10 =	vand.u32 $0x7F, v6;
	v16 =	vand.u32 $0x7F, v12;
	[tilespmem:s18+$0xFFFFFD00] =	vst.add.f32.msk $0xffff, v23  }
0x3bf: {  	v19 =	vand.u32 $0xFFFFFF80, v19;
	v20 =	vand.u32 $0xFFFFFF80, v20;
	v3 =	vadd.s32 s22, v3;
	[tilespmem:s18+$0xFFFFFD80] =	vst.add.f32.msk $0xffff, v8  }
0x3c0: {  	v52 =	vor.u32 v15, v22;
	[tilespmem:s18+$0xFFFFFE00] =	vst.add.f32.msk $0xffff, v7;
	v11 =	vand.u32 $0xFFFFFF80, v11;
	v53 =	vadd.s32 v2, v19  }
0x3c1: {  	[tilespmem:s18+$0xFFFFFE80] =	vst.add.f32.msk $0xffff, v9;
	v12 =	vand.u32 $0xFFFFFF80, v12;
	v57 =	vadd.s32 v2, v20;
	v55 =	vor.u32 v21, v53  }
0x3c2: {  	v6 =	vand.u32 $0xFFFFFF80, v6;
	[tilespmem:s18+$0xFFFFFC80] =	vst.add.f32.msk $0xffff, v4;
	v11 =	vadd.s32 v2, v11;
	v9 =	vor.u32 v18, v57  }
0x3c3: {  	v60 =	vand.u32 $0xFFFFFF80, v5;
	[tilespmem:s18+$0xFFFFFF00] =	vst.add.f32.msk $0xffff, v13;
	v12 =	vadd.s32 v2, v12;
	v11 =	vor.u32 v17, v11  }
0x3c4: {  	v54 =	vand.u32 $0xFFFFFF80, v3;
	v6 =	vadd.s32 v2, v6;
	[tilespmem:s18+$0xFFFFFF80] =	vst.add.f32.msk $0xffff, v14;
	v59 =	vor.u32 v16, v12  }
0x3c5: {  	v3 =	vand.u32 $0x7F, v3;
	v56 =	vadd.s32 v2, v54;
	v6 =	vor.u32 v10, v6;
	v58 =	vld.idx.msk [tilespmem:v52+s21+$0x0], $0xffff  }
0x3c6: {  	v61 =	vand.u32 $0x7F, v5;
	v2 =	vadd.s32 v2, v60;
	v3 =	vor.u32 v3, v56;
	v7 =	vld.idx.msk [tilespmem:v55+s21+$0x0], $0xffff  }
0x3c7: {  	v2 =	vor.u32 v61, v2;
	v62 =	vld.idx.msk [tilespmem:v9+s21+$0x0], $0xffff  }
0x3c8: {  	v63 =	vld.idx.msk [tilespmem:v11+s21+$0x0], $0xffff  }
0x3c9: {  	v8 =	vld.idx.msk [tilespmem:v59+s21+$0x0], $0xffff  }
0x3ca: {  	v6 =	vld.idx.msk [tilespmem:v6+s21+$0x0], $0xffff  }
0x3cb: {  	v3 =	vld.idx.msk [tilespmem:v3+s21+$0x0], $0xffff  }
0x3cc: {  	s2 =	sadd.s32 $0x400, s18;
	v2 =	vld.idx.msk [tilespmem:v2+s21+$0x0], $0xffff  }
0x3cd: {  	[tilespmem:s2+$0xFFFFFC80] =	vst.add.f32.msk $0xffff, v58  }
0x3ce: {  	s15 =	sadd.s32 $0x1, s15;
	[tilespmem:s2+$0xFFFFFD00] =	vst.add.f32.msk $0xffff, v7  }
0x3cf: {  	p0 =	sne.s32 s15, $0x8;
	[tilespmem:s2+$0xFFFFFD80] =	vst.add.f32.msk $0xffff, v62  }
.Ltmp41:
0x3d0: {  	[tilespmem:s2+$0xFFFFFE00] =	vst.add.f32.msk $0xffff, v63;
	(pc) =	sbr.rel @p0 .LBB2_82-.Ltmp41, $4  }
0x3d1: {  	[tilespmem:s2+$0xFFFFFE80] =	vst.add.f32.msk $0xffff, v8  }
0x3d2: {  	[tilespmem:s2+$0xFFFFFF00] =	vst.add.f32.msk $0xffff, v6  }
0x3d3: {  	[tilespmem:s2+$0x0] =	vst.add.f32.msk $0xffff, v3  }
0x3d4: {  	s13 =	sadd.s32 $0x10, s13;
	[tilespmem:s2+$0xFFFFFF80] =	vst.add.f32.msk $0xffff, v2  }
0x3d5: {  	s0 =	simm.s32 $0x1380  }
0x3d6: {  	[tilespmem:s21], [sflag:$0x3] =	stream.indirect.gather [hbm4b:s4+s16], $0x80, s0, s16, $0xb8;
	[tilespmem:$0x1A500] =	vst v63  }
0x3d7: {  	_ =	swait.ge [sflag:s31], $0x4000  }
0x3d8: {  	s13 =	simm.s32 $0x18880;
	[sflag:s31] =	ssyncset.done $0x0  }
0x3d9: {  	s15 =	simm.s32 $0x0;
	s0 =	simm.s32 $0x0;
	[sflag:s31] =	ssyncadd.s32 $0xFFFFC000  }
.LBB2_86:
0x3da: {  	s2 =	sshll.u32 s15, $0x4  }
0x3db: {  	v3 =	vld [tilespmem:s2+$0x1E00];
	_ =	sdelay $0x2  }
0x3dc: {  	v2 =	vmov s2  }
0x3dd: {  	s28 =	simm.s32 $0x1;
	v2 =	vshll.u32 v2, $0x7  }
0x3de: {  	s18 =	simm.s32 $0x2;
	s20 =	simm.s32 $0x3;
	s22 =	simm.s32 $0x6;
	v2 =	vor.u32 v1, v2;
	v4 =	vadd.s32 s0, v3;
	v6 =	vadd.s32 s28, v3  }
0x3df: {  	v7 =	vadd.s32 s18, v3;
	v8 =	vadd.s32 s20, v3;
	s18 =	simm.s32 $0x4;
	v11 =	vadd.s32 s22, v3  }
0x3e0: {  	s20 =	simm.s32 $0x5;
	v5 =	vand.u32 $0xFFFFFF80, v4;
	v4 =	vand.u32 $0x7F, v4;
	v9 =	vadd.s32 s18, v3  }
0x3e1: {  	v10 =	vadd.s32 s20, v3;
	v12 =	vand.u32 $0x7F, v6;
	v13 =	vand.u32 $0x7F, v7  }
0x3e2: {  	s28 =	simm.s32 $0x7;
	v14 =	vand.u32 $0x7F, v8;
	v6 =	vand.u32 $0xFFFFFF80, v6;
	v7 =	vand.u32 $0xFFFFFF80, v7  }
0x3e3: {  	v17 =	vadd.s32 s28, v3;
	v8 =	vand.u32 $0xFFFFFF80, v8;
	v5 =	vadd.s32 v2, v5  }
0x3e4: {  	v4 =	vor.u32 v4, v5;
	v5 =	vadd.s32 v2, v6;
	v6 =	vand.u32 $0xFFFFFF80, v17  }
0x3e5: {  	v5 =	vor.u32 v12, v5;
	v12 =	vand.u32 $0x7F, v17;
	v6 =	vadd.s32 v2, v6  }
0x3e6: {  	v15 =	vand.u32 $0x7F, v9;
	v7 =	vadd.s32 v2, v7;
	v6 =	vor.u32 v12, v6  }
0x3e7: {  	v8 =	vadd.s32 v2, v8;
	v9 =	vand.u32 $0xFFFFFF80, v9;
	v7 =	vor.u32 v13, v7  }
0x3e8: {  	v12 =	vor.u32 v14, v8;
	v8 =	vadd.s32 v2, v9;
	v9 =	vand.u32 $0xFFFFFF80, v10  }
0x3e9: {  	v16 =	vand.u32 $0x7F, v10;
	v10 =	vor.u32 v15, v8;
	v8 =	vadd.s32 v2, v9;
	v4 =	vld.idx.msk [tilespmem:v4+s23+$0x0], $0xffff  }
0x3ea: {  	v9 =	vand.u32 $0xFFFFFF80, v11;
	v23 =	vld.idx.msk [tilespmem:v5+s23+$0x0], $0xffff;
	v5 =	vor.u32 v16, v8  }
0x3eb: {  	v9 =	vadd.s32 v2, v9;
	v8 =	vand.u32 $0x7F, v11;
	v16 =	vld.idx.msk [tilespmem:v6+s23+$0x0], $0xffff  }
0x3ec: {  	s22 =	simm.s32 $0xA;
	v14 =	vor.u32 v8, v9;
	v8 =	vld.idx.msk [tilespmem:v7+s23+$0x0], $0xffff  }
0x3ed: {  	s20 =	simm.s32 $0x9;
	v20 =	vadd.s32 s22, v3;
	v7 =	vld.idx.msk [tilespmem:v12+s23+$0x0], $0xffff  }
0x3ee: {  	s18 =	simm.s32 $0x8;
	s28 =	simm.s32 $0xB;
	v19 =	vadd.s32 s20, v3;
	v18 =	vand.u32 $0x7F, v20;
	v9 =	vld.idx.msk [tilespmem:v10+s23+$0x0], $0xffff  }
0x3ef: {  	s20 =	simm.s32 $0xC;
	v21 =	vand.u32 $0x7F, v19;
	v11 =	vadd.s32 s28, v3;
	v6 =	vadd.s32 s18, v3;
	v13 =	vld.idx.msk [tilespmem:v5+s23+$0x0], $0xffff  }
0x3f0: {  	s22 =	simm.s32 $0xD;
	v12 =	vadd.s32 s20, v3;
	v17 =	vand.u32 $0xFFFFFF80, v6;
	v15 =	vand.u32 $0x7F, v6;
	[tilespmem:s13+$0xFFFFFD00] =	vst.add.f32.msk $0xffff, v23  }
0x3f1: {  	s28 =	simm.s32 $0xE;
	v6 =	vadd.s32 s22, v3;
	v22 =	vadd.s32 v2, v17;
	v17 =	vand.u32 $0x7F, v11;
	v14 =	vld.idx.msk [tilespmem:v14+s23+$0x0], $0xffff  }
0x3f2: {  	s20 =	simm.s32 $0x10;
	s18 =	smov.u32 s13;
	s22 =	simm.s32 $0xF;
	v10 =	vand.u32 $0x7F, v6;
	v5 =	vadd.s32 s28, v3;
	[tilespmem:s13+$0x0] =	vst.add.f32.msk $0xffff, v16;
	v16 =	vand.u32 $0x7F, v12  }
.LBB2_87:
0x3f3: {  	p0 =	slt.u32 s20, $0x38;
	v19 =	vand.u32 $0xFFFFFF80, v19;
	v20 =	vand.u32 $0xFFFFFF80, v20;
	v23 =	vadd.s32 s22, v3;
	[tilespmem:s18+$0xFFFFFD80] =	vst.add.f32.msk $0xffff, v8  }
0x3f4: {  	v8 =	vor.u32 v15, v22;
	v15 =	vadd.s32 v2, v19;
	v19 =	vand.u32 $0xFFFFFF80, v23;
	[tilespmem:s18+$0xFFFFFE00] =	vst.add.f32.msk $0xffff, v7  }
0x3f5: {  	v7 =	vor.u32 v21, v15;
	v15 =	vand.u32 $0x7F, v23;
	v19 =	vadd.s32 v2, v19;
	[tilespmem:s18+$0xFFFFFE80] =	vst.add.f32.msk $0xffff, v9  }
0x3f6: {  	v11 =	vand.u32 $0xFFFFFF80, v11;
	v9 =	vadd.s32 v2, v20;
	v15 =	vor.u32 v15, v19;
	[tilespmem:s18+$0xFFFFFF00] =	vst.add.f32.msk $0xffff, v13  }
0x3f7: {  	v12 =	vand.u32 $0xFFFFFF80, v12;
	v11 =	vadd.s32 v2, v11;
	v9 =	vor.u32 v18, v9;
	[tilespmem:s18+$0xFFFFFF80] =	vst.add.f32.msk $0xffff, v14  }
0x3f8: {  	v6 =	vand.u32 $0xFFFFFF80, v6;
	v12 =	vadd.s32 v2, v12;
	v11 =	vor.u32 v17, v11;
	[tilespmem:s18+$0xFFFFFC80] =	vst.add.f32.msk $0xffff, v4  }
0x3f9: {  	v6 =	vadd.s32 v2, v6;
	v12 =	vor.u32 v16, v12;
	v4 =	vld.idx.msk [tilespmem:v8+s23+$0x0], $0xffff;
	v8 =	vand.u32 $0xFFFFFF80, v5  }
0x3fa: {  	v6 =	vor.u32 v10, v6;
	v5 =	vand.u32 $0x7F, v5;
	v23 =	vld.idx.msk [tilespmem:v7+s23+$0x0], $0xffff;
	v7 =	vadd.s32 v2, v8  }
0x3fb: {  	v10 =	vor.u32 v5, v7;
	v16 =	vld.idx.msk [tilespmem:v15+s23+$0x0], $0xffff  }
0x3fc: {  	v8 =	vld.idx.msk [tilespmem:v9+s23+$0x0], $0xffff  }
0x3fd: {  	s2 =	sadd.s32 $0x1, s20;
	v5 =	vadd.s32 s20, v3;
	v7 =	vld.idx.msk [tilespmem:v11+s23+$0x0], $0xffff  }
.Ltmp42:
0x3fe: {  	s22 =	sadd.s32 $0x2, s20;
	s28 =	sadd.s32 $0x3, s20;
	v17 =	vand.u32 $0xFFFFFF80, v5;
	v15 =	vand.u32 $0x7F, v5;
	v9 =	vld.idx.msk [tilespmem:v12+s23+$0x0], $0xffff;
	(pc) =	sbr.rel @p0 .LBB2_87-.Ltmp42, $4  }
0x3ff: {  	v20 =	vadd.s32 s22, v3;
	s22 =	sadd.s32 $0x5, s20;
	v19 =	vadd.s32 s2, v3;
	s2 =	sadd.s32 $0x4, s20;
	v11 =	vadd.s32 s28, v3;
	s28 =	sadd.s32 $0x6, s20;
	v13 =	vld.idx.msk [tilespmem:v6+s23+$0x0], $0xffff  }
0x400: {  	s18 =	sadd.s32 $0x400, s18;
	v12 =	vadd.s32 s2, v3;
	v5 =	vadd.s32 s28, v3;
	v6 =	vadd.s32 s22, v3;
	v14 =	vld.idx.msk [tilespmem:v10+s23+$0x0], $0xffff  }
0x401: {  	v18 =	vand.u32 $0x7F, v20;
	v21 =	vand.u32 $0x7F, v19;
	v22 =	vadd.s32 v2, v17;
	[tilespmem:s18+$0x0] =	vst.add.f32.msk $0xffff, v16  }
0x402: {  	v17 =	vand.u32 $0x7F, v11;
	s22 =	sadd.s32 $0x7, s20;
	s20 =	sadd.s32 $0x8, s20;
	v10 =	vand.u32 $0x7F, v6;
	v16 =	vand.u32 $0x7F, v12;
	[tilespmem:s18+$0xFFFFFD00] =	vst.add.f32.msk $0xffff, v23  }
0x403: {  	v19 =	vand.u32 $0xFFFFFF80, v19;
	v20 =	vand.u32 $0xFFFFFF80, v20;
	v3 =	vadd.s32 s22, v3;
	[tilespmem:s18+$0xFFFFFD80] =	vst.add.f32.msk $0xffff, v8  }
0x404: {  	v52 =	vor.u32 v15, v22;
	[tilespmem:s18+$0xFFFFFE00] =	vst.add.f32.msk $0xffff, v7;
	v11 =	vand.u32 $0xFFFFFF80, v11;
	v53 =	vadd.s32 v2, v19  }
0x405: {  	[tilespmem:s18+$0xFFFFFE80] =	vst.add.f32.msk $0xffff, v9;
	v12 =	vand.u32 $0xFFFFFF80, v12;
	v57 =	vadd.s32 v2, v20;
	v55 =	vor.u32 v21, v53  }
0x406: {  	v6 =	vand.u32 $0xFFFFFF80, v6;
	[tilespmem:s18+$0xFFFFFC80] =	vst.add.f32.msk $0xffff, v4;
	v11 =	vadd.s32 v2, v11;
	v9 =	vor.u32 v18, v57  }
0x407: {  	v60 =	vand.u32 $0xFFFFFF80, v5;
	[tilespmem:s18+$0xFFFFFF00] =	vst.add.f32.msk $0xffff, v13;
	v12 =	vadd.s32 v2, v12;
	v11 =	vor.u32 v17, v11  }
0x408: {  	v54 =	vand.u32 $0xFFFFFF80, v3;
	v6 =	vadd.s32 v2, v6;
	[tilespmem:s18+$0xFFFFFF80] =	vst.add.f32.msk $0xffff, v14;
	v59 =	vor.u32 v16, v12  }
0x409: {  	v3 =	vand.u32 $0x7F, v3;
	v56 =	vadd.s32 v2, v54;
	v6 =	vor.u32 v10, v6;
	v58 =	vld.idx.msk [tilespmem:v52+s23+$0x0], $0xffff  }
0x40a: {  	v61 =	vand.u32 $0x7F, v5;
	v2 =	vadd.s32 v2, v60;
	v3 =	vor.u32 v3, v56;
	v7 =	vld.idx.msk [tilespmem:v55+s23+$0x0], $0xffff  }
0x40b: {  	v2 =	vor.u32 v61, v2;
	v62 =	vld.idx.msk [tilespmem:v9+s23+$0x0], $0xffff  }
0x40c: {  	v63 =	vld.idx.msk [tilespmem:v11+s23+$0x0], $0xffff  }
0x40d: {  	v8 =	vld.idx.msk [tilespmem:v59+s23+$0x0], $0xffff  }
0x40e: {  	v6 =	vld.idx.msk [tilespmem:v6+s23+$0x0], $0xffff  }
0x40f: {  	v3 =	vld.idx.msk [tilespmem:v3+s23+$0x0], $0xffff  }
0x410: {  	s2 =	sadd.s32 $0x400, s18;
	v2 =	vld.idx.msk [tilespmem:v2+s23+$0x0], $0xffff  }
0x411: {  	[tilespmem:s2+$0xFFFFFC80] =	vst.add.f32.msk $0xffff, v58  }
0x412: {  	s15 =	sadd.s32 $0x1, s15;
	[tilespmem:s2+$0xFFFFFD00] =	vst.add.f32.msk $0xffff, v7  }
0x413: {  	p0 =	sne.s32 s15, $0x8;
	[tilespmem:s2+$0xFFFFFD80] =	vst.add.f32.msk $0xffff, v62  }
.Ltmp43:
0x414: {  	[tilespmem:s2+$0xFFFFFE00] =	vst.add.f32.msk $0xffff, v63;
	(pc) =	sbr.rel @p0 .LBB2_86-.Ltmp43, $4  }
0x415: {  	[tilespmem:s2+$0xFFFFFE80] =	vst.add.f32.msk $0xffff, v8  }
0x416: {  	[tilespmem:s2+$0xFFFFFF00] =	vst.add.f32.msk $0xffff, v6  }
0x417: {  	[tilespmem:s2+$0x0] =	vst.add.f32.msk $0xffff, v3  }
0x418: {  	s13 =	sadd.s32 $0x10, s13;
	[tilespmem:s2+$0xFFFFFF80] =	vst.add.f32.msk $0xffff, v2  }
0x419: {  	s0 =	simm.s32 $0x1400  }
0x41a: {  	[tilespmem:s23], [sflag:$0x4] =	stream.indirect.gather [hbm4b:s4+s16], $0x80, s0, s16, $0xb8;
	[tilespmem:$0x1A500] =	vst v63  }
0x41b: {  	_ =	swait.ge [sflag:s1], $0x4000  }
0x41c: {  	s13 =	simm.s32 $0x18880;
	[sflag:s1] =	ssyncset.done $0x0  }
0x41d: {  	s15 =	simm.s32 $0x0;
	s0 =	simm.s32 $0x0;
	[sflag:s1] =	ssyncadd.s32 $0xFFFFC000  }
.LBB2_90:
0x41e: {  	s2 =	sshll.u32 s15, $0x4  }
0x41f: {  	v3 =	vld [tilespmem:s2+$0x1E80];
	_ =	sdelay $0x2  }
0x420: {  	v2 =	vmov s2  }
0x421: {  	s28 =	simm.s32 $0x1;
	v2 =	vshll.u32 v2, $0x7  }
0x422: {  	s18 =	simm.s32 $0x2;
	s20 =	simm.s32 $0x3;
	s22 =	simm.s32 $0x6;
	v2 =	vor.u32 v1, v2;
	v4 =	vadd.s32 s0, v3;
	v6 =	vadd.s32 s28, v3  }
0x423: {  	v7 =	vadd.s32 s18, v3;
	v8 =	vadd.s32 s20, v3;
	s18 =	simm.s32 $0x4;
	v11 =	vadd.s32 s22, v3  }
0x424: {  	s20 =	simm.s32 $0x5;
	v5 =	vand.u32 $0xFFFFFF80, v4;
	v4 =	vand.u32 $0x7F, v4;
	v9 =	vadd.s32 s18, v3  }
0x425: {  	v10 =	vadd.s32 s20, v3;
	v12 =	vand.u32 $0x7F, v6;
	v13 =	vand.u32 $0x7F, v7  }
0x426: {  	s28 =	simm.s32 $0x7;
	v14 =	vand.u32 $0x7F, v8;
	v6 =	vand.u32 $0xFFFFFF80, v6;
	v7 =	vand.u32 $0xFFFFFF80, v7  }
0x427: {  	v17 =	vadd.s32 s28, v3;
	v8 =	vand.u32 $0xFFFFFF80, v8;
	v5 =	vadd.s32 v2, v5  }
0x428: {  	v4 =	vor.u32 v4, v5;
	v5 =	vadd.s32 v2, v6;
	v6 =	vand.u32 $0xFFFFFF80, v17  }
0x429: {  	v5 =	vor.u32 v12, v5;
	v12 =	vand.u32 $0x7F, v17;
	v6 =	vadd.s32 v2, v6  }
0x42a: {  	v15 =	vand.u32 $0x7F, v9;
	v7 =	vadd.s32 v2, v7;
	v6 =	vor.u32 v12, v6  }
0x42b: {  	v8 =	vadd.s32 v2, v8;
	v9 =	vand.u32 $0xFFFFFF80, v9;
	v7 =	vor.u32 v13, v7  }
0x42c: {  	v12 =	vor.u32 v14, v8;
	v8 =	vadd.s32 v2, v9;
	v9 =	vand.u32 $0xFFFFFF80, v10  }
0x42d: {  	v16 =	vand.u32 $0x7F, v10;
	v10 =	vor.u32 v15, v8;
	v8 =	vadd.s32 v2, v9;
	v4 =	vld.idx.msk [tilespmem:v4+s25+$0x0], $0xffff  }
0x42e: {  	v9 =	vand.u32 $0xFFFFFF80, v11;
	v23 =	vld.idx.msk [tilespmem:v5+s25+$0x0], $0xffff;
	v5 =	vor.u32 v16, v8  }
0x42f: {  	v9 =	vadd.s32 v2, v9;
	v8 =	vand.u32 $0x7F, v11;
	v16 =	vld.idx.msk [tilespmem:v6+s25+$0x0], $0xffff  }
0x430: {  	s22 =	simm.s32 $0xA;
	v14 =	vor.u32 v8, v9;
	v8 =	vld.idx.msk [tilespmem:v7+s25+$0x0], $0xffff  }
0x431: {  	s20 =	simm.s32 $0x9;
	v20 =	vadd.s32 s22, v3;
	v7 =	vld.idx.msk [tilespmem:v12+s25+$0x0], $0xffff  }
0x432: {  	s18 =	simm.s32 $0x8;
	s28 =	simm.s32 $0xB;
	v19 =	vadd.s32 s20, v3;
	v18 =	vand.u32 $0x7F, v20;
	v9 =	vld.idx.msk [tilespmem:v10+s25+$0x0], $0xffff  }
0x433: {  	s20 =	simm.s32 $0xC;
	v21 =	vand.u32 $0x7F, v19;
	v11 =	vadd.s32 s28, v3;
	v6 =	vadd.s32 s18, v3;
	v13 =	vld.idx.msk [tilespmem:v5+s25+$0x0], $0xffff  }
0x434: {  	s22 =	simm.s32 $0xD;
	v12 =	vadd.s32 s20, v3;
	v17 =	vand.u32 $0xFFFFFF80, v6;
	v15 =	vand.u32 $0x7F, v6;
	[tilespmem:s13+$0xFFFFFD00] =	vst.add.f32.msk $0xffff, v23  }
0x435: {  	s28 =	simm.s32 $0xE;
	v6 =	vadd.s32 s22, v3;
	v22 =	vadd.s32 v2, v17;
	v17 =	vand.u32 $0x7F, v11;
	v14 =	vld.idx.msk [tilespmem:v14+s25+$0x0], $0xffff  }
0x436: {  	s20 =	simm.s32 $0x10;
	s18 =	smov.u32 s13;
	s22 =	simm.s32 $0xF;
	v10 =	vand.u32 $0x7F, v6;
	v5 =	vadd.s32 s28, v3;
	[tilespmem:s13+$0x0] =	vst.add.f32.msk $0xffff, v16;
	v16 =	vand.u32 $0x7F, v12  }
.LBB2_91:
0x437: {  	p0 =	slt.u32 s20, $0x38;
	v19 =	vand.u32 $0xFFFFFF80, v19;
	v20 =	vand.u32 $0xFFFFFF80, v20;
	v23 =	vadd.s32 s22, v3;
	[tilespmem:s18+$0xFFFFFD80] =	vst.add.f32.msk $0xffff, v8  }
0x438: {  	v8 =	vor.u32 v15, v22;
	v15 =	vadd.s32 v2, v19;
	v19 =	vand.u32 $0xFFFFFF80, v23;
	[tilespmem:s18+$0xFFFFFE00] =	vst.add.f32.msk $0xffff, v7  }
0x439: {  	v7 =	vor.u32 v21, v15;
	v15 =	vand.u32 $0x7F, v23;
	v19 =	vadd.s32 v2, v19;
	[tilespmem:s18+$0xFFFFFE80] =	vst.add.f32.msk $0xffff, v9  }
0x43a: {  	v11 =	vand.u32 $0xFFFFFF80, v11;
	v9 =	vadd.s32 v2, v20;
	v15 =	vor.u32 v15, v19;
	[tilespmem:s18+$0xFFFFFF00] =	vst.add.f32.msk $0xffff, v13  }
0x43b: {  	v12 =	vand.u32 $0xFFFFFF80, v12;
	v11 =	vadd.s32 v2, v11;
	v9 =	vor.u32 v18, v9;
	[tilespmem:s18+$0xFFFFFF80] =	vst.add.f32.msk $0xffff, v14  }
0x43c: {  	v6 =	vand.u32 $0xFFFFFF80, v6;
	v12 =	vadd.s32 v2, v12;
	v11 =	vor.u32 v17, v11;
	[tilespmem:s18+$0xFFFFFC80] =	vst.add.f32.msk $0xffff, v4  }
0x43d: {  	v6 =	vadd.s32 v2, v6;
	v12 =	vor.u32 v16, v12;
	v4 =	vld.idx.msk [tilespmem:v8+s25+$0x0], $0xffff;
	v8 =	vand.u32 $0xFFFFFF80, v5  }
0x43e: {  	v6 =	vor.u32 v10, v6;
	v5 =	vand.u32 $0x7F, v5;
	v23 =	vld.idx.msk [tilespmem:v7+s25+$0x0], $0xffff;
	v7 =	vadd.s32 v2, v8  }
0x43f: {  	v10 =	vor.u32 v5, v7;
	v16 =	vld.idx.msk [tilespmem:v15+s25+$0x0], $0xffff  }
0x440: {  	v8 =	vld.idx.msk [tilespmem:v9+s25+$0x0], $0xffff  }
0x441: {  	s2 =	sadd.s32 $0x1, s20;
	v5 =	vadd.s32 s20, v3;
	v7 =	vld.idx.msk [tilespmem:v11+s25+$0x0], $0xffff  }
.Ltmp44:
0x442: {  	s22 =	sadd.s32 $0x2, s20;
	s28 =	sadd.s32 $0x3, s20;
	v17 =	vand.u32 $0xFFFFFF80, v5;
	v15 =	vand.u32 $0x7F, v5;
	v9 =	vld.idx.msk [tilespmem:v12+s25+$0x0], $0xffff;
	(pc) =	sbr.rel @p0 .LBB2_91-.Ltmp44, $4  }
0x443: {  	v20 =	vadd.s32 s22, v3;
	s22 =	sadd.s32 $0x5, s20;
	v19 =	vadd.s32 s2, v3;
	s2 =	sadd.s32 $0x4, s20;
	v11 =	vadd.s32 s28, v3;
	s28 =	sadd.s32 $0x6, s20;
	v13 =	vld.idx.msk [tilespmem:v6+s25+$0x0], $0xffff  }
0x444: {  	s18 =	sadd.s32 $0x400, s18;
	v12 =	vadd.s32 s2, v3;
	v5 =	vadd.s32 s28, v3;
	v6 =	vadd.s32 s22, v3;
	v14 =	vld.idx.msk [tilespmem:v10+s25+$0x0], $0xffff  }
0x445: {  	v18 =	vand.u32 $0x7F, v20;
	v21 =	vand.u32 $0x7F, v19;
	v22 =	vadd.s32 v2, v17;
	[tilespmem:s18+$0x0] =	vst.add.f32.msk $0xffff, v16  }
0x446: {  	v17 =	vand.u32 $0x7F, v11;
	s22 =	sadd.s32 $0x7, s20;
	s20 =	sadd.s32 $0x8, s20;
	v10 =	vand.u32 $0x7F, v6;
	v16 =	vand.u32 $0x7F, v12;
	[tilespmem:s18+$0xFFFFFD00] =	vst.add.f32.msk $0xffff, v23  }
0x447: {  	v19 =	vand.u32 $0xFFFFFF80, v19;
	v20 =	vand.u32 $0xFFFFFF80, v20;
	v3 =	vadd.s32 s22, v3;
	[tilespmem:s18+$0xFFFFFD80] =	vst.add.f32.msk $0xffff, v8  }
0x448: {  	v52 =	vor.u32 v15, v22;
	[tilespmem:s18+$0xFFFFFE00] =	vst.add.f32.msk $0xffff, v7;
	v11 =	vand.u32 $0xFFFFFF80, v11;
	v53 =	vadd.s32 v2, v19  }
0x449: {  	[tilespmem:s18+$0xFFFFFE80] =	vst.add.f32.msk $0xffff, v9;
	v12 =	vand.u32 $0xFFFFFF80, v12;
	v57 =	vadd.s32 v2, v20;
	v55 =	vor.u32 v21, v53  }
0x44a: {  	v6 =	vand.u32 $0xFFFFFF80, v6;
	[tilespmem:s18+$0xFFFFFC80] =	vst.add.f32.msk $0xffff, v4;
	v11 =	vadd.s32 v2, v11;
	v9 =	vor.u32 v18, v57  }
0x44b: {  	v60 =	vand.u32 $0xFFFFFF80, v5;
	[tilespmem:s18+$0xFFFFFF00] =	vst.add.f32.msk $0xffff, v13;
	v12 =	vadd.s32 v2, v12;
	v11 =	vor.u32 v17, v11  }
0x44c: {  	v54 =	vand.u32 $0xFFFFFF80, v3;
	v6 =	vadd.s32 v2, v6;
	[tilespmem:s18+$0xFFFFFF80] =	vst.add.f32.msk $0xffff, v14;
	v59 =	vor.u32 v16, v12  }
0x44d: {  	v3 =	vand.u32 $0x7F, v3;
	v56 =	vadd.s32 v2, v54;
	v6 =	vor.u32 v10, v6;
	v58 =	vld.idx.msk [tilespmem:v52+s25+$0x0], $0xffff  }
0x44e: {  	v61 =	vand.u32 $0x7F, v5;
	v2 =	vadd.s32 v2, v60;
	v3 =	vor.u32 v3, v56;
	v7 =	vld.idx.msk [tilespmem:v55+s25+$0x0], $0xffff  }
0x44f: {  	v2 =	vor.u32 v61, v2;
	v62 =	vld.idx.msk [tilespmem:v9+s25+$0x0], $0xffff  }
0x450: {  	v63 =	vld.idx.msk [tilespmem:v11+s25+$0x0], $0xffff  }
0x451: {  	v8 =	vld.idx.msk [tilespmem:v59+s25+$0x0], $0xffff  }
0x452: {  	v6 =	vld.idx.msk [tilespmem:v6+s25+$0x0], $0xffff  }
0x453: {  	v3 =	vld.idx.msk [tilespmem:v3+s25+$0x0], $0xffff  }
0x454: {  	s2 =	sadd.s32 $0x400, s18;
	v2 =	vld.idx.msk [tilespmem:v2+s25+$0x0], $0xffff  }
0x455: {  	[tilespmem:s2+$0xFFFFFC80] =	vst.add.f32.msk $0xffff, v58  }
0x456: {  	s15 =	sadd.s32 $0x1, s15;
	[tilespmem:s2+$0xFFFFFD00] =	vst.add.f32.msk $0xffff, v7  }
0x457: {  	p0 =	sne.s32 s15, $0x8;
	[tilespmem:s2+$0xFFFFFD80] =	vst.add.f32.msk $0xffff, v62  }
.Ltmp45:
0x458: {  	[tilespmem:s2+$0xFFFFFE00] =	vst.add.f32.msk $0xffff, v63;
	(pc) =	sbr.rel @p0 .LBB2_90-.Ltmp45, $4  }
0x459: {  	[tilespmem:s2+$0xFFFFFE80] =	vst.add.f32.msk $0xffff, v8  }
0x45a: {  	[tilespmem:s2+$0xFFFFFF00] =	vst.add.f32.msk $0xffff, v6  }
0x45b: {  	[tilespmem:s2+$0x0] =	vst.add.f32.msk $0xffff, v3  }
0x45c: {  	s13 =	sadd.s32 $0x10, s13;
	[tilespmem:s2+$0xFFFFFF80] =	vst.add.f32.msk $0xffff, v2  }
0x45d: {  	s0 =	simm.s32 $0x1480  }
0x45e: {  	[tilespmem:s25], [sflag:$0x5] =	stream.indirect.gather [hbm4b:s4+s16], $0x80, s0, s16, $0xb8;
	[tilespmem:$0x1A500] =	vst v63  }
0x45f: {  	_ =	swait.ge [sflag:s26], $0x4000  }
0x460: {  	s13 =	simm.s32 $0x18880;
	[sflag:s26] =	ssyncset.done $0x0  }
0x461: {  	s15 =	simm.s32 $0x0;
	s0 =	simm.s32 $0x0;
	[sflag:s26] =	ssyncadd.s32 $0xFFFFC000  }
.LBB2_94:
0x462: {  	s2 =	sshll.u32 s15, $0x4  }
0x463: {  	v3 =	vld [tilespmem:s2+$0x1F00];
	_ =	sdelay $0x2  }
0x464: {  	v2 =	vmov s2  }
0x465: {  	s28 =	simm.s32 $0x1;
	v2 =	vshll.u32 v2, $0x7  }
0x466: {  	s18 =	simm.s32 $0x2;
	s20 =	simm.s32 $0x3;
	s22 =	simm.s32 $0x6;
	v2 =	vor.u32 v1, v2;
	v4 =	vadd.s32 s0, v3;
	v6 =	vadd.s32 s28, v3  }
0x467: {  	v7 =	vadd.s32 s18, v3;
	v8 =	vadd.s32 s20, v3;
	s18 =	simm.s32 $0x4;
	v11 =	vadd.s32 s22, v3  }
0x468: {  	s20 =	simm.s32 $0x5;
	v5 =	vand.u32 $0xFFFFFF80, v4;
	v4 =	vand.u32 $0x7F, v4;
	v9 =	vadd.s32 s18, v3  }
0x469: {  	v10 =	vadd.s32 s20, v3;
	v12 =	vand.u32 $0x7F, v6;
	v13 =	vand.u32 $0x7F, v7  }
0x46a: {  	s28 =	simm.s32 $0x7;
	v14 =	vand.u32 $0x7F, v8;
	v6 =	vand.u32 $0xFFFFFF80, v6;
	v7 =	vand.u32 $0xFFFFFF80, v7  }
0x46b: {  	v17 =	vadd.s32 s28, v3;
	v8 =	vand.u32 $0xFFFFFF80, v8;
	v5 =	vadd.s32 v2, v5  }
0x46c: {  	v4 =	vor.u32 v4, v5;
	v5 =	vadd.s32 v2, v6;
	v6 =	vand.u32 $0xFFFFFF80, v17  }
0x46d: {  	v5 =	vor.u32 v12, v5;
	v12 =	vand.u32 $0x7F, v17;
	v6 =	vadd.s32 v2, v6  }
0x46e: {  	v15 =	vand.u32 $0x7F, v9;
	v7 =	vadd.s32 v2, v7;
	v6 =	vor.u32 v12, v6  }
0x46f: {  	v8 =	vadd.s32 v2, v8;
	v9 =	vand.u32 $0xFFFFFF80, v9;
	v7 =	vor.u32 v13, v7  }
0x470: {  	v12 =	vor.u32 v14, v8;
	v8 =	vadd.s32 v2, v9;
	v9 =	vand.u32 $0xFFFFFF80, v10  }
0x471: {  	v16 =	vand.u32 $0x7F, v10;
	v10 =	vor.u32 v15, v8;
	v8 =	vadd.s32 v2, v9;
	v4 =	vld.idx.msk [tilespmem:v4+s19+$0x0], $0xffff  }
0x472: {  	v9 =	vand.u32 $0xFFFFFF80, v11;
	v23 =	vld.idx.msk [tilespmem:v5+s19+$0x0], $0xffff;
	v5 =	vor.u32 v16, v8  }
0x473: {  	v9 =	vadd.s32 v2, v9;
	v8 =	vand.u32 $0x7F, v11;
	v16 =	vld.idx.msk [tilespmem:v6+s19+$0x0], $0xffff  }
0x474: {  	s22 =	simm.s32 $0xA;
	v14 =	vor.u32 v8, v9;
	v8 =	vld.idx.msk [tilespmem:v7+s19+$0x0], $0xffff  }
0x475: {  	s20 =	simm.s32 $0x9;
	v20 =	vadd.s32 s22, v3;
	v7 =	vld.idx.msk [tilespmem:v12+s19+$0x0], $0xffff  }
0x476: {  	s18 =	simm.s32 $0x8;
	s28 =	simm.s32 $0xB;
	v19 =	vadd.s32 s20, v3;
	v18 =	vand.u32 $0x7F, v20;
	v9 =	vld.idx.msk [tilespmem:v10+s19+$0x0], $0xffff  }
0x477: {  	s20 =	simm.s32 $0xC;
	v21 =	vand.u32 $0x7F, v19;
	v11 =	vadd.s32 s28, v3;
	v6 =	vadd.s32 s18, v3;
	v13 =	vld.idx.msk [tilespmem:v5+s19+$0x0], $0xffff  }
0x478: {  	s22 =	simm.s32 $0xD;
	v12 =	vadd.s32 s20, v3;
	v17 =	vand.u32 $0xFFFFFF80, v6;
	v15 =	vand.u32 $0x7F, v6;
	[tilespmem:s13+$0xFFFFFD00] =	vst.add.f32.msk $0xffff, v23  }
0x479: {  	s28 =	simm.s32 $0xE;
	v6 =	vadd.s32 s22, v3;
	v22 =	vadd.s32 v2, v17;
	v17 =	vand.u32 $0x7F, v11;
	v14 =	vld.idx.msk [tilespmem:v14+s19+$0x0], $0xffff  }
0x47a: {  	s20 =	simm.s32 $0x10;
	s18 =	smov.u32 s13;
	s22 =	simm.s32 $0xF;
	v10 =	vand.u32 $0x7F, v6;
	v5 =	vadd.s32 s28, v3;
	[tilespmem:s13+$0x0] =	vst.add.f32.msk $0xffff, v16;
	v16 =	vand.u32 $0x7F, v12  }
.LBB2_95:
0x47b: {  	p0 =	slt.u32 s20, $0x38;
	v19 =	vand.u32 $0xFFFFFF80, v19;
	v20 =	vand.u32 $0xFFFFFF80, v20;
	v23 =	vadd.s32 s22, v3;
	[tilespmem:s18+$0xFFFFFD80] =	vst.add.f32.msk $0xffff, v8  }
0x47c: {  	v8 =	vor.u32 v15, v22;
	v15 =	vadd.s32 v2, v19;
	v19 =	vand.u32 $0xFFFFFF80, v23;
	[tilespmem:s18+$0xFFFFFE00] =	vst.add.f32.msk $0xffff, v7  }
0x47d: {  	v7 =	vor.u32 v21, v15;
	v15 =	vand.u32 $0x7F, v23;
	v19 =	vadd.s32 v2, v19;
	[tilespmem:s18+$0xFFFFFE80] =	vst.add.f32.msk $0xffff, v9  }
0x47e: {  	v11 =	vand.u32 $0xFFFFFF80, v11;
	v9 =	vadd.s32 v2, v20;
	v15 =	vor.u32 v15, v19;
	[tilespmem:s18+$0xFFFFFF00] =	vst.add.f32.msk $0xffff, v13  }
0x47f: {  	v12 =	vand.u32 $0xFFFFFF80, v12;
	v11 =	vadd.s32 v2, v11;
	v9 =	vor.u32 v18, v9;
	[tilespmem:s18+$0xFFFFFF80] =	vst.add.f32.msk $0xffff, v14  }
0x480: {  	v6 =	vand.u32 $0xFFFFFF80, v6;
	v12 =	vadd.s32 v2, v12;
	v11 =	vor.u32 v17, v11;
	[tilespmem:s18+$0xFFFFFC80] =	vst.add.f32.msk $0xffff, v4  }
0x481: {  	v6 =	vadd.s32 v2, v6;
	v12 =	vor.u32 v16, v12;
	v4 =	vld.idx.msk [tilespmem:v8+s19+$0x0], $0xffff;
	v8 =	vand.u32 $0xFFFFFF80, v5  }
0x482: {  	v6 =	vor.u32 v10, v6;
	v5 =	vand.u32 $0x7F, v5;
	v23 =	vld.idx.msk [tilespmem:v7+s19+$0x0], $0xffff;
	v7 =	vadd.s32 v2, v8  }
0x483: {  	v10 =	vor.u32 v5, v7;
	v16 =	vld.idx.msk [tilespmem:v15+s19+$0x0], $0xffff  }
0x484: {  	v8 =	vld.idx.msk [tilespmem:v9+s19+$0x0], $0xffff  }
0x485: {  	s2 =	sadd.s32 $0x1, s20;
	v5 =	vadd.s32 s20, v3;
	v7 =	vld.idx.msk [tilespmem:v11+s19+$0x0], $0xffff  }
.Ltmp46:
0x486: {  	s22 =	sadd.s32 $0x2, s20;
	s28 =	sadd.s32 $0x3, s20;
	v17 =	vand.u32 $0xFFFFFF80, v5;
	v15 =	vand.u32 $0x7F, v5;
	v9 =	vld.idx.msk [tilespmem:v12+s19+$0x0], $0xffff;
	(pc) =	sbr.rel @p0 .LBB2_95-.Ltmp46, $4  }
0x487: {  	v20 =	vadd.s32 s22, v3;
	s22 =	sadd.s32 $0x5, s20;
	v19 =	vadd.s32 s2, v3;
	s2 =	sadd.s32 $0x4, s20;
	v11 =	vadd.s32 s28, v3;
	s28 =	sadd.s32 $0x6, s20;
	v13 =	vld.idx.msk [tilespmem:v6+s19+$0x0], $0xffff  }
0x488: {  	s18 =	sadd.s32 $0x400, s18;
	v12 =	vadd.s32 s2, v3;
	v5 =	vadd.s32 s28, v3;
	v6 =	vadd.s32 s22, v3;
	v14 =	vld.idx.msk [tilespmem:v10+s19+$0x0], $0xffff  }
0x489: {  	v18 =	vand.u32 $0x7F, v20;
	v21 =	vand.u32 $0x7F, v19;
	v22 =	vadd.s32 v2, v17;
	[tilespmem:s18+$0x0] =	vst.add.f32.msk $0xffff, v16  }
0x48a: {  	v17 =	vand.u32 $0x7F, v11;
	s22 =	sadd.s32 $0x7, s20;
	s20 =	sadd.s32 $0x8, s20;
	v10 =	vand.u32 $0x7F, v6;
	v16 =	vand.u32 $0x7F, v12;
	[tilespmem:s18+$0xFFFFFD00] =	vst.add.f32.msk $0xffff, v23  }
0x48b: {  	v19 =	vand.u32 $0xFFFFFF80, v19;
	v20 =	vand.u32 $0xFFFFFF80, v20;
	v3 =	vadd.s32 s22, v3;
	[tilespmem:s18+$0xFFFFFD80] =	vst.add.f32.msk $0xffff, v8  }
0x48c: {  	v52 =	vor.u32 v15, v22;
	[tilespmem:s18+$0xFFFFFE00] =	vst.add.f32.msk $0xffff, v7;
	v11 =	vand.u32 $0xFFFFFF80, v11;
	v53 =	vadd.s32 v2, v19  }
0x48d: {  	[tilespmem:s18+$0xFFFFFE80] =	vst.add.f32.msk $0xffff, v9;
	v12 =	vand.u32 $0xFFFFFF80, v12;
	v57 =	vadd.s32 v2, v20;
	v55 =	vor.u32 v21, v53  }
0x48e: {  	v6 =	vand.u32 $0xFFFFFF80, v6;
	[tilespmem:s18+$0xFFFFFC80] =	vst.add.f32.msk $0xffff, v4;
	v11 =	vadd.s32 v2, v11;
	v9 =	vor.u32 v18, v57  }
0x48f: {  	v60 =	vand.u32 $0xFFFFFF80, v5;
	[tilespmem:s18+$0xFFFFFF00] =	vst.add.f32.msk $0xffff, v13;
	v12 =	vadd.s32 v2, v12;
	v11 =	vor.u32 v17, v11  }
0x490: {  	v54 =	vand.u32 $0xFFFFFF80, v3;
	v6 =	vadd.s32 v2, v6;
	[tilespmem:s18+$0xFFFFFF80] =	vst.add.f32.msk $0xffff, v14;
	v59 =	vor.u32 v16, v12  }
0x491: {  	v3 =	vand.u32 $0x7F, v3;
	v56 =	vadd.s32 v2, v54;
	v6 =	vor.u32 v10, v6;
	v58 =	vld.idx.msk [tilespmem:v52+s19+$0x0], $0xffff  }
0x492: {  	v61 =	vand.u32 $0x7F, v5;
	v2 =	vadd.s32 v2, v60;
	v3 =	vor.u32 v3, v56;
	v7 =	vld.idx.msk [tilespmem:v55+s19+$0x0], $0xffff  }
0x493: {  	v2 =	vor.u32 v61, v2;
	v62 =	vld.idx.msk [tilespmem:v9+s19+$0x0], $0xffff  }
0x494: {  	v63 =	vld.idx.msk [tilespmem:v11+s19+$0x0], $0xffff  }
0x495: {  	v8 =	vld.idx.msk [tilespmem:v59+s19+$0x0], $0xffff  }
0x496: {  	v6 =	vld.idx.msk [tilespmem:v6+s19+$0x0], $0xffff  }
0x497: {  	v3 =	vld.idx.msk [tilespmem:v3+s19+$0x0], $0xffff  }
0x498: {  	s2 =	sadd.s32 $0x400, s18;
	v2 =	vld.idx.msk [tilespmem:v2+s19+$0x0], $0xffff  }
0x499: {  	[tilespmem:s2+$0xFFFFFC80] =	vst.add.f32.msk $0xffff, v58  }
0x49a: {  	s15 =	sadd.s32 $0x1, s15;
	[tilespmem:s2+$0xFFFFFD00] =	vst.add.f32.msk $0xffff, v7  }
0x49b: {  	p0 =	sne.s32 s15, $0x8;
	[tilespmem:s2+$0xFFFFFD80] =	vst.add.f32.msk $0xffff, v62  }
.Ltmp47:
0x49c: {  	[tilespmem:s2+$0xFFFFFE00] =	vst.add.f32.msk $0xffff, v63;
	(pc) =	sbr.rel @p0 .LBB2_94-.Ltmp47, $4  }
0x49d: {  	[tilespmem:s2+$0xFFFFFE80] =	vst.add.f32.msk $0xffff, v8  }
0x49e: {  	[tilespmem:s2+$0xFFFFFF00] =	vst.add.f32.msk $0xffff, v6  }
0x49f: {  	[tilespmem:s2+$0x0] =	vst.add.f32.msk $0xffff, v3  }
0x4a0: {  	s13 =	sadd.s32 $0x10, s13;
	[tilespmem:s2+$0xFFFFFF80] =	vst.add.f32.msk $0xffff, v2  }
0x4a1: {  	s0 =	simm.s32 $0x1500  }
0x4a2: {  	[tilespmem:s19], [sflag:$0x2] =	stream.indirect.gather [hbm4b:s4+s16], $0x80, s0, s16, $0xb8;
	[tilespmem:$0x1A500] =	vst v63  }
0x4a3: {  	_ =	swait.ge [sflag:s29], $0x4000  }
0x4a4: {  	s13 =	simm.s32 $0x18880;
	[sflag:s29] =	ssyncset.done $0x0  }
0x4a5: {  	s15 =	simm.s32 $0x0;
	s0 =	simm.s32 $0x0;
	[sflag:s29] =	ssyncadd.s32 $0xFFFFC000  }
.LBB2_98:
0x4a6: {  	s2 =	sshll.u32 s15, $0x4  }
0x4a7: {  	v3 =	vld [tilespmem:s2+$0x1F80];
	_ =	sdelay $0x2  }
0x4a8: {  	v2 =	vmov s2  }
0x4a9: {  	s28 =	simm.s32 $0x1;
	v2 =	vshll.u32 v2, $0x7  }
0x4aa: {  	s18 =	simm.s32 $0x2;
	s20 =	simm.s32 $0x3;
	s22 =	simm.s32 $0x6;
	v2 =	vor.u32 v1, v2;
	v4 =	vadd.s32 s0, v3;
	v6 =	vadd.s32 s28, v3  }
0x4ab: {  	v7 =	vadd.s32 s18, v3;
	v8 =	vadd.s32 s20, v3;
	s18 =	simm.s32 $0x4;
	v11 =	vadd.s32 s22, v3  }
0x4ac: {  	s20 =	simm.s32 $0x5;
	v5 =	vand.u32 $0xFFFFFF80, v4;
	v4 =	vand.u32 $0x7F, v4;
	v9 =	vadd.s32 s18, v3  }
0x4ad: {  	v10 =	vadd.s32 s20, v3;
	v12 =	vand.u32 $0x7F, v6;
	v13 =	vand.u32 $0x7F, v7  }
0x4ae: {  	s28 =	simm.s32 $0x7;
	v14 =	vand.u32 $0x7F, v8;
	v6 =	vand.u32 $0xFFFFFF80, v6;
	v7 =	vand.u32 $0xFFFFFF80, v7  }
0x4af: {  	v17 =	vadd.s32 s28, v3;
	v8 =	vand.u32 $0xFFFFFF80, v8;
	v5 =	vadd.s32 v2, v5  }
0x4b0: {  	v4 =	vor.u32 v4, v5;
	v5 =	vadd.s32 v2, v6;
	v6 =	vand.u32 $0xFFFFFF80, v17  }
0x4b1: {  	v5 =	vor.u32 v12, v5;
	v12 =	vand.u32 $0x7F, v17;
	v6 =	vadd.s32 v2, v6  }
0x4b2: {  	v15 =	vand.u32 $0x7F, v9;
	v7 =	vadd.s32 v2, v7;
	v6 =	vor.u32 v12, v6  }
0x4b3: {  	v8 =	vadd.s32 v2, v8;
	v9 =	vand.u32 $0xFFFFFF80, v9;
	v7 =	vor.u32 v13, v7  }
0x4b4: {  	v12 =	vor.u32 v14, v8;
	v8 =	vadd.s32 v2, v9;
	v9 =	vand.u32 $0xFFFFFF80, v10  }
0x4b5: {  	v16 =	vand.u32 $0x7F, v10;
	v10 =	vor.u32 v15, v8;
	v8 =	vadd.s32 v2, v9;
	v4 =	vld.idx.msk [tilespmem:v4+s21+$0x0], $0xffff  }
0x4b6: {  	v9 =	vand.u32 $0xFFFFFF80, v11;
	v23 =	vld.idx.msk [tilespmem:v5+s21+$0x0], $0xffff;
	v5 =	vor.u32 v16, v8  }
0x4b7: {  	v9 =	vadd.s32 v2, v9;
	v8 =	vand.u32 $0x7F, v11;
	v16 =	vld.idx.msk [tilespmem:v6+s21+$0x0], $0xffff  }
0x4b8: {  	s22 =	simm.s32 $0xA;
	v14 =	vor.u32 v8, v9;
	v8 =	vld.idx.msk [tilespmem:v7+s21+$0x0], $0xffff  }
0x4b9: {  	s20 =	simm.s32 $0x9;
	v20 =	vadd.s32 s22, v3;
	v7 =	vld.idx.msk [tilespmem:v12+s21+$0x0], $0xffff  }
0x4ba: {  	s18 =	simm.s32 $0x8;
	s28 =	simm.s32 $0xB;
	v19 =	vadd.s32 s20, v3;
	v18 =	vand.u32 $0x7F, v20;
	v9 =	vld.idx.msk [tilespmem:v10+s21+$0x0], $0xffff  }
0x4bb: {  	s20 =	simm.s32 $0xC;
	v21 =	vand.u32 $0x7F, v19;
	v11 =	vadd.s32 s28, v3;
	v6 =	vadd.s32 s18, v3;
	v13 =	vld.idx.msk [tilespmem:v5+s21+$0x0], $0xffff  }
0x4bc: {  	s22 =	simm.s32 $0xD;
	v12 =	vadd.s32 s20, v3;
	v17 =	vand.u32 $0xFFFFFF80, v6;
	v15 =	vand.u32 $0x7F, v6;
	[tilespmem:s13+$0xFFFFFD00] =	vst.add.f32.msk $0xffff, v23  }
0x4bd: {  	s28 =	simm.s32 $0xE;
	v6 =	vadd.s32 s22, v3;
	v22 =	vadd.s32 v2, v17;
	v17 =	vand.u32 $0x7F, v11;
	v14 =	vld.idx.msk [tilespmem:v14+s21+$0x0], $0xffff  }
0x4be: {  	s20 =	simm.s32 $0x10;
	s18 =	smov.u32 s13;
	s22 =	simm.s32 $0xF;
	v10 =	vand.u32 $0x7F, v6;
	v5 =	vadd.s32 s28, v3;
	[tilespmem:s13+$0x0] =	vst.add.f32.msk $0xffff, v16;
	v16 =	vand.u32 $0x7F, v12  }
.LBB2_99:
0x4bf: {  	p0 =	slt.u32 s20, $0x38;
	v19 =	vand.u32 $0xFFFFFF80, v19;
	v20 =	vand.u32 $0xFFFFFF80, v20;
	v23 =	vadd.s32 s22, v3;
	[tilespmem:s18+$0xFFFFFD80] =	vst.add.f32.msk $0xffff, v8  }
0x4c0: {  	v8 =	vor.u32 v15, v22;
	v15 =	vadd.s32 v2, v19;
	v19 =	vand.u32 $0xFFFFFF80, v23;
	[tilespmem:s18+$0xFFFFFE00] =	vst.add.f32.msk $0xffff, v7  }
0x4c1: {  	v7 =	vor.u32 v21, v15;
	v15 =	vand.u32 $0x7F, v23;
	v19 =	vadd.s32 v2, v19;
	[tilespmem:s18+$0xFFFFFE80] =	vst.add.f32.msk $0xffff, v9  }
0x4c2: {  	v11 =	vand.u32 $0xFFFFFF80, v11;
	v9 =	vadd.s32 v2, v20;
	v15 =	vor.u32 v15, v19;
	[tilespmem:s18+$0xFFFFFF00] =	vst.add.f32.msk $0xffff, v13  }
0x4c3: {  	v12 =	vand.u32 $0xFFFFFF80, v12;
	v11 =	vadd.s32 v2, v11;
	v9 =	vor.u32 v18, v9;
	[tilespmem:s18+$0xFFFFFF80] =	vst.add.f32.msk $0xffff, v14  }
0x4c4: {  	v6 =	vand.u32 $0xFFFFFF80, v6;
	v12 =	vadd.s32 v2, v12;
	v11 =	vor.u32 v17, v11;
	[tilespmem:s18+$0xFFFFFC80] =	vst.add.f32.msk $0xffff, v4  }
0x4c5: {  	v6 =	vadd.s32 v2, v6;
	v12 =	vor.u32 v16, v12;
	v4 =	vld.idx.msk [tilespmem:v8+s21+$0x0], $0xffff;
	v8 =	vand.u32 $0xFFFFFF80, v5  }
0x4c6: {  	v6 =	vor.u32 v10, v6;
	v5 =	vand.u32 $0x7F, v5;
	v23 =	vld.idx.msk [tilespmem:v7+s21+$0x0], $0xffff;
	v7 =	vadd.s32 v2, v8  }
0x4c7: {  	v10 =	vor.u32 v5, v7;
	v16 =	vld.idx.msk [tilespmem:v15+s21+$0x0], $0xffff  }
0x4c8: {  	v8 =	vld.idx.msk [tilespmem:v9+s21+$0x0], $0xffff  }
0x4c9: {  	s2 =	sadd.s32 $0x1, s20;
	v5 =	vadd.s32 s20, v3;
	v7 =	vld.idx.msk [tilespmem:v11+s21+$0x0], $0xffff  }
.Ltmp48:
0x4ca: {  	s22 =	sadd.s32 $0x2, s20;
	s28 =	sadd.s32 $0x3, s20;
	v17 =	vand.u32 $0xFFFFFF80, v5;
	v15 =	vand.u32 $0x7F, v5;
	v9 =	vld.idx.msk [tilespmem:v12+s21+$0x0], $0xffff;
	(pc) =	sbr.rel @p0 .LBB2_99-.Ltmp48, $4  }
0x4cb: {  	v20 =	vadd.s32 s22, v3;
	s22 =	sadd.s32 $0x5, s20;
	v19 =	vadd.s32 s2, v3;
	s2 =	sadd.s32 $0x4, s20;
	v11 =	vadd.s32 s28, v3;
	s28 =	sadd.s32 $0x6, s20;
	v13 =	vld.idx.msk [tilespmem:v6+s21+$0x0], $0xffff  }
0x4cc: {  	s18 =	sadd.s32 $0x400, s18;
	v12 =	vadd.s32 s2, v3;
	v5 =	vadd.s32 s28, v3;
	v6 =	vadd.s32 s22, v3;
	v14 =	vld.idx.msk [tilespmem:v10+s21+$0x0], $0xffff  }
0x4cd: {  	v18 =	vand.u32 $0x7F, v20;
	v21 =	vand.u32 $0x7F, v19;
	v22 =	vadd.s32 v2, v17;
	[tilespmem:s18+$0x0] =	vst.add.f32.msk $0xffff, v16  }
0x4ce: {  	v17 =	vand.u32 $0x7F, v11;
	s22 =	sadd.s32 $0x7, s20;
	s20 =	sadd.s32 $0x8, s20;
	v10 =	vand.u32 $0x7F, v6;
	v16 =	vand.u32 $0x7F, v12;
	[tilespmem:s18+$0xFFFFFD00] =	vst.add.f32.msk $0xffff, v23  }
0x4cf: {  	v19 =	vand.u32 $0xFFFFFF80, v19;
	v20 =	vand.u32 $0xFFFFFF80, v20;
	v3 =	vadd.s32 s22, v3;
	[tilespmem:s18+$0xFFFFFD80] =	vst.add.f32.msk $0xffff, v8  }
0x4d0: {  	v52 =	vor.u32 v15, v22;
	[tilespmem:s18+$0xFFFFFE00] =	vst.add.f32.msk $0xffff, v7;
	v11 =	vand.u32 $0xFFFFFF80, v11;
	v53 =	vadd.s32 v2, v19  }
0x4d1: {  	[tilespmem:s18+$0xFFFFFE80] =	vst.add.f32.msk $0xffff, v9;
	v12 =	vand.u32 $0xFFFFFF80, v12;
	v57 =	vadd.s32 v2, v20;
	v55 =	vor.u32 v21, v53  }
0x4d2: {  	v6 =	vand.u32 $0xFFFFFF80, v6;
	[tilespmem:s18+$0xFFFFFC80] =	vst.add.f32.msk $0xffff, v4;
	v11 =	vadd.s32 v2, v11;
	v9 =	vor.u32 v18, v57  }
0x4d3: {  	v60 =	vand.u32 $0xFFFFFF80, v5;
	[tilespmem:s18+$0xFFFFFF00] =	vst.add.f32.msk $0xffff, v13;
	v12 =	vadd.s32 v2, v12;
	v11 =	vor.u32 v17, v11  }
0x4d4: {  	v54 =	vand.u32 $0xFFFFFF80, v3;
	v6 =	vadd.s32 v2, v6;
	[tilespmem:s18+$0xFFFFFF80] =	vst.add.f32.msk $0xffff, v14;
	v59 =	vor.u32 v16, v12  }
0x4d5: {  	v3 =	vand.u32 $0x7F, v3;
	v56 =	vadd.s32 v2, v54;
	v6 =	vor.u32 v10, v6;
	v58 =	vld.idx.msk [tilespmem:v52+s21+$0x0], $0xffff  }
0x4d6: {  	v61 =	vand.u32 $0x7F, v5;
	v2 =	vadd.s32 v2, v60;
	v3 =	vor.u32 v3, v56;
	v7 =	vld.idx.msk [tilespmem:v55+s21+$0x0], $0xffff  }
0x4d7: {  	v2 =	vor.u32 v61, v2;
	v62 =	vld.idx.msk [tilespmem:v9+s21+$0x0], $0xffff  }
0x4d8: {  	v63 =	vld.idx.msk [tilespmem:v11+s21+$0x0], $0xffff  }
0x4d9: {  	v8 =	vld.idx.msk [tilespmem:v59+s21+$0x0], $0xffff  }
0x4da: {  	v6 =	vld.idx.msk [tilespmem:v6+s21+$0x0], $0xffff  }
0x4db: {  	v3 =	vld.idx.msk [tilespmem:v3+s21+$0x0], $0xffff  }
0x4dc: {  	s2 =	sadd.s32 $0x400, s18;
	v2 =	vld.idx.msk [tilespmem:v2+s21+$0x0], $0xffff  }
0x4dd: {  	[tilespmem:s2+$0xFFFFFC80] =	vst.add.f32.msk $0xffff, v58  }
0x4de: {  	s15 =	sadd.s32 $0x1, s15;
	[tilespmem:s2+$0xFFFFFD00] =	vst.add.f32.msk $0xffff, v7  }
0x4df: {  	p0 =	sne.s32 s15, $0x8;
	[tilespmem:s2+$0xFFFFFD80] =	vst.add.f32.msk $0xffff, v62  }
.Ltmp49:
0x4e0: {  	[tilespmem:s2+$0xFFFFFE00] =	vst.add.f32.msk $0xffff, v63;
	(pc) =	sbr.rel @p0 .LBB2_98-.Ltmp49, $4  }
0x4e1: {  	[tilespmem:s2+$0xFFFFFE80] =	vst.add.f32.msk $0xffff, v8  }
0x4e2: {  	[tilespmem:s2+$0xFFFFFF00] =	vst.add.f32.msk $0xffff, v6  }
0x4e3: {  	[tilespmem:s2+$0x0] =	vst.add.f32.msk $0xffff, v3  }
0x4e4: {  	s13 =	sadd.s32 $0x10, s13;
	[tilespmem:s2+$0xFFFFFF80] =	vst.add.f32.msk $0xffff, v2  }
0x4e5: {  	s0 =	simm.s32 $0x1580  }
0x4e6: {  	[tilespmem:s21], [sflag:$0x3] =	stream.indirect.gather [hbm4b:s4+s16], $0x80, s0, s16, $0xb8;
	[tilespmem:$0x1A500] =	vst v63  }
0x4e7: {  	_ =	swait.ge [sflag:s31], $0x4000  }
0x4e8: {  	s13 =	simm.s32 $0x18880;
	[sflag:s31] =	ssyncset.done $0x0  }
0x4e9: {  	s15 =	simm.s32 $0x0;
	s0 =	simm.s32 $0x0;
	[sflag:s31] =	ssyncadd.s32 $0xFFFFC000  }
.LBB2_102:
0x4ea: {  	s2 =	sshll.u32 s15, $0x4  }
0x4eb: {  	v3 =	vld [tilespmem:s2+$0x2000];
	_ =	sdelay $0x2  }
0x4ec: {  	v2 =	vmov s2  }
0x4ed: {  	s28 =	simm.s32 $0x1;
	v2 =	vshll.u32 v2, $0x7  }
0x4ee: {  	s18 =	simm.s32 $0x2;
	s20 =	simm.s32 $0x3;
	s22 =	simm.s32 $0x6;
	v2 =	vor.u32 v1, v2;
	v4 =	vadd.s32 s0, v3;
	v6 =	vadd.s32 s28, v3  }
0x4ef: {  	v7 =	vadd.s32 s18, v3;
	v8 =	vadd.s32 s20, v3;
	s18 =	simm.s32 $0x4;
	v11 =	vadd.s32 s22, v3  }
0x4f0: {  	s20 =	simm.s32 $0x5;
	v5 =	vand.u32 $0xFFFFFF80, v4;
	v4 =	vand.u32 $0x7F, v4;
	v9 =	vadd.s32 s18, v3  }
0x4f1: {  	v10 =	vadd.s32 s20, v3;
	v12 =	vand.u32 $0x7F, v6;
	v13 =	vand.u32 $0x7F, v7  }
0x4f2: {  	s28 =	simm.s32 $0x7;
	v14 =	vand.u32 $0x7F, v8;
	v6 =	vand.u32 $0xFFFFFF80, v6;
	v7 =	vand.u32 $0xFFFFFF80, v7  }
0x4f3: {  	v17 =	vadd.s32 s28, v3;
	v8 =	vand.u32 $0xFFFFFF80, v8;
	v5 =	vadd.s32 v2, v5  }
0x4f4: {  	v4 =	vor.u32 v4, v5;
	v5 =	vadd.s32 v2, v6;
	v6 =	vand.u32 $0xFFFFFF80, v17  }
0x4f5: {  	v5 =	vor.u32 v12, v5;
	v12 =	vand.u32 $0x7F, v17;
	v6 =	vadd.s32 v2, v6  }
0x4f6: {  	v15 =	vand.u32 $0x7F, v9;
	v7 =	vadd.s32 v2, v7;
	v6 =	vor.u32 v12, v6  }
0x4f7: {  	v8 =	vadd.s32 v2, v8;
	v9 =	vand.u32 $0xFFFFFF80, v9;
	v7 =	vor.u32 v13, v7  }
0x4f8: {  	v12 =	vor.u32 v14, v8;
	v8 =	vadd.s32 v2, v9;
	v9 =	vand.u32 $0xFFFFFF80, v10  }
0x4f9: {  	v16 =	vand.u32 $0x7F, v10;
	v10 =	vor.u32 v15, v8;
	v8 =	vadd.s32 v2, v9;
	v4 =	vld.idx.msk [tilespmem:v4+s23+$0x0], $0xffff  }
0x4fa: {  	v9 =	vand.u32 $0xFFFFFF80, v11;
	v23 =	vld.idx.msk [tilespmem:v5+s23+$0x0], $0xffff;
	v5 =	vor.u32 v16, v8  }
0x4fb: {  	v9 =	vadd.s32 v2, v9;
	v8 =	vand.u32 $0x7F, v11;
	v16 =	vld.idx.msk [tilespmem:v6+s23+$0x0], $0xffff  }
0x4fc: {  	s22 =	simm.s32 $0xA;
	v14 =	vor.u32 v8, v9;
	v8 =	vld.idx.msk [tilespmem:v7+s23+$0x0], $0xffff  }
0x4fd: {  	s20 =	simm.s32 $0x9;
	v20 =	vadd.s32 s22, v3;
	v7 =	vld.idx.msk [tilespmem:v12+s23+$0x0], $0xffff  }
0x4fe: {  	s18 =	simm.s32 $0x8;
	s28 =	simm.s32 $0xB;
	v19 =	vadd.s32 s20, v3;
	v18 =	vand.u32 $0x7F, v20;
	v9 =	vld.idx.msk [tilespmem:v10+s23+$0x0], $0xffff  }
0x4ff: {  	s20 =	simm.s32 $0xC;
	v21 =	vand.u32 $0x7F, v19;
	v11 =	vadd.s32 s28, v3;
	v6 =	vadd.s32 s18, v3;
	v13 =	vld.idx.msk [tilespmem:v5+s23+$0x0], $0xffff  }
0x500: {  	s22 =	simm.s32 $0xD;
	v12 =	vadd.s32 s20, v3;
	v17 =	vand.u32 $0xFFFFFF80, v6;
	v15 =	vand.u32 $0x7F, v6;
	[tilespmem:s13+$0xFFFFFD00] =	vst.add.f32.msk $0xffff, v23  }
0x501: {  	s28 =	simm.s32 $0xE;
	v6 =	vadd.s32 s22, v3;
	v22 =	vadd.s32 v2, v17;
	v17 =	vand.u32 $0x7F, v11;
	v14 =	vld.idx.msk [tilespmem:v14+s23+$0x0], $0xffff  }
0x502: {  	s20 =	simm.s32 $0x10;
	s18 =	smov.u32 s13;
	s22 =	simm.s32 $0xF;
	v10 =	vand.u32 $0x7F, v6;
	v5 =	vadd.s32 s28, v3;
	[tilespmem:s13+$0x0] =	vst.add.f32.msk $0xffff, v16;
	v16 =	vand.u32 $0x7F, v12  }
.LBB2_103:
0x503: {  	p0 =	slt.u32 s20, $0x38;
	v19 =	vand.u32 $0xFFFFFF80, v19;
	v20 =	vand.u32 $0xFFFFFF80, v20;
	v23 =	vadd.s32 s22, v3;
	[tilespmem:s18+$0xFFFFFD80] =	vst.add.f32.msk $0xffff, v8  }
0x504: {  	v8 =	vor.u32 v15, v22;
	v15 =	vadd.s32 v2, v19;
	v19 =	vand.u32 $0xFFFFFF80, v23;
	[tilespmem:s18+$0xFFFFFE00] =	vst.add.f32.msk $0xffff, v7  }
0x505: {  	v7 =	vor.u32 v21, v15;
	v15 =	vand.u32 $0x7F, v23;
	v19 =	vadd.s32 v2, v19;
	[tilespmem:s18+$0xFFFFFE80] =	vst.add.f32.msk $0xffff, v9  }
0x506: {  	v11 =	vand.u32 $0xFFFFFF80, v11;
	v9 =	vadd.s32 v2, v20;
	v15 =	vor.u32 v15, v19;
	[tilespmem:s18+$0xFFFFFF00] =	vst.add.f32.msk $0xffff, v13  }
0x507: {  	v12 =	vand.u32 $0xFFFFFF80, v12;
	v11 =	vadd.s32 v2, v11;
	v9 =	vor.u32 v18, v9;
	[tilespmem:s18+$0xFFFFFF80] =	vst.add.f32.msk $0xffff, v14  }
0x508: {  	v6 =	vand.u32 $0xFFFFFF80, v6;
	v12 =	vadd.s32 v2, v12;
	v11 =	vor.u32 v17, v11;
	[tilespmem:s18+$0xFFFFFC80] =	vst.add.f32.msk $0xffff, v4  }
0x509: {  	v6 =	vadd.s32 v2, v6;
	v12 =	vor.u32 v16, v12;
	v4 =	vld.idx.msk [tilespmem:v8+s23+$0x0], $0xffff;
	v8 =	vand.u32 $0xFFFFFF80, v5  }
0x50a: {  	v6 =	vor.u32 v10, v6;
	v5 =	vand.u32 $0x7F, v5;
	v23 =	vld.idx.msk [tilespmem:v7+s23+$0x0], $0xffff;
	v7 =	vadd.s32 v2, v8  }
0x50b: {  	v10 =	vor.u32 v5, v7;
	v16 =	vld.idx.msk [tilespmem:v15+s23+$0x0], $0xffff  }
0x50c: {  	v8 =	vld.idx.msk [tilespmem:v9+s23+$0x0], $0xffff  }
0x50d: {  	s2 =	sadd.s32 $0x1, s20;
	v5 =	vadd.s32 s20, v3;
	v7 =	vld.idx.msk [tilespmem:v11+s23+$0x0], $0xffff  }
.Ltmp50:
0x50e: {  	s22 =	sadd.s32 $0x2, s20;
	s28 =	sadd.s32 $0x3, s20;
	v17 =	vand.u32 $0xFFFFFF80, v5;
	v15 =	vand.u32 $0x7F, v5;
	v9 =	vld.idx.msk [tilespmem:v12+s23+$0x0], $0xffff;
	(pc) =	sbr.rel @p0 .LBB2_103-.Ltmp50, $4  }
0x50f: {  	v20 =	vadd.s32 s22, v3;
	s22 =	sadd.s32 $0x5, s20;
	v19 =	vadd.s32 s2, v3;
	s2 =	sadd.s32 $0x4, s20;
	v11 =	vadd.s32 s28, v3;
	s28 =	sadd.s32 $0x6, s20;
	v13 =	vld.idx.msk [tilespmem:v6+s23+$0x0], $0xffff  }
0x510: {  	s18 =	sadd.s32 $0x400, s18;
	v12 =	vadd.s32 s2, v3;
	v5 =	vadd.s32 s28, v3;
	v6 =	vadd.s32 s22, v3;
	v14 =	vld.idx.msk [tilespmem:v10+s23+$0x0], $0xffff  }
0x511: {  	v18 =	vand.u32 $0x7F, v20;
	v21 =	vand.u32 $0x7F, v19;
	v22 =	vadd.s32 v2, v17;
	[tilespmem:s18+$0x0] =	vst.add.f32.msk $0xffff, v16  }
0x512: {  	v17 =	vand.u32 $0x7F, v11;
	s22 =	sadd.s32 $0x7, s20;
	s20 =	sadd.s32 $0x8, s20;
	v10 =	vand.u32 $0x7F, v6;
	v16 =	vand.u32 $0x7F, v12;
	[tilespmem:s18+$0xFFFFFD00] =	vst.add.f32.msk $0xffff, v23  }
0x513: {  	v19 =	vand.u32 $0xFFFFFF80, v19;
	v20 =	vand.u32 $0xFFFFFF80, v20;
	v3 =	vadd.s32 s22, v3;
	[tilespmem:s18+$0xFFFFFD80] =	vst.add.f32.msk $0xffff, v8  }
0x514: {  	v52 =	vor.u32 v15, v22;
	[tilespmem:s18+$0xFFFFFE00] =	vst.add.f32.msk $0xffff, v7;
	v11 =	vand.u32 $0xFFFFFF80, v11;
	v53 =	vadd.s32 v2, v19  }
0x515: {  	[tilespmem:s18+$0xFFFFFE80] =	vst.add.f32.msk $0xffff, v9;
	v12 =	vand.u32 $0xFFFFFF80, v12;
	v57 =	vadd.s32 v2, v20;
	v55 =	vor.u32 v21, v53  }
0x516: {  	v6 =	vand.u32 $0xFFFFFF80, v6;
	[tilespmem:s18+$0xFFFFFC80] =	vst.add.f32.msk $0xffff, v4;
	v11 =	vadd.s32 v2, v11;
	v9 =	vor.u32 v18, v57  }
0x517: {  	v60 =	vand.u32 $0xFFFFFF80, v5;
	[tilespmem:s18+$0xFFFFFF00] =	vst.add.f32.msk $0xffff, v13;
	v12 =	vadd.s32 v2, v12;
	v11 =	vor.u32 v17, v11  }
0x518: {  	v54 =	vand.u32 $0xFFFFFF80, v3;
	v6 =	vadd.s32 v2, v6;
	[tilespmem:s18+$0xFFFFFF80] =	vst.add.f32.msk $0xffff, v14;
	v59 =	vor.u32 v16, v12  }
0x519: {  	v3 =	vand.u32 $0x7F, v3;
	v56 =	vadd.s32 v2, v54;
	v6 =	vor.u32 v10, v6;
	v58 =	vld.idx.msk [tilespmem:v52+s23+$0x0], $0xffff  }
0x51a: {  	v61 =	vand.u32 $0x7F, v5;
	v2 =	vadd.s32 v2, v60;
	v3 =	vor.u32 v3, v56;
	v7 =	vld.idx.msk [tilespmem:v55+s23+$0x0], $0xffff  }
0x51b: {  	v2 =	vor.u32 v61, v2;
	v62 =	vld.idx.msk [tilespmem:v9+s23+$0x0], $0xffff  }
0x51c: {  	v63 =	vld.idx.msk [tilespmem:v11+s23+$0x0], $0xffff  }
0x51d: {  	v8 =	vld.idx.msk [tilespmem:v59+s23+$0x0], $0xffff  }
0x51e: {  	v6 =	vld.idx.msk [tilespmem:v6+s23+$0x0], $0xffff  }
0x51f: {  	v3 =	vld.idx.msk [tilespmem:v3+s23+$0x0], $0xffff  }
0x520: {  	s2 =	sadd.s32 $0x400, s18;
	v2 =	vld.idx.msk [tilespmem:v2+s23+$0x0], $0xffff  }
0x521: {  	[tilespmem:s2+$0xFFFFFC80] =	vst.add.f32.msk $0xffff, v58  }
0x522: {  	s15 =	sadd.s32 $0x1, s15;
	[tilespmem:s2+$0xFFFFFD00] =	vst.add.f32.msk $0xffff, v7  }
0x523: {  	p0 =	sne.s32 s15, $0x8;
	[tilespmem:s2+$0xFFFFFD80] =	vst.add.f32.msk $0xffff, v62  }
.Ltmp51:
0x524: {  	[tilespmem:s2+$0xFFFFFE00] =	vst.add.f32.msk $0xffff, v63;
	(pc) =	sbr.rel @p0 .LBB2_102-.Ltmp51, $4  }
0x525: {  	[tilespmem:s2+$0xFFFFFE80] =	vst.add.f32.msk $0xffff, v8  }
0x526: {  	[tilespmem:s2+$0xFFFFFF00] =	vst.add.f32.msk $0xffff, v6  }
0x527: {  	[tilespmem:s2+$0x0] =	vst.add.f32.msk $0xffff, v3  }
0x528: {  	s13 =	sadd.s32 $0x10, s13;
	[tilespmem:s2+$0xFFFFFF80] =	vst.add.f32.msk $0xffff, v2  }
0x529: {  	s0 =	simm.s32 $0x1600  }
0x52a: {  	[tilespmem:s23], [sflag:$0x4] =	stream.indirect.gather [hbm4b:s4+s16], $0x80, s0, s16, $0xb8;
	[tilespmem:$0x1A500] =	vst v63  }
0x52b: {  	_ =	swait.ge [sflag:s1], $0x4000  }
0x52c: {  	s13 =	simm.s32 $0x18880;
	[sflag:s1] =	ssyncset.done $0x0  }
0x52d: {  	s15 =	simm.s32 $0x0;
	s0 =	simm.s32 $0x0;
	[sflag:s1] =	ssyncadd.s32 $0xFFFFC000  }
.LBB2_106:
0x52e: {  	s2 =	sshll.u32 s15, $0x4  }
0x52f: {  	v3 =	vld [tilespmem:s2+$0x2080];
	_ =	sdelay $0x2  }
0x530: {  	v2 =	vmov s2  }
0x531: {  	s28 =	simm.s32 $0x1;
	v2 =	vshll.u32 v2, $0x7  }
0x532: {  	s18 =	simm.s32 $0x2;
	s20 =	simm.s32 $0x3;
	s22 =	simm.s32 $0x6;
	v2 =	vor.u32 v1, v2;
	v4 =	vadd.s32 s0, v3;
	v6 =	vadd.s32 s28, v3  }
0x533: {  	v7 =	vadd.s32 s18, v3;
	v8 =	vadd.s32 s20, v3;
	s18 =	simm.s32 $0x4;
	v11 =	vadd.s32 s22, v3  }
0x534: {  	s20 =	simm.s32 $0x5;
	v5 =	vand.u32 $0xFFFFFF80, v4;
	v4 =	vand.u32 $0x7F, v4;
	v9 =	vadd.s32 s18, v3  }
0x535: {  	v10 =	vadd.s32 s20, v3;
	v12 =	vand.u32 $0x7F, v6;
	v13 =	vand.u32 $0x7F, v7  }
0x536: {  	s28 =	simm.s32 $0x7;
	v14 =	vand.u32 $0x7F, v8;
	v6 =	vand.u32 $0xFFFFFF80, v6;
	v7 =	vand.u32 $0xFFFFFF80, v7  }
0x537: {  	v17 =	vadd.s32 s28, v3;
	v8 =	vand.u32 $0xFFFFFF80, v8;
	v5 =	vadd.s32 v2, v5  }
0x538: {  	v4 =	vor.u32 v4, v5;
	v5 =	vadd.s32 v2, v6;
	v6 =	vand.u32 $0xFFFFFF80, v17  }
0x539: {  	v5 =	vor.u32 v12, v5;
	v12 =	vand.u32 $0x7F, v17;
	v6 =	vadd.s32 v2, v6  }
0x53a: {  	v15 =	vand.u32 $0x7F, v9;
	v7 =	vadd.s32 v2, v7;
	v6 =	vor.u32 v12, v6  }
0x53b: {  	v8 =	vadd.s32 v2, v8;
	v9 =	vand.u32 $0xFFFFFF80, v9;
	v7 =	vor.u32 v13, v7  }
0x53c: {  	v12 =	vor.u32 v14, v8;
	v8 =	vadd.s32 v2, v9;
	v9 =	vand.u32 $0xFFFFFF80, v10  }
0x53d: {  	v16 =	vand.u32 $0x7F, v10;
	v10 =	vor.u32 v15, v8;
	v8 =	vadd.s32 v2, v9;
	v4 =	vld.idx.msk [tilespmem:v4+s25+$0x0], $0xffff  }
0x53e: {  	v9 =	vand.u32 $0xFFFFFF80, v11;
	v23 =	vld.idx.msk [tilespmem:v5+s25+$0x0], $0xffff;
	v5 =	vor.u32 v16, v8  }
0x53f: {  	v9 =	vadd.s32 v2, v9;
	v8 =	vand.u32 $0x7F, v11;
	v16 =	vld.idx.msk [tilespmem:v6+s25+$0x0], $0xffff  }
0x540: {  	s22 =	simm.s32 $0xA;
	v14 =	vor.u32 v8, v9;
	v8 =	vld.idx.msk [tilespmem:v7+s25+$0x0], $0xffff  }
0x541: {  	s20 =	simm.s32 $0x9;
	v20 =	vadd.s32 s22, v3;
	v7 =	vld.idx.msk [tilespmem:v12+s25+$0x0], $0xffff  }
0x542: {  	s18 =	simm.s32 $0x8;
	s28 =	simm.s32 $0xB;
	v19 =	vadd.s32 s20, v3;
	v18 =	vand.u32 $0x7F, v20;
	v9 =	vld.idx.msk [tilespmem:v10+s25+$0x0], $0xffff  }
0x543: {  	s20 =	simm.s32 $0xC;
	v21 =	vand.u32 $0x7F, v19;
	v11 =	vadd.s32 s28, v3;
	v6 =	vadd.s32 s18, v3;
	v13 =	vld.idx.msk [tilespmem:v5+s25+$0x0], $0xffff  }
0x544: {  	s22 =	simm.s32 $0xD;
	v12 =	vadd.s32 s20, v3;
	v17 =	vand.u32 $0xFFFFFF80, v6;
	v15 =	vand.u32 $0x7F, v6;
	[tilespmem:s13+$0xFFFFFD00] =	vst.add.f32.msk $0xffff, v23  }
0x545: {  	s28 =	simm.s32 $0xE;
	v6 =	vadd.s32 s22, v3;
	v22 =	vadd.s32 v2, v17;
	v17 =	vand.u32 $0x7F, v11;
	v14 =	vld.idx.msk [tilespmem:v14+s25+$0x0], $0xffff  }
0x546: {  	s20 =	simm.s32 $0x10;
	s18 =	smov.u32 s13;
	s22 =	simm.s32 $0xF;
	v10 =	vand.u32 $0x7F, v6;
	v5 =	vadd.s32 s28, v3;
	[tilespmem:s13+$0x0] =	vst.add.f32.msk $0xffff, v16;
	v16 =	vand.u32 $0x7F, v12  }
.LBB2_107:
0x547: {  	p0 =	slt.u32 s20, $0x38;
	v19 =	vand.u32 $0xFFFFFF80, v19;
	v20 =	vand.u32 $0xFFFFFF80, v20;
	v23 =	vadd.s32 s22, v3;
	[tilespmem:s18+$0xFFFFFD80] =	vst.add.f32.msk $0xffff, v8  }
0x548: {  	v8 =	vor.u32 v15, v22;
	v15 =	vadd.s32 v2, v19;
	v19 =	vand.u32 $0xFFFFFF80, v23;
	[tilespmem:s18+$0xFFFFFE00] =	vst.add.f32.msk $0xffff, v7  }
0x549: {  	v7 =	vor.u32 v21, v15;
	v15 =	vand.u32 $0x7F, v23;
	v19 =	vadd.s32 v2, v19;
	[tilespmem:s18+$0xFFFFFE80] =	vst.add.f32.msk $0xffff, v9  }
0x54a: {  	v11 =	vand.u32 $0xFFFFFF80, v11;
	v9 =	vadd.s32 v2, v20;
	v15 =	vor.u32 v15, v19;
	[tilespmem:s18+$0xFFFFFF00] =	vst.add.f32.msk $0xffff, v13  }
0x54b: {  	v12 =	vand.u32 $0xFFFFFF80, v12;
	v11 =	vadd.s32 v2, v11;
	v9 =	vor.u32 v18, v9;
	[tilespmem:s18+$0xFFFFFF80] =	vst.add.f32.msk $0xffff, v14  }
0x54c: {  	v6 =	vand.u32 $0xFFFFFF80, v6;
	v12 =	vadd.s32 v2, v12;
	v11 =	vor.u32 v17, v11;
	[tilespmem:s18+$0xFFFFFC80] =	vst.add.f32.msk $0xffff, v4  }
0x54d: {  	v6 =	vadd.s32 v2, v6;
	v12 =	vor.u32 v16, v12;
	v4 =	vld.idx.msk [tilespmem:v8+s25+$0x0], $0xffff;
	v8 =	vand.u32 $0xFFFFFF80, v5  }
0x54e: {  	v6 =	vor.u32 v10, v6;
	v5 =	vand.u32 $0x7F, v5;
	v23 =	vld.idx.msk [tilespmem:v7+s25+$0x0], $0xffff;
	v7 =	vadd.s32 v2, v8  }
0x54f: {  	v10 =	vor.u32 v5, v7;
	v16 =	vld.idx.msk [tilespmem:v15+s25+$0x0], $0xffff  }
0x550: {  	v8 =	vld.idx.msk [tilespmem:v9+s25+$0x0], $0xffff  }
0x551: {  	s2 =	sadd.s32 $0x1, s20;
	v5 =	vadd.s32 s20, v3;
	v7 =	vld.idx.msk [tilespmem:v11+s25+$0x0], $0xffff  }
.Ltmp52:
0x552: {  	s22 =	sadd.s32 $0x2, s20;
	s28 =	sadd.s32 $0x3, s20;
	v17 =	vand.u32 $0xFFFFFF80, v5;
	v15 =	vand.u32 $0x7F, v5;
	v9 =	vld.idx.msk [tilespmem:v12+s25+$0x0], $0xffff;
	(pc) =	sbr.rel @p0 .LBB2_107-.Ltmp52, $4  }
0x553: {  	v20 =	vadd.s32 s22, v3;
	s22 =	sadd.s32 $0x5, s20;
	v19 =	vadd.s32 s2, v3;
	s2 =	sadd.s32 $0x4, s20;
	v11 =	vadd.s32 s28, v3;
	s28 =	sadd.s32 $0x6, s20;
	v13 =	vld.idx.msk [tilespmem:v6+s25+$0x0], $0xffff  }
0x554: {  	s18 =	sadd.s32 $0x400, s18;
	v12 =	vadd.s32 s2, v3;
	v5 =	vadd.s32 s28, v3;
	v6 =	vadd.s32 s22, v3;
	v14 =	vld.idx.msk [tilespmem:v10+s25+$0x0], $0xffff  }
0x555: {  	v18 =	vand.u32 $0x7F, v20;
	v21 =	vand.u32 $0x7F, v19;
	v22 =	vadd.s32 v2, v17;
	[tilespmem:s18+$0x0] =	vst.add.f32.msk $0xffff, v16  }
0x556: {  	v17 =	vand.u32 $0x7F, v11;
	s22 =	sadd.s32 $0x7, s20;
	s20 =	sadd.s32 $0x8, s20;
	v10 =	vand.u32 $0x7F, v6;
	v16 =	vand.u32 $0x7F, v12;
	[tilespmem:s18+$0xFFFFFD00] =	vst.add.f32.msk $0xffff, v23  }
0x557: {  	v19 =	vand.u32 $0xFFFFFF80, v19;
	v20 =	vand.u32 $0xFFFFFF80, v20;
	v3 =	vadd.s32 s22, v3;
	[tilespmem:s18+$0xFFFFFD80] =	vst.add.f32.msk $0xffff, v8  }
0x558: {  	v52 =	vor.u32 v15, v22;
	[tilespmem:s18+$0xFFFFFE00] =	vst.add.f32.msk $0xffff, v7;
	v11 =	vand.u32 $0xFFFFFF80, v11;
	v53 =	vadd.s32 v2, v19  }
0x559: {  	[tilespmem:s18+$0xFFFFFE80] =	vst.add.f32.msk $0xffff, v9;
	v12 =	vand.u32 $0xFFFFFF80, v12;
	v57 =	vadd.s32 v2, v20;
	v55 =	vor.u32 v21, v53  }
0x55a: {  	v6 =	vand.u32 $0xFFFFFF80, v6;
	[tilespmem:s18+$0xFFFFFC80] =	vst.add.f32.msk $0xffff, v4;
	v11 =	vadd.s32 v2, v11;
	v9 =	vor.u32 v18, v57  }
0x55b: {  	v60 =	vand.u32 $0xFFFFFF80, v5;
	[tilespmem:s18+$0xFFFFFF00] =	vst.add.f32.msk $0xffff, v13;
	v12 =	vadd.s32 v2, v12;
	v11 =	vor.u32 v17, v11  }
0x55c: {  	v54 =	vand.u32 $0xFFFFFF80, v3;
	v6 =	vadd.s32 v2, v6;
	[tilespmem:s18+$0xFFFFFF80] =	vst.add.f32.msk $0xffff, v14;
	v59 =	vor.u32 v16, v12  }
0x55d: {  	v3 =	vand.u32 $0x7F, v3;
	v56 =	vadd.s32 v2, v54;
	v6 =	vor.u32 v10, v6;
	v58 =	vld.idx.msk [tilespmem:v52+s25+$0x0], $0xffff  }
0x55e: {  	v61 =	vand.u32 $0x7F, v5;
	v2 =	vadd.s32 v2, v60;
	v3 =	vor.u32 v3, v56;
	v7 =	vld.idx.msk [tilespmem:v55+s25+$0x0], $0xffff  }
0x55f: {  	v2 =	vor.u32 v61, v2;
	v62 =	vld.idx.msk [tilespmem:v9+s25+$0x0], $0xffff  }
0x560: {  	v63 =	vld.idx.msk [tilespmem:v11+s25+$0x0], $0xffff  }
0x561: {  	v8 =	vld.idx.msk [tilespmem:v59+s25+$0x0], $0xffff  }
0x562: {  	v6 =	vld.idx.msk [tilespmem:v6+s25+$0x0], $0xffff  }
0x563: {  	v3 =	vld.idx.msk [tilespmem:v3+s25+$0x0], $0xffff  }
0x564: {  	s2 =	sadd.s32 $0x400, s18;
	v2 =	vld.idx.msk [tilespmem:v2+s25+$0x0], $0xffff  }
0x565: {  	[tilespmem:s2+$0xFFFFFC80] =	vst.add.f32.msk $0xffff, v58  }
0x566: {  	s15 =	sadd.s32 $0x1, s15;
	[tilespmem:s2+$0xFFFFFD00] =	vst.add.f32.msk $0xffff, v7  }
0x567: {  	p0 =	sne.s32 s15, $0x8;
	[tilespmem:s2+$0xFFFFFD80] =	vst.add.f32.msk $0xffff, v62  }
.Ltmp53:
0x568: {  	[tilespmem:s2+$0xFFFFFE00] =	vst.add.f32.msk $0xffff, v63;
	(pc) =	sbr.rel @p0 .LBB2_106-.Ltmp53, $4  }
0x569: {  	[tilespmem:s2+$0xFFFFFE80] =	vst.add.f32.msk $0xffff, v8  }
0x56a: {  	[tilespmem:s2+$0xFFFFFF00] =	vst.add.f32.msk $0xffff, v6  }
0x56b: {  	[tilespmem:s2+$0x0] =	vst.add.f32.msk $0xffff, v3  }
0x56c: {  	s13 =	sadd.s32 $0x10, s13;
	[tilespmem:s2+$0xFFFFFF80] =	vst.add.f32.msk $0xffff, v2  }
0x56d: {  	s0 =	simm.s32 $0x1680  }
0x56e: {  	[tilespmem:s25], [sflag:$0x5] =	stream.indirect.gather [hbm4b:s4+s16], $0x80, s0, s16, $0xb8;
	[tilespmem:$0x1A500] =	vst v63  }
0x56f: {  	_ =	swait.ge [sflag:s26], $0x4000  }
0x570: {  	s13 =	simm.s32 $0x18880;
	[sflag:s26] =	ssyncset.done $0x0  }
0x571: {  	s15 =	simm.s32 $0x0;
	s0 =	simm.s32 $0x0;
	[sflag:s26] =	ssyncadd.s32 $0xFFFFC000  }
.LBB2_110:
0x572: {  	s2 =	sshll.u32 s15, $0x4  }
0x573: {  	v3 =	vld [tilespmem:s2+$0x2100];
	_ =	sdelay $0x2  }
0x574: {  	v2 =	vmov s2  }
0x575: {  	s28 =	simm.s32 $0x1;
	v2 =	vshll.u32 v2, $0x7  }
0x576: {  	s18 =	simm.s32 $0x2;
	s20 =	simm.s32 $0x3;
	s22 =	simm.s32 $0x6;
	v2 =	vor.u32 v1, v2;
	v4 =	vadd.s32 s0, v3;
	v6 =	vadd.s32 s28, v3  }
0x577: {  	v7 =	vadd.s32 s18, v3;
	v8 =	vadd.s32 s20, v3;
	s18 =	simm.s32 $0x4;
	v11 =	vadd.s32 s22, v3  }
0x578: {  	s20 =	simm.s32 $0x5;
	v5 =	vand.u32 $0xFFFFFF80, v4;
	v4 =	vand.u32 $0x7F, v4;
	v9 =	vadd.s32 s18, v3  }
0x579: {  	v10 =	vadd.s32 s20, v3;
	v12 =	vand.u32 $0x7F, v6;
	v13 =	vand.u32 $0x7F, v7  }
0x57a: {  	s28 =	simm.s32 $0x7;
	v14 =	vand.u32 $0x7F, v8;
	v6 =	vand.u32 $0xFFFFFF80, v6;
	v7 =	vand.u32 $0xFFFFFF80, v7  }
0x57b: {  	v17 =	vadd.s32 s28, v3;
	v8 =	vand.u32 $0xFFFFFF80, v8;
	v5 =	vadd.s32 v2, v5  }
0x57c: {  	v4 =	vor.u32 v4, v5;
	v5 =	vadd.s32 v2, v6;
	v6 =	vand.u32 $0xFFFFFF80, v17  }
0x57d: {  	v5 =	vor.u32 v12, v5;
	v12 =	vand.u32 $0x7F, v17;
	v6 =	vadd.s32 v2, v6  }
0x57e: {  	v15 =	vand.u32 $0x7F, v9;
	v7 =	vadd.s32 v2, v7;
	v6 =	vor.u32 v12, v6  }
0x57f: {  	v8 =	vadd.s32 v2, v8;
	v9 =	vand.u32 $0xFFFFFF80, v9;
	v7 =	vor.u32 v13, v7  }
0x580: {  	v12 =	vor.u32 v14, v8;
	v8 =	vadd.s32 v2, v9;
	v9 =	vand.u32 $0xFFFFFF80, v10  }
0x581: {  	v16 =	vand.u32 $0x7F, v10;
	v10 =	vor.u32 v15, v8;
	v8 =	vadd.s32 v2, v9;
	v4 =	vld.idx.msk [tilespmem:v4+s19+$0x0], $0xffff  }
0x582: {  	v9 =	vand.u32 $0xFFFFFF80, v11;
	v23 =	vld.idx.msk [tilespmem:v5+s19+$0x0], $0xffff;
	v5 =	vor.u32 v16, v8  }
0x583: {  	v9 =	vadd.s32 v2, v9;
	v8 =	vand.u32 $0x7F, v11;
	v16 =	vld.idx.msk [tilespmem:v6+s19+$0x0], $0xffff  }
0x584: {  	s22 =	simm.s32 $0xA;
	v14 =	vor.u32 v8, v9;
	v8 =	vld.idx.msk [tilespmem:v7+s19+$0x0], $0xffff  }
0x585: {  	s20 =	simm.s32 $0x9;
	v20 =	vadd.s32 s22, v3;
	v7 =	vld.idx.msk [tilespmem:v12+s19+$0x0], $0xffff  }
0x586: {  	s18 =	simm.s32 $0x8;
	s28 =	simm.s32 $0xB;
	v19 =	vadd.s32 s20, v3;
	v18 =	vand.u32 $0x7F, v20;
	v9 =	vld.idx.msk [tilespmem:v10+s19+$0x0], $0xffff  }
0x587: {  	s20 =	simm.s32 $0xC;
	v21 =	vand.u32 $0x7F, v19;
	v11 =	vadd.s32 s28, v3;
	v6 =	vadd.s32 s18, v3;
	v13 =	vld.idx.msk [tilespmem:v5+s19+$0x0], $0xffff  }
0x588: {  	s22 =	simm.s32 $0xD;
	v12 =	vadd.s32 s20, v3;
	v17 =	vand.u32 $0xFFFFFF80, v6;
	v15 =	vand.u32 $0x7F, v6;
	[tilespmem:s13+$0xFFFFFD00] =	vst.add.f32.msk $0xffff, v23  }
0x589: {  	s28 =	simm.s32 $0xE;
	v6 =	vadd.s32 s22, v3;
	v22 =	vadd.s32 v2, v17;
	v17 =	vand.u32 $0x7F, v11;
	v14 =	vld.idx.msk [tilespmem:v14+s19+$0x0], $0xffff  }
0x58a: {  	s20 =	simm.s32 $0x10;
	s18 =	smov.u32 s13;
	s22 =	simm.s32 $0xF;
	v10 =	vand.u32 $0x7F, v6;
	v5 =	vadd.s32 s28, v3;
	[tilespmem:s13+$0x0] =	vst.add.f32.msk $0xffff, v16;
	v16 =	vand.u32 $0x7F, v12  }
.LBB2_111:
0x58b: {  	p0 =	slt.u32 s20, $0x38;
	v19 =	vand.u32 $0xFFFFFF80, v19;
	v20 =	vand.u32 $0xFFFFFF80, v20;
	v23 =	vadd.s32 s22, v3;
	[tilespmem:s18+$0xFFFFFD80] =	vst.add.f32.msk $0xffff, v8  }
0x58c: {  	v8 =	vor.u32 v15, v22;
	v15 =	vadd.s32 v2, v19;
	v19 =	vand.u32 $0xFFFFFF80, v23;
	[tilespmem:s18+$0xFFFFFE00] =	vst.add.f32.msk $0xffff, v7  }
0x58d: {  	v7 =	vor.u32 v21, v15;
	v15 =	vand.u32 $0x7F, v23;
	v19 =	vadd.s32 v2, v19;
	[tilespmem:s18+$0xFFFFFE80] =	vst.add.f32.msk $0xffff, v9  }
0x58e: {  	v11 =	vand.u32 $0xFFFFFF80, v11;
	v9 =	vadd.s32 v2, v20;
	v15 =	vor.u32 v15, v19;
	[tilespmem:s18+$0xFFFFFF00] =	vst.add.f32.msk $0xffff, v13  }
0x58f: {  	v12 =	vand.u32 $0xFFFFFF80, v12;
	v11 =	vadd.s32 v2, v11;
	v9 =	vor.u32 v18, v9;
	[tilespmem:s18+$0xFFFFFF80] =	vst.add.f32.msk $0xffff, v14  }
0x590: {  	v6 =	vand.u32 $0xFFFFFF80, v6;
	v12 =	vadd.s32 v2, v12;
	v11 =	vor.u32 v17, v11;
	[tilespmem:s18+$0xFFFFFC80] =	vst.add.f32.msk $0xffff, v4  }
0x591: {  	v6 =	vadd.s32 v2, v6;
	v12 =	vor.u32 v16, v12;
	v4 =	vld.idx.msk [tilespmem:v8+s19+$0x0], $0xffff;
	v8 =	vand.u32 $0xFFFFFF80, v5  }
0x592: {  	v6 =	vor.u32 v10, v6;
	v5 =	vand.u32 $0x7F, v5;
	v23 =	vld.idx.msk [tilespmem:v7+s19+$0x0], $0xffff;
	v7 =	vadd.s32 v2, v8  }
0x593: {  	v10 =	vor.u32 v5, v7;
	v16 =	vld.idx.msk [tilespmem:v15+s19+$0x0], $0xffff  }
0x594: {  	v8 =	vld.idx.msk [tilespmem:v9+s19+$0x0], $0xffff  }
0x595: {  	s2 =	sadd.s32 $0x1, s20;
	v5 =	vadd.s32 s20, v3;
	v7 =	vld.idx.msk [tilespmem:v11+s19+$0x0], $0xffff  }
.Ltmp54:
0x596: {  	s22 =	sadd.s32 $0x2, s20;
	s28 =	sadd.s32 $0x3, s20;
	v17 =	vand.u32 $0xFFFFFF80, v5;
	v15 =	vand.u32 $0x7F, v5;
	v9 =	vld.idx.msk [tilespmem:v12+s19+$0x0], $0xffff;
	(pc) =	sbr.rel @p0 .LBB2_111-.Ltmp54, $4  }
0x597: {  	v20 =	vadd.s32 s22, v3;
	s22 =	sadd.s32 $0x5, s20;
	v19 =	vadd.s32 s2, v3;
	s2 =	sadd.s32 $0x4, s20;
	v11 =	vadd.s32 s28, v3;
	s28 =	sadd.s32 $0x6, s20;
	v13 =	vld.idx.msk [tilespmem:v6+s19+$0x0], $0xffff  }
0x598: {  	s18 =	sadd.s32 $0x400, s18;
	v12 =	vadd.s32 s2, v3;
	v5 =	vadd.s32 s28, v3;
	v6 =	vadd.s32 s22, v3;
	v14 =	vld.idx.msk [tilespmem:v10+s19+$0x0], $0xffff  }
0x599: {  	v18 =	vand.u32 $0x7F, v20;
	v21 =	vand.u32 $0x7F, v19;
	v22 =	vadd.s32 v2, v17;
	[tilespmem:s18+$0x0] =	vst.add.f32.msk $0xffff, v16  }
0x59a: {  	v17 =	vand.u32 $0x7F, v11;
	s22 =	sadd.s32 $0x7, s20;
	s20 =	sadd.s32 $0x8, s20;
	v10 =	vand.u32 $0x7F, v6;
	v16 =	vand.u32 $0x7F, v12;
	[tilespmem:s18+$0xFFFFFD00] =	vst.add.f32.msk $0xffff, v23  }
0x59b: {  	v19 =	vand.u32 $0xFFFFFF80, v19;
	v20 =	vand.u32 $0xFFFFFF80, v20;
	v3 =	vadd.s32 s22, v3;
	[tilespmem:s18+$0xFFFFFD80] =	vst.add.f32.msk $0xffff, v8  }
0x59c: {  	v52 =	vor.u32 v15, v22;
	[tilespmem:s18+$0xFFFFFE00] =	vst.add.f32.msk $0xffff, v7;
	v11 =	vand.u32 $0xFFFFFF80, v11;
	v53 =	vadd.s32 v2, v19  }
0x59d: {  	[tilespmem:s18+$0xFFFFFE80] =	vst.add.f32.msk $0xffff, v9;
	v12 =	vand.u32 $0xFFFFFF80, v12;
	v57 =	vadd.s32 v2, v20;
	v55 =	vor.u32 v21, v53  }
0x59e: {  	v6 =	vand.u32 $0xFFFFFF80, v6;
	[tilespmem:s18+$0xFFFFFC80] =	vst.add.f32.msk $0xffff, v4;
	v11 =	vadd.s32 v2, v11;
	v9 =	vor.u32 v18, v57  }
0x59f: {  	v60 =	vand.u32 $0xFFFFFF80, v5;
	[tilespmem:s18+$0xFFFFFF00] =	vst.add.f32.msk $0xffff, v13;
	v12 =	vadd.s32 v2, v12;
	v11 =	vor.u32 v17, v11  }
0x5a0: {  	v54 =	vand.u32 $0xFFFFFF80, v3;
	v6 =	vadd.s32 v2, v6;
	[tilespmem:s18+$0xFFFFFF80] =	vst.add.f32.msk $0xffff, v14;
	v59 =	vor.u32 v16, v12  }
0x5a1: {  	v3 =	vand.u32 $0x7F, v3;
	v56 =	vadd.s32 v2, v54;
	v6 =	vor.u32 v10, v6;
	v58 =	vld.idx.msk [tilespmem:v52+s19+$0x0], $0xffff  }
0x5a2: {  	v61 =	vand.u32 $0x7F, v5;
	v2 =	vadd.s32 v2, v60;
	v3 =	vor.u32 v3, v56;
	v7 =	vld.idx.msk [tilespmem:v55+s19+$0x0], $0xffff  }
0x5a3: {  	v2 =	vor.u32 v61, v2;
	v62 =	vld.idx.msk [tilespmem:v9+s19+$0x0], $0xffff  }
0x5a4: {  	v63 =	vld.idx.msk [tilespmem:v11+s19+$0x0], $0xffff  }
0x5a5: {  	v8 =	vld.idx.msk [tilespmem:v59+s19+$0x0], $0xffff  }
0x5a6: {  	v6 =	vld.idx.msk [tilespmem:v6+s19+$0x0], $0xffff  }
0x5a7: {  	v3 =	vld.idx.msk [tilespmem:v3+s19+$0x0], $0xffff  }
0x5a8: {  	s2 =	sadd.s32 $0x400, s18;
	v2 =	vld.idx.msk [tilespmem:v2+s19+$0x0], $0xffff  }
0x5a9: {  	[tilespmem:s2+$0xFFFFFC80] =	vst.add.f32.msk $0xffff, v58  }
0x5aa: {  	s15 =	sadd.s32 $0x1, s15;
	[tilespmem:s2+$0xFFFFFD00] =	vst.add.f32.msk $0xffff, v7  }
0x5ab: {  	p0 =	sne.s32 s15, $0x8;
	[tilespmem:s2+$0xFFFFFD80] =	vst.add.f32.msk $0xffff, v62  }
.Ltmp55:
0x5ac: {  	[tilespmem:s2+$0xFFFFFE00] =	vst.add.f32.msk $0xffff, v63;
	(pc) =	sbr.rel @p0 .LBB2_110-.Ltmp55, $4  }
0x5ad: {  	[tilespmem:s2+$0xFFFFFE80] =	vst.add.f32.msk $0xffff, v8  }
0x5ae: {  	[tilespmem:s2+$0xFFFFFF00] =	vst.add.f32.msk $0xffff, v6  }
0x5af: {  	[tilespmem:s2+$0x0] =	vst.add.f32.msk $0xffff, v3  }
0x5b0: {  	s13 =	sadd.s32 $0x10, s13;
	[tilespmem:s2+$0xFFFFFF80] =	vst.add.f32.msk $0xffff, v2  }
0x5b1: {  	_ =	swait.ge [sflag:s29], $0x4000  }
0x5b2: {  	s0 =	simm.s32 $0x0;
	[sflag:s29] =	ssyncset.done $0x0  }
0x5b3: {  	s13 =	simm.s32 $0x18880;
	s15 =	simm.s32 $0x0;
	[sflag:s29] =	ssyncadd.s32 $0xFFFFC000  }
.LBB2_114:
0x5b4: {  	s2 =	sshll.u32 s15, $0x4  }
0x5b5: {  	v3 =	vld [tilespmem:s2+$0x2180];
	_ =	sdelay $0x2  }
0x5b6: {  	v2 =	vmov s2  }
0x5b7: {  	s28 =	simm.s32 $0x1;
	v2 =	vshll.u32 v2, $0x7  }
0x5b8: {  	s18 =	simm.s32 $0x2;
	s20 =	simm.s32 $0x3;
	s22 =	simm.s32 $0x6;
	v2 =	vor.u32 v1, v2;
	v4 =	vadd.s32 s0, v3;
	v6 =	vadd.s32 s28, v3  }
0x5b9: {  	v7 =	vadd.s32 s18, v3;
	v8 =	vadd.s32 s20, v3;
	s18 =	simm.s32 $0x4;
	v11 =	vadd.s32 s22, v3  }
0x5ba: {  	s20 =	simm.s32 $0x5;
	v5 =	vand.u32 $0xFFFFFF80, v4;
	v4 =	vand.u32 $0x7F, v4;
	v9 =	vadd.s32 s18, v3  }
0x5bb: {  	v10 =	vadd.s32 s20, v3;
	v12 =	vand.u32 $0x7F, v6;
	v13 =	vand.u32 $0x7F, v7  }
0x5bc: {  	s28 =	simm.s32 $0x7;
	v14 =	vand.u32 $0x7F, v8;
	v6 =	vand.u32 $0xFFFFFF80, v6;
	v7 =	vand.u32 $0xFFFFFF80, v7  }
0x5bd: {  	v17 =	vadd.s32 s28, v3;
	v8 =	vand.u32 $0xFFFFFF80, v8;
	v5 =	vadd.s32 v2, v5  }
0x5be: {  	v4 =	vor.u32 v4, v5;
	v5 =	vadd.s32 v2, v6;
	v6 =	vand.u32 $0xFFFFFF80, v17  }
0x5bf: {  	v5 =	vor.u32 v12, v5;
	v12 =	vand.u32 $0x7F, v17;
	v6 =	vadd.s32 v2, v6  }
0x5c0: {  	v15 =	vand.u32 $0x7F, v9;
	v7 =	vadd.s32 v2, v7;
	v6 =	vor.u32 v12, v6  }
0x5c1: {  	v8 =	vadd.s32 v2, v8;
	v9 =	vand.u32 $0xFFFFFF80, v9;
	v7 =	vor.u32 v13, v7  }
0x5c2: {  	v12 =	vor.u32 v14, v8;
	v8 =	vadd.s32 v2, v9;
	v9 =	vand.u32 $0xFFFFFF80, v10  }
0x5c3: {  	v16 =	vand.u32 $0x7F, v10;
	v10 =	vor.u32 v15, v8;
	v8 =	vadd.s32 v2, v9;
	v4 =	vld.idx.msk [tilespmem:v4+s21+$0x0], $0xffff  }
0x5c4: {  	v9 =	vand.u32 $0xFFFFFF80, v11;
	v23 =	vld.idx.msk [tilespmem:v5+s21+$0x0], $0xffff;
	v5 =	vor.u32 v16, v8  }
0x5c5: {  	v9 =	vadd.s32 v2, v9;
	v8 =	vand.u32 $0x7F, v11;
	v16 =	vld.idx.msk [tilespmem:v6+s21+$0x0], $0xffff  }
0x5c6: {  	s22 =	simm.s32 $0xA;
	v14 =	vor.u32 v8, v9;
	v8 =	vld.idx.msk [tilespmem:v7+s21+$0x0], $0xffff  }
0x5c7: {  	s20 =	simm.s32 $0x9;
	v20 =	vadd.s32 s22, v3;
	v7 =	vld.idx.msk [tilespmem:v12+s21+$0x0], $0xffff  }
0x5c8: {  	s18 =	simm.s32 $0x8;
	s28 =	simm.s32 $0xB;
	v19 =	vadd.s32 s20, v3;
	v18 =	vand.u32 $0x7F, v20;
	v9 =	vld.idx.msk [tilespmem:v10+s21+$0x0], $0xffff  }
0x5c9: {  	s20 =	simm.s32 $0xC;
	v21 =	vand.u32 $0x7F, v19;
	v11 =	vadd.s32 s28, v3;
	v6 =	vadd.s32 s18, v3;
	v13 =	vld.idx.msk [tilespmem:v5+s21+$0x0], $0xffff  }
0x5ca: {  	s22 =	simm.s32 $0xD;
	v12 =	vadd.s32 s20, v3;
	v17 =	vand.u32 $0xFFFFFF80, v6;
	v15 =	vand.u32 $0x7F, v6;
	[tilespmem:s13+$0xFFFFFD00] =	vst.add.f32.msk $0xffff, v23  }
0x5cb: {  	s28 =	simm.s32 $0xE;
	v6 =	vadd.s32 s22, v3;
	v22 =	vadd.s32 v2, v17;
	v17 =	vand.u32 $0x7F, v11;
	v14 =	vld.idx.msk [tilespmem:v14+s21+$0x0], $0xffff  }
0x5cc: {  	s20 =	simm.s32 $0x10;
	s18 =	smov.u32 s13;
	s22 =	simm.s32 $0xF;
	v10 =	vand.u32 $0x7F, v6;
	v5 =	vadd.s32 s28, v3;
	[tilespmem:s13+$0x0] =	vst.add.f32.msk $0xffff, v16;
	v16 =	vand.u32 $0x7F, v12  }
.LBB2_115:
0x5cd: {  	p0 =	slt.u32 s20, $0x38;
	v19 =	vand.u32 $0xFFFFFF80, v19;
	v20 =	vand.u32 $0xFFFFFF80, v20;
	v23 =	vadd.s32 s22, v3;
	[tilespmem:s18+$0xFFFFFD80] =	vst.add.f32.msk $0xffff, v8  }
0x5ce: {  	v8 =	vor.u32 v15, v22;
	v15 =	vadd.s32 v2, v19;
	v19 =	vand.u32 $0xFFFFFF80, v23;
	[tilespmem:s18+$0xFFFFFE00] =	vst.add.f32.msk $0xffff, v7  }
0x5cf: {  	v7 =	vor.u32 v21, v15;
	v15 =	vand.u32 $0x7F, v23;
	v19 =	vadd.s32 v2, v19;
	[tilespmem:s18+$0xFFFFFE80] =	vst.add.f32.msk $0xffff, v9  }
0x5d0: {  	v11 =	vand.u32 $0xFFFFFF80, v11;
	v9 =	vadd.s32 v2, v20;
	v15 =	vor.u32 v15, v19;
	[tilespmem:s18+$0xFFFFFF00] =	vst.add.f32.msk $0xffff, v13  }
0x5d1: {  	v12 =	vand.u32 $0xFFFFFF80, v12;
	v11 =	vadd.s32 v2, v11;
	v9 =	vor.u32 v18, v9;
	[tilespmem:s18+$0xFFFFFF80] =	vst.add.f32.msk $0xffff, v14  }
0x5d2: {  	v6 =	vand.u32 $0xFFFFFF80, v6;
	v12 =	vadd.s32 v2, v12;
	v11 =	vor.u32 v17, v11;
	[tilespmem:s18+$0xFFFFFC80] =	vst.add.f32.msk $0xffff, v4  }
0x5d3: {  	v6 =	vadd.s32 v2, v6;
	v12 =	vor.u32 v16, v12;
	v4 =	vld.idx.msk [tilespmem:v8+s21+$0x0], $0xffff;
	v8 =	vand.u32 $0xFFFFFF80, v5  }
0x5d4: {  	v6 =	vor.u32 v10, v6;
	v5 =	vand.u32 $0x7F, v5;
	v23 =	vld.idx.msk [tilespmem:v7+s21+$0x0], $0xffff;
	v7 =	vadd.s32 v2, v8  }
0x5d5: {  	v10 =	vor.u32 v5, v7;
	v16 =	vld.idx.msk [tilespmem:v15+s21+$0x0], $0xffff  }
0x5d6: {  	v8 =	vld.idx.msk [tilespmem:v9+s21+$0x0], $0xffff  }
0x5d7: {  	s2 =	sadd.s32 $0x1, s20;
	v5 =	vadd.s32 s20, v3;
	v7 =	vld.idx.msk [tilespmem:v11+s21+$0x0], $0xffff  }
.Ltmp56:
0x5d8: {  	s22 =	sadd.s32 $0x2, s20;
	s28 =	sadd.s32 $0x3, s20;
	v17 =	vand.u32 $0xFFFFFF80, v5;
	v15 =	vand.u32 $0x7F, v5;
	v9 =	vld.idx.msk [tilespmem:v12+s21+$0x0], $0xffff;
	(pc) =	sbr.rel @p0 .LBB2_115-.Ltmp56, $4  }
0x5d9: {  	v20 =	vadd.s32 s22, v3;
	s22 =	sadd.s32 $0x5, s20;
	v19 =	vadd.s32 s2, v3;
	s2 =	sadd.s32 $0x4, s20;
	v11 =	vadd.s32 s28, v3;
	s28 =	sadd.s32 $0x6, s20;
	v13 =	vld.idx.msk [tilespmem:v6+s21+$0x0], $0xffff  }
0x5da: {  	s18 =	sadd.s32 $0x400, s18;
	v12 =	vadd.s32 s2, v3;
	v5 =	vadd.s32 s28, v3;
	v6 =	vadd.s32 s22, v3;
	v14 =	vld.idx.msk [tilespmem:v10+s21+$0x0], $0xffff  }
0x5db: {  	v18 =	vand.u32 $0x7F, v20;
	v21 =	vand.u32 $0x7F, v19;
	v22 =	vadd.s32 v2, v17;
	[tilespmem:s18+$0x0] =	vst.add.f32.msk $0xffff, v16  }
0x5dc: {  	v17 =	vand.u32 $0x7F, v11;
	s22 =	sadd.s32 $0x7, s20;
	s20 =	sadd.s32 $0x8, s20;
	v10 =	vand.u32 $0x7F, v6;
	v16 =	vand.u32 $0x7F, v12;
	[tilespmem:s18+$0xFFFFFD00] =	vst.add.f32.msk $0xffff, v23  }
0x5dd: {  	v19 =	vand.u32 $0xFFFFFF80, v19;
	v20 =	vand.u32 $0xFFFFFF80, v20;
	v3 =	vadd.s32 s22, v3;
	[tilespmem:s18+$0xFFFFFD80] =	vst.add.f32.msk $0xffff, v8  }
0x5de: {  	v52 =	vor.u32 v15, v22;
	[tilespmem:s18+$0xFFFFFE00] =	vst.add.f32.msk $0xffff, v7;
	v11 =	vand.u32 $0xFFFFFF80, v11;
	v53 =	vadd.s32 v2, v19  }
0x5df: {  	[tilespmem:s18+$0xFFFFFE80] =	vst.add.f32.msk $0xffff, v9;
	v12 =	vand.u32 $0xFFFFFF80, v12;
	v57 =	vadd.s32 v2, v20;
	v55 =	vor.u32 v21, v53  }
0x5e0: {  	v6 =	vand.u32 $0xFFFFFF80, v6;
	[tilespmem:s18+$0xFFFFFC80] =	vst.add.f32.msk $0xffff, v4;
	v11 =	vadd.s32 v2, v11;
	v9 =	vor.u32 v18, v57  }
0x5e1: {  	v60 =	vand.u32 $0xFFFFFF80, v5;
	[tilespmem:s18+$0xFFFFFF00] =	vst.add.f32.msk $0xffff, v13;
	v12 =	vadd.s32 v2, v12;
	v11 =	vor.u32 v17, v11  }
0x5e2: {  	v54 =	vand.u32 $0xFFFFFF80, v3;
	v6 =	vadd.s32 v2, v6;
	[tilespmem:s18+$0xFFFFFF80] =	vst.add.f32.msk $0xffff, v14;
	v59 =	vor.u32 v16, v12  }
0x5e3: {  	v3 =	vand.u32 $0x7F, v3;
	v56 =	vadd.s32 v2, v54;
	v6 =	vor.u32 v10, v6;
	v58 =	vld.idx.msk [tilespmem:v52+s21+$0x0], $0xffff  }
0x5e4: {  	v61 =	vand.u32 $0x7F, v5;
	v2 =	vadd.s32 v2, v60;
	v3 =	vor.u32 v3, v56;
	v7 =	vld.idx.msk [tilespmem:v55+s21+$0x0], $0xffff  }
0x5e5: {  	v2 =	vor.u32 v61, v2;
	v62 =	vld.idx.msk [tilespmem:v9+s21+$0x0], $0xffff  }
0x5e6: {  	v63 =	vld.idx.msk [tilespmem:v11+s21+$0x0], $0xffff  }
0x5e7: {  	v8 =	vld.idx.msk [tilespmem:v59+s21+$0x0], $0xffff  }
0x5e8: {  	v6 =	vld.idx.msk [tilespmem:v6+s21+$0x0], $0xffff  }
0x5e9: {  	v3 =	vld.idx.msk [tilespmem:v3+s21+$0x0], $0xffff  }
0x5ea: {  	s2 =	sadd.s32 $0x400, s18;
	v2 =	vld.idx.msk [tilespmem:v2+s21+$0x0], $0xffff  }
0x5eb: {  	[tilespmem:s2+$0xFFFFFC80] =	vst.add.f32.msk $0xffff, v58  }
0x5ec: {  	s15 =	sadd.s32 $0x1, s15;
	[tilespmem:s2+$0xFFFFFD00] =	vst.add.f32.msk $0xffff, v7  }
0x5ed: {  	p0 =	sne.s32 s15, $0x8;
	[tilespmem:s2+$0xFFFFFD80] =	vst.add.f32.msk $0xffff, v62  }
.Ltmp57:
0x5ee: {  	[tilespmem:s2+$0xFFFFFE00] =	vst.add.f32.msk $0xffff, v63;
	(pc) =	sbr.rel @p0 .LBB2_114-.Ltmp57, $4  }
0x5ef: {  	[tilespmem:s2+$0xFFFFFE80] =	vst.add.f32.msk $0xffff, v8  }
0x5f0: {  	[tilespmem:s2+$0xFFFFFF00] =	vst.add.f32.msk $0xffff, v6  }
0x5f1: {  	[tilespmem:s2+$0x0] =	vst.add.f32.msk $0xffff, v3  }
0x5f2: {  	s13 =	sadd.s32 $0x10, s13;
	[tilespmem:s2+$0xFFFFFF80] =	vst.add.f32.msk $0xffff, v2  }
0x5f3: {  	_ =	swait.ge [sflag:s31], $0x4000  }
0x5f4: {  	s0 =	simm.s32 $0x0;
	[sflag:s31] =	ssyncset.done $0x0  }
0x5f5: {  	s13 =	simm.s32 $0x18880;
	s15 =	simm.s32 $0x0;
	[sflag:s31] =	ssyncadd.s32 $0xFFFFC000  }
.LBB2_118:
0x5f6: {  	s2 =	sshll.u32 s15, $0x4  }
0x5f7: {  	v3 =	vld [tilespmem:s2+$0x2200];
	_ =	sdelay $0x2  }
0x5f8: {  	v2 =	vmov s2  }
0x5f9: {  	s28 =	simm.s32 $0x1;
	v2 =	vshll.u32 v2, $0x7  }
0x5fa: {  	s18 =	simm.s32 $0x2;
	s20 =	simm.s32 $0x3;
	s22 =	simm.s32 $0x6;
	v2 =	vor.u32 v1, v2;
	v4 =	vadd.s32 s0, v3;
	v6 =	vadd.s32 s28, v3  }
0x5fb: {  	v7 =	vadd.s32 s18, v3;
	v8 =	vadd.s32 s20, v3;
	s18 =	simm.s32 $0x4;
	v11 =	vadd.s32 s22, v3  }
0x5fc: {  	s20 =	simm.s32 $0x5;
	v5 =	vand.u32 $0xFFFFFF80, v4;
	v4 =	vand.u32 $0x7F, v4;
	v9 =	vadd.s32 s18, v3  }
0x5fd: {  	v10 =	vadd.s32 s20, v3;
	v12 =	vand.u32 $0x7F, v6;
	v13 =	vand.u32 $0x7F, v7  }
0x5fe: {  	s28 =	simm.s32 $0x7;
	v14 =	vand.u32 $0x7F, v8;
	v6 =	vand.u32 $0xFFFFFF80, v6;
	v7 =	vand.u32 $0xFFFFFF80, v7  }
0x5ff: {  	v17 =	vadd.s32 s28, v3;
	v8 =	vand.u32 $0xFFFFFF80, v8;
	v5 =	vadd.s32 v2, v5  }
0x600: {  	v4 =	vor.u32 v4, v5;
	v5 =	vadd.s32 v2, v6;
	v6 =	vand.u32 $0xFFFFFF80, v17  }
0x601: {  	v5 =	vor.u32 v12, v5;
	v12 =	vand.u32 $0x7F, v17;
	v6 =	vadd.s32 v2, v6  }
0x602: {  	v15 =	vand.u32 $0x7F, v9;
	v7 =	vadd.s32 v2, v7;
	v6 =	vor.u32 v12, v6  }
0x603: {  	v8 =	vadd.s32 v2, v8;
	v9 =	vand.u32 $0xFFFFFF80, v9;
	v7 =	vor.u32 v13, v7  }
0x604: {  	v12 =	vor.u32 v14, v8;
	v8 =	vadd.s32 v2, v9;
	v9 =	vand.u32 $0xFFFFFF80, v10  }
0x605: {  	v16 =	vand.u32 $0x7F, v10;
	v10 =	vor.u32 v15, v8;
	v8 =	vadd.s32 v2, v9;
	v4 =	vld.idx.msk [tilespmem:v4+s23+$0x0], $0xffff  }
0x606: {  	v9 =	vand.u32 $0xFFFFFF80, v11;
	v23 =	vld.idx.msk [tilespmem:v5+s23+$0x0], $0xffff;
	v5 =	vor.u32 v16, v8  }
0x607: {  	v9 =	vadd.s32 v2, v9;
	v8 =	vand.u32 $0x7F, v11;
	v16 =	vld.idx.msk [tilespmem:v6+s23+$0x0], $0xffff  }
0x608: {  	s22 =	simm.s32 $0xA;
	v14 =	vor.u32 v8, v9;
	v8 =	vld.idx.msk [tilespmem:v7+s23+$0x0], $0xffff  }
0x609: {  	s20 =	simm.s32 $0x9;
	v20 =	vadd.s32 s22, v3;
	v7 =	vld.idx.msk [tilespmem:v12+s23+$0x0], $0xffff  }
0x60a: {  	s18 =	simm.s32 $0x8;
	s28 =	simm.s32 $0xB;
	v19 =	vadd.s32 s20, v3;
	v18 =	vand.u32 $0x7F, v20;
	v9 =	vld.idx.msk [tilespmem:v10+s23+$0x0], $0xffff  }
0x60b: {  	s20 =	simm.s32 $0xC;
	v21 =	vand.u32 $0x7F, v19;
	v11 =	vadd.s32 s28, v3;
	v6 =	vadd.s32 s18, v3;
	v13 =	vld.idx.msk [tilespmem:v5+s23+$0x0], $0xffff  }
0x60c: {  	s22 =	simm.s32 $0xD;
	v12 =	vadd.s32 s20, v3;
	v17 =	vand.u32 $0xFFFFFF80, v6;
	v15 =	vand.u32 $0x7F, v6;
	[tilespmem:s13+$0xFFFFFD00] =	vst.add.f32.msk $0xffff, v23  }
0x60d: {  	s28 =	simm.s32 $0xE;
	v6 =	vadd.s32 s22, v3;
	v22 =	vadd.s32 v2, v17;
	v17 =	vand.u32 $0x7F, v11;
	v14 =	vld.idx.msk [tilespmem:v14+s23+$0x0], $0xffff  }
0x60e: {  	s20 =	simm.s32 $0x10;
	s18 =	smov.u32 s13;
	s22 =	simm.s32 $0xF;
	v10 =	vand.u32 $0x7F, v6;
	v5 =	vadd.s32 s28, v3;
	[tilespmem:s13+$0x0] =	vst.add.f32.msk $0xffff, v16;
	v16 =	vand.u32 $0x7F, v12  }
.LBB2_119:
0x60f: {  	p0 =	slt.u32 s20, $0x38;
	v19 =	vand.u32 $0xFFFFFF80, v19;
	v20 =	vand.u32 $0xFFFFFF80, v20;
	v23 =	vadd.s32 s22, v3;
	[tilespmem:s18+$0xFFFFFD80] =	vst.add.f32.msk $0xffff, v8  }
0x610: {  	v8 =	vor.u32 v15, v22;
	v15 =	vadd.s32 v2, v19;
	v19 =	vand.u32 $0xFFFFFF80, v23;
	[tilespmem:s18+$0xFFFFFE00] =	vst.add.f32.msk $0xffff, v7  }
0x611: {  	v7 =	vor.u32 v21, v15;
	v15 =	vand.u32 $0x7F, v23;
	v19 =	vadd.s32 v2, v19;
	[tilespmem:s18+$0xFFFFFE80] =	vst.add.f32.msk $0xffff, v9  }
0x612: {  	v11 =	vand.u32 $0xFFFFFF80, v11;
	v9 =	vadd.s32 v2, v20;
	v15 =	vor.u32 v15, v19;
	[tilespmem:s18+$0xFFFFFF00] =	vst.add.f32.msk $0xffff, v13  }
0x613: {  	v12 =	vand.u32 $0xFFFFFF80, v12;
	v11 =	vadd.s32 v2, v11;
	v9 =	vor.u32 v18, v9;
	[tilespmem:s18+$0xFFFFFF80] =	vst.add.f32.msk $0xffff, v14  }
0x614: {  	v6 =	vand.u32 $0xFFFFFF80, v6;
	v12 =	vadd.s32 v2, v12;
	v11 =	vor.u32 v17, v11;
	[tilespmem:s18+$0xFFFFFC80] =	vst.add.f32.msk $0xffff, v4  }
0x615: {  	v6 =	vadd.s32 v2, v6;
	v12 =	vor.u32 v16, v12;
	v4 =	vld.idx.msk [tilespmem:v8+s23+$0x0], $0xffff;
	v8 =	vand.u32 $0xFFFFFF80, v5  }
0x616: {  	v6 =	vor.u32 v10, v6;
	v5 =	vand.u32 $0x7F, v5;
	v23 =	vld.idx.msk [tilespmem:v7+s23+$0x0], $0xffff;
	v7 =	vadd.s32 v2, v8  }
0x617: {  	v10 =	vor.u32 v5, v7;
	v16 =	vld.idx.msk [tilespmem:v15+s23+$0x0], $0xffff  }
0x618: {  	v8 =	vld.idx.msk [tilespmem:v9+s23+$0x0], $0xffff  }
0x619: {  	s2 =	sadd.s32 $0x1, s20;
	v5 =	vadd.s32 s20, v3;
	v7 =	vld.idx.msk [tilespmem:v11+s23+$0x0], $0xffff  }
.Ltmp58:
0x61a: {  	s22 =	sadd.s32 $0x2, s20;
	s28 =	sadd.s32 $0x3, s20;
	v17 =	vand.u32 $0xFFFFFF80, v5;
	v15 =	vand.u32 $0x7F, v5;
	v9 =	vld.idx.msk [tilespmem:v12+s23+$0x0], $0xffff;
	(pc) =	sbr.rel @p0 .LBB2_119-.Ltmp58, $4  }
0x61b: {  	v20 =	vadd.s32 s22, v3;
	s22 =	sadd.s32 $0x5, s20;
	v19 =	vadd.s32 s2, v3;
	s2 =	sadd.s32 $0x4, s20;
	v11 =	vadd.s32 s28, v3;
	s28 =	sadd.s32 $0x6, s20;
	v13 =	vld.idx.msk [tilespmem:v6+s23+$0x0], $0xffff  }
0x61c: {  	s18 =	sadd.s32 $0x400, s18;
	v12 =	vadd.s32 s2, v3;
	v5 =	vadd.s32 s28, v3;
	v6 =	vadd.s32 s22, v3;
	v14 =	vld.idx.msk [tilespmem:v10+s23+$0x0], $0xffff  }
0x61d: {  	v18 =	vand.u32 $0x7F, v20;
	v21 =	vand.u32 $0x7F, v19;
	v22 =	vadd.s32 v2, v17;
	[tilespmem:s18+$0x0] =	vst.add.f32.msk $0xffff, v16  }
0x61e: {  	v17 =	vand.u32 $0x7F, v11;
	s22 =	sadd.s32 $0x7, s20;
	s20 =	sadd.s32 $0x8, s20;
	v10 =	vand.u32 $0x7F, v6;
	v16 =	vand.u32 $0x7F, v12;
	[tilespmem:s18+$0xFFFFFD00] =	vst.add.f32.msk $0xffff, v23  }
0x61f: {  	v19 =	vand.u32 $0xFFFFFF80, v19;
	v20 =	vand.u32 $0xFFFFFF80, v20;
	v3 =	vadd.s32 s22, v3;
	[tilespmem:s18+$0xFFFFFD80] =	vst.add.f32.msk $0xffff, v8  }
0x620: {  	v52 =	vor.u32 v15, v22;
	[tilespmem:s18+$0xFFFFFE00] =	vst.add.f32.msk $0xffff, v7;
	v11 =	vand.u32 $0xFFFFFF80, v11;
	v53 =	vadd.s32 v2, v19  }
0x621: {  	[tilespmem:s18+$0xFFFFFE80] =	vst.add.f32.msk $0xffff, v9;
	v12 =	vand.u32 $0xFFFFFF80, v12;
	v57 =	vadd.s32 v2, v20;
	v55 =	vor.u32 v21, v53  }
0x622: {  	v6 =	vand.u32 $0xFFFFFF80, v6;
	[tilespmem:s18+$0xFFFFFC80] =	vst.add.f32.msk $0xffff, v4;
	v11 =	vadd.s32 v2, v11;
	v9 =	vor.u32 v18, v57  }
0x623: {  	v60 =	vand.u32 $0xFFFFFF80, v5;
	[tilespmem:s18+$0xFFFFFF00] =	vst.add.f32.msk $0xffff, v13;
	v12 =	vadd.s32 v2, v12;
	v11 =	vor.u32 v17, v11  }
0x624: {  	v54 =	vand.u32 $0xFFFFFF80, v3;
	v6 =	vadd.s32 v2, v6;
	[tilespmem:s18+$0xFFFFFF80] =	vst.add.f32.msk $0xffff, v14;
	v59 =	vor.u32 v16, v12  }
0x625: {  	v3 =	vand.u32 $0x7F, v3;
	v56 =	vadd.s32 v2, v54;
	v6 =	vor.u32 v10, v6;
	v58 =	vld.idx.msk [tilespmem:v52+s23+$0x0], $0xffff  }
0x626: {  	v61 =	vand.u32 $0x7F, v5;
	v2 =	vadd.s32 v2, v60;
	v3 =	vor.u32 v3, v56;
	v7 =	vld.idx.msk [tilespmem:v55+s23+$0x0], $0xffff  }
0x627: {  	v2 =	vor.u32 v61, v2;
	v62 =	vld.idx.msk [tilespmem:v9+s23+$0x0], $0xffff  }
0x628: {  	v63 =	vld.idx.msk [tilespmem:v11+s23+$0x0], $0xffff  }
0x629: {  	v8 =	vld.idx.msk [tilespmem:v59+s23+$0x0], $0xffff  }
0x62a: {  	v6 =	vld.idx.msk [tilespmem:v6+s23+$0x0], $0xffff  }
0x62b: {  	v3 =	vld.idx.msk [tilespmem:v3+s23+$0x0], $0xffff  }
0x62c: {  	s2 =	sadd.s32 $0x400, s18;
	v2 =	vld.idx.msk [tilespmem:v2+s23+$0x0], $0xffff  }
0x62d: {  	[tilespmem:s2+$0xFFFFFC80] =	vst.add.f32.msk $0xffff, v58  }
0x62e: {  	s15 =	sadd.s32 $0x1, s15;
	[tilespmem:s2+$0xFFFFFD00] =	vst.add.f32.msk $0xffff, v7  }
0x62f: {  	p0 =	sne.s32 s15, $0x8;
	[tilespmem:s2+$0xFFFFFD80] =	vst.add.f32.msk $0xffff, v62  }
.Ltmp59:
0x630: {  	[tilespmem:s2+$0xFFFFFE00] =	vst.add.f32.msk $0xffff, v63;
	(pc) =	sbr.rel @p0 .LBB2_118-.Ltmp59, $4  }
0x631: {  	[tilespmem:s2+$0xFFFFFE80] =	vst.add.f32.msk $0xffff, v8  }
0x632: {  	[tilespmem:s2+$0xFFFFFF00] =	vst.add.f32.msk $0xffff, v6  }
0x633: {  	[tilespmem:s2+$0x0] =	vst.add.f32.msk $0xffff, v3  }
0x634: {  	s13 =	sadd.s32 $0x10, s13;
	[tilespmem:s2+$0xFFFFFF80] =	vst.add.f32.msk $0xffff, v2  }
0x635: {  	_ =	swait.ge [sflag:s1], $0x4000  }
0x636: {  	s0 =	simm.s32 $0x0;
	[sflag:s1] =	ssyncset.done $0x0  }
0x637: {  	s13 =	simm.s32 $0x18880;
	s15 =	simm.s32 $0x0;
	[sflag:s1] =	ssyncadd.s32 $0xFFFFC000  }
.LBB2_122:
0x638: {  	s2 =	sshll.u32 s15, $0x4  }
0x639: {  	v3 =	vld [tilespmem:s2+$0x2280];
	_ =	sdelay $0x2  }
0x63a: {  	v2 =	vmov s2  }
0x63b: {  	s28 =	simm.s32 $0x1;
	v2 =	vshll.u32 v2, $0x7  }
0x63c: {  	s18 =	simm.s32 $0x2;
	s20 =	simm.s32 $0x3;
	s22 =	simm.s32 $0x6;
	v2 =	vor.u32 v1, v2;
	v4 =	vadd.s32 s0, v3;
	v6 =	vadd.s32 s28, v3  }
0x63d: {  	v7 =	vadd.s32 s18, v3;
	v8 =	vadd.s32 s20, v3;
	s18 =	simm.s32 $0x4;
	v11 =	vadd.s32 s22, v3  }
0x63e: {  	s20 =	simm.s32 $0x5;
	v5 =	vand.u32 $0xFFFFFF80, v4;
	v4 =	vand.u32 $0x7F, v4;
	v9 =	vadd.s32 s18, v3  }
0x63f: {  	v10 =	vadd.s32 s20, v3;
	v12 =	vand.u32 $0x7F, v6;
	v13 =	vand.u32 $0x7F, v7  }
0x640: {  	s28 =	simm.s32 $0x7;
	v14 =	vand.u32 $0x7F, v8;
	v6 =	vand.u32 $0xFFFFFF80, v6;
	v7 =	vand.u32 $0xFFFFFF80, v7  }
0x641: {  	v17 =	vadd.s32 s28, v3;
	v8 =	vand.u32 $0xFFFFFF80, v8;
	v5 =	vadd.s32 v2, v5  }
0x642: {  	v4 =	vor.u32 v4, v5;
	v5 =	vadd.s32 v2, v6;
	v6 =	vand.u32 $0xFFFFFF80, v17  }
0x643: {  	v5 =	vor.u32 v12, v5;
	v12 =	vand.u32 $0x7F, v17;
	v6 =	vadd.s32 v2, v6  }
0x644: {  	v15 =	vand.u32 $0x7F, v9;
	v7 =	vadd.s32 v2, v7;
	v6 =	vor.u32 v12, v6  }
0x645: {  	v8 =	vadd.s32 v2, v8;
	v9 =	vand.u32 $0xFFFFFF80, v9;
	v7 =	vor.u32 v13, v7  }
0x646: {  	v12 =	vor.u32 v14, v8;
	v8 =	vadd.s32 v2, v9;
	v9 =	vand.u32 $0xFFFFFF80, v10  }
0x647: {  	v16 =	vand.u32 $0x7F, v10;
	v10 =	vor.u32 v15, v8;
	v8 =	vadd.s32 v2, v9;
	v4 =	vld.idx.msk [tilespmem:v4+s25+$0x0], $0xffff  }
0x648: {  	v9 =	vand.u32 $0xFFFFFF80, v11;
	v23 =	vld.idx.msk [tilespmem:v5+s25+$0x0], $0xffff;
	v5 =	vor.u32 v16, v8  }
0x649: {  	v9 =	vadd.s32 v2, v9;
	v8 =	vand.u32 $0x7F, v11;
	v16 =	vld.idx.msk [tilespmem:v6+s25+$0x0], $0xffff  }
0x64a: {  	s22 =	simm.s32 $0xA;
	v14 =	vor.u32 v8, v9;
	v8 =	vld.idx.msk [tilespmem:v7+s25+$0x0], $0xffff  }
0x64b: {  	s20 =	simm.s32 $0x9;
	v20 =	vadd.s32 s22, v3;
	v7 =	vld.idx.msk [tilespmem:v12+s25+$0x0], $0xffff  }
0x64c: {  	s18 =	simm.s32 $0x8;
	s28 =	simm.s32 $0xB;
	v19 =	vadd.s32 s20, v3;
	v18 =	vand.u32 $0x7F, v20;
	v9 =	vld.idx.msk [tilespmem:v10+s25+$0x0], $0xffff  }
0x64d: {  	s20 =	simm.s32 $0xC;
	v21 =	vand.u32 $0x7F, v19;
	v11 =	vadd.s32 s28, v3;
	v6 =	vadd.s32 s18, v3;
	v13 =	vld.idx.msk [tilespmem:v5+s25+$0x0], $0xffff  }
0x64e: {  	s22 =	simm.s32 $0xD;
	v12 =	vadd.s32 s20, v3;
	v17 =	vand.u32 $0xFFFFFF80, v6;
	v15 =	vand.u32 $0x7F, v6;
	[tilespmem:s13+$0xFFFFFD00] =	vst.add.f32.msk $0xffff, v23  }
0x64f: {  	s28 =	simm.s32 $0xE;
	v6 =	vadd.s32 s22, v3;
	v22 =	vadd.s32 v2, v17;
	v17 =	vand.u32 $0x7F, v11;
	v14 =	vld.idx.msk [tilespmem:v14+s25+$0x0], $0xffff  }
0x650: {  	s20 =	simm.s32 $0x10;
	s18 =	smov.u32 s13;
	s22 =	simm.s32 $0xF;
	v10 =	vand.u32 $0x7F, v6;
	v5 =	vadd.s32 s28, v3;
	[tilespmem:s13+$0x0] =	vst.add.f32.msk $0xffff, v16;
	v16 =	vand.u32 $0x7F, v12  }
.LBB2_123:
0x651: {  	p0 =	slt.u32 s20, $0x38;
	v19 =	vand.u32 $0xFFFFFF80, v19;
	v20 =	vand.u32 $0xFFFFFF80, v20;
	v23 =	vadd.s32 s22, v3;
	[tilespmem:s18+$0xFFFFFD80] =	vst.add.f32.msk $0xffff, v8  }
0x652: {  	v8 =	vor.u32 v15, v22;
	v15 =	vadd.s32 v2, v19;
	v19 =	vand.u32 $0xFFFFFF80, v23;
	[tilespmem:s18+$0xFFFFFE00] =	vst.add.f32.msk $0xffff, v7  }
0x653: {  	v7 =	vor.u32 v21, v15;
	v15 =	vand.u32 $0x7F, v23;
	v19 =	vadd.s32 v2, v19;
	[tilespmem:s18+$0xFFFFFE80] =	vst.add.f32.msk $0xffff, v9  }
0x654: {  	v11 =	vand.u32 $0xFFFFFF80, v11;
	v9 =	vadd.s32 v2, v20;
	v15 =	vor.u32 v15, v19;
	[tilespmem:s18+$0xFFFFFF00] =	vst.add.f32.msk $0xffff, v13  }
0x655: {  	v12 =	vand.u32 $0xFFFFFF80, v12;
	v11 =	vadd.s32 v2, v11;
	v9 =	vor.u32 v18, v9;
	[tilespmem:s18+$0xFFFFFF80] =	vst.add.f32.msk $0xffff, v14  }
0x656: {  	v6 =	vand.u32 $0xFFFFFF80, v6;
	v12 =	vadd.s32 v2, v12;
	v11 =	vor.u32 v17, v11;
	[tilespmem:s18+$0xFFFFFC80] =	vst.add.f32.msk $0xffff, v4  }
0x657: {  	v6 =	vadd.s32 v2, v6;
	v12 =	vor.u32 v16, v12;
	v4 =	vld.idx.msk [tilespmem:v8+s25+$0x0], $0xffff;
	v8 =	vand.u32 $0xFFFFFF80, v5  }
0x658: {  	v6 =	vor.u32 v10, v6;
	v5 =	vand.u32 $0x7F, v5;
	v23 =	vld.idx.msk [tilespmem:v7+s25+$0x0], $0xffff;
	v7 =	vadd.s32 v2, v8  }
0x659: {  	v10 =	vor.u32 v5, v7;
	v16 =	vld.idx.msk [tilespmem:v15+s25+$0x0], $0xffff  }
0x65a: {  	v8 =	vld.idx.msk [tilespmem:v9+s25+$0x0], $0xffff  }
0x65b: {  	s2 =	sadd.s32 $0x1, s20;
	v5 =	vadd.s32 s20, v3;
	v7 =	vld.idx.msk [tilespmem:v11+s25+$0x0], $0xffff  }
.Ltmp60:
0x65c: {  	s22 =	sadd.s32 $0x2, s20;
	s28 =	sadd.s32 $0x3, s20;
	v17 =	vand.u32 $0xFFFFFF80, v5;
	v15 =	vand.u32 $0x7F, v5;
	v9 =	vld.idx.msk [tilespmem:v12+s25+$0x0], $0xffff;
	(pc) =	sbr.rel @p0 .LBB2_123-.Ltmp60, $4  }
0x65d: {  	v20 =	vadd.s32 s22, v3;
	s22 =	sadd.s32 $0x5, s20;
	v19 =	vadd.s32 s2, v3;
	s2 =	sadd.s32 $0x4, s20;
	v11 =	vadd.s32 s28, v3;
	s28 =	sadd.s32 $0x6, s20;
	v13 =	vld.idx.msk [tilespmem:v6+s25+$0x0], $0xffff  }
0x65e: {  	s18 =	sadd.s32 $0x400, s18;
	v12 =	vadd.s32 s2, v3;
	v5 =	vadd.s32 s28, v3;
	v6 =	vadd.s32 s22, v3;
	v14 =	vld.idx.msk [tilespmem:v10+s25+$0x0], $0xffff  }
0x65f: {  	v18 =	vand.u32 $0x7F, v20;
	v21 =	vand.u32 $0x7F, v19;
	v22 =	vadd.s32 v2, v17;
	[tilespmem:s18+$0x0] =	vst.add.f32.msk $0xffff, v16  }
0x660: {  	v17 =	vand.u32 $0x7F, v11;
	s22 =	sadd.s32 $0x7, s20;
	s20 =	sadd.s32 $0x8, s20;
	v10 =	vand.u32 $0x7F, v6;
	v16 =	vand.u32 $0x7F, v12;
	[tilespmem:s18+$0xFFFFFD00] =	vst.add.f32.msk $0xffff, v23  }
0x661: {  	v19 =	vand.u32 $0xFFFFFF80, v19;
	v20 =	vand.u32 $0xFFFFFF80, v20;
	v3 =	vadd.s32 s22, v3;
	[tilespmem:s18+$0xFFFFFD80] =	vst.add.f32.msk $0xffff, v8  }
0x662: {  	v52 =	vor.u32 v15, v22;
	[tilespmem:s18+$0xFFFFFE00] =	vst.add.f32.msk $0xffff, v7;
	v11 =	vand.u32 $0xFFFFFF80, v11;
	v53 =	vadd.s32 v2, v19  }
0x663: {  	[tilespmem:s18+$0xFFFFFE80] =	vst.add.f32.msk $0xffff, v9;
	v12 =	vand.u32 $0xFFFFFF80, v12;
	v57 =	vadd.s32 v2, v20;
	v55 =	vor.u32 v21, v53  }
0x664: {  	v6 =	vand.u32 $0xFFFFFF80, v6;
	[tilespmem:s18+$0xFFFFFC80] =	vst.add.f32.msk $0xffff, v4;
	v11 =	vadd.s32 v2, v11;
	v9 =	vor.u32 v18, v57  }
0x665: {  	v60 =	vand.u32 $0xFFFFFF80, v5;
	[tilespmem:s18+$0xFFFFFF00] =	vst.add.f32.msk $0xffff, v13;
	v12 =	vadd.s32 v2, v12;
	v11 =	vor.u32 v17, v11  }
0x666: {  	v54 =	vand.u32 $0xFFFFFF80, v3;
	v6 =	vadd.s32 v2, v6;
	[tilespmem:s18+$0xFFFFFF80] =	vst.add.f32.msk $0xffff, v14;
	v59 =	vor.u32 v16, v12  }
0x667: {  	v3 =	vand.u32 $0x7F, v3;
	v56 =	vadd.s32 v2, v54;
	v6 =	vor.u32 v10, v6;
	v58 =	vld.idx.msk [tilespmem:v52+s25+$0x0], $0xffff  }
0x668: {  	v61 =	vand.u32 $0x7F, v5;
	v2 =	vadd.s32 v2, v60;
	v3 =	vor.u32 v3, v56;
	v7 =	vld.idx.msk [tilespmem:v55+s25+$0x0], $0xffff  }
0x669: {  	v2 =	vor.u32 v61, v2;
	v62 =	vld.idx.msk [tilespmem:v9+s25+$0x0], $0xffff  }
0x66a: {  	v63 =	vld.idx.msk [tilespmem:v11+s25+$0x0], $0xffff  }
0x66b: {  	v8 =	vld.idx.msk [tilespmem:v59+s25+$0x0], $0xffff  }
0x66c: {  	v6 =	vld.idx.msk [tilespmem:v6+s25+$0x0], $0xffff  }
0x66d: {  	v3 =	vld.idx.msk [tilespmem:v3+s25+$0x0], $0xffff  }
0x66e: {  	s2 =	sadd.s32 $0x400, s18;
	v2 =	vld.idx.msk [tilespmem:v2+s25+$0x0], $0xffff  }
0x66f: {  	[tilespmem:s2+$0xFFFFFC80] =	vst.add.f32.msk $0xffff, v58  }
0x670: {  	s15 =	sadd.s32 $0x1, s15;
	[tilespmem:s2+$0xFFFFFD00] =	vst.add.f32.msk $0xffff, v7  }
0x671: {  	p0 =	sne.s32 s15, $0x8;
	[tilespmem:s2+$0xFFFFFD80] =	vst.add.f32.msk $0xffff, v62  }
.Ltmp61:
0x672: {  	[tilespmem:s2+$0xFFFFFE00] =	vst.add.f32.msk $0xffff, v63;
	(pc) =	sbr.rel @p0 .LBB2_122-.Ltmp61, $4  }
0x673: {  	[tilespmem:s2+$0xFFFFFE80] =	vst.add.f32.msk $0xffff, v8  }
0x674: {  	[tilespmem:s2+$0xFFFFFF00] =	vst.add.f32.msk $0xffff, v6  }
0x675: {  	[tilespmem:s2+$0x0] =	vst.add.f32.msk $0xffff, v3  }
0x676: {  	s13 =	sadd.s32 $0x10, s13;
	[tilespmem:s2+$0xFFFFFF80] =	vst.add.f32.msk $0xffff, v2  }
0x677: {  	s0 =	simm.s32 $0x18500  }
0x678: {  	[hbm4b:s7+s11] =	stream.strided.scatter [tilespmem:s0], [sflag:$0x6], $0x2000, s12, s11, $0x38;
	[tilespmem:$0x1A500] =	vst v63  }
0x679: {  	_ =	swait.ge [sflag:s10], $0x2000  }
0x67a: {  	[sflag:s10] =	ssyncset.done $0x0  }
0x67b: {  	[sflag:s10] =	ssyncadd.s32 $0xFFFFE000  }
0x67c: {  	_ =	swait.ge [sflag:s24], $0x4000  }
0x67d: {  	s18 =	simm.s32 $0x16700;
	[sflag:s24] =	ssyncset.done $0x0  }
0x67e: {  	s15 =	simm.s32 $0x0;
	s0 =	simm.s32 $0x0;
	[sflag:s24] =	ssyncadd.s32 $0xFFFFC000  }
.LBB2_126:
0x67f: {  	s2 =	sshll.u32 s15, $0x4  }
0x680: {  	v3 =	vld [tilespmem:s2+$0x80];
	_ =	sdelay $0x1  }
0x681: {  	v2 =	vmov s2  }
0x682: {  	v2 =	vshll.u32 v2, $0x7  }
0x683: {  	s28 =	simm.s32 $0x1;
	s13 =	simm.s32 $0x2;
	v2 =	vor.u32 v1, v2  }
0x684: {  	s20 =	simm.s32 $0x3;
	s22 =	simm.s32 $0x4;
	v4 =	vadd.s32 s0, v3;
	v5 =	vadd.s32 s28, v3;
	v6 =	vadd.s32 s13, v3  }
0x685: {  	v7 =	vadd.s32 s20, v3;
	s28 =	simm.s32 $0x5;
	v8 =	vadd.s32 s22, v3;
	s20 =	simm.s32 $0x6;
	v9 =	vand.u32 $0x7F, v5  }
0x686: {  	s22 =	simm.s32 $0x7;
	v10 =	vadd.s32 s28, v3;
	v11 =	vadd.s32 s20, v3;
	v12 =	vand.u32 $0x7F, v6  }
0x687: {  	v13 =	vadd.s32 s22, v3;
	v14 =	vand.u32 $0x7F, v7;
	v15 =	vand.u32 $0x7F, v8  }
0x688: {  	v5 =	vand.u32 $0xFFFFFF80, v5;
	v6 =	vand.u32 $0xFFFFFF80, v6;
	v7 =	vand.u32 $0xFFFFFF80, v7  }
0x689: {  	v16 =	vand.u32 $0xFFFFFF80, v13;
	v13 =	vand.u32 $0x7F, v13;
	v5 =	vadd.s32 v2, v5  }
0x68a: {  	v6 =	vadd.s32 v2, v6;
	v16 =	vadd.s32 v2, v16;
	v5 =	vor.u32 v9, v5  }
0x68b: {  	v12 =	vor.u32 v12, v6;
	v6 =	vadd.s32 v2, v7;
	v13 =	vor.u32 v13, v16  }
0x68c: {  	v7 =	vand.u32 $0xFFFFFF80, v8;
	v9 =	vand.u32 $0x7F, v10;
	v8 =	vor.u32 v14, v6  }
0x68d: {  	v6 =	vadd.s32 v2, v7;
	v7 =	vand.u32 $0xFFFFFF80, v10;
	v10 =	vand.u32 $0xFFFFFF80, v11  }
0x68e: {  	v11 =	vand.u32 $0x7F, v11;
	v14 =	vor.u32 v15, v6;
	v6 =	vadd.s32 v2, v7  }
0x68f: {  	v7 =	vand.u32 $0xFFFFFF80, v4;
	v10 =	vadd.s32 v2, v10;
	v21 =	vor.u32 v9, v6;
	v6 =	vld.idx.msk [tilespmem:v5+s17+$0x0], $0xffff  }
0x690: {  	v15 =	vand.u32 $0x7F, v4;
	v5 =	vadd.s32 v2, v7;
	v9 =	vld.idx.msk [tilespmem:v13+s17+$0x0], $0xffff;
	v13 =	vor.u32 v11, v10  }
0x691: {  	s13 =	simm.s32 $0x9;
	s28 =	simm.s32 $0x8;
	s20 =	simm.s32 $0xA;
	v7 =	vld.idx.msk [tilespmem:v12+s17+$0x0], $0xffff;
	v11 =	vor.u32 v15, v5  }
0x692: {  	v18 =	vadd.s32 s13, v3;
	s22 =	simm.s32 $0xB;
	v19 =	vadd.s32 s20, v3;
	v4 =	vadd.s32 s28, v3;
	s28 =	simm.s32 $0xC;
	v10 =	vld.idx.msk [tilespmem:v8+s17+$0x0], $0xffff  }
0x693: {  	v17 =	vadd.s32 s22, v3;
	s22 =	simm.s32 $0xD;
	v20 =	vand.u32 $0x7F, v18;
	v15 =	vadd.s32 s28, v3;
	s28 =	simm.s32 $0xE;
	v12 =	vld.idx.msk [tilespmem:v14+s17+$0x0], $0xffff  }
0x694: {  	s13 =	smov.u32 s18;
	s20 =	simm.s32 $0x10;
	v16 =	vadd.s32 s22, v3;
	s22 =	simm.s32 $0xF;
	v5 =	vand.u32 $0xFFFFFF80, v4;
	v8 =	vadd.s32 s28, v3;
	v14 =	vld.idx.msk [tilespmem:v21+s17+$0x0], $0xffff  }
.LBB2_127:
0x695: {  	p0 =	slt.u32 s20, $0x38;
	v21 =	vand.u32 $0x7F, v19;
	v22 =	vand.u32 $0x7F, v17;
	v23 =	vadd.s32 s22, v3;
	v13 =	vld.idx.msk [tilespmem:v13+s17+$0x0], $0xffff;
	[tilespmem:s13+$0x180] =	vst v9  }
0x696: {  	v9 =	vand.u32 $0x7F, v15;
	v24 =	vand.u32 $0x7F, v16;
	v25 =	vand.u32 $0xFFFFFF80, v23;
	v11 =	vld.idx.msk [tilespmem:v11+s17+$0x0], $0xffff;
	[tilespmem:s13+$0xFFFFFE80] =	vst v6  }
0x697: {  	v6 =	vand.u32 $0xFFFFFF80, v18;
	v18 =	vand.u32 $0x7F, v23;
	v23 =	vadd.s32 v2, v25;
	[tilespmem:s13+$0xFFFFFF00] =	vst v7  }
0x698: {  	v6 =	vadd.s32 v2, v6;
	v7 =	vand.u32 $0xFFFFFF80, v19;
	v18 =	vor.u32 v18, v23;
	[tilespmem:s13+$0xFFFFFF80] =	vst v10  }
0x699: {  	v6 =	vor.u32 v20, v6;
	v7 =	vadd.s32 v2, v7;
	v10 =	vand.u32 $0xFFFFFF80, v17;
	[tilespmem:s13+$0x0] =	vst v12  }
0x69a: {  	v7 =	vor.u32 v21, v7;
	v10 =	vadd.s32 v2, v10;
	v12 =	vand.u32 $0xFFFFFF80, v15;
	[tilespmem:s13+$0x80] =	vst v14  }
0x69b: {  	v10 =	vor.u32 v22, v10;
	v12 =	vadd.s32 v2, v12;
	v14 =	vand.u32 $0xFFFFFF80, v16;
	[tilespmem:s13+$0x100] =	vst v13  }
0x69c: {  	v12 =	vor.u32 v9, v12;
	v9 =	vadd.s32 v2, v14;
	v13 =	vand.u32 $0xFFFFFF80, v8;
	[tilespmem:s13+$0xFFFFFE00] =	vst v11  }
0x69d: {  	v8 =	vand.u32 $0x7F, v8;
	v14 =	vor.u32 v24, v9;
	v11 =	vadd.s32 v2, v13;
	v9 =	vld.idx.msk [tilespmem:v18+s17+$0x0], $0xffff  }
.Ltmp62:
0x69e: {  	v5 =	vadd.s32 v2, v5;
	v15 =	vand.u32 $0x7F, v4;
	v13 =	vor.u32 v8, v11;
	v6 =	vld.idx.msk [tilespmem:v6+s17+$0x0], $0xffff;
	(pc) =	sbr.rel @p0 .LBB2_127-.Ltmp62, $4  }
0x69f: {  	s2 =	sadd.s32 $0x1, s20;
	v4 =	vadd.s32 s20, v3;
	v11 =	vor.u32 v15, v5;
	v7 =	vld.idx.msk [tilespmem:v7+s17+$0x0], $0xffff  }
0x6a0: {  	s22 =	sadd.s32 $0x3, s20;
	s28 =	sadd.s32 $0x4, s20;
	v5 =	vand.u32 $0xFFFFFF80, v4;
	v18 =	vadd.s32 s2, v3;
	s2 =	sadd.s32 $0x2, s20;
	v10 =	vld.idx.msk [tilespmem:v10+s17+$0x0], $0xffff  }
0x6a1: {  	v17 =	vadd.s32 s22, v3;
	s22 =	sadd.s32 $0x6, s20;
	v15 =	vadd.s32 s28, v3;
	v19 =	vadd.s32 s2, v3;
	s2 =	sadd.s32 $0x5, s20;
	v12 =	vld.idx.msk [tilespmem:v12+s17+$0x0], $0xffff  }
0x6a2: {  	s13 =	sadd.s32 $0x400, s13;
	v8 =	vadd.s32 s22, v3;
	s22 =	sadd.s32 $0x7, s20;
	v20 =	vand.u32 $0x7F, v18;
	s20 =	sadd.s32 $0x8, s20;
	v16 =	vadd.s32 s2, v3;
	v14 =	vld.idx.msk [tilespmem:v14+s17+$0x0], $0xffff  }
0x6a3: {  	v3 =	vadd.s32 s22, v3  }
0x6a4: {  	v21 =	vand.u32 $0x7F, v19;
	v23 =	vand.u32 $0x7F, v17;
	v24 =	vand.u32 $0x7F, v15  }
0x6a5: {  	v18 =	vand.u32 $0xFFFFFF80, v18;
	v48 =	vand.u32 $0x7F, v16;
	v49 =	vand.u32 $0xFFFFFF80, v19  }
0x6a6: {  	v50 =	vand.u32 $0xFFFFFF80, v17;
	v52 =	vand.u32 $0xFFFFFF80, v15;
	v18 =	vadd.s32 v2, v18  }
0x6a7: {  	v22 =	vand.u32 $0xFFFFFF80, v3;
	v19 =	vadd.s32 v2, v49;
	v18 =	vor.u32 v20, v18  }
0x6a8: {  	v3 =	vand.u32 $0x7F, v3;
	v22 =	vadd.s32 v2, v22;
	v51 =	vor.u32 v21, v19  }
0x6a9: {  	[tilespmem:s13+$0x180] =	vst v9;
	v13 =	vld.idx.msk [tilespmem:v13+s17+$0x0], $0xffff;
	v54 =	vand.u32 $0xFFFFFF80, v16;
	v17 =	vadd.s32 v2, v50;
	v3 =	vor.u32 v3, v22  }
0x6aa: {  	[tilespmem:s13+$0xFFFFFE80] =	vst v6;
	v11 =	vld.idx.msk [tilespmem:v11+s17+$0x0], $0xffff;
	v57 =	vand.u32 $0xFFFFFF80, v8;
	v15 =	vadd.s32 v2, v52;
	v53 =	vor.u32 v23, v17  }
0x6ab: {  	[tilespmem:s13+$0xFFFFFF00] =	vst v7;
	v56 =	vadd.s32 v2, v54;
	v60 =	vadd.s32 v2, v57;
	v55 =	vor.u32 v24, v15  }
0x6ac: {  	v4 =	vand.u32 $0x7F, v4;
	[tilespmem:s13+$0xFFFFFF80] =	vst v10;
	v58 =	vor.u32 v48, v56;
	v2 =	vadd.s32 v2, v5;
	v61 =	vld.idx.msk [tilespmem:v18+s17+$0x0], $0xffff  }
0x6ad: {  	v59 =	vand.u32 $0x7F, v8;
	[tilespmem:s13+$0x0] =	vst v12;
	v2 =	vor.u32 v4, v2;
	v62 =	vld.idx.msk [tilespmem:v51+s17+$0x0], $0xffff  }
0x6ae: {  	v8 =	vor.u32 v59, v60;
	[tilespmem:s13+$0x80] =	vst v14;
	v3 =	vld.idx.msk [tilespmem:v3+s17+$0x0], $0xffff  }
0x6af: {  	[tilespmem:s13+$0x100] =	vst v13;
	v6 =	vld.idx.msk [tilespmem:v53+s17+$0x0], $0xffff  }
0x6b0: {  	s2 =	sadd.s32 $0x400, s13;
	[tilespmem:s13+$0xFFFFFE00] =	vst v11;
	v7 =	vld.idx.msk [tilespmem:v55+s17+$0x0], $0xffff  }
0x6b1: {  	v63 =	vld.idx.msk [tilespmem:v58+s17+$0x0], $0xffff;
	[tilespmem:s2+$0xFFFFFE80] =	vst v61  }
0x6b2: {  	s15 =	sadd.s32 $0x1, s15;
	v2 =	vld.idx.msk [tilespmem:v2+s17+$0x0], $0xffff;
	[tilespmem:s2+$0xFFFFFF00] =	vst v62  }
0x6b3: {  	p0 =	sne.s32 s15, $0x8;
	[tilespmem:s2+$0x180] =	vst v3;
	v3 =	vld.idx.msk [tilespmem:v8+s17+$0x0], $0xffff  }
.Ltmp63:
0x6b4: {  	[tilespmem:s2+$0xFFFFFF80] =	vst v6;
	(pc) =	sbr.rel @p0 .LBB2_126-.Ltmp63, $4  }
0x6b5: {  	[tilespmem:s2+$0x0] =	vst v7  }
0x6b6: {  	[tilespmem:s2+$0x80] =	vst v63  }
0x6b7: {  	[tilespmem:s2+$0xFFFFFE00] =	vst v2  }
0x6b8: {  	s18 =	sadd.s32 $0x10, s18;
	[tilespmem:s2+$0x100] =	vst v3  }
0x6b9: {  	s30 =	sadd.s32 $0x1, s30  }
0x6ba: {  	p0 =	sne.s32 s30, s9  }
.Ltmp64:
0x6bb: {  	s0 =	simm.s32 $0x16500;
	(pc) =	sbr.rel @p0 .LBB2_1-.Ltmp64, $4  }
0x6bc: {  	[hbm4b:s8+s11] =	stream.strided.scatter [tilespmem:s0], [sflag:$0x6], $0x2000, s12, s11, $0x38;
	[tilespmem:$0x1A500] =	vst v63  }
0x6bd: {  	_ =	swait.ge [sflag:s10], $0x2000  }
0x6be: {  	[sflag:s10] =	ssyncset.done $0x0  }
0x6bf: {  	[sflag:s10] =	ssyncadd.s32 $0xFFFFE000  }
0x6c0: {  	_ =	sfence.sel $0x180000  }
0x6c1: {  	[bflag:$0x0] =	sbarrier.arrive $0xFFFF  }
0x6c2: {  	_ =	strace $0x90000047  }
0x6c3: {  	s0 =	stileid.u32;
	[bflag:$0x2] =	sbarrier.arrive $0xFFFF  }
0x6c4: {  	p0 =	sne.s32 s0, $0x0;
	s0 =	rddreg [dreg:$0x3]  }
0x6c5: {  	s0 =	sadd.s32 @!p0 $0x100000, s0  }
0x6c6: {  	[sflag:s0] =	ssyncadd.tile.s32 @!p0 $0x1;
	_ =	shalt  }
.Lfunc_end2:
_tile_overlayer_lowered:
.L_overlay_start_2:
0x6c7: {  	(tag) =	ssettag $0x2  }
0x6c8: {  	s0 =	rddreg [dreg:$0x0];
	s2 =	stileid.u32  }
0x6c9: {  	s1 =	rddreg [dreg:$0x1];
	p0 =	sne.s32 s2, $0x0  }
0x6ca: {  	s3 =	rddreg [dreg:$0x2];
	[bflag:$0x3] =	sbarrier.arrive $0xFFFF;
	s2 =	simm.s32 @!p0 $0x1C06  }
0x6cb: {  	[timem:s3], [sflag:s2] =	dma.local @!p0 [hbm:s0], s1  }
0x6cc: {  	s0 =	simm.s32 @!p0 $0x6  }
0x6cd: {  	_ =	swait.ge @!p0 [sflag:s0], s1  }
0x6ce: {  	s1 =	ssub.s32 @!p0 $0x0, s1;
	[sflag:s0] =	ssyncset.done @!p0 $0x0  }
0x6cf: {  	[sflag:s0] =	ssyncadd.s32 @!p0 s1  }
0x6d0: {  	[bflag:$0x3] =	sbarrier.arrive $0xFFFF  }
0x6d1: {  	_ =	shalt  }

</sc_bundles>
